<compile_context>
chip_gen: v7x
topology: tpu7x:2x2x1
jax: 0.10.2.dev20260603
libtpu: 0.0.44.dev20260713+nightly
codegen_flags: <defaults>
</compile_context>

<pallas_src>
import functools

import jax
import jax.numpy as jnp
from jax import lax
from jax.experimental import pallas as pl
from jax.experimental.pallas import tpu as pltpu
from jax.experimental.pallas import tpu_sc as plsc

N_NODES = 10000
N_EDGES = 320000
IN_CH = 128
HID = 32
OUT_DIM = HID // 2
CW = 16

NW = 32
CH = 128
K1 = 8
K2 = 4
RPW = 80
EROWS = NW * RPW
EPAD = EROWS * CH
NPAD = 10112
RPS = NPAD // 16


def _idx_fetch(kk, wid, srcm, dstm, src_v, dst_v, i_sem, g, p):
    r0 = wid * RPW + g * kk
    pltpu.async_copy(srcm.at[pl.ds(r0, kk)], src_v.at[p], i_sem)
    pltpu.async_copy(dstm.at[pl.ds(r0, kk)], dst_v.at[p], i_sem)


def _edge_loop(with_counts, kk, wid, srcm, dstm, table_sh, acc_sh, cnt_sh,
               ones_v, src_v, dst_v, rows_v, i_sem, g_sem, s_sem_a, s_sem_b):
    K = kk
    G = RPW // kk

    def idx_fetch(g, p):
        _idx_fetch(kk, wid, srcm, dstm, src_v, dst_v, i_sem, g, p)

    def idx_wait(p):
        pltpu.make_async_copy(srcm.at[pl.ds(0, K)], src_v.at[p], i_sem).wait()
        pltpu.make_async_copy(dstm.at[pl.ds(0, K)], dst_v.at[p], i_sem).wait()

    def scatter_sem(p):
        return s_sem_a if p == 0 else s_sem_b

    def drain_scatters(p):
        sem = scatter_sem(p)
        for j in range(K):
            pltpu.make_async_copy(
                rows_v.at[0, j], acc_sh.at[pl.ds(0, CH)], sem).wait()
            if with_counts:
                pltpu.make_async_copy(
                    ones_v, cnt_sh.at[pl.ds(0, CH)], sem).wait()

    def run_chunk(g, p, drain_pred, prefetch_pred):
        idx_wait(p)
        gd = [
            pltpu.async_copy(
                table_sh.at[src_v.at[p, j]], rows_v.at[p, j], g_sem)
            for j in range(K)
        ]

        if drain_pred is True:
            drain_scatters(1 - p)
        else:
            @pl.when(drain_pred)
            def _():
                drain_scatters(1 - p)

        @pl.when(prefetch_pred)
        def _():
            idx_fetch(g + 1, 1 - p)

        for d in gd:
            d.wait()
        sem = scatter_sem(p)
        for j in range(K):
            pltpu.async_copy(
                rows_v.at[p, j], acc_sh.at[dst_v.at[p, j]], sem, add=True)
            if with_counts:
                pltpu.async_copy(
                    ones_v, cnt_sh.at[dst_v.at[p, j]], sem, add=True)

    def super_chunk_pair(h, carry):
        g0 = 2 * h
        run_chunk(g0, 0, h >= 1, g0 + 1 < G)
        run_chunk(g0 + 1, 1, True, g0 + 2 < G)
        return carry

    lax.fori_loop(0, G // 2, super_chunk_pair, 0)
    drain_scatters(1)


def _edge_pass1_body(table, srcm, dstm, z32, z16, ones_h,
                     acc_out, cnt_out, table_sh, acc_sh, cnt_sh, ones_v,
                     src_v, dst_v, rows_v, i_sem, g_sem, s_sem_a, s_sem_b):
    c = lax.axis_index("c")
    s = lax.axis_index("s")
    wid = s * 2 + c

    _idx_fetch(K1, wid, srcm, dstm, src_v, dst_v, i_sem, 0, 0)

    sl = pl.ds(s * RPS, RPS)
    stage = [
        pltpu.async_copy(table.at[sl], table_sh.at[sl], g_sem),
        pltpu.async_copy(z32.at[sl], acc_sh.at[sl], g_sem),
        pltpu.async_copy(z16.at[sl], cnt_sh.at[sl], g_sem),
        pltpu.async_copy(ones_h, ones_v, g_sem),
    ]
    for d in stage:
        d.wait()
    plsc.subcore_barrier()

    _edge_loop(True, K1, wid, srcm, dstm, table_sh, acc_sh, cnt_sh, ones_v,
               src_v, dst_v, rows_v, i_sem, g_sem, s_sem_a, s_sem_b)
    plsc.subcore_barrier()

    pltpu.sync_copy(acc_sh.at[sl], acc_out.at[c, sl])
    pltpu.sync_copy(cnt_sh.at[sl], cnt_out.at[c, sl])


_HCH = 256
_HCHUNKS = [(0, 256), (256, 256), (512, 120)]


def _edge_pass2_body(acc1, cnt1, r1, srcm, dstm, z32,
                     acc_out, h1_out, table_sh, acc_sh,
                     a0_v, a1_v, r_v, c0_v, c1_v, h_v,
                     src_v, dst_v, rows_v, i_sem, g_sem, s_sem_a, s_sem_b):
    c = lax.axis_index("c")
    s = lax.axis_index("s")
    wid = s * 2 + c

    _idx_fetch(K2, wid, srcm, dstm, src_v, dst_v, i_sem, 0, 0)

    sl = pl.ds(s * RPS, RPS)
    zd = pltpu.async_copy(z32.at[sl], acc_sh.at[sl], g_sem)

    base = s * RPS
    for ci, (off, sz) in enumerate(_HCHUNKS):
        row0 = base + off
        zz = pl.ds(0, sz)
        loads = [
            pltpu.async_copy(acc1.at[0, pl.ds(row0, sz)], a0_v.at[zz], s_sem_a),
            pltpu.async_copy(acc1.at[1, pl.ds(row0, sz)], a1_v.at[zz], s_sem_a),
            pltpu.async_copy(r1.at[pl.ds(row0, sz)], r_v.at[zz], s_sem_a),
            pltpu.async_copy(cnt1.at[0, pl.ds(row0, sz)], c0_v.at[zz], s_sem_a),
            pltpu.async_copy(cnt1.at[1, pl.ds(row0, sz)], c1_v.at[zz], s_sem_a),
        ]
        for d in loads:
            d.wait()

        def rowfn(i, carry):
            cnt = c0_v[i, pl.ds(0, CW)] + c1_v[i, pl.ds(0, CW)]
            inv = 1.0 / jnp.maximum(cnt, 1.0)
            for half in (0, 16):
                hs = pl.ds(half, 16)
                v = (a0_v[i, hs] + a1_v[i, hs]) * inv + r_v[i, hs]
                h_v[i, hs] = jnp.maximum(v, 0.0)
            return carry

        lax.fori_loop(0, sz, rowfn, 0)
        pltpu.sync_copy(h_v.at[zz], table_sh.at[pl.ds(row0, sz)])

        @pl.when(c == 0)
        def _():
            pltpu.sync_copy(h_v.at[zz], h1_out.at[pl.ds(row0, sz)])

    zd.wait()
    plsc.subcore_barrier()

    _edge_loop(False, K2, wid, srcm, dstm, table_sh, acc_sh, None, None,
               src_v, dst_v, rows_v, i_sem, g_sem, s_sem_a, s_sem_b)
    plsc.subcore_barrier()

    pltpu.sync_copy(acc_sh.at[sl], acc_out.at[c, sl])


def _edge_scratch(kk):
    f32, i32 = jnp.float32, jnp.int32
    return [
        pltpu.VMEM((2, kk, CH), i32),
        pltpu.VMEM((2, kk, CH), i32),
        pltpu.VMEM((2, kk, CH, HID), f32),
        pltpu.SemaphoreType.DMA,
        pltpu.SemaphoreType.DMA,
        pltpu.SemaphoreType.DMA,
        pltpu.SemaphoreType.DMA,
    ]


@functools.lru_cache(maxsize=None)
def _make_edge_pass1():
    f32 = jnp.float32
    outs = (jax.ShapeDtypeStruct((2, NPAD, HID), f32),
            jax.ShapeDtypeStruct((2, NPAD, CW), f32))
    scratch = [
        pltpu.VMEM_SHARED((NPAD, HID), f32),
        pltpu.VMEM_SHARED((NPAD, HID), f32),
        pltpu.VMEM_SHARED((NPAD, CW), f32),
        pltpu.VMEM((CH, CW), f32),
    ] + _edge_scratch(K1)
    mesh = plsc.VectorSubcoreMesh(core_axis_name="c", subcore_axis_name="s")
    return pl.kernel(
        _edge_pass1_body,
        out_type=outs,
        mesh=mesh,
        scratch_types=scratch,
        compiler_params=pltpu.CompilerParams(use_tc_tiling_on_sc=False),
        name="sage_edge_pass1",
    )


@functools.lru_cache(maxsize=None)
def _make_edge_pass2():
    f32 = jnp.float32
    outs = (jax.ShapeDtypeStruct((2, NPAD, HID), f32),
            jax.ShapeDtypeStruct((NPAD, HID), f32))
    scratch = [
        pltpu.VMEM_SHARED((NPAD, HID), f32),
        pltpu.VMEM_SHARED((NPAD, HID), f32),
        pltpu.VMEM((_HCH, HID), f32),
        pltpu.VMEM((_HCH, HID), f32),
        pltpu.VMEM((_HCH, HID), f32),
        pltpu.VMEM((_HCH, CW), f32),
        pltpu.VMEM((_HCH, CW), f32),
        pltpu.VMEM((_HCH, HID), f32),
    ] + _edge_scratch(K2)
    mesh = plsc.VectorSubcoreMesh(core_axis_name="c", subcore_axis_name="s")
    return pl.kernel(
        _edge_pass2_body,
        out_type=outs,
        mesh=mesh,
        scratch_types=scratch,
        compiler_params=pltpu.CompilerParams(use_tc_tiling_on_sc=False),
        name="sage_edge_pass2",
    )


def _dot_t(a, w):
    return lax.dot_general(a, w, (((1,), (1,)), ((), ())),
                           preferred_element_type=jnp.float32)


def _pad_rows(v):
    return jnp.concatenate(
        [v, jnp.zeros((NPAD - N_NODES, v.shape[1]), v.dtype)], axis=0)


def _pre_body(x, wl, wr, bl, p_out, r_out):
    xv = x[...]
    p_out[...] = _pad_rows(_dot_t(xv, wl[...]))
    r_out[...] = _pad_rows(_dot_t(xv, wr[...]) + bl[...])


def _post_body(accA, accB, cntA, cntB, h1, wl2, bl2, wr2, wh, bh, z_out):
    agg = accA[...][:N_NODES] + accB[...][:N_NODES]
    cnt = cntA[...][:N_NODES, 0:1] + cntB[...][:N_NODES, 0:1]
    mean2 = agg / jnp.maximum(cnt, 1.0)
    h2 = jnp.maximum(
        _dot_t(mean2, wl2[...]) + _dot_t(h1[...][:N_NODES], wr2[...])
        + bl2[...], 0.0)
    z_out[...] = _dot_t(h2, wh[...]) + bh[...]


_f32 = jnp.float32

_pre = pl.pallas_call(
    _pre_body,
    out_shape=(jax.ShapeDtypeStruct((NPAD, HID), _f32),
               jax.ShapeDtypeStruct((NPAD, HID), _f32)),
)

_post = pl.pallas_call(
    _post_body,
    out_shape=jax.ShapeDtypeStruct((N_NODES, OUT_DIM), _f32),
)


def kernel(x, edge_index, Wl1, bl1, Wr1, Wl2, bl2, Wr2, Wh, bh):
    src = edge_index[0].astype(jnp.int32)
    dst = edge_index[1].astype(jnp.int32)
    npad = EPAD - N_EDGES
    srcm = jnp.concatenate(
        [src, jnp.zeros((npad,), jnp.int32)]).reshape(EROWS, CH)
    dstm = jnp.concatenate(
        [dst, jnp.full((npad,), NPAD - 8, jnp.int32)]).reshape(EROWS, CH)
    z32 = jnp.zeros((NPAD, HID), _f32)
    z16 = jnp.zeros((NPAD, CW), _f32)
    ones_h = jnp.ones((CH, CW), _f32)

    p1, r1 = _pre(x, Wl1, Wr1, bl1.reshape(1, HID))
    acc1, cnt1 = _make_edge_pass1()(p1, srcm, dstm, z32, z16, ones_h)
    acc2, h1 = _make_edge_pass2()(acc1, cnt1, r1, srcm, dstm, z32)
    z = _post(acc2[0], acc2[1], cnt1[0], cnt1[1], h1,
              Wl2, bl2.reshape(1, HID), Wr2, Wh, bh.reshape(1, OUT_DIM))
    return z

# --- scband reference (transcript-rebuilt; emitter-appended) ---
"""Pipeline reference for scband-ocgraph-sage-51616916963801 (READ-ONLY COPY).

The authoritative reference and input builder live on the scoring server;
editing this copy changes nothing except your own understanding.
"""

import jax, jax.numpy as jnp
import numpy as np

N_NODES = 10000
N_EDGES = 320000
IN_CH = 128
HIDDEN = 32
OUT_DIM = HIDDEN // 2


def setup_inputs(seed: int = 0) -> dict:
    key = jax.random.key(seed)
    ks = jax.random.split(key, 12)
    x = jax.random.normal(ks[0], (N_NODES, IN_CH), dtype=jnp.float32)
    edge_index = jax.random.randint(ks[1], (2, N_EDGES), 0, N_NODES, dtype=jnp.int64 if jax.config.jax_enable_x64 else jnp.int32)
    # SAGEConv layer 1: lin_l (with bias) applied to aggregated neighbors, lin_r (no bias) to root
    Wl1 = jax.random.normal(ks[2], (HIDDEN, IN_CH), dtype=jnp.float32) * (1.0 / np.sqrt(IN_CH))
    bl1 = jnp.zeros((HIDDEN,), dtype=jnp.float32)
    Wr1 = jax.random.normal(ks[3], (HIDDEN, IN_CH), dtype=jnp.float32) * (1.0 / np.sqrt(IN_CH))
    # SAGEConv layer 2
    Wl2 = jax.random.normal(ks[4], (HIDDEN, HIDDEN), dtype=jnp.float32) * (1.0 / np.sqrt(HIDDEN))
    bl2 = jnp.zeros((HIDDEN,), dtype=jnp.float32)
    Wr2 = jax.random.normal(ks[5], (HIDDEN, HIDDEN), dtype=jnp.float32) * (1.0 / np.sqrt(HIDDEN))
    # readout head linear
    Wh = jax.random.normal(ks[6], (OUT_DIM, HIDDEN), dtype=jnp.float32) * (1.0 / np.sqrt(HIDDEN))
    bh = jnp.zeros((OUT_DIM,), dtype=jnp.float32)
    return {"x": x, "edge_index": edge_index, "Wl1": Wl1, "bl1": bl1, "Wr1": Wr1,
            "Wl2": Wl2, "bl2": bl2, "Wr2": Wr2, "Wh": Wh, "bh": bh}


def _sage_conv(h, edge_index, Wl, bl, Wr):
    src = edge_index[0]
    dst = edge_index[1]
    msgs = jnp.take(h, src, axis=0)  # gather neighbor features
    n = h.shape[0]
    summed = jax.ops.segment_sum(msgs, dst, num_segments=n)
    counts = jax.ops.segment_sum(jnp.ones((msgs.shape[0],), dtype=h.dtype), dst, num_segments=n)
    mean = summed / jnp.maximum(counts, 1.0)[:, None]
    return mean @ Wl.T + bl + h @ Wr.T


def reference(x, edge_index, Wl1, bl1, Wr1, Wl2, bl2, Wr2, Wh, bh):
    # eval mode: dropout is identity
    h = _sage_conv(x, edge_index, Wl1, bl1, Wr1)
    h = jax.nn.relu(h)
    h = _sage_conv(h, edge_index, Wl2, bl2, Wr2)
    h = jax.nn.relu(h)
    z = h @ Wh.T + bh
    return z

if __name__ == "__main__":
    import jax
    _d = setup_inputs()
    print(jax.jit(kernel)(*tuple(_d.values())))

</pallas_src>

<mosaic_0001>
#map = affine_map<(d0, d1) -> (0, 0, 0)>
#map1 = affine_map<(d0, d1) -> (0, 0)>
module attributes {stable_mosaic.version = 14 : i64} {
  func.func @sage_edge_pass2(%arg0: i32, %arg1: i32, %arg2: memref<2x10112x32xf32, #tpu.memory_space<hbm>>, %arg3: memref<2x10112x16xf32, #tpu.memory_space<hbm>>, %arg4: memref<10112x32xf32, #tpu.memory_space<hbm>>, %arg5: memref<2560x128xi32, #tpu.memory_space<hbm>>, %arg6: memref<2560x128xi32, #tpu.memory_space<hbm>>, %arg7: memref<10112x32xf32, #tpu.memory_space<hbm>>, %arg8: memref<2x10112x32xf32, #tpu.memory_space<hbm>>, %arg9: memref<10112x32xf32, #tpu.memory_space<hbm>>, %arg10: memref<10112x32xf32, #tpu.memory_space<vmem_shared>>, %arg11: memref<10112x32xf32, #tpu.memory_space<vmem_shared>>, %arg12: memref<256x32xf32, #tpu.memory_space<vmem>>, %arg13: memref<256x32xf32, #tpu.memory_space<vmem>>, %arg14: memref<256x32xf32, #tpu.memory_space<vmem>>, %arg15: memref<256x16xf32, #tpu.memory_space<vmem>>, %arg16: memref<256x16xf32, #tpu.memory_space<vmem>>, %arg17: memref<256x32xf32, #tpu.memory_space<vmem>>, %arg18: memref<2x4x128xi32, #tpu.memory_space<vmem>>, %arg19: memref<2x4x128xi32, #tpu.memory_space<vmem>>, %arg20: memref<2x4x128x32xf32, #tpu.memory_space<vmem>>, %arg21: memref<!tpu.dma_semaphore, #tpu.memory_space<semaphore_mem>>, %arg22: memref<!tpu.dma_semaphore, #tpu.memory_space<semaphore_mem>>, %arg23: memref<!tpu.dma_semaphore, #tpu.memory_space<semaphore_mem>>, %arg24: memref<!tpu.dma_semaphore, #tpu.memory_space<semaphore_mem>>) attributes {dimension_semantics = [#tpu.dimension_semantics<core_parallel>, #tpu.dimension_semantics<subcore_parallel>], iteration_bounds = array<i64: 2, 16>, scalar_prefetch = 0 : i64, scratch_operands = 15 : i64, tpu.core_type = #tpu.core_type<sc_vector_subcore>, window_params = [{transform_indices = #map}, {transform_indices = #map}, {transform_indices = #map1}, {transform_indices = #map1}, {transform_indices = #map1}, {transform_indices = #map1}, {transform_indices = #map}, {transform_indices = #map1}]} {
    %mul3A = arith.constant 2 : i32
    %mul3A_0 = arith.muli %arg1, %mul3A : i32
    %add3A = arith.addi %mul3A_0, %arg0 : i32
    %mul3A_1 = arith.constant 80 : i32
    %mul3A_2 = arith.muli %add3A, %mul3A_1 : i32
    %add3A_3 = arith.constant 0 : i32
    %add3A_4 = arith.addi %mul3A_2, %add3A_3 : i32
    %dma_start3A = arith.constant 0 : i32
    %dma_start3A_5 = arith.constant 0 : i32
    %dma_start3A_6 = arith.constant 0 : i32
    %dma_start3A_7 = tpu.memref_slice %arg18[%dma_start3A, %dma_start3A_5, %dma_start3A_6] : memref<2x4x128xi32, #tpu.memory_space<vmem>> -> memref<1x4x128xi32, #tpu.memory_space<vmem>>
    %dma_start3A_8 = tpu.memref_squeeze %dma_start3A_7 : memref<1x4x128xi32, #tpu.memory_space<vmem>> -> memref<4x128xi32, #tpu.memory_space<vmem>>
    %dma_start3A_9 = arith.constant 0 : i32
    %dma_start3A_10 = tpu.memref_slice %arg5[%add3A_4, %dma_start3A_9] : memref<2560x128xi32, #tpu.memory_space<hbm>> -> memref<4x128xi32, #tpu.memory_space<hbm>>
    %dma_start3A_11 = arith.constant 0 : i32
    %dma_start3A_12 = arith.constant 0 : i32
    %dma_start3A_13 = tpu.memref_slice %arg18[%dma_start3A, %dma_start3A_11, %dma_start3A_12] : memref<2x4x128xi32, #tpu.memory_space<vmem>> -> memref<1x4x128xi32, #tpu.memory_space<vmem>>
    %dma_start3A_14 = tpu.memref_squeeze %dma_start3A_13 : memref<1x4x128xi32, #tpu.memory_space<vmem>> -> memref<4x128xi32, #tpu.memory_space<vmem>>
    %dma_start3A_15 = arith.constant 0 : i32
    %dma_start3A_16 = tpu.memref_slice %arg5[%add3A_4, %dma_start3A_15] : memref<2560x128xi32, #tpu.memory_space<hbm>> -> memref<4x128xi32, #tpu.memory_space<hbm>>
    tpu.enqueue_dma source(%dma_start3A_16 : memref<4x128xi32, #tpu.memory_space<hbm>>) target(%dma_start3A_14 : memref<4x128xi32, #tpu.memory_space<vmem>>) target_semaphore(%arg21 : memref<!tpu.dma_semaphore, #tpu.memory_space<semaphore_mem>>)
    %dma_start3A_17 = arith.constant 0 : i32
    %dma_start3A_18 = arith.constant 0 : i32
    %dma_start3A_19 = arith.constant 0 : i32
    %dma_start3A_20 = tpu.memref_slice %arg19[%dma_start3A_17, %dma_start3A_18, %dma_start3A_19] : memref<2x4x128xi32, #tpu.memory_space<vmem>> -> memref<1x4x128xi32, #tpu.memory_space<vmem>>
    %dma_start3A_21 = tpu.memref_squeeze %dma_start3A_20 : memref<1x4x128xi32, #tpu.memory_space<vmem>> -> memref<4x128xi32, #tpu.memory_space<vmem>>
    %dma_start3A_22 = arith.constant 0 : i32
    %dma_start3A_23 = tpu.memref_slice %arg6[%add3A_4, %dma_start3A_22] : memref<2560x128xi32, #tpu.memory_space<hbm>> -> memref<4x128xi32, #tpu.memory_space<hbm>>
    %dma_start3A_24 = arith.constant 0 : i32
    %dma_start3A_25 = arith.constant 0 : i32
    %dma_start3A_26 = tpu.memref_slice %arg19[%dma_start3A_17, %dma_start3A_24, %dma_start3A_25] : memref<2x4x128xi32, #tpu.memory_space<vmem>> -> memref<1x4x128xi32, #tpu.memory_space<vmem>>
    %dma_start3A_27 = tpu.memref_squeeze %dma_start3A_26 : memref<1x4x128xi32, #tpu.memory_space<vmem>> -> memref<4x128xi32, #tpu.memory_space<vmem>>
    %dma_start3A_28 = arith.constant 0 : i32
    %dma_start3A_29 = tpu.memref_slice %arg6[%add3A_4, %dma_start3A_28] : memref<2560x128xi32, #tpu.memory_space<hbm>> -> memref<4x128xi32, #tpu.memory_space<hbm>>
    tpu.enqueue_dma source(%dma_start3A_29 : memref<4x128xi32, #tpu.memory_space<hbm>>) target(%dma_start3A_27 : memref<4x128xi32, #tpu.memory_space<vmem>>) target_semaphore(%arg21 : memref<!tpu.dma_semaphore, #tpu.memory_space<semaphore_mem>>)
    %mul3A_30 = arith.constant 632 : i32
    %mul3A_31 = arith.muli %arg1, %mul3A_30 : i32
    %dma_start3A_32 = arith.constant 0 : i32
    %dma_start3A_33 = tpu.memref_slice %arg11[%mul3A_31, %dma_start3A_32] : memref<10112x32xf32, #tpu.memory_space<vmem_shared>> -> memref<632x32xf32, #tpu.memory_space<vmem_shared>>
    %dma_start3A_34 = arith.constant 0 : i32
    %dma_start3A_35 = tpu.memref_slice %arg7[%mul3A_31, %dma_start3A_34] : memref<10112x32xf32, #tpu.memory_space<hbm>> -> memref<632x32xf32, #tpu.memory_space<hbm>>
    tpu.enqueue_dma source(%dma_start3A_35 : memref<632x32xf32, #tpu.memory_space<hbm>>) target(%dma_start3A_33 : memref<632x32xf32, #tpu.memory_space<vmem_shared>>) target_semaphore(%arg22 : memref<!tpu.dma_semaphore, #tpu.memory_space<semaphore_mem>>)
    %mul3A_36 = arith.constant 632 : i32
    %mul3A_37 = arith.muli %arg1, %mul3A_36 : i32
    %add3A_38 = arith.constant 0 : i32
    %add3A_39 = arith.addi %mul3A_37, %add3A_38 : i32
    %dma_start3A_40 = arith.constant 0 : i32
    %dma_start3A_41 = arith.constant 0 : i32
    %dma_start3A_42 = arith.constant 0 : i32
    %dma_start3A_43 = tpu.memref_slice %arg12[%dma_start3A_41, %dma_start3A_42] : memref<256x32xf32, #tpu.memory_space<vmem>> -> memref<256x32xf32, #tpu.memory_space<vmem>>
    %dma_start3A_44 = arith.constant 0 : i32
    %dma_start3A_45 = tpu.memref_slice %arg2[%dma_start3A_40, %add3A_39, %dma_start3A_44] : memref<2x10112x32xf32, #tpu.memory_space<hbm>> -> memref<1x256x32xf32, #tpu.memory_space<hbm>>
    %dma_start3A_46 = tpu.memref_squeeze %dma_start3A_45 : memref<1x256x32xf32, #tpu.memory_space<hbm>> -> memref<256x32xf32, #tpu.memory_space<hbm>>
    %dma_start3A_47 = arith.constant 0 : i32
    %dma_start3A_48 = arith.constant 0 : i32
    %dma_start3A_49 = tpu.memref_slice %arg12[%dma_start3A_47, %dma_start3A_48] : memref<256x32xf32, #tpu.memory_space<vmem>> -> memref<256x32xf32, #tpu.memory_space<vmem>>
    %dma_start3A_50 = arith.constant 0 : i32
    %dma_start3A_51 = tpu.memref_slice %arg2[%dma_start3A_40, %add3A_39, %dma_start3A_50] : memref<2x10112x32xf32, #tpu.memory_space<hbm>> -> memref<1x256x32xf32, #tpu.memory_space<hbm>>
    %dma_start3A_52 = tpu.memref_squeeze %dma_start3A_51 : memref<1x256x32xf32, #tpu.memory_space<hbm>> -> memref<256x32xf32, #tpu.memory_space<hbm>>
    tpu.enqueue_dma source(%dma_start3A_52 : memref<256x32xf32, #tpu.memory_space<hbm>>) target(%dma_start3A_49 : memref<256x32xf32, #tpu.memory_space<vmem>>) target_semaphore(%arg23 : memref<!tpu.dma_semaphore, #tpu.memory_space<semaphore_mem>>)
    %dma_start3A_53 = arith.constant 1 : i32
    %dma_start3A_54 = arith.constant 0 : i32
    %dma_start3A_55 = arith.constant 0 : i32
    %dma_start3A_56 = tpu.memref_slice %arg13[%dma_start3A_54, %dma_start3A_55] : memref<256x32xf32, #tpu.memory_space<vmem>> -> memref<256x32xf32, #tpu.memory_space<vmem>>
    %dma_start3A_57 = arith.constant 0 : i32
    %dma_start3A_58 = tpu.memref_slice %arg2[%dma_start3A_53, %add3A_39, %dma_start3A_57] : memref<2x10112x32xf32, #tpu.memory_space<hbm>> -> memref<1x256x32xf32, #tpu.memory_space<hbm>>
    %dma_start3A_59 = tpu.memref_squeeze %dma_start3A_58 : memref<1x256x32xf32, #tpu.memory_space<hbm>> -> memref<256x32xf32, #tpu.memory_space<hbm>>
    %dma_start3A_60 = arith.constant 0 : i32
    %dma_start3A_61 = arith.constant 0 : i32
    %dma_start3A_62 = tpu.memref_slice %arg13[%dma_start3A_60, %dma_start3A_61] : memref<256x32xf32, #tpu.memory_space<vmem>> -> memref<256x32xf32, #tpu.memory_space<vmem>>
    %dma_start3A_63 = arith.constant 0 : i32
    %dma_start3A_64 = tpu.memref_slice %arg2[%dma_start3A_53, %add3A_39, %dma_start3A_63] : memref<2x10112x32xf32, #tpu.memory_space<hbm>> -> memref<1x256x32xf32, #tpu.memory_space<hbm>>
    %dma_start3A_65 = tpu.memref_squeeze %dma_start3A_64 : memref<1x256x32xf32, #tpu.memory_space<hbm>> -> memref<256x32xf32, #tpu.memory_space<hbm>>
    tpu.enqueue_dma source(%dma_start3A_65 : memref<256x32xf32, #tpu.memory_space<hbm>>) target(%dma_start3A_62 : memref<256x32xf32, #tpu.memory_space<vmem>>) target_semaphore(%arg23 : memref<!tpu.dma_semaphore, #tpu.memory_space<semaphore_mem>>)
    %dma_start3A_66 = arith.constant 0 : i32
    %dma_start3A_67 = arith.constant 0 : i32
    %dma_start3A_68 = tpu.memref_slice %arg14[%dma_start3A_66, %dma_start3A_67] : memref<256x32xf32, #tpu.memory_space<vmem>> -> memref<256x32xf32, #tpu.memory_space<vmem>>
    %dma_start3A_69 = arith.constant 0 : i32
    %dma_start3A_70 = tpu.memref_slice %arg4[%add3A_39, %dma_start3A_69] : memref<10112x32xf32, #tpu.memory_space<hbm>> -> memref<256x32xf32, #tpu.memory_space<hbm>>
    %dma_start3A_71 = arith.constant 0 : i32
    %dma_start3A_72 = arith.constant 0 : i32
    %dma_start3A_73 = tpu.memref_slice %arg14[%dma_start3A_71, %dma_start3A_72] : memref<256x32xf32, #tpu.memory_space<vmem>> -> memref<256x32xf32, #tpu.memory_space<vmem>>
    %dma_start3A_74 = arith.constant 0 : i32
    %dma_start3A_75 = tpu.memref_slice %arg4[%add3A_39, %dma_start3A_74] : memref<10112x32xf32, #tpu.memory_space<hbm>> -> memref<256x32xf32, #tpu.memory_space<hbm>>
    tpu.enqueue_dma source(%dma_start3A_75 : memref<256x32xf32, #tpu.memory_space<hbm>>) target(%dma_start3A_73 : memref<256x32xf32, #tpu.memory_space<vmem>>) target_semaphore(%arg23 : memref<!tpu.dma_semaphore, #tpu.memory_space<semaphore_mem>>)
    %dma_start3A_76 = arith.constant 0 : i32
    %dma_start3A_77 = arith.constant 0 : i32
    %dma_start3A_78 = arith.constant 0 : i32
    %dma_start3A_79 = tpu.memref_slice %arg15[%dma_start3A_77, %dma_start3A_78] : memref<256x16xf32, #tpu.memory_space<vmem>> -> memref<256x16xf32, #tpu.memory_space<vmem>>
    %dma_start3A_80 = arith.constant 0 : i32
    %dma_start3A_81 = tpu.memref_slice %arg3[%dma_start3A_76, %add3A_39, %dma_start3A_80] : memref<2x10112x16xf32, #tpu.memory_space<hbm>> -> memref<1x256x16xf32, #tpu.memory_space<hbm>>
    %dma_start3A_82 = tpu.memref_squeeze %dma_start3A_81 : memref<1x256x16xf32, #tpu.memory_space<hbm>> -> memref<256x16xf32, #tpu.memory_space<hbm>>
    %dma_start3A_83 = arith.constant 0 : i32
    %dma_start3A_84 = arith.constant 0 : i32
    %dma_start3A_85 = tpu.memref_slice %arg15[%dma_start3A_83, %dma_start3A_84] : memref<256x16xf32, #tpu.memory_space<vmem>> -> memref<256x16xf32, #tpu.memory_space<vmem>>
    %dma_start3A_86 = arith.constant 0 : i32
    %dma_start3A_87 = tpu.memref_slice %arg3[%dma_start3A_76, %add3A_39, %dma_start3A_86] : memref<2x10112x16xf32, #tpu.memory_space<hbm>> -> memref<1x256x16xf32, #tpu.memory_space<hbm>>
    %dma_start3A_88 = tpu.memref_squeeze %dma_start3A_87 : memref<1x256x16xf32, #tpu.memory_space<hbm>> -> memref<256x16xf32, #tpu.memory_space<hbm>>
    tpu.enqueue_dma source(%dma_start3A_88 : memref<256x16xf32, #tpu.memory_space<hbm>>) target(%dma_start3A_85 : memref<256x16xf32, #tpu.memory_space<vmem>>) target_semaphore(%arg23 : memref<!tpu.dma_semaphore, #tpu.memory_space<semaphore_mem>>)
    %dma_start3A_89 = arith.constant 1 : i32
    %dma_start3A_90 = arith.constant 0 : i32
    %dma_start3A_91 = arith.constant 0 : i32
    %dma_start3A_92 = tpu.memref_slice %arg16[%dma_start3A_90, %dma_start3A_91] : memref<256x16xf32, #tpu.memory_space<vmem>> -> memref<256x16xf32, #tpu.memory_space<vmem>>
    %dma_start3A_93 = arith.constant 0 : i32
    %dma_start3A_94 = tpu.memref_slice %arg3[%dma_start3A_89, %add3A_39, %dma_start3A_93] : memref<2x10112x16xf32, #tpu.memory_space<hbm>> -> memref<1x256x16xf32, #tpu.memory_space<hbm>>
    %dma_start3A_95 = tpu.memref_squeeze %dma_start3A_94 : memref<1x256x16xf32, #tpu.memory_space<hbm>> -> memref<256x16xf32, #tpu.memory_space<hbm>>
    %dma_start3A_96 = arith.constant 0 : i32
    %dma_start3A_97 = arith.constant 0 : i32
    %dma_start3A_98 = tpu.memref_slice %arg16[%dma_start3A_96, %dma_start3A_97] : memref<256x16xf32, #tpu.memory_space<vmem>> -> memref<256x16xf32, #tpu.memory_space<vmem>>
    %dma_start3A_99 = arith.constant 0 : i32
    %dma_start3A_100 = tpu.memref_slice %arg3[%dma_start3A_89, %add3A_39, %dma_start3A_99] : memref<2x10112x16xf32, #tpu.memory_space<hbm>> -> memref<1x256x16xf32, #tpu.memory_space<hbm>>
    %dma_start3A_101 = tpu.memref_squeeze %dma_start3A_100 : memref<1x256x16xf32, #tpu.memory_space<hbm>> -> memref<256x16xf32, #tpu.memory_space<hbm>>
    tpu.enqueue_dma source(%dma_start3A_101 : memref<256x16xf32, #tpu.memory_space<hbm>>) target(%dma_start3A_98 : memref<256x16xf32, #tpu.memory_space<vmem>>) target_semaphore(%arg23 : memref<!tpu.dma_semaphore, #tpu.memory_space<semaphore_mem>>)
    %dma_wait3A = arith.constant 0 : i32
    %dma_wait3A_102 = arith.constant 0 : i32
    %dma_wait3A_103 = arith.constant 0 : i32
    %dma_wait3A_104 = tpu.memref_slice %arg12[%dma_wait3A_102, %dma_wait3A_103] : memref<256x32xf32, #tpu.memory_space<vmem>> -> memref<256x32xf32, #tpu.memory_space<vmem>>
    %dma_wait3A_105 = arith.constant 0 : i32
    %dma_wait3A_106 = tpu.memref_slice %arg2[%dma_wait3A, %add3A_39, %dma_wait3A_105] : memref<2x10112x32xf32, #tpu.memory_space<hbm>> -> memref<1x256x32xf32, #tpu.memory_space<hbm>>
    %dma_wait3A_107 = tpu.memref_squeeze %dma_wait3A_106 : memref<1x256x32xf32, #tpu.memory_space<hbm>> -> memref<256x32xf32, #tpu.memory_space<hbm>>
    %dma_wait3A_108 = arith.constant 0 : i32
    %dma_wait3A_109 = arith.constant 0 : i32
    %dma_wait3A_110 = tpu.memref_slice %arg12[%dma_wait3A_108, %dma_wait3A_109] : memref<256x32xf32, #tpu.memory_space<vmem>> -> memref<256x32xf32, #tpu.memory_space<vmem>>
    %dma_wait3A_111 = arith.constant 0 : i32
    %dma_wait3A_112 = tpu.memref_slice %arg2[%dma_wait3A, %add3A_39, %dma_wait3A_111] : memref<2x10112x32xf32, #tpu.memory_space<hbm>> -> memref<1x256x32xf32, #tpu.memory_space<hbm>>
    %dma_wait3A_113 = tpu.memref_squeeze %dma_wait3A_112 : memref<1x256x32xf32, #tpu.memory_space<hbm>> -> memref<256x32xf32, #tpu.memory_space<hbm>>
    tpu.wait_dma2 semaphore(%arg23 : memref<!tpu.dma_semaphore, #tpu.memory_space<semaphore_mem>>) src(%dma_wait3A_113 : memref<256x32xf32, #tpu.memory_space<hbm>>) dst(%dma_wait3A_110 : memref<256x32xf32, #tpu.memory_space<vmem>>)
    %dma_wait3A_114 = arith.constant 1 : i32
    %dma_wait3A_115 = arith.constant 0 : i32
    %dma_wait3A_116 = arith.constant 0 : i32
    %dma_wait3A_117 = tpu.memref_slice %arg13[%dma_wait3A_115, %dma_wait3A_116] : memref<256x32xf32, #tpu.memory_space<vmem>> -> memref<256x32xf32, #tpu.memory_space<vmem>>
    %dma_wait3A_118 = arith.constant 0 : i32
    %dma_wait3A_119 = tpu.memref_slice %arg2[%dma_wait3A_114, %add3A_39, %dma_wait3A_118] : memref<2x10112x32xf32, #tpu.memory_space<hbm>> -> memref<1x256x32xf32, #tpu.memory_space<hbm>>
    %dma_wait3A_120 = tpu.memref_squeeze %dma_wait3A_119 : memref<1x256x32xf32, #tpu.memory_space<hbm>> -> memref<256x32xf32, #tpu.memory_space<hbm>>
    %dma_wait3A_121 = arith.constant 0 : i32
    %dma_wait3A_122 = arith.constant 0 : i32
    %dma_wait3A_123 = tpu.memref_slice %arg13[%dma_wait3A_121, %dma_wait3A_122] : memref<256x32xf32, #tpu.memory_space<vmem>> -> memref<256x32xf32, #tpu.memory_space<vmem>>
    %dma_wait3A_124 = arith.constant 0 : i32
    %dma_wait3A_125 = tpu.memref_slice %arg2[%dma_wait3A_114, %add3A_39, %dma_wait3A_124] : memref<2x10112x32xf32, #tpu.memory_space<hbm>> -> memref<1x256x32xf32, #tpu.memory_space<hbm>>
    %dma_wait3A_126 = tpu.memref_squeeze %dma_wait3A_125 : memref<1x256x32xf32, #tpu.memory_space<hbm>> -> memref<256x32xf32, #tpu.memory_space<hbm>>
    tpu.wait_dma2 semaphore(%arg23 : memref<!tpu.dma_semaphore, #tpu.memory_space<semaphore_mem>>) src(%dma_wait3A_126 : memref<256x32xf32, #tpu.memory_space<hbm>>) dst(%dma_wait3A_123 : memref<256x32xf32, #tpu.memory_space<vmem>>)
    %dma_wait3A_127 = arith.constant 0 : i32
    %dma_wait3A_128 = arith.constant 0 : i32
    %dma_wait3A_129 = tpu.memref_slice %arg14[%dma_wait3A_127, %dma_wait3A_128] : memref<256x32xf32, #tpu.memory_space<vmem>> -> memref<256x32xf32, #tpu.memory_space<vmem>>
    %dma_wait3A_130 = arith.constant 0 : i32
    %dma_wait3A_131 = tpu.memref_slice %arg4[%add3A_39, %dma_wait3A_130] : memref<10112x32xf32, #tpu.memory_space<hbm>> -> memref<256x32xf32, #tpu.memory_space<hbm>>
    %dma_wait3A_132 = arith.constant 0 : i32
    %dma_wait3A_133 = arith.constant 0 : i32
    %dma_wait3A_134 = tpu.memref_slice %arg14[%dma_wait3A_132, %dma_wait3A_133] : memref<256x32xf32, #tpu.memory_space<vmem>> -> memref<256x32xf32, #tpu.memory_space<vmem>>
    %dma_wait3A_135 = arith.constant 0 : i32
    %dma_wait3A_136 = tpu.memref_slice %arg4[%add3A_39, %dma_wait3A_135] : memref<10112x32xf32, #tpu.memory_space<hbm>> -> memref<256x32xf32, #tpu.memory_space<hbm>>
    tpu.wait_dma2 semaphore(%arg23 : memref<!tpu.dma_semaphore, #tpu.memory_space<semaphore_mem>>) src(%dma_wait3A_136 : memref<256x32xf32, #tpu.memory_space<hbm>>) dst(%dma_wait3A_134 : memref<256x32xf32, #tpu.memory_space<vmem>>)
    %dma_wait3A_137 = arith.constant 0 : i32
    %dma_wait3A_138 = arith.constant 0 : i32
    %dma_wait3A_139 = arith.constant 0 : i32
    %dma_wait3A_140 = tpu.memref_slice %arg15[%dma_wait3A_138, %dma_wait3A_139] : memref<256x16xf32, #tpu.memory_space<vmem>> -> memref<256x16xf32, #tpu.memory_space<vmem>>
    %dma_wait3A_141 = arith.constant 0 : i32
    %dma_wait3A_142 = tpu.memref_slice %arg3[%dma_wait3A_137, %add3A_39, %dma_wait3A_141] : memref<2x10112x16xf32, #tpu.memory_space<hbm>> -> memref<1x256x16xf32, #tpu.memory_space<hbm>>
    %dma_wait3A_143 = tpu.memref_squeeze %dma_wait3A_142 : memref<1x256x16xf32, #tpu.memory_space<hbm>> -> memref<256x16xf32, #tpu.memory_space<hbm>>
    %dma_wait3A_144 = arith.constant 0 : i32
    %dma_wait3A_145 = arith.constant 0 : i32
    %dma_wait3A_146 = tpu.memref_slice %arg15[%dma_wait3A_144, %dma_wait3A_145] : memref<256x16xf32, #tpu.memory_space<vmem>> -> memref<256x16xf32, #tpu.memory_space<vmem>>
    %dma_wait3A_147 = arith.constant 0 : i32
    %dma_wait3A_148 = tpu.memref_slice %arg3[%dma_wait3A_137, %add3A_39, %dma_wait3A_147] : memref<2x10112x16xf32, #tpu.memory_space<hbm>> -> memref<1x256x16xf32, #tpu.memory_space<hbm>>
    %dma_wait3A_149 = tpu.memref_squeeze %dma_wait3A_148 : memref<1x256x16xf32, #tpu.memory_space<hbm>> -> memref<256x16xf32, #tpu.memory_space<hbm>>
    tpu.wait_dma2 semaphore(%arg23 : memref<!tpu.dma_semaphore, #tpu.memory_space<semaphore_mem>>) src(%dma_wait3A_149 : memref<256x16xf32, #tpu.memory_space<hbm>>) dst(%dma_wait3A_146 : memref<256x16xf32, #tpu.memory_space<vmem>>)
    %dma_wait3A_150 = arith.constant 1 : i32
    %dma_wait3A_151 = arith.constant 0 : i32
    %dma_wait3A_152 = arith.constant 0 : i32
    %dma_wait3A_153 = tpu.memref_slice %arg16[%dma_wait3A_151, %dma_wait3A_152] : memref<256x16xf32, #tpu.memory_space<vmem>> -> memref<256x16xf32, #tpu.memory_space<vmem>>
    %dma_wait3A_154 = arith.constant 0 : i32
    %dma_wait3A_155 = tpu.memref_slice %arg3[%dma_wait3A_150, %add3A_39, %dma_wait3A_154] : memref<2x10112x16xf32, #tpu.memory_space<hbm>> -> memref<1x256x16xf32, #tpu.memory_space<hbm>>
    %dma_wait3A_156 = tpu.memref_squeeze %dma_wait3A_155 : memref<1x256x16xf32, #tpu.memory_space<hbm>> -> memref<256x16xf32, #tpu.memory_space<hbm>>
    %dma_wait3A_157 = arith.constant 0 : i32
    %dma_wait3A_158 = arith.constant 0 : i32
    %dma_wait3A_159 = tpu.memref_slice %arg16[%dma_wait3A_157, %dma_wait3A_158] : memref<256x16xf32, #tpu.memory_space<vmem>> -> memref<256x16xf32, #tpu.memory_space<vmem>>
    %dma_wait3A_160 = arith.constant 0 : i32
    %dma_wait3A_161 = tpu.memref_slice %arg3[%dma_wait3A_150, %add3A_39, %dma_wait3A_160] : memref<2x10112x16xf32, #tpu.memory_space<hbm>> -> memref<1x256x16xf32, #tpu.memory_space<hbm>>
    %dma_wait3A_162 = tpu.memref_squeeze %dma_wait3A_161 : memref<1x256x16xf32, #tpu.memory_space<hbm>> -> memref<256x16xf32, #tpu.memory_space<hbm>>
    tpu.wait_dma2 semaphore(%arg23 : memref<!tpu.dma_semaphore, #tpu.memory_space<semaphore_mem>>) src(%dma_wait3A_162 : memref<256x16xf32, #tpu.memory_space<hbm>>) dst(%dma_wait3A_159 : memref<256x16xf32, #tpu.memory_space<vmem>>)
    %scan3A = arith.constant 0 : i32
    %scan3A_163 = arith.constant 0 : i32
    %scan3A_164 = arith.constant 256 : i32
    %scan3A_165 = arith.addi %scan3A_163, %scan3A_164 : i32
    %scan3A_166 = arith.constant 1 : i32
    scf.for %scan3A_519 = %scan3A_163 to %scan3A_165 step %scan3A_166  : i32 {
      %get3A = arith.index_cast %scan3A_519 : i32 to index
      %get3A_520 = arith.constant 0 : index
      %get3A_521 = tpu.vector_load %arg15[%get3A, %get3A_520] {strides = array<i32>} : memref<256x16xf32, #tpu.memory_space<vmem>>, vector<1x16xf32>,
      %get3A_522 = vector.shape_cast %get3A_521 : vector<1x16xf32> to vector<16xf32>
      %get3A_523 = arith.index_cast %scan3A_519 : i32 to index
      %get3A_524 = arith.constant 0 : index
      %get3A_525 = tpu.vector_load %arg16[%get3A_523, %get3A_524] {strides = array<i32>} : memref<256x16xf32, #tpu.memory_space<vmem>>, vector<1x16xf32>,
      %get3A_526 = vector.shape_cast %get3A_525 : vector<1x16xf32> to vector<16xf32>
      %add3A_527 = arith.addf %get3A_522, %get3A_526 : vector<16xf32>
      %max3A = arith.constant 1.000000e+00 : f32
      %max3A_528 = vector.broadcast %max3A : f32 to vector<16xf32>
      %max3A_529 = arith.maximumf %add3A_527, %max3A_528 : vector<16xf32>
      %div3A = arith.constant 1.000000e+00 : f32
      %div3A_530 = vector.broadcast %div3A : f32 to vector<16xf32>
      %div3A_531 = arith.divf %div3A_530, %max3A_529 : vector<16xf32>
      %get3A_532 = arith.index_cast %scan3A_519 : i32 to index
      %get3A_533 = arith.constant 0 : index
      %get3A_534 = tpu.vector_load %arg12[%get3A_532, %get3A_533] {strides = array<i32>} : memref<256x32xf32, #tpu.memory_space<vmem>>, vector<1x16xf32>,
      %get3A_535 = vector.shape_cast %get3A_534 : vector<1x16xf32> to vector<16xf32>
      %get3A_536 = arith.index_cast %scan3A_519 : i32 to index
      %get3A_537 = arith.constant 0 : index
      %get3A_538 = tpu.vector_load %arg13[%get3A_536, %get3A_537] {strides = array<i32>} : memref<256x32xf32, #tpu.memory_space<vmem>>, vector<1x16xf32>,
      %get3A_539 = vector.shape_cast %get3A_538 : vector<1x16xf32> to vector<16xf32>
      %add3A_540 = arith.addf %get3A_535, %get3A_539 : vector<16xf32>
      %mul3A_541 = arith.mulf %add3A_540, %div3A_531 : vector<16xf32>
      %get3A_542 = arith.index_cast %scan3A_519 : i32 to index
      %get3A_543 = arith.constant 0 : index
      %get3A_544 = tpu.vector_load %arg14[%get3A_542, %get3A_543] {strides = array<i32>} : memref<256x32xf32, #tpu.memory_space<vmem>>, vector<1x16xf32>,
      %get3A_545 = vector.shape_cast %get3A_544 : vector<1x16xf32> to vector<16xf32>
      %add3A_546 = arith.addf %mul3A_541, %get3A_545 : vector<16xf32>
      %max3A_547 = arith.constant 0.000000e+00 : f32
      %max3A_548 = vector.broadcast %max3A_547 : f32 to vector<16xf32>
      %max3A_549 = arith.maximumf %add3A_546, %max3A_548 : vector<16xf32>
      %swap3A = arith.index_cast %scan3A_519 : i32 to index
      %swap3A_550 = arith.constant 0 : index
      %swap3A_551 = tpu.vector_load %arg17[%swap3A, %swap3A_550] {strides = array<i32>} : memref<256x32xf32, #tpu.memory_space<vmem>>, vector<1x16xf32>,
      %swap3A_552 = vector.shape_cast %swap3A_551 : vector<1x16xf32> to vector<16xf32>
      %swap3A_553 = vector.shape_cast %max3A_549 : vector<16xf32> to vector<1x16xf32>
      tpu.vector_store %arg17[%swap3A, %swap3A_550], %swap3A_553 {strides = array<i32>} : memref<256x32xf32, #tpu.memory_space<vmem>>, vector<1x16xf32>,
      %get3A_554 = arith.index_cast %scan3A_519 : i32 to index
      %get3A_555 = arith.constant 16 : index
      %get3A_556 = tpu.vector_load %arg12[%get3A_554, %get3A_555] {strides = array<i32>} : memref<256x32xf32, #tpu.memory_space<vmem>>, vector<1x16xf32>,
      %get3A_557 = vector.shape_cast %get3A_556 : vector<1x16xf32> to vector<16xf32>
      %get3A_558 = arith.index_cast %scan3A_519 : i32 to index
      %get3A_559 = arith.constant 16 : index
      %get3A_560 = tpu.vector_load %arg13[%get3A_558, %get3A_559] {strides = array<i32>} : memref<256x32xf32, #tpu.memory_space<vmem>>, vector<1x16xf32>,
      %get3A_561 = vector.shape_cast %get3A_560 : vector<1x16xf32> to vector<16xf32>
      %add3A_562 = arith.addf %get3A_557, %get3A_561 : vector<16xf32>
      %mul3A_563 = arith.mulf %add3A_562, %div3A_531 : vector<16xf32>
      %get3A_564 = arith.index_cast %scan3A_519 : i32 to index
      %get3A_565 = arith.constant 16 : index
      %get3A_566 = tpu.vector_load %arg14[%get3A_564, %get3A_565] {strides = array<i32>} : memref<256x32xf32, #tpu.memory_space<vmem>>, vector<1x16xf32>,
      %get3A_567 = vector.shape_cast %get3A_566 : vector<1x16xf32> to vector<16xf32>
      %add3A_568 = arith.addf %mul3A_563, %get3A_567 : vector<16xf32>
      %max3A_569 = arith.constant 0.000000e+00 : f32
      %max3A_570 = vector.broadcast %max3A_569 : f32 to vector<16xf32>
      %max3A_571 = arith.maximumf %add3A_568, %max3A_570 : vector<16xf32>
      %swap3A_572 = arith.index_cast %scan3A_519 : i32 to index
      %swap3A_573 = arith.constant 16 : index
      %swap3A_574 = tpu.vector_load %arg17[%swap3A_572, %swap3A_573] {strides = array<i32>} : memref<256x32xf32, #tpu.memory_space<vmem>>, vector<1x16xf32>,
      %swap3A_575 = vector.shape_cast %swap3A_574 : vector<1x16xf32> to vector<16xf32>
      %swap3A_576 = vector.shape_cast %max3A_571 : vector<16xf32> to vector<1x16xf32>
      tpu.vector_store %arg17[%swap3A_572, %swap3A_573], %swap3A_576 {strides = array<i32>} : memref<256x32xf32, #tpu.memory_space<vmem>>, vector<1x16xf32>,
    }
    %scan3A_167 = arith.constant 256 : i32
    "tpu.region"() ({
      %run_scoped3A = tpu.sem_alloc : memref<!tpu.dma_semaphore, #tpu.memory_space<semaphore_mem>>
      %dma_start3A_519 = arith.constant 0 : i32
      %dma_start3A_520 = arith.constant 0 : i32
      %dma_start3A_521 = tpu.memref_slice %arg17[%dma_start3A_519, %dma_start3A_520] : memref<256x32xf32, #tpu.memory_space<vmem>> -> memref<256x32xf32, #tpu.memory_space<vmem>>
      %dma_start3A_522 = arith.constant 0 : i32
      %dma_start3A_523 = tpu.memref_slice %arg10[%add3A_39, %dma_start3A_522] : memref<10112x32xf32, #tpu.memory_space<vmem_shared>> -> memref<256x32xf32, #tpu.memory_space<vmem_shared>>
      %dma_start3A_524 = arith.constant 0 : i32
      %dma_start3A_525 = tpu.memref_slice %arg10[%add3A_39, %dma_start3A_524] : memref<10112x32xf32, #tpu.memory_space<vmem_shared>> -> memref<256x32xf32, #tpu.memory_space<vmem_shared>>
      %dma_start3A_526 = arith.constant 0 : i32
      %dma_start3A_527 = arith.constant 0 : i32
      %dma_start3A_528 = tpu.memref_slice %arg17[%dma_start3A_526, %dma_start3A_527] : memref<256x32xf32, #tpu.memory_space<vmem>> -> memref<256x32xf32, #tpu.memory_space<vmem>>
      tpu.enqueue_dma source(%dma_start3A_528 : memref<256x32xf32, #tpu.memory_space<vmem>>) target(%dma_start3A_525 : memref<256x32xf32, #tpu.memory_space<vmem_shared>>) target_semaphore(%run_scoped3A : memref<!tpu.dma_semaphore, #tpu.memory_space<semaphore_mem>>)
      %dma_wait3A_529 = arith.constant 0 : i32
      %dma_wait3A_530 = arith.constant 0 : i32
      %dma_wait3A_531 = tpu.memref_slice %arg17[%dma_wait3A_529, %dma_wait3A_530] : memref<256x32xf32, #tpu.memory_space<vmem>> -> memref<256x32xf32, #tpu.memory_space<vmem>>
      %dma_wait3A_532 = arith.constant 0 : i32
      %dma_wait3A_533 = tpu.memref_slice %arg10[%add3A_39, %dma_wait3A_532] : memref<10112x32xf32, #tpu.memory_space<vmem_shared>> -> memref<256x32xf32, #tpu.memory_space<vmem_shared>>
      %dma_wait3A_534 = arith.constant 0 : i32
      %dma_wait3A_535 = tpu.memref_slice %arg10[%add3A_39, %dma_wait3A_534] : memref<10112x32xf32, #tpu.memory_space<vmem_shared>> -> memref<256x32xf32, #tpu.memory_space<vmem_shared>>
      %dma_wait3A_536 = arith.constant 0 : i32
      %dma_wait3A_537 = arith.constant 0 : i32
      %dma_wait3A_538 = tpu.memref_slice %arg17[%dma_wait3A_536, %dma_wait3A_537] : memref<256x32xf32, #tpu.memory_space<vmem>> -> memref<256x32xf32, #tpu.memory_space<vmem>>
      tpu.wait_dma2 semaphore(%run_scoped3A : memref<!tpu.dma_semaphore, #tpu.memory_space<semaphore_mem>>) src(%dma_wait3A_538 : memref<256x32xf32, #tpu.memory_space<vmem>>) dst(%dma_wait3A_535 : memref<256x32xf32, #tpu.memory_space<vmem_shared>>)
      tpu.yield
    }) : () -> ()
    %eq3A = arith.constant 0 : i32
    %eq3A_168 = arith.cmpi eq, %arg0, %eq3A : i32
    %convert_element_type3A = arith.extui %eq3A_168 : i1 to i32
    %cond3A = arith.constant 0 : i32
    %cond3A_169 = arith.cmpi ne, %convert_element_type3A, %cond3A : i32
    scf.if %cond3A_169 {
      "tpu.region"() ({
        %run_scoped3A = tpu.sem_alloc : memref<!tpu.dma_semaphore, #tpu.memory_space<semaphore_mem>>
        %dma_start3A_519 = arith.constant 0 : i32
        %dma_start3A_520 = arith.constant 0 : i32
        %dma_start3A_521 = tpu.memref_slice %arg17[%dma_start3A_519, %dma_start3A_520] : memref<256x32xf32, #tpu.memory_space<vmem>> -> memref<256x32xf32, #tpu.memory_space<vmem>>
        %dma_start3A_522 = arith.constant 0 : i32
        %dma_start3A_523 = tpu.memref_slice %arg9[%add3A_39, %dma_start3A_522] : memref<10112x32xf32, #tpu.memory_space<hbm>> -> memref<256x32xf32, #tpu.memory_space<hbm>>
        %dma_start3A_524 = arith.constant 0 : i32
        %dma_start3A_525 = tpu.memref_slice %arg9[%add3A_39, %dma_start3A_524] : memref<10112x32xf32, #tpu.memory_space<hbm>> -> memref<256x32xf32, #tpu.memory_space<hbm>>
        %dma_start3A_526 = arith.constant 0 : i32
        %dma_start3A_527 = arith.constant 0 : i32
        %dma_start3A_528 = tpu.memref_slice %arg17[%dma_start3A_526, %dma_start3A_527] : memref<256x32xf32, #tpu.memory_space<vmem>> -> memref<256x32xf32, #tpu.memory_space<vmem>>
        tpu.enqueue_dma source(%dma_start3A_528 : memref<256x32xf32, #tpu.memory_space<vmem>>) target(%dma_start3A_525 : memref<256x32xf32, #tpu.memory_space<hbm>>) target_semaphore(%run_scoped3A : memref<!tpu.dma_semaphore, #tpu.memory_space<semaphore_mem>>)
        %dma_wait3A_529 = arith.constant 0 : i32
        %dma_wait3A_530 = arith.constant 0 : i32
        %dma_wait3A_531 = tpu.memref_slice %arg17[%dma_wait3A_529, %dma_wait3A_530] : memref<256x32xf32, #tpu.memory_space<vmem>> -> memref<256x32xf32, #tpu.memory_space<vmem>>
        %dma_wait3A_532 = arith.constant 0 : i32
        %dma_wait3A_533 = tpu.memref_slice %arg9[%add3A_39, %dma_wait3A_532] : memref<10112x32xf32, #tpu.memory_space<hbm>> -> memref<256x32xf32, #tpu.memory_space<hbm>>
        %dma_wait3A_534 = arith.constant 0 : i32
        %dma_wait3A_535 = tpu.memref_slice %arg9[%add3A_39, %dma_wait3A_534] : memref<10112x32xf32, #tpu.memory_space<hbm>> -> memref<256x32xf32, #tpu.memory_space<hbm>>
        %dma_wait3A_536 = arith.constant 0 : i32
        %dma_wait3A_537 = arith.constant 0 : i32
        %dma_wait3A_538 = tpu.memref_slice %arg17[%dma_wait3A_536, %dma_wait3A_537] : memref<256x32xf32, #tpu.memory_space<vmem>> -> memref<256x32xf32, #tpu.memory_space<vmem>>
        tpu.wait_dma2 semaphore(%run_scoped3A : memref<!tpu.dma_semaphore, #tpu.memory_space<semaphore_mem>>) src(%dma_wait3A_538 : memref<256x32xf32, #tpu.memory_space<vmem>>) dst(%dma_wait3A_535 : memref<256x32xf32, #tpu.memory_space<hbm>>)
        tpu.yield
      }) : () -> ()
    } else {
    }
    %add3A_170 = arith.constant 256 : i32
    %add3A_171 = arith.addi %mul3A_37, %add3A_170 : i32
    %dma_start3A_172 = arith.constant 0 : i32
    %dma_start3A_173 = arith.constant 0 : i32
    %dma_start3A_174 = arith.constant 0 : i32
    %dma_start3A_175 = tpu.memref_slice %arg12[%dma_start3A_173, %dma_start3A_174] : memref<256x32xf32, #tpu.memory_space<vmem>> -> memref<256x32xf32, #tpu.memory_space<vmem>>
    %dma_start3A_176 = arith.constant 0 : i32
    %dma_start3A_177 = tpu.memref_slice %arg2[%dma_start3A_172, %add3A_171, %dma_start3A_176] : memref<2x10112x32xf32, #tpu.memory_space<hbm>> -> memref<1x256x32xf32, #tpu.memory_space<hbm>>
    %dma_start3A_178 = tpu.memref_squeeze %dma_start3A_177 : memref<1x256x32xf32, #tpu.memory_space<hbm>> -> memref<256x32xf32, #tpu.memory_space<hbm>>
    %dma_start3A_179 = arith.constant 0 : i32
    %dma_start3A_180 = arith.constant 0 : i32
    %dma_start3A_181 = tpu.memref_slice %arg12[%dma_start3A_179, %dma_start3A_180] : memref<256x32xf32, #tpu.memory_space<vmem>> -> memref<256x32xf32, #tpu.memory_space<vmem>>
    %dma_start3A_182 = arith.constant 0 : i32
    %dma_start3A_183 = tpu.memref_slice %arg2[%dma_start3A_172, %add3A_171, %dma_start3A_182] : memref<2x10112x32xf32, #tpu.memory_space<hbm>> -> memref<1x256x32xf32, #tpu.memory_space<hbm>>
    %dma_start3A_184 = tpu.memref_squeeze %dma_start3A_183 : memref<1x256x32xf32, #tpu.memory_space<hbm>> -> memref<256x32xf32, #tpu.memory_space<hbm>>
    tpu.enqueue_dma source(%dma_start3A_184 : memref<256x32xf32, #tpu.memory_space<hbm>>) target(%dma_start3A_181 : memref<256x32xf32, #tpu.memory_space<vmem>>) target_semaphore(%arg23 : memref<!tpu.dma_semaphore, #tpu.memory_space<semaphore_mem>>)
    %dma_start3A_185 = arith.constant 1 : i32
    %dma_start3A_186 = arith.constant 0 : i32
    %dma_start3A_187 = arith.constant 0 : i32
    %dma_start3A_188 = tpu.memref_slice %arg13[%dma_start3A_186, %dma_start3A_187] : memref<256x32xf32, #tpu.memory_space<vmem>> -> memref<256x32xf32, #tpu.memory_space<vmem>>
    %dma_start3A_189 = arith.constant 0 : i32
    %dma_start3A_190 = tpu.memref_slice %arg2[%dma_start3A_185, %add3A_171, %dma_start3A_189] : memref<2x10112x32xf32, #tpu.memory_space<hbm>> -> memref<1x256x32xf32, #tpu.memory_space<hbm>>
    %dma_start3A_191 = tpu.memref_squeeze %dma_start3A_190 : memref<1x256x32xf32, #tpu.memory_space<hbm>> -> memref<256x32xf32, #tpu.memory_space<hbm>>
    %dma_start3A_192 = arith.constant 0 : i32
    %dma_start3A_193 = arith.constant 0 : i32
    %dma_start3A_194 = tpu.memref_slice %arg13[%dma_start3A_192, %dma_start3A_193] : memref<256x32xf32, #tpu.memory_space<vmem>> -> memref<256x32xf32, #tpu.memory_space<vmem>>
    %dma_start3A_195 = arith.constant 0 : i32
    %dma_start3A_196 = tpu.memref_slice %arg2[%dma_start3A_185, %add3A_171, %dma_start3A_195] : memref<2x10112x32xf32, #tpu.memory_space<hbm>> -> memref<1x256x32xf32, #tpu.memory_space<hbm>>
    %dma_start3A_197 = tpu.memref_squeeze %dma_start3A_196 : memref<1x256x32xf32, #tpu.memory_space<hbm>> -> memref<256x32xf32, #tpu.memory_space<hbm>>
    tpu.enqueue_dma source(%dma_start3A_197 : memref<256x32xf32, #tpu.memory_space<hbm>>) target(%dma_start3A_194 : memref<256x32xf32, #tpu.memory_space<vmem>>) target_semaphore(%arg23 : memref<!tpu.dma_semaphore, #tpu.memory_space<semaphore_mem>>)
    %dma_start3A_198 = arith.constant 0 : i32
    %dma_start3A_199 = arith.constant 0 : i32
    %dma_start3A_200 = tpu.memref_slice %arg14[%dma_start3A_198, %dma_start3A_199] : memref<256x32xf32, #tpu.memory_space<vmem>> -> memref<256x32xf32, #tpu.memory_space<vmem>>
    %dma_start3A_201 = arith.constant 0 : i32
    %dma_start3A_202 = tpu.memref_slice %arg4[%add3A_171, %dma_start3A_201] : memref<10112x32xf32, #tpu.memory_space<hbm>> -> memref<256x32xf32, #tpu.memory_space<hbm>>
    %dma_start3A_203 = arith.constant 0 : i32
    %dma_start3A_204 = arith.constant 0 : i32
    %dma_start3A_205 = tpu.memref_slice %arg14[%dma_start3A_203, %dma_start3A_204] : memref<256x32xf32, #tpu.memory_space<vmem>> -> memref<256x32xf32, #tpu.memory_space<vmem>>
    %dma_start3A_206 = arith.constant 0 : i32
    %dma_start3A_207 = tpu.memref_slice %arg4[%add3A_171, %dma_start3A_206] : memref<10112x32xf32, #tpu.memory_space<hbm>> -> memref<256x32xf32, #tpu.memory_space<hbm>>
    tpu.enqueue_dma source(%dma_start3A_207 : memref<256x32xf32, #tpu.memory_space<hbm>>) target(%dma_start3A_205 : memref<256x32xf32, #tpu.memory_space<vmem>>) target_semaphore(%arg23 : memref<!tpu.dma_semaphore, #tpu.memory_space<semaphore_mem>>)
    %dma_start3A_208 = arith.constant 0 : i32
    %dma_start3A_209 = arith.constant 0 : i32
    %dma_start3A_210 = arith.constant 0 : i32
    %dma_start3A_211 = tpu.memref_slice %arg15[%dma_start3A_209, %dma_start3A_210] : memref<256x16xf32, #tpu.memory_space<vmem>> -> memref<256x16xf32, #tpu.memory_space<vmem>>
    %dma_start3A_212 = arith.constant 0 : i32
    %dma_start3A_213 = tpu.memref_slice %arg3[%dma_start3A_208, %add3A_171, %dma_start3A_212] : memref<2x10112x16xf32, #tpu.memory_space<hbm>> -> memref<1x256x16xf32, #tpu.memory_space<hbm>>
    %dma_start3A_214 = tpu.memref_squeeze %dma_start3A_213 : memref<1x256x16xf32, #tpu.memory_space<hbm>> -> memref<256x16xf32, #tpu.memory_space<hbm>>
    %dma_start3A_215 = arith.constant 0 : i32
    %dma_start3A_216 = arith.constant 0 : i32
    %dma_start3A_217 = tpu.memref_slice %arg15[%dma_start3A_215, %dma_start3A_216] : memref<256x16xf32, #tpu.memory_space<vmem>> -> memref<256x16xf32, #tpu.memory_space<vmem>>
    %dma_start3A_218 = arith.constant 0 : i32
    %dma_start3A_219 = tpu.memref_slice %arg3[%dma_start3A_208, %add3A_171, %dma_start3A_218] : memref<2x10112x16xf32, #tpu.memory_space<hbm>> -> memref<1x256x16xf32, #tpu.memory_space<hbm>>
    %dma_start3A_220 = tpu.memref_squeeze %dma_start3A_219 : memref<1x256x16xf32, #tpu.memory_space<hbm>> -> memref<256x16xf32, #tpu.memory_space<hbm>>
    tpu.enqueue_dma source(%dma_start3A_220 : memref<256x16xf32, #tpu.memory_space<hbm>>) target(%dma_start3A_217 : memref<256x16xf32, #tpu.memory_space<vmem>>) target_semaphore(%arg23 : memref<!tpu.dma_semaphore, #tpu.memory_space<semaphore_mem>>)
    %dma_start3A_221 = arith.constant 1 : i32
    %dma_start3A_222 = arith.constant 0 : i32
    %dma_start3A_223 = arith.constant 0 : i32
    %dma_start3A_224 = tpu.memref_slice %arg16[%dma_start3A_222, %dma_start3A_223] : memref<256x16xf32, #tpu.memory_space<vmem>> -> memref<256x16xf32, #tpu.memory_space<vmem>>
    %dma_start3A_225 = arith.constant 0 : i32
    %dma_start3A_226 = tpu.memref_slice %arg3[%dma_start3A_221, %add3A_171, %dma_start3A_225] : memref<2x10112x16xf32, #tpu.memory_space<hbm>> -> memref<1x256x16xf32, #tpu.memory_space<hbm>>
    %dma_start3A_227 = tpu.memref_squeeze %dma_start3A_226 : memref<1x256x16xf32, #tpu.memory_space<hbm>> -> memref<256x16xf32, #tpu.memory_space<hbm>>
    %dma_start3A_228 = arith.constant 0 : i32
    %dma_start3A_229 = arith.constant 0 : i32
    %dma_start3A_230 = tpu.memref_slice %arg16[%dma_start3A_228, %dma_start3A_229] : memref<256x16xf32, #tpu.memory_space<vmem>> -> memref<256x16xf32, #tpu.memory_space<vmem>>
    %dma_start3A_231 = arith.constant 0 : i32
    %dma_start3A_232 = tpu.memref_slice %arg3[%dma_start3A_221, %add3A_171, %dma_start3A_231] : memref<2x10112x16xf32, #tpu.memory_space<hbm>> -> memref<1x256x16xf32, #tpu.memory_space<hbm>>
    %dma_start3A_233 = tpu.memref_squeeze %dma_start3A_232 : memref<1x256x16xf32, #tpu.memory_space<hbm>> -> memref<256x16xf32, #tpu.memory_space<hbm>>
    tpu.enqueue_dma source(%dma_start3A_233 : memref<256x16xf32, #tpu.memory_space<hbm>>) target(%dma_start3A_230 : memref<256x16xf32, #tpu.memory_space<vmem>>) target_semaphore(%arg23 : memref<!tpu.dma_semaphore, #tpu.memory_space<semaphore_mem>>)
    %dma_wait3A_234 = arith.constant 0 : i32
    %dma_wait3A_235 = arith.constant 0 : i32
    %dma_wait3A_236 = arith.constant 0 : i32
    %dma_wait3A_237 = tpu.memref_slice %arg12[%dma_wait3A_235, %dma_wait3A_236] : memref<256x32xf32, #tpu.memory_space<vmem>> -> memref<256x32xf32, #tpu.memory_space<vmem>>
    %dma_wait3A_238 = arith.constant 0 : i32
    %dma_wait3A_239 = tpu.memref_slice %arg2[%dma_wait3A_234, %add3A_171, %dma_wait3A_238] : memref<2x10112x32xf32, #tpu.memory_space<hbm>> -> memref<1x256x32xf32, #tpu.memory_space<hbm>>
    %dma_wait3A_240 = tpu.memref_squeeze %dma_wait3A_239 : memref<1x256x32xf32, #tpu.memory_space<hbm>> -> memref<256x32xf32, #tpu.memory_space<hbm>>
    %dma_wait3A_241 = arith.constant 0 : i32
    %dma_wait3A_242 = arith.constant 0 : i32
    %dma_wait3A_243 = tpu.memref_slice %arg12[%dma_wait3A_241, %dma_wait3A_242] : memref<256x32xf32, #tpu.memory_space<vmem>> -> memref<256x32xf32, #tpu.memory_space<vmem>>
    %dma_wait3A_244 = arith.constant 0 : i32
    %dma_wait3A_245 = tpu.memref_slice %arg2[%dma_wait3A_234, %add3A_171, %dma_wait3A_244] : memref<2x10112x32xf32, #tpu.memory_space<hbm>> -> memref<1x256x32xf32, #tpu.memory_space<hbm>>
    %dma_wait3A_246 = tpu.memref_squeeze %dma_wait3A_245 : memref<1x256x32xf32, #tpu.memory_space<hbm>> -> memref<256x32xf32, #tpu.memory_space<hbm>>
    tpu.wait_dma2 semaphore(%arg23 : memref<!tpu.dma_semaphore, #tpu.memory_space<semaphore_mem>>) src(%dma_wait3A_246 : memref<256x32xf32, #tpu.memory_space<hbm>>) dst(%dma_wait3A_243 : memref<256x32xf32, #tpu.memory_space<vmem>>)
    %dma_wait3A_247 = arith.constant 1 : i32
    %dma_wait3A_248 = arith.constant 0 : i32
    %dma_wait3A_249 = arith.constant 0 : i32
    %dma_wait3A_250 = tpu.memref_slice %arg13[%dma_wait3A_248, %dma_wait3A_249] : memref<256x32xf32, #tpu.memory_space<vmem>> -> memref<256x32xf32, #tpu.memory_space<vmem>>
    %dma_wait3A_251 = arith.constant 0 : i32
    %dma_wait3A_252 = tpu.memref_slice %arg2[%dma_wait3A_247, %add3A_171, %dma_wait3A_251] : memref<2x10112x32xf32, #tpu.memory_space<hbm>> -> memref<1x256x32xf32, #tpu.memory_space<hbm>>
    %dma_wait3A_253 = tpu.memref_squeeze %dma_wait3A_252 : memref<1x256x32xf32, #tpu.memory_space<hbm>> -> memref<256x32xf32, #tpu.memory_space<hbm>>
    %dma_wait3A_254 = arith.constant 0 : i32
    %dma_wait3A_255 = arith.constant 0 : i32
    %dma_wait3A_256 = tpu.memref_slice %arg13[%dma_wait3A_254, %dma_wait3A_255] : memref<256x32xf32, #tpu.memory_space<vmem>> -> memref<256x32xf32, #tpu.memory_space<vmem>>
    %dma_wait3A_257 = arith.constant 0 : i32
    %dma_wait3A_258 = tpu.memref_slice %arg2[%dma_wait3A_247, %add3A_171, %dma_wait3A_257] : memref<2x10112x32xf32, #tpu.memory_space<hbm>> -> memref<1x256x32xf32, #tpu.memory_space<hbm>>
    %dma_wait3A_259 = tpu.memref_squeeze %dma_wait3A_258 : memref<1x256x32xf32, #tpu.memory_space<hbm>> -> memref<256x32xf32, #tpu.memory_space<hbm>>
    tpu.wait_dma2 semaphore(%arg23 : memref<!tpu.dma_semaphore, #tpu.memory_space<semaphore_mem>>) src(%dma_wait3A_259 : memref<256x32xf32, #tpu.memory_space<hbm>>) dst(%dma_wait3A_256 : memref<256x32xf32, #tpu.memory_space<vmem>>)
    %dma_wait3A_260 = arith.constant 0 : i32
    %dma_wait3A_261 = arith.constant 0 : i32
    %dma_wait3A_262 = tpu.memref_slice %arg14[%dma_wait3A_260, %dma_wait3A_261] : memref<256x32xf32, #tpu.memory_space<vmem>> -> memref<256x32xf32, #tpu.memory_space<vmem>>
    %dma_wait3A_263 = arith.constant 0 : i32
    %dma_wait3A_264 = tpu.memref_slice %arg4[%add3A_171, %dma_wait3A_263] : memref<10112x32xf32, #tpu.memory_space<hbm>> -> memref<256x32xf32, #tpu.memory_space<hbm>>
    %dma_wait3A_265 = arith.constant 0 : i32
    %dma_wait3A_266 = arith.constant 0 : i32
    %dma_wait3A_267 = tpu.memref_slice %arg14[%dma_wait3A_265, %dma_wait3A_266] : memref<256x32xf32, #tpu.memory_space<vmem>> -> memref<256x32xf32, #tpu.memory_space<vmem>>
    %dma_wait3A_268 = arith.constant 0 : i32
    %dma_wait3A_269 = tpu.memref_slice %arg4[%add3A_171, %dma_wait3A_268] : memref<10112x32xf32, #tpu.memory_space<hbm>> -> memref<256x32xf32, #tpu.memory_space<hbm>>
    tpu.wait_dma2 semaphore(%arg23 : memref<!tpu.dma_semaphore, #tpu.memory_space<semaphore_mem>>) src(%dma_wait3A_269 : memref<256x32xf32, #tpu.memory_space<hbm>>) dst(%dma_wait3A_267 : memref<256x32xf32, #tpu.memory_space<vmem>>)
    %dma_wait3A_270 = arith.constant 0 : i32
    %dma_wait3A_271 = arith.constant 0 : i32
    %dma_wait3A_272 = arith.constant 0 : i32
    %dma_wait3A_273 = tpu.memref_slice %arg15[%dma_wait3A_271, %dma_wait3A_272] : memref<256x16xf32, #tpu.memory_space<vmem>> -> memref<256x16xf32, #tpu.memory_space<vmem>>
    %dma_wait3A_274 = arith.constant 0 : i32
    %dma_wait3A_275 = tpu.memref_slice %arg3[%dma_wait3A_270, %add3A_171, %dma_wait3A_274] : memref<2x10112x16xf32, #tpu.memory_space<hbm>> -> memref<1x256x16xf32, #tpu.memory_space<hbm>>
    %dma_wait3A_276 = tpu.memref_squeeze %dma_wait3A_275 : memref<1x256x16xf32, #tpu.memory_space<hbm>> -> memref<256x16xf32, #tpu.memory_space<hbm>>
    %dma_wait3A_277 = arith.constant 0 : i32
    %dma_wait3A_278 = arith.constant 0 : i32
    %dma_wait3A_279 = tpu.memref_slice %arg15[%dma_wait3A_277, %dma_wait3A_278] : memref<256x16xf32, #tpu.memory_space<vmem>> -> memref<256x16xf32, #tpu.memory_space<vmem>>
    %dma_wait3A_280 = arith.constant 0 : i32
    %dma_wait3A_281 = tpu.memref_slice %arg3[%dma_wait3A_270, %add3A_171, %dma_wait3A_280] : memref<2x10112x16xf32, #tpu.memory_space<hbm>> -> memref<1x256x16xf32, #tpu.memory_space<hbm>>
    %dma_wait3A_282 = tpu.memref_squeeze %dma_wait3A_281 : memref<1x256x16xf32, #tpu.memory_space<hbm>> -> memref<256x16xf32, #tpu.memory_space<hbm>>
    tpu.wait_dma2 semaphore(%arg23 : memref<!tpu.dma_semaphore, #tpu.memory_space<semaphore_mem>>) src(%dma_wait3A_282 : memref<256x16xf32, #tpu.memory_space<hbm>>) dst(%dma_wait3A_279 : memref<256x16xf32, #tpu.memory_space<vmem>>)
    %dma_wait3A_283 = arith.constant 1 : i32
    %dma_wait3A_284 = arith.constant 0 : i32
    %dma_wait3A_285 = arith.constant 0 : i32
    %dma_wait3A_286 = tpu.memref_slice %arg16[%dma_wait3A_284, %dma_wait3A_285] : memref<256x16xf32, #tpu.memory_space<vmem>> -> memref<256x16xf32, #tpu.memory_space<vmem>>
    %dma_wait3A_287 = arith.constant 0 : i32
    %dma_wait3A_288 = tpu.memref_slice %arg3[%dma_wait3A_283, %add3A_171, %dma_wait3A_287] : memref<2x10112x16xf32, #tpu.memory_space<hbm>> -> memref<1x256x16xf32, #tpu.memory_space<hbm>>
    %dma_wait3A_289 = tpu.memref_squeeze %dma_wait3A_288 : memref<1x256x16xf32, #tpu.memory_space<hbm>> -> memref<256x16xf32, #tpu.memory_space<hbm>>
    %dma_wait3A_290 = arith.constant 0 : i32
    %dma_wait3A_291 = arith.constant 0 : i32
    %dma_wait3A_292 = tpu.memref_slice %arg16[%dma_wait3A_290, %dma_wait3A_291] : memref<256x16xf32, #tpu.memory_space<vmem>> -> memref<256x16xf32, #tpu.memory_space<vmem>>
    %dma_wait3A_293 = arith.constant 0 : i32
    %dma_wait3A_294 = tpu.memref_slice %arg3[%dma_wait3A_283, %add3A_171, %dma_wait3A_293] : memref<2x10112x16xf32, #tpu.memory_space<hbm>> -> memref<1x256x16xf32, #tpu.memory_space<hbm>>
    %dma_wait3A_295 = tpu.memref_squeeze %dma_wait3A_294 : memref<1x256x16xf32, #tpu.memory_space<hbm>> -> memref<256x16xf32, #tpu.memory_space<hbm>>
    tpu.wait_dma2 semaphore(%arg23 : memref<!tpu.dma_semaphore, #tpu.memory_space<semaphore_mem>>) src(%dma_wait3A_295 : memref<256x16xf32, #tpu.memory_space<hbm>>) dst(%dma_wait3A_292 : memref<256x16xf32, #tpu.memory_space<vmem>>)
    %scan3A_296 = arith.constant 0 : i32
    %scan3A_297 = arith.constant 0 : i32
    %scan3A_298 = arith.constant 256 : i32
    %scan3A_299 = arith.addi %scan3A_297, %scan3A_298 : i32
    %scan3A_300 = arith.constant 1 : i32
    scf.for %scan3A_519 = %scan3A_297 to %scan3A_299 step %scan3A_300  : i32 {
      %get3A = arith.index_cast %scan3A_519 : i32 to index
      %get3A_520 = arith.constant 0 : index
      %get3A_521 = tpu.vector_load %arg15[%get3A, %get3A_520] {strides = array<i32>} : memref<256x16xf32, #tpu.memory_space<vmem>>, vector<1x16xf32>,
      %get3A_522 = vector.shape_cast %get3A_521 : vector<1x16xf32> to vector<16xf32>
      %get3A_523 = arith.index_cast %scan3A_519 : i32 to index
      %get3A_524 = arith.constant 0 : index
      %get3A_525 = tpu.vector_load %arg16[%get3A_523, %get3A_524] {strides = array<i32>} : memref<256x16xf32, #tpu.memory_space<vmem>>, vector<1x16xf32>,
      %get3A_526 = vector.shape_cast %get3A_525 : vector<1x16xf32> to vector<16xf32>
      %add3A_527 = arith.addf %get3A_522, %get3A_526 : vector<16xf32>
      %max3A = arith.constant 1.000000e+00 : f32
      %max3A_528 = vector.broadcast %max3A : f32 to vector<16xf32>
      %max3A_529 = arith.maximumf %add3A_527, %max3A_528 : vector<16xf32>
      %div3A = arith.constant 1.000000e+00 : f32
      %div3A_530 = vector.broadcast %div3A : f32 to vector<16xf32>
      %div3A_531 = arith.divf %div3A_530, %max3A_529 : vector<16xf32>
      %get3A_532 = arith.index_cast %scan3A_519 : i32 to index
      %get3A_533 = arith.constant 0 : index
      %get3A_534 = tpu.vector_load %arg12[%get3A_532, %get3A_533] {strides = array<i32>} : memref<256x32xf32, #tpu.memory_space<vmem>>, vector<1x16xf32>,
      %get3A_535 = vector.shape_cast %get3A_534 : vector<1x16xf32> to vector<16xf32>
      %get3A_536 = arith.index_cast %scan3A_519 : i32 to index
      %get3A_537 = arith.constant 0 : index
      %get3A_538 = tpu.vector_load %arg13[%get3A_536, %get3A_537] {strides = array<i32>} : memref<256x32xf32, #tpu.memory_space<vmem>>, vector<1x16xf32>,
      %get3A_539 = vector.shape_cast %get3A_538 : vector<1x16xf32> to vector<16xf32>
      %add3A_540 = arith.addf %get3A_535, %get3A_539 : vector<16xf32>
      %mul3A_541 = arith.mulf %add3A_540, %div3A_531 : vector<16xf32>
      %get3A_542 = arith.index_cast %scan3A_519 : i32 to index
      %get3A_543 = arith.constant 0 : index
      %get3A_544 = tpu.vector_load %arg14[%get3A_542, %get3A_543] {strides = array<i32>} : memref<256x32xf32, #tpu.memory_space<vmem>>, vector<1x16xf32>,
      %get3A_545 = vector.shape_cast %get3A_544 : vector<1x16xf32> to vector<16xf32>
      %add3A_546 = arith.addf %mul3A_541, %get3A_545 : vector<16xf32>
      %max3A_547 = arith.constant 0.000000e+00 : f32
      %max3A_548 = vector.broadcast %max3A_547 : f32 to vector<16xf32>
      %max3A_549 = arith.maximumf %add3A_546, %max3A_548 : vector<16xf32>
      %swap3A = arith.index_cast %scan3A_519 : i32 to index
      %swap3A_550 = arith.constant 0 : index
      %swap3A_551 = tpu.vector_load %arg17[%swap3A, %swap3A_550] {strides = array<i32>} : memref<256x32xf32, #tpu.memory_space<vmem>>, vector<1x16xf32>,
      %swap3A_552 = vector.shape_cast %swap3A_551 : vector<1x16xf32> to vector<16xf32>
      %swap3A_553 = vector.shape_cast %max3A_549 : vector<16xf32> to vector<1x16xf32>
      tpu.vector_store %arg17[%swap3A, %swap3A_550], %swap3A_553 {strides = array<i32>} : memref<256x32xf32, #tpu.memory_space<vmem>>, vector<1x16xf32>,
      %get3A_554 = arith.index_cast %scan3A_519 : i32 to index
      %get3A_555 = arith.constant 16 : index
      %get3A_556 = tpu.vector_load %arg12[%get3A_554, %get3A_555] {strides = array<i32>} : memref<256x32xf32, #tpu.memory_space<vmem>>, vector<1x16xf32>,
      %get3A_557 = vector.shape_cast %get3A_556 : vector<1x16xf32> to vector<16xf32>
      %get3A_558 = arith.index_cast %scan3A_519 : i32 to index
      %get3A_559 = arith.constant 16 : index
      %get3A_560 = tpu.vector_load %arg13[%get3A_558, %get3A_559] {strides = array<i32>} : memref<256x32xf32, #tpu.memory_space<vmem>>, vector<1x16xf32>,
      %get3A_561 = vector.shape_cast %get3A_560 : vector<1x16xf32> to vector<16xf32>
      %add3A_562 = arith.addf %get3A_557, %get3A_561 : vector<16xf32>
      %mul3A_563 = arith.mulf %add3A_562, %div3A_531 : vector<16xf32>
      %get3A_564 = arith.index_cast %scan3A_519 : i32 to index
      %get3A_565 = arith.constant 16 : index
      %get3A_566 = tpu.vector_load %arg14[%get3A_564, %get3A_565] {strides = array<i32>} : memref<256x32xf32, #tpu.memory_space<vmem>>, vector<1x16xf32>,
      %get3A_567 = vector.shape_cast %get3A_566 : vector<1x16xf32> to vector<16xf32>
      %add3A_568 = arith.addf %mul3A_563, %get3A_567 : vector<16xf32>
      %max3A_569 = arith.constant 0.000000e+00 : f32
      %max3A_570 = vector.broadcast %max3A_569 : f32 to vector<16xf32>
      %max3A_571 = arith.maximumf %add3A_568, %max3A_570 : vector<16xf32>
      %swap3A_572 = arith.index_cast %scan3A_519 : i32 to index
      %swap3A_573 = arith.constant 16 : index
      %swap3A_574 = tpu.vector_load %arg17[%swap3A_572, %swap3A_573] {strides = array<i32>} : memref<256x32xf32, #tpu.memory_space<vmem>>, vector<1x16xf32>,
      %swap3A_575 = vector.shape_cast %swap3A_574 : vector<1x16xf32> to vector<16xf32>
      %swap3A_576 = vector.shape_cast %max3A_571 : vector<16xf32> to vector<1x16xf32>
      tpu.vector_store %arg17[%swap3A_572, %swap3A_573], %swap3A_576 {strides = array<i32>} : memref<256x32xf32, #tpu.memory_space<vmem>>, vector<1x16xf32>,
    }
    %scan3A_301 = arith.constant 256 : i32
    "tpu.region"() ({
      %run_scoped3A = tpu.sem_alloc : memref<!tpu.dma_semaphore, #tpu.memory_space<semaphore_mem>>
      %dma_start3A_519 = arith.constant 0 : i32
      %dma_start3A_520 = arith.constant 0 : i32
      %dma_start3A_521 = tpu.memref_slice %arg17[%dma_start3A_519, %dma_start3A_520] : memref<256x32xf32, #tpu.memory_space<vmem>> -> memref<256x32xf32, #tpu.memory_space<vmem>>
      %dma_start3A_522 = arith.constant 0 : i32
      %dma_start3A_523 = tpu.memref_slice %arg10[%add3A_171, %dma_start3A_522] : memref<10112x32xf32, #tpu.memory_space<vmem_shared>> -> memref<256x32xf32, #tpu.memory_space<vmem_shared>>
      %dma_start3A_524 = arith.constant 0 : i32
      %dma_start3A_525 = tpu.memref_slice %arg10[%add3A_171, %dma_start3A_524] : memref<10112x32xf32, #tpu.memory_space<vmem_shared>> -> memref<256x32xf32, #tpu.memory_space<vmem_shared>>
      %dma_start3A_526 = arith.constant 0 : i32
      %dma_start3A_527 = arith.constant 0 : i32
      %dma_start3A_528 = tpu.memref_slice %arg17[%dma_start3A_526, %dma_start3A_527] : memref<256x32xf32, #tpu.memory_space<vmem>> -> memref<256x32xf32, #tpu.memory_space<vmem>>
      tpu.enqueue_dma source(%dma_start3A_528 : memref<256x32xf32, #tpu.memory_space<vmem>>) target(%dma_start3A_525 : memref<256x32xf32, #tpu.memory_space<vmem_shared>>) target_semaphore(%run_scoped3A : memref<!tpu.dma_semaphore, #tpu.memory_space<semaphore_mem>>)
      %dma_wait3A_529 = arith.constant 0 : i32
      %dma_wait3A_530 = arith.constant 0 : i32
      %dma_wait3A_531 = tpu.memref_slice %arg17[%dma_wait3A_529, %dma_wait3A_530] : memref<256x32xf32, #tpu.memory_space<vmem>> -> memref<256x32xf32, #tpu.memory_space<vmem>>
      %dma_wait3A_532 = arith.constant 0 : i32
      %dma_wait3A_533 = tpu.memref_slice %arg10[%add3A_171, %dma_wait3A_532] : memref<10112x32xf32, #tpu.memory_space<vmem_shared>> -> memref<256x32xf32, #tpu.memory_space<vmem_shared>>
      %dma_wait3A_534 = arith.constant 0 : i32
      %dma_wait3A_535 = tpu.memref_slice %arg10[%add3A_171, %dma_wait3A_534] : memref<10112x32xf32, #tpu.memory_space<vmem_shared>> -> memref<256x32xf32, #tpu.memory_space<vmem_shared>>
      %dma_wait3A_536 = arith.constant 0 : i32
      %dma_wait3A_537 = arith.constant 0 : i32
      %dma_wait3A_538 = tpu.memref_slice %arg17[%dma_wait3A_536, %dma_wait3A_537] : memref<256x32xf32, #tpu.memory_space<vmem>> -> memref<256x32xf32, #tpu.memory_space<vmem>>
      tpu.wait_dma2 semaphore(%run_scoped3A : memref<!tpu.dma_semaphore, #tpu.memory_space<semaphore_mem>>) src(%dma_wait3A_538 : memref<256x32xf32, #tpu.memory_space<vmem>>) dst(%dma_wait3A_535 : memref<256x32xf32, #tpu.memory_space<vmem_shared>>)
      tpu.yield
    }) : () -> ()
    %eq3A_302 = arith.constant 0 : i32
    %eq3A_303 = arith.cmpi eq, %arg0, %eq3A_302 : i32
    %convert_element_type3A_304 = arith.extui %eq3A_303 : i1 to i32
    %cond3A_305 = arith.constant 0 : i32
    %cond3A_306 = arith.cmpi ne, %convert_element_type3A_304, %cond3A_305 : i32
    scf.if %cond3A_306 {
      "tpu.region"() ({
        %run_scoped3A = tpu.sem_alloc : memref<!tpu.dma_semaphore, #tpu.memory_space<semaphore_mem>>
        %dma_start3A_519 = arith.constant 0 : i32
        %dma_start3A_520 = arith.constant 0 : i32
        %dma_start3A_521 = tpu.memref_slice %arg17[%dma_start3A_519, %dma_start3A_520] : memref<256x32xf32, #tpu.memory_space<vmem>> -> memref<256x32xf32, #tpu.memory_space<vmem>>
        %dma_start3A_522 = arith.constant 0 : i32
        %dma_start3A_523 = tpu.memref_slice %arg9[%add3A_171, %dma_start3A_522] : memref<10112x32xf32, #tpu.memory_space<hbm>> -> memref<256x32xf32, #tpu.memory_space<hbm>>
        %dma_start3A_524 = arith.constant 0 : i32
        %dma_start3A_525 = tpu.memref_slice %arg9[%add3A_171, %dma_start3A_524] : memref<10112x32xf32, #tpu.memory_space<hbm>> -> memref<256x32xf32, #tpu.memory_space<hbm>>
        %dma_start3A_526 = arith.constant 0 : i32
        %dma_start3A_527 = arith.constant 0 : i32
        %dma_start3A_528 = tpu.memref_slice %arg17[%dma_start3A_526, %dma_start3A_527] : memref<256x32xf32, #tpu.memory_space<vmem>> -> memref<256x32xf32, #tpu.memory_space<vmem>>
        tpu.enqueue_dma source(%dma_start3A_528 : memref<256x32xf32, #tpu.memory_space<vmem>>) target(%dma_start3A_525 : memref<256x32xf32, #tpu.memory_space<hbm>>) target_semaphore(%run_scoped3A : memref<!tpu.dma_semaphore, #tpu.memory_space<semaphore_mem>>)
        %dma_wait3A_529 = arith.constant 0 : i32
        %dma_wait3A_530 = arith.constant 0 : i32
        %dma_wait3A_531 = tpu.memref_slice %arg17[%dma_wait3A_529, %dma_wait3A_530] : memref<256x32xf32, #tpu.memory_space<vmem>> -> memref<256x32xf32, #tpu.memory_space<vmem>>
        %dma_wait3A_532 = arith.constant 0 : i32
        %dma_wait3A_533 = tpu.memref_slice %arg9[%add3A_171, %dma_wait3A_532] : memref<10112x32xf32, #tpu.memory_space<hbm>> -> memref<256x32xf32, #tpu.memory_space<hbm>>
        %dma_wait3A_534 = arith.constant 0 : i32
        %dma_wait3A_535 = tpu.memref_slice %arg9[%add3A_171, %dma_wait3A_534] : memref<10112x32xf32, #tpu.memory_space<hbm>> -> memref<256x32xf32, #tpu.memory_space<hbm>>
        %dma_wait3A_536 = arith.constant 0 : i32
        %dma_wait3A_537 = arith.constant 0 : i32
        %dma_wait3A_538 = tpu.memref_slice %arg17[%dma_wait3A_536, %dma_wait3A_537] : memref<256x32xf32, #tpu.memory_space<vmem>> -> memref<256x32xf32, #tpu.memory_space<vmem>>
        tpu.wait_dma2 semaphore(%run_scoped3A : memref<!tpu.dma_semaphore, #tpu.memory_space<semaphore_mem>>) src(%dma_wait3A_538 : memref<256x32xf32, #tpu.memory_space<vmem>>) dst(%dma_wait3A_535 : memref<256x32xf32, #tpu.memory_space<hbm>>)
        tpu.yield
      }) : () -> ()
    } else {
    }
    %add3A_307 = arith.constant 512 : i32
    %add3A_308 = arith.addi %mul3A_37, %add3A_307 : i32
    %dma_start3A_309 = arith.constant 0 : i32
    %dma_start3A_310 = arith.constant 0 : i32
    %dma_start3A_311 = arith.constant 0 : i32
    %dma_start3A_312 = tpu.memref_slice %arg12[%dma_start3A_310, %dma_start3A_311] : memref<256x32xf32, #tpu.memory_space<vmem>> -> memref<120x32xf32, #tpu.memory_space<vmem>>
    %dma_start3A_313 = arith.constant 0 : i32
    %dma_start3A_314 = tpu.memref_slice %arg2[%dma_start3A_309, %add3A_308, %dma_start3A_313] : memref<2x10112x32xf32, #tpu.memory_space<hbm>> -> memref<1x120x32xf32, #tpu.memory_space<hbm>>
    %dma_start3A_315 = tpu.memref_squeeze %dma_start3A_314 : memref<1x120x32xf32, #tpu.memory_space<hbm>> -> memref<120x32xf32, #tpu.memory_space<hbm>>
    %dma_start3A_316 = arith.constant 0 : i32
    %dma_start3A_317 = arith.constant 0 : i32
    %dma_start3A_318 = tpu.memref_slice %arg12[%dma_start3A_316, %dma_start3A_317] : memref<256x32xf32, #tpu.memory_space<vmem>> -> memref<120x32xf32, #tpu.memory_space<vmem>>
    %dma_start3A_319 = arith.constant 0 : i32
    %dma_start3A_320 = tpu.memref_slice %arg2[%dma_start3A_309, %add3A_308, %dma_start3A_319] : memref<2x10112x32xf32, #tpu.memory_space<hbm>> -> memref<1x120x32xf32, #tpu.memory_space<hbm>>
    %dma_start3A_321 = tpu.memref_squeeze %dma_start3A_320 : memref<1x120x32xf32, #tpu.memory_space<hbm>> -> memref<120x32xf32, #tpu.memory_space<hbm>>
    tpu.enqueue_dma source(%dma_start3A_321 : memref<120x32xf32, #tpu.memory_space<hbm>>) target(%dma_start3A_318 : memref<120x32xf32, #tpu.memory_space<vmem>>) target_semaphore(%arg23 : memref<!tpu.dma_semaphore, #tpu.memory_space<semaphore_mem>>)
    %dma_start3A_322 = arith.constant 1 : i32
    %dma_start3A_323 = arith.constant 0 : i32
    %dma_start3A_324 = arith.constant 0 : i32
    %dma_start3A_325 = tpu.memref_slice %arg13[%dma_start3A_323, %dma_start3A_324] : memref<256x32xf32, #tpu.memory_space<vmem>> -> memref<120x32xf32, #tpu.memory_space<vmem>>
    %dma_start3A_326 = arith.constant 0 : i32
    %dma_start3A_327 = tpu.memref_slice %arg2[%dma_start3A_322, %add3A_308, %dma_start3A_326] : memref<2x10112x32xf32, #tpu.memory_space<hbm>> -> memref<1x120x32xf32, #tpu.memory_space<hbm>>
    %dma_start3A_328 = tpu.memref_squeeze %dma_start3A_327 : memref<1x120x32xf32, #tpu.memory_space<hbm>> -> memref<120x32xf32, #tpu.memory_space<hbm>>
    %dma_start3A_329 = arith.constant 0 : i32
    %dma_start3A_330 = arith.constant 0 : i32
    %dma_start3A_331 = tpu.memref_slice %arg13[%dma_start3A_329, %dma_start3A_330] : memref<256x32xf32, #tpu.memory_space<vmem>> -> memref<120x32xf32, #tpu.memory_space<vmem>>
    %dma_start3A_332 = arith.constant 0 : i32
    %dma_start3A_333 = tpu.memref_slice %arg2[%dma_start3A_322, %add3A_308, %dma_start3A_332] : memref<2x10112x32xf32, #tpu.memory_space<hbm>> -> memref<1x120x32xf32, #tpu.memory_space<hbm>>
    %dma_start3A_334 = tpu.memref_squeeze %dma_start3A_333 : memref<1x120x32xf32, #tpu.memory_space<hbm>> -> memref<120x32xf32, #tpu.memory_space<hbm>>
    tpu.enqueue_dma source(%dma_start3A_334 : memref<120x32xf32, #tpu.memory_space<hbm>>) target(%dma_start3A_331 : memref<120x32xf32, #tpu.memory_space<vmem>>) target_semaphore(%arg23 : memref<!tpu.dma_semaphore, #tpu.memory_space<semaphore_mem>>)
    %dma_start3A_335 = arith.constant 0 : i32
    %dma_start3A_336 = arith.constant 0 : i32
    %dma_start3A_337 = tpu.memref_slice %arg14[%dma_start3A_335, %dma_start3A_336] : memref<256x32xf32, #tpu.memory_space<vmem>> -> memref<120x32xf32, #tpu.memory_space<vmem>>
    %dma_start3A_338 = arith.constant 0 : i32
    %dma_start3A_339 = tpu.memref_slice %arg4[%add3A_308, %dma_start3A_338] : memref<10112x32xf32, #tpu.memory_space<hbm>> -> memref<120x32xf32, #tpu.memory_space<hbm>>
    %dma_start3A_340 = arith.constant 0 : i32
    %dma_start3A_341 = arith.constant 0 : i32
    %dma_start3A_342 = tpu.memref_slice %arg14[%dma_start3A_340, %dma_start3A_341] : memref<256x32xf32, #tpu.memory_space<vmem>> -> memref<120x32xf32, #tpu.memory_space<vmem>>
    %dma_start3A_343 = arith.constant 0 : i32
    %dma_start3A_344 = tpu.memref_slice %arg4[%add3A_308, %dma_start3A_343] : memref<10112x32xf32, #tpu.memory_space<hbm>> -> memref<120x32xf32, #tpu.memory_space<hbm>>
    tpu.enqueue_dma source(%dma_start3A_344 : memref<120x32xf32, #tpu.memory_space<hbm>>) target(%dma_start3A_342 : memref<120x32xf32, #tpu.memory_space<vmem>>) target_semaphore(%arg23 : memref<!tpu.dma_semaphore, #tpu.memory_space<semaphore_mem>>)
    %dma_start3A_345 = arith.constant 0 : i32
    %dma_start3A_346 = arith.constant 0 : i32
    %dma_start3A_347 = arith.constant 0 : i32
    %dma_start3A_348 = tpu.memref_slice %arg15[%dma_start3A_346, %dma_start3A_347] : memref<256x16xf32, #tpu.memory_space<vmem>> -> memref<120x16xf32, #tpu.memory_space<vmem>>
    %dma_start3A_349 = arith.constant 0 : i32
    %dma_start3A_350 = tpu.memref_slice %arg3[%dma_start3A_345, %add3A_308, %dma_start3A_349] : memref<2x10112x16xf32, #tpu.memory_space<hbm>> -> memref<1x120x16xf32, #tpu.memory_space<hbm>>
    %dma_start3A_351 = tpu.memref_squeeze %dma_start3A_350 : memref<1x120x16xf32, #tpu.memory_space<hbm>> -> memref<120x16xf32, #tpu.memory_space<hbm>>
    %dma_start3A_352 = arith.constant 0 : i32
    %dma_start3A_353 = arith.constant 0 : i32
    %dma_start3A_354 = tpu.memref_slice %arg15[%dma_start3A_352, %dma_start3A_353] : memref<256x16xf32, #tpu.memory_space<vmem>> -> memref<120x16xf32, #tpu.memory_space<vmem>>
    %dma_start3A_355 = arith.constant 0 : i32
    %dma_start3A_356 = tpu.memref_slice %arg3[%dma_start3A_345, %add3A_308, %dma_start3A_355] : memref<2x10112x16xf32, #tpu.memory_space<hbm>> -> memref<1x120x16xf32, #tpu.memory_space<hbm>>
    %dma_start3A_357 = tpu.memref_squeeze %dma_start3A_356 : memref<1x120x16xf32, #tpu.memory_space<hbm>> -> memref<120x16xf32, #tpu.memory_space<hbm>>
    tpu.enqueue_dma source(%dma_start3A_357 : memref<120x16xf32, #tpu.memory_space<hbm>>) target(%dma_start3A_354 : memref<120x16xf32, #tpu.memory_space<vmem>>) target_semaphore(%arg23 : memref<!tpu.dma_semaphore, #tpu.memory_space<semaphore_mem>>)
    %dma_start3A_358 = arith.constant 1 : i32
    %dma_start3A_359 = arith.constant 0 : i32
    %dma_start3A_360 = arith.constant 0 : i32
    %dma_start3A_361 = tpu.memref_slice %arg16[%dma_start3A_359, %dma_start3A_360] : memref<256x16xf32, #tpu.memory_space<vmem>> -> memref<120x16xf32, #tpu.memory_space<vmem>>
    %dma_start3A_362 = arith.constant 0 : i32
    %dma_start3A_363 = tpu.memref_slice %arg3[%dma_start3A_358, %add3A_308, %dma_start3A_362] : memref<2x10112x16xf32, #tpu.memory_space<hbm>> -> memref<1x120x16xf32, #tpu.memory_space<hbm>>
    %dma_start3A_364 = tpu.memref_squeeze %dma_start3A_363 : memref<1x120x16xf32, #tpu.memory_space<hbm>> -> memref<120x16xf32, #tpu.memory_space<hbm>>
    %dma_start3A_365 = arith.constant 0 : i32
    %dma_start3A_366 = arith.constant 0 : i32
    %dma_start3A_367 = tpu.memref_slice %arg16[%dma_start3A_365, %dma_start3A_366] : memref<256x16xf32, #tpu.memory_space<vmem>> -> memref<120x16xf32, #tpu.memory_space<vmem>>
    %dma_start3A_368 = arith.constant 0 : i32
    %dma_start3A_369 = tpu.memref_slice %arg3[%dma_start3A_358, %add3A_308, %dma_start3A_368] : memref<2x10112x16xf32, #tpu.memory_space<hbm>> -> memref<1x120x16xf32, #tpu.memory_space<hbm>>
    %dma_start3A_370 = tpu.memref_squeeze %dma_start3A_369 : memref<1x120x16xf32, #tpu.memory_space<hbm>> -> memref<120x16xf32, #tpu.memory_space<hbm>>
    tpu.enqueue_dma source(%dma_start3A_370 : memref<120x16xf32, #tpu.memory_space<hbm>>) target(%dma_start3A_367 : memref<120x16xf32, #tpu.memory_space<vmem>>) target_semaphore(%arg23 : memref<!tpu.dma_semaphore, #tpu.memory_space<semaphore_mem>>)
    %dma_wait3A_371 = arith.constant 0 : i32
    %dma_wait3A_372 = arith.constant 0 : i32
    %dma_wait3A_373 = arith.constant 0 : i32
    %dma_wait3A_374 = tpu.memref_slice %arg12[%dma_wait3A_372, %dma_wait3A_373] : memref<256x32xf32, #tpu.memory_space<vmem>> -> memref<120x32xf32, #tpu.memory_space<vmem>>
    %dma_wait3A_375 = arith.constant 0 : i32
    %dma_wait3A_376 = tpu.memref_slice %arg2[%dma_wait3A_371, %add3A_308, %dma_wait3A_375] : memref<2x10112x32xf32, #tpu.memory_space<hbm>> -> memref<1x120x32xf32, #tpu.memory_space<hbm>>
    %dma_wait3A_377 = tpu.memref_squeeze %dma_wait3A_376 : memref<1x120x32xf32, #tpu.memory_space<hbm>> -> memref<120x32xf32, #tpu.memory_space<hbm>>
    %dma_wait3A_378 = arith.constant 0 : i32
    %dma_wait3A_379 = arith.constant 0 : i32
    %dma_wait3A_380 = tpu.memref_slice %arg12[%dma_wait3A_378, %dma_wait3A_379] : memref<256x32xf32, #tpu.memory_space<vmem>> -> memref<120x32xf32, #tpu.memory_space<vmem>>
    %dma_wait3A_381 = arith.constant 0 : i32
    %dma_wait3A_382 = tpu.memref_slice %arg2[%dma_wait3A_371, %add3A_308, %dma_wait3A_381] : memref<2x10112x32xf32, #tpu.memory_space<hbm>> -> memref<1x120x32xf32, #tpu.memory_space<hbm>>
    %dma_wait3A_383 = tpu.memref_squeeze %dma_wait3A_382 : memref<1x120x32xf32, #tpu.memory_space<hbm>> -> memref<120x32xf32, #tpu.memory_space<hbm>>
    tpu.wait_dma2 semaphore(%arg23 : memref<!tpu.dma_semaphore, #tpu.memory_space<semaphore_mem>>) src(%dma_wait3A_383 : memref<120x32xf32, #tpu.memory_space<hbm>>) dst(%dma_wait3A_380 : memref<120x32xf32, #tpu.memory_space<vmem>>)
    %dma_wait3A_384 = arith.constant 1 : i32
    %dma_wait3A_385 = arith.constant 0 : i32
    %dma_wait3A_386 = arith.constant 0 : i32
    %dma_wait3A_387 = tpu.memref_slice %arg13[%dma_wait3A_385, %dma_wait3A_386] : memref<256x32xf32, #tpu.memory_space<vmem>> -> memref<120x32xf32, #tpu.memory_space<vmem>>
    %dma_wait3A_388 = arith.constant 0 : i32
    %dma_wait3A_389 = tpu.memref_slice %arg2[%dma_wait3A_384, %add3A_308, %dma_wait3A_388] : memref<2x10112x32xf32, #tpu.memory_space<hbm>> -> memref<1x120x32xf32, #tpu.memory_space<hbm>>
    %dma_wait3A_390 = tpu.memref_squeeze %dma_wait3A_389 : memref<1x120x32xf32, #tpu.memory_space<hbm>> -> memref<120x32xf32, #tpu.memory_space<hbm>>
    %dma_wait3A_391 = arith.constant 0 : i32
    %dma_wait3A_392 = arith.constant 0 : i32
    %dma_wait3A_393 = tpu.memref_slice %arg13[%dma_wait3A_391, %dma_wait3A_392] : memref<256x32xf32, #tpu.memory_space<vmem>> -> memref<120x32xf32, #tpu.memory_space<vmem>>
    %dma_wait3A_394 = arith.constant 0 : i32
    %dma_wait3A_395 = tpu.memref_slice %arg2[%dma_wait3A_384, %add3A_308, %dma_wait3A_394] : memref<2x10112x32xf32, #tpu.memory_space<hbm>> -> memref<1x120x32xf32, #tpu.memory_space<hbm>>
    %dma_wait3A_396 = tpu.memref_squeeze %dma_wait3A_395 : memref<1x120x32xf32, #tpu.memory_space<hbm>> -> memref<120x32xf32, #tpu.memory_space<hbm>>
    tpu.wait_dma2 semaphore(%arg23 : memref<!tpu.dma_semaphore, #tpu.memory_space<semaphore_mem>>) src(%dma_wait3A_396 : memref<120x32xf32, #tpu.memory_space<hbm>>) dst(%dma_wait3A_393 : memref<120x32xf32, #tpu.memory_space<vmem>>)
    %dma_wait3A_397 = arith.constant 0 : i32
    %dma_wait3A_398 = arith.constant 0 : i32
    %dma_wait3A_399 = tpu.memref_slice %arg14[%dma_wait3A_397, %dma_wait3A_398] : memref<256x32xf32, #tpu.memory_space<vmem>> -> memref<120x32xf32, #tpu.memory_space<vmem>>
    %dma_wait3A_400 = arith.constant 0 : i32
    %dma_wait3A_401 = tpu.memref_slice %arg4[%add3A_308, %dma_wait3A_400] : memref<10112x32xf32, #tpu.memory_space<hbm>> -> memref<120x32xf32, #tpu.memory_space<hbm>>
    %dma_wait3A_402 = arith.constant 0 : i32
    %dma_wait3A_403 = arith.constant 0 : i32
    %dma_wait3A_404 = tpu.memref_slice %arg14[%dma_wait3A_402, %dma_wait3A_403] : memref<256x32xf32, #tpu.memory_space<vmem>> -> memref<120x32xf32, #tpu.memory_space<vmem>>
    %dma_wait3A_405 = arith.constant 0 : i32
    %dma_wait3A_406 = tpu.memref_slice %arg4[%add3A_308, %dma_wait3A_405] : memref<10112x32xf32, #tpu.memory_space<hbm>> -> memref<120x32xf32, #tpu.memory_space<hbm>>
    tpu.wait_dma2 semaphore(%arg23 : memref<!tpu.dma_semaphore, #tpu.memory_space<semaphore_mem>>) src(%dma_wait3A_406 : memref<120x32xf32, #tpu.memory_space<hbm>>) dst(%dma_wait3A_404 : memref<120x32xf32, #tpu.memory_space<vmem>>)
    %dma_wait3A_407 = arith.constant 0 : i32
    %dma_wait3A_408 = arith.constant 0 : i32
    %dma_wait3A_409 = arith.constant 0 : i32
    %dma_wait3A_410 = tpu.memref_slice %arg15[%dma_wait3A_408, %dma_wait3A_409] : memref<256x16xf32, #tpu.memory_space<vmem>> -> memref<120x16xf32, #tpu.memory_space<vmem>>
    %dma_wait3A_411 = arith.constant 0 : i32
    %dma_wait3A_412 = tpu.memref_slice %arg3[%dma_wait3A_407, %add3A_308, %dma_wait3A_411] : memref<2x10112x16xf32, #tpu.memory_space<hbm>> -> memref<1x120x16xf32, #tpu.memory_space<hbm>>
    %dma_wait3A_413 = tpu.memref_squeeze %dma_wait3A_412 : memref<1x120x16xf32, #tpu.memory_space<hbm>> -> memref<120x16xf32, #tpu.memory_space<hbm>>
    %dma_wait3A_414 = arith.constant 0 : i32
    %dma_wait3A_415 = arith.constant 0 : i32
    %dma_wait3A_416 = tpu.memref_slice %arg15[%dma_wait3A_414, %dma_wait3A_415] : memref<256x16xf32, #tpu.memory_space<vmem>> -> memref<120x16xf32, #tpu.memory_space<vmem>>
    %dma_wait3A_417 = arith.constant 0 : i32
    %dma_wait3A_418 = tpu.memref_slice %arg3[%dma_wait3A_407, %add3A_308, %dma_wait3A_417] : memref<2x10112x16xf32, #tpu.memory_space<hbm>> -> memref<1x120x16xf32, #tpu.memory_space<hbm>>
    %dma_wait3A_419 = tpu.memref_squeeze %dma_wait3A_418 : memref<1x120x16xf32, #tpu.memory_space<hbm>> -> memref<120x16xf32, #tpu.memory_space<hbm>>
    tpu.wait_dma2 semaphore(%arg23 : memref<!tpu.dma_semaphore, #tpu.memory_space<semaphore_mem>>) src(%dma_wait3A_419 : memref<120x16xf32, #tpu.memory_space<hbm>>) dst(%dma_wait3A_416 : memref<120x16xf32, #tpu.memory_space<vmem>>)
    %dma_wait3A_420 = arith.constant 1 : i32
    %dma_wait3A_421 = arith.constant 0 : i32
    %dma_wait3A_422 = arith.constant 0 : i32
    %dma_wait3A_423 = tpu.memref_slice %arg16[%dma_wait3A_421, %dma_wait3A_422] : memref<256x16xf32, #tpu.memory_space<vmem>> -> memref<120x16xf32, #tpu.memory_space<vmem>>
    %dma_wait3A_424 = arith.constant 0 : i32
    %dma_wait3A_425 = tpu.memref_slice %arg3[%dma_wait3A_420, %add3A_308, %dma_wait3A_424] : memref<2x10112x16xf32, #tpu.memory_space<hbm>> -> memref<1x120x16xf32, #tpu.memory_space<hbm>>
    %dma_wait3A_426 = tpu.memref_squeeze %dma_wait3A_425 : memref<1x120x16xf32, #tpu.memory_space<hbm>> -> memref<120x16xf32, #tpu.memory_space<hbm>>
    %dma_wait3A_427 = arith.constant 0 : i32
    %dma_wait3A_428 = arith.constant 0 : i32
    %dma_wait3A_429 = tpu.memref_slice %arg16[%dma_wait3A_427, %dma_wait3A_428] : memref<256x16xf32, #tpu.memory_space<vmem>> -> memref<120x16xf32, #tpu.memory_space<vmem>>
    %dma_wait3A_430 = arith.constant 0 : i32
    %dma_wait3A_431 = tpu.memref_slice %arg3[%dma_wait3A_420, %add3A_308, %dma_wait3A_430] : memref<2x10112x16xf32, #tpu.memory_space<hbm>> -> memref<1x120x16xf32, #tpu.memory_space<hbm>>
    %dma_wait3A_432 = tpu.memref_squeeze %dma_wait3A_431 : memref<1x120x16xf32, #tpu.memory_space<hbm>> -> memref<120x16xf32, #tpu.memory_space<hbm>>
    tpu.wait_dma2 semaphore(%arg23 : memref<!tpu.dma_semaphore, #tpu.memory_space<semaphore_mem>>) src(%dma_wait3A_432 : memref<120x16xf32, #tpu.memory_space<hbm>>) dst(%dma_wait3A_429 : memref<120x16xf32, #tpu.memory_space<vmem>>)
    %scan3A_433 = arith.constant 0 : i32
    %scan3A_434 = arith.constant 0 : i32
    %scan3A_435 = arith.constant 120 : i32
    %scan3A_436 = arith.addi %scan3A_434, %scan3A_435 : i32
    %scan3A_437 = arith.constant 1 : i32
    scf.for %scan3A_519 = %scan3A_434 to %scan3A_436 step %scan3A_437  : i32 {
      %get3A = arith.index_cast %scan3A_519 : i32 to index
      %get3A_520 = arith.constant 0 : index
      %get3A_521 = tpu.vector_load %arg15[%get3A, %get3A_520] {strides = array<i32>} : memref<256x16xf32, #tpu.memory_space<vmem>>, vector<1x16xf32>,
      %get3A_522 = vector.shape_cast %get3A_521 : vector<1x16xf32> to vector<16xf32>
      %get3A_523 = arith.index_cast %scan3A_519 : i32 to index
      %get3A_524 = arith.constant 0 : index
      %get3A_525 = tpu.vector_load %arg16[%get3A_523, %get3A_524] {strides = array<i32>} : memref<256x16xf32, #tpu.memory_space<vmem>>, vector<1x16xf32>,
      %get3A_526 = vector.shape_cast %get3A_525 : vector<1x16xf32> to vector<16xf32>
      %add3A_527 = arith.addf %get3A_522, %get3A_526 : vector<16xf32>
      %max3A = arith.constant 1.000000e+00 : f32
      %max3A_528 = vector.broadcast %max3A : f32 to vector<16xf32>
      %max3A_529 = arith.maximumf %add3A_527, %max3A_528 : vector<16xf32>
      %div3A = arith.constant 1.000000e+00 : f32
      %div3A_530 = vector.broadcast %div3A : f32 to vector<16xf32>
      %div3A_531 = arith.divf %div3A_530, %max3A_529 : vector<16xf32>
      %get3A_532 = arith.index_cast %scan3A_519 : i32 to index
      %get3A_533 = arith.constant 0 : index
      %get3A_534 = tpu.vector_load %arg12[%get3A_532, %get3A_533] {strides = array<i32>} : memref<256x32xf32, #tpu.memory_space<vmem>>, vector<1x16xf32>,
      %get3A_535 = vector.shape_cast %get3A_534 : vector<1x16xf32> to vector<16xf32>
      %get3A_536 = arith.index_cast %scan3A_519 : i32 to index
      %get3A_537 = arith.constant 0 : index
      %get3A_538 = tpu.vector_load %arg13[%get3A_536, %get3A_537] {strides = array<i32>} : memref<256x32xf32, #tpu.memory_space<vmem>>, vector<1x16xf32>,
      %get3A_539 = vector.shape_cast %get3A_538 : vector<1x16xf32> to vector<16xf32>
      %add3A_540 = arith.addf %get3A_535, %get3A_539 : vector<16xf32>
      %mul3A_541 = arith.mulf %add3A_540, %div3A_531 : vector<16xf32>
      %get3A_542 = arith.index_cast %scan3A_519 : i32 to index
      %get3A_543 = arith.constant 0 : index
      %get3A_544 = tpu.vector_load %arg14[%get3A_542, %get3A_543] {strides = array<i32>} : memref<256x32xf32, #tpu.memory_space<vmem>>, vector<1x16xf32>,
      %get3A_545 = vector.shape_cast %get3A_544 : vector<1x16xf32> to vector<16xf32>
      %add3A_546 = arith.addf %mul3A_541, %get3A_545 : vector<16xf32>
      %max3A_547 = arith.constant 0.000000e+00 : f32
      %max3A_548 = vector.broadcast %max3A_547 : f32 to vector<16xf32>
      %max3A_549 = arith.maximumf %add3A_546, %max3A_548 : vector<16xf32>
      %swap3A = arith.index_cast %scan3A_519 : i32 to index
      %swap3A_550 = arith.constant 0 : index
      %swap3A_551 = tpu.vector_load %arg17[%swap3A, %swap3A_550] {strides = array<i32>} : memref<256x32xf32, #tpu.memory_space<vmem>>, vector<1x16xf32>,
      %swap3A_552 = vector.shape_cast %swap3A_551 : vector<1x16xf32> to vector<16xf32>
      %swap3A_553 = vector.shape_cast %max3A_549 : vector<16xf32> to vector<1x16xf32>
      tpu.vector_store %arg17[%swap3A, %swap3A_550], %swap3A_553 {strides = array<i32>} : memref<256x32xf32, #tpu.memory_space<vmem>>, vector<1x16xf32>,
      %get3A_554 = arith.index_cast %scan3A_519 : i32 to index
      %get3A_555 = arith.constant 16 : index
      %get3A_556 = tpu.vector_load %arg12[%get3A_554, %get3A_555] {strides = array<i32>} : memref<256x32xf32, #tpu.memory_space<vmem>>, vector<1x16xf32>,
      %get3A_557 = vector.shape_cast %get3A_556 : vector<1x16xf32> to vector<16xf32>
      %get3A_558 = arith.index_cast %scan3A_519 : i32 to index
      %get3A_559 = arith.constant 16 : index
      %get3A_560 = tpu.vector_load %arg13[%get3A_558, %get3A_559] {strides = array<i32>} : memref<256x32xf32, #tpu.memory_space<vmem>>, vector<1x16xf32>,
      %get3A_561 = vector.shape_cast %get3A_560 : vector<1x16xf32> to vector<16xf32>
      %add3A_562 = arith.addf %get3A_557, %get3A_561 : vector<16xf32>
      %mul3A_563 = arith.mulf %add3A_562, %div3A_531 : vector<16xf32>
      %get3A_564 = arith.index_cast %scan3A_519 : i32 to index
      %get3A_565 = arith.constant 16 : index
      %get3A_566 = tpu.vector_load %arg14[%get3A_564, %get3A_565] {strides = array<i32>} : memref<256x32xf32, #tpu.memory_space<vmem>>, vector<1x16xf32>,
      %get3A_567 = vector.shape_cast %get3A_566 : vector<1x16xf32> to vector<16xf32>
      %add3A_568 = arith.addf %mul3A_563, %get3A_567 : vector<16xf32>
      %max3A_569 = arith.constant 0.000000e+00 : f32
      %max3A_570 = vector.broadcast %max3A_569 : f32 to vector<16xf32>
      %max3A_571 = arith.maximumf %add3A_568, %max3A_570 : vector<16xf32>
      %swap3A_572 = arith.index_cast %scan3A_519 : i32 to index
      %swap3A_573 = arith.constant 16 : index
      %swap3A_574 = tpu.vector_load %arg17[%swap3A_572, %swap3A_573] {strides = array<i32>} : memref<256x32xf32, #tpu.memory_space<vmem>>, vector<1x16xf32>,
      %swap3A_575 = vector.shape_cast %swap3A_574 : vector<1x16xf32> to vector<16xf32>
      %swap3A_576 = vector.shape_cast %max3A_571 : vector<16xf32> to vector<1x16xf32>
      tpu.vector_store %arg17[%swap3A_572, %swap3A_573], %swap3A_576 {strides = array<i32>} : memref<256x32xf32, #tpu.memory_space<vmem>>, vector<1x16xf32>,
    }
    %scan3A_438 = arith.constant 120 : i32
    "tpu.region"() ({
      %run_scoped3A = tpu.sem_alloc : memref<!tpu.dma_semaphore, #tpu.memory_space<semaphore_mem>>
      %dma_start3A_519 = arith.constant 0 : i32
      %dma_start3A_520 = arith.constant 0 : i32
      %dma_start3A_521 = tpu.memref_slice %arg17[%dma_start3A_519, %dma_start3A_520] : memref<256x32xf32, #tpu.memory_space<vmem>> -> memref<120x32xf32, #tpu.memory_space<vmem>>
      %dma_start3A_522 = arith.constant 0 : i32
      %dma_start3A_523 = tpu.memref_slice %arg10[%add3A_308, %dma_start3A_522] : memref<10112x32xf32, #tpu.memory_space<vmem_shared>> -> memref<120x32xf32, #tpu.memory_space<vmem_shared>>
      %dma_start3A_524 = arith.constant 0 : i32
      %dma_start3A_525 = tpu.memref_slice %arg10[%add3A_308, %dma_start3A_524] : memref<10112x32xf32, #tpu.memory_space<vmem_shared>> -> memref<120x32xf32, #tpu.memory_space<vmem_shared>>
      %dma_start3A_526 = arith.constant 0 : i32
      %dma_start3A_527 = arith.constant 0 : i32
      %dma_start3A_528 = tpu.memref_slice %arg17[%dma_start3A_526, %dma_start3A_527] : memref<256x32xf32, #tpu.memory_space<vmem>> -> memref<120x32xf32, #tpu.memory_space<vmem>>
      tpu.enqueue_dma source(%dma_start3A_528 : memref<120x32xf32, #tpu.memory_space<vmem>>) target(%dma_start3A_525 : memref<120x32xf32, #tpu.memory_space<vmem_shared>>) target_semaphore(%run_scoped3A : memref<!tpu.dma_semaphore, #tpu.memory_space<semaphore_mem>>)
      %dma_wait3A_529 = arith.constant 0 : i32
      %dma_wait3A_530 = arith.constant 0 : i32
      %dma_wait3A_531 = tpu.memref_slice %arg17[%dma_wait3A_529, %dma_wait3A_530] : memref<256x32xf32, #tpu.memory_space<vmem>> -> memref<120x32xf32, #tpu.memory_space<vmem>>
      %dma_wait3A_532 = arith.constant 0 : i32
      %dma_wait3A_533 = tpu.memref_slice %arg10[%add3A_308, %dma_wait3A_532] : memref<10112x32xf32, #tpu.memory_space<vmem_shared>> -> memref<120x32xf32, #tpu.memory_space<vmem_shared>>
      %dma_wait3A_534 = arith.constant 0 : i32
      %dma_wait3A_535 = tpu.memref_slice %arg10[%add3A_308, %dma_wait3A_534] : memref<10112x32xf32, #tpu.memory_space<vmem_shared>> -> memref<120x32xf32, #tpu.memory_space<vmem_shared>>
      %dma_wait3A_536 = arith.constant 0 : i32
      %dma_wait3A_537 = arith.constant 0 : i32
      %dma_wait3A_538 = tpu.memref_slice %arg17[%dma_wait3A_536, %dma_wait3A_537] : memref<256x32xf32, #tpu.memory_space<vmem>> -> memref<120x32xf32, #tpu.memory_space<vmem>>
      tpu.wait_dma2 semaphore(%run_scoped3A : memref<!tpu.dma_semaphore, #tpu.memory_space<semaphore_mem>>) src(%dma_wait3A_538 : memref<120x32xf32, #tpu.memory_space<vmem>>) dst(%dma_wait3A_535 : memref<120x32xf32, #tpu.memory_space<vmem_shared>>)
      tpu.yield
    }) : () -> ()
    %eq3A_439 = arith.constant 0 : i32
    %eq3A_440 = arith.cmpi eq, %arg0, %eq3A_439 : i32
    %convert_element_type3A_441 = arith.extui %eq3A_440 : i1 to i32
    %cond3A_442 = arith.constant 0 : i32
    %cond3A_443 = arith.cmpi ne, %convert_element_type3A_441, %cond3A_442 : i32
    scf.if %cond3A_443 {
      "tpu.region"() ({
        %run_scoped3A = tpu.sem_alloc : memref<!tpu.dma_semaphore, #tpu.memory_space<semaphore_mem>>
        %dma_start3A_519 = arith.constant 0 : i32
        %dma_start3A_520 = arith.constant 0 : i32
        %dma_start3A_521 = tpu.memref_slice %arg17[%dma_start3A_519, %dma_start3A_520] : memref<256x32xf32, #tpu.memory_space<vmem>> -> memref<120x32xf32, #tpu.memory_space<vmem>>
        %dma_start3A_522 = arith.constant 0 : i32
        %dma_start3A_523 = tpu.memref_slice %arg9[%add3A_308, %dma_start3A_522] : memref<10112x32xf32, #tpu.memory_space<hbm>> -> memref<120x32xf32, #tpu.memory_space<hbm>>
        %dma_start3A_524 = arith.constant 0 : i32
        %dma_start3A_525 = tpu.memref_slice %arg9[%add3A_308, %dma_start3A_524] : memref<10112x32xf32, #tpu.memory_space<hbm>> -> memref<120x32xf32, #tpu.memory_space<hbm>>
        %dma_start3A_526 = arith.constant 0 : i32
        %dma_start3A_527 = arith.constant 0 : i32
        %dma_start3A_528 = tpu.memref_slice %arg17[%dma_start3A_526, %dma_start3A_527] : memref<256x32xf32, #tpu.memory_space<vmem>> -> memref<120x32xf32, #tpu.memory_space<vmem>>
        tpu.enqueue_dma source(%dma_start3A_528 : memref<120x32xf32, #tpu.memory_space<vmem>>) target(%dma_start3A_525 : memref<120x32xf32, #tpu.memory_space<hbm>>) target_semaphore(%run_scoped3A : memref<!tpu.dma_semaphore, #tpu.memory_space<semaphore_mem>>)
        %dma_wait3A_529 = arith.constant 0 : i32
        %dma_wait3A_530 = arith.constant 0 : i32
        %dma_wait3A_531 = tpu.memref_slice %arg17[%dma_wait3A_529, %dma_wait3A_530] : memref<256x32xf32, #tpu.memory_space<vmem>> -> memref<120x32xf32, #tpu.memory_space<vmem>>
        %dma_wait3A_532 = arith.constant 0 : i32
        %dma_wait3A_533 = tpu.memref_slice %arg9[%add3A_308, %dma_wait3A_532] : memref<10112x32xf32, #tpu.memory_space<hbm>> -> memref<120x32xf32, #tpu.memory_space<hbm>>
        %dma_wait3A_534 = arith.constant 0 : i32
        %dma_wait3A_535 = tpu.memref_slice %arg9[%add3A_308, %dma_wait3A_534] : memref<10112x32xf32, #tpu.memory_space<hbm>> -> memref<120x32xf32, #tpu.memory_space<hbm>>
        %dma_wait3A_536 = arith.constant 0 : i32
        %dma_wait3A_537 = arith.constant 0 : i32
        %dma_wait3A_538 = tpu.memref_slice %arg17[%dma_wait3A_536, %dma_wait3A_537] : memref<256x32xf32, #tpu.memory_space<vmem>> -> memref<120x32xf32, #tpu.memory_space<vmem>>
        tpu.wait_dma2 semaphore(%run_scoped3A : memref<!tpu.dma_semaphore, #tpu.memory_space<semaphore_mem>>) src(%dma_wait3A_538 : memref<120x32xf32, #tpu.memory_space<vmem>>) dst(%dma_wait3A_535 : memref<120x32xf32, #tpu.memory_space<hbm>>)
        tpu.yield
      }) : () -> ()
    } else {
    }
    %dma_wait3A_444 = arith.constant 0 : i32
    %dma_wait3A_445 = tpu.memref_slice %arg11[%mul3A_31, %dma_wait3A_444] : memref<10112x32xf32, #tpu.memory_space<vmem_shared>> -> memref<632x32xf32, #tpu.memory_space<vmem_shared>>
    %dma_wait3A_446 = arith.constant 0 : i32
    %dma_wait3A_447 = tpu.memref_slice %arg7[%mul3A_31, %dma_wait3A_446] : memref<10112x32xf32, #tpu.memory_space<hbm>> -> memref<632x32xf32, #tpu.memory_space<hbm>>
    tpu.wait_dma2 semaphore(%arg22 : memref<!tpu.dma_semaphore, #tpu.memory_space<semaphore_mem>>) src(%dma_wait3A_447 : memref<632x32xf32, #tpu.memory_space<hbm>>) dst(%dma_wait3A_445 : memref<632x32xf32, #tpu.memory_space<vmem_shared>>)
    %barrier3A = arith.constant 0 : index
    tpu.barrier barrier_id(%barrier3A)
    %scan3A_448 = arith.constant 0 : i32
    %scan3A_449 = arith.constant 0 : i32
    %scan3A_450 = arith.constant 10 : i32
    %scan3A_451 = arith.addi %scan3A_449, %scan3A_450 : i32
    %scan3A_452 = arith.constant 1 : i32
    scf.for %scan3A_519 = %scan3A_449 to %scan3A_451 step %scan3A_452  : i32 {
      %mul3A_520 = arith.constant 2 : i32
      %mul3A_521 = arith.muli %mul3A_520, %scan3A_519 : i32
      %ge3A = arith.constant 1 : i32
      %ge3A_522 = arith.cmpi sge, %scan3A_519, %ge3A : i32
      %add3A_523 = arith.constant 1 : i32
      %add3A_524 = arith.addi %mul3A_521, %add3A_523 : i32
      %lt3A = arith.constant 20 : i32
      %lt3A_525 = arith.cmpi slt, %add3A_524, %lt3A : i32
      %dma_wait3A_526 = arith.constant 0 : i32
      %dma_wait3A_527 = arith.constant 0 : i32
      %dma_wait3A_528 = arith.constant 0 : i32
      %dma_wait3A_529 = tpu.memref_slice %arg18[%dma_wait3A_526, %dma_wait3A_527, %dma_wait3A_528] : memref<2x4x128xi32, #tpu.memory_space<vmem>> -> memref<1x4x128xi32, #tpu.memory_space<vmem>>
      %dma_wait3A_530 = tpu.memref_squeeze %dma_wait3A_529 : memref<1x4x128xi32, #tpu.memory_space<vmem>> -> memref<4x128xi32, #tpu.memory_space<vmem>>
      %dma_wait3A_531 = arith.constant 0 : i32
      %dma_wait3A_532 = arith.constant 0 : i32
      %dma_wait3A_533 = tpu.memref_slice %arg5[%dma_wait3A_531, %dma_wait3A_532] : memref<2560x128xi32, #tpu.memory_space<hbm>> -> memref<4x128xi32, #tpu.memory_space<hbm>>
      %dma_wait3A_534 = arith.constant 0 : i32
      %dma_wait3A_535 = arith.constant 0 : i32
      %dma_wait3A_536 = tpu.memref_slice %arg18[%dma_wait3A_526, %dma_wait3A_534, %dma_wait3A_535] : memref<2x4x128xi32, #tpu.memory_space<vmem>> -> memref<1x4x128xi32, #tpu.memory_space<vmem>>
      %dma_wait3A_537 = tpu.memref_squeeze %dma_wait3A_536 : memref<1x4x128xi32, #tpu.memory_space<vmem>> -> memref<4x128xi32, #tpu.memory_space<vmem>>
      %dma_wait3A_538 = arith.constant 0 : i32
      %dma_wait3A_539 = arith.constant 0 : i32
      %dma_wait3A_540 = tpu.memref_slice %arg5[%dma_wait3A_538, %dma_wait3A_539] : memref<2560x128xi32, #tpu.memory_space<hbm>> -> memref<4x128xi32, #tpu.memory_space<hbm>>
      tpu.wait_dma2 semaphore(%arg21 : memref<!tpu.dma_semaphore, #tpu.memory_space<semaphore_mem>>) src(%dma_wait3A_540 : memref<4x128xi32, #tpu.memory_space<hbm>>) dst(%dma_wait3A_537 : memref<4x128xi32, #tpu.memory_space<vmem>>)
      %dma_wait3A_541 = arith.constant 0 : i32
      %dma_wait3A_542 = arith.constant 0 : i32
      %dma_wait3A_543 = arith.constant 0 : i32
      %dma_wait3A_544 = tpu.memref_slice %arg19[%dma_wait3A_541, %dma_wait3A_542, %dma_wait3A_543] : memref<2x4x128xi32, #tpu.memory_space<vmem>> -> memref<1x4x128xi32, #tpu.memory_space<vmem>>
      %dma_wait3A_545 = tpu.memref_squeeze %dma_wait3A_544 : memref<1x4x128xi32, #tpu.memory_space<vmem>> -> memref<4x128xi32, #tpu.memory_space<vmem>>
      %dma_wait3A_546 = arith.constant 0 : i32
      %dma_wait3A_547 = arith.constant 0 : i32
      %dma_wait3A_548 = tpu.memref_slice %arg6[%dma_wait3A_546, %dma_wait3A_547] : memref<2560x128xi32, #tpu.memory_space<hbm>> -> memref<4x128xi32, #tpu.memory_space<hbm>>
      %dma_wait3A_549 = arith.constant 0 : i32
      %dma_wait3A_550 = arith.constant 0 : i32
      %dma_wait3A_551 = tpu.memref_slice %arg19[%dma_wait3A_541, %dma_wait3A_549, %dma_wait3A_550] : memref<2x4x128xi32, #tpu.memory_space<vmem>> -> memref<1x4x128xi32, #tpu.memory_space<vmem>>
      %dma_wait3A_552 = tpu.memref_squeeze %dma_wait3A_551 : memref<1x4x128xi32, #tpu.memory_space<vmem>> -> memref<4x128xi32, #tpu.memory_space<vmem>>
      %dma_wait3A_553 = arith.constant 0 : i32
      %dma_wait3A_554 = arith.constant 0 : i32
      %dma_wait3A_555 = tpu.memref_slice %arg6[%dma_wait3A_553, %dma_wait3A_554] : memref<2560x128xi32, #tpu.memory_space<hbm>> -> memref<4x128xi32, #tpu.memory_space<hbm>>
      tpu.wait_dma2 semaphore(%arg21 : memref<!tpu.dma_semaphore, #tpu.memory_space<semaphore_mem>>) src(%dma_wait3A_555 : memref<4x128xi32, #tpu.memory_space<hbm>>) dst(%dma_wait3A_552 : memref<4x128xi32, #tpu.memory_space<vmem>>)
      %dma_start3A_556 = arith.constant 0 : i32
      %dma_start3A_557 = arith.constant 0 : i32
      %dma_start3A_558 = arith.constant 0 : i32
      %dma_start3A_559 = arith.constant 0 : i32
      %dma_start3A_560 = arith.constant 0 : i32
      %dma_start3A_561 = arith.constant 0 : i32
      %dma_start3A_562 = tpu.memref_slice %arg20[%dma_start3A_558, %dma_start3A_559, %dma_start3A_560, %dma_start3A_561] : memref<2x4x128x32xf32, #tpu.memory_space<vmem>> -> memref<1x1x128x32xf32, #tpu.memory_space<vmem>>
      %dma_start3A_563 = tpu.memref_squeeze %dma_start3A_562 : memref<1x1x128x32xf32, #tpu.memory_space<vmem>> -> memref<128x32xf32, #tpu.memory_space<vmem>>
      %dma_start3A_564 = arith.constant 0 : i32
      %dma_start3A_565 = tpu.memref_slice %arg18[%dma_start3A_556, %dma_start3A_557, %dma_start3A_564] : memref<2x4x128xi32, #tpu.memory_space<vmem>> -> memref<1x1x128xi32, #tpu.memory_space<vmem>>
      %dma_start3A_566 = tpu.memref_squeeze %dma_start3A_565 : memref<1x1x128xi32, #tpu.memory_space<vmem>> -> memref<128xi32, #tpu.memory_space<vmem>>
      %dma_start3A_567 = arith.constant 0 : i32
      %dma_start3A_568 = arith.constant 0 : i32
      %dma_start3A_569 = tpu.memref_slice %arg10[%dma_start3A_567, %dma_start3A_568] : memref<10112x32xf32, #tpu.memory_space<vmem_shared>> -> memref<10112x32xf32, #tpu.memory_space<vmem_shared>>
      tpu.enqueue_indirect_dma source(%dma_start3A_569 : memref<10112x32xf32, #tpu.memory_space<vmem_shared>>) target(%dma_start3A_563 : memref<128x32xf32, #tpu.memory_space<vmem>>) offsets(%dma_start3A_566 : memref<128xi32, #tpu.memory_space<vmem>>) semaphore(%arg22 : memref<!tpu.dma_semaphore, #tpu.memory_space<semaphore_mem>>)
      %dma_start3A_570 = arith.constant 0 : i32
      %dma_start3A_571 = arith.constant 1 : i32
      %dma_start3A_572 = arith.constant 0 : i32
      %dma_start3A_573 = arith.constant 1 : i32
      %dma_start3A_574 = arith.constant 0 : i32
      %dma_start3A_575 = arith.constant 0 : i32
      %dma_start3A_576 = tpu.memref_slice %arg20[%dma_start3A_572, %dma_start3A_573, %dma_start3A_574, %dma_start3A_575] : memref<2x4x128x32xf32, #tpu.memory_space<vmem>> -> memref<1x1x128x32xf32, #tpu.memory_space<vmem>>
      %dma_start3A_577 = tpu.memref_squeeze %dma_start3A_576 : memref<1x1x128x32xf32, #tpu.memory_space<vmem>> -> memref<128x32xf32, #tpu.memory_space<vmem>>
      %dma_start3A_578 = arith.constant 0 : i32
      %dma_start3A_579 = tpu.memref_slice %arg18[%dma_start3A_570, %dma_start3A_571, %dma_start3A_578] : memref<2x4x128xi32, #tpu.memory_space<vmem>> -> memref<1x1x128xi32, #tpu.memory_space<vmem>>
      %dma_start3A_580 = tpu.memref_squeeze %dma_start3A_579 : memref<1x1x128xi32, #tpu.memory_space<vmem>> -> memref<128xi32, #tpu.memory_space<vmem>>
      %dma_start3A_581 = arith.constant 0 : i32
      %dma_start3A_582 = arith.constant 0 : i32
      %dma_start3A_583 = tpu.memref_slice %arg10[%dma_start3A_581, %dma_start3A_582] : memref<10112x32xf32, #tpu.memory_space<vmem_shared>> -> memref<10112x32xf32, #tpu.memory_space<vmem_shared>>
      tpu.enqueue_indirect_dma source(%dma_start3A_583 : memref<10112x32xf32, #tpu.memory_space<vmem_shared>>) target(%dma_start3A_577 : memref<128x32xf32, #tpu.memory_space<vmem>>) offsets(%dma_start3A_580 : memref<128xi32, #tpu.memory_space<vmem>>) semaphore(%arg22 : memref<!tpu.dma_semaphore, #tpu.memory_space<semaphore_mem>>)
      %dma_start3A_584 = arith.constant 0 : i32
      %dma_start3A_585 = arith.constant 2 : i32
      %dma_start3A_586 = arith.constant 0 : i32
      %dma_start3A_587 = arith.constant 2 : i32
      %dma_start3A_588 = arith.constant 0 : i32
      %dma_start3A_589 = arith.constant 0 : i32
      %dma_start3A_590 = tpu.memref_slice %arg20[%dma_start3A_586, %dma_start3A_587, %dma_start3A_588, %dma_start3A_589] : memref<2x4x128x32xf32, #tpu.memory_space<vmem>> -> memref<1x1x128x32xf32, #tpu.memory_space<vmem>>
      %dma_start3A_591 = tpu.memref_squeeze %dma_start3A_590 : memref<1x1x128x32xf32, #tpu.memory_space<vmem>> -> memref<128x32xf32, #tpu.memory_space<vmem>>
      %dma_start3A_592 = arith.constant 0 : i32
      %dma_start3A_593 = tpu.memref_slice %arg18[%dma_start3A_584, %dma_start3A_585, %dma_start3A_592] : memref<2x4x128xi32, #tpu.memory_space<vmem>> -> memref<1x1x128xi32, #tpu.memory_space<vmem>>
      %dma_start3A_594 = tpu.memref_squeeze %dma_start3A_593 : memref<1x1x128xi32, #tpu.memory_space<vmem>> -> memref<128xi32, #tpu.memory_space<vmem>>
      %dma_start3A_595 = arith.constant 0 : i32
      %dma_start3A_596 = arith.constant 0 : i32
      %dma_start3A_597 = tpu.memref_slice %arg10[%dma_start3A_595, %dma_start3A_596] : memref<10112x32xf32, #tpu.memory_space<vmem_shared>> -> memref<10112x32xf32, #tpu.memory_space<vmem_shared>>
      tpu.enqueue_indirect_dma source(%dma_start3A_597 : memref<10112x32xf32, #tpu.memory_space<vmem_shared>>) target(%dma_start3A_591 : memref<128x32xf32, #tpu.memory_space<vmem>>) offsets(%dma_start3A_594 : memref<128xi32, #tpu.memory_space<vmem>>) semaphore(%arg22 : memref<!tpu.dma_semaphore, #tpu.memory_space<semaphore_mem>>)
      %dma_start3A_598 = arith.constant 0 : i32
      %dma_start3A_599 = arith.constant 3 : i32
      %dma_start3A_600 = arith.constant 0 : i32
      %dma_start3A_601 = arith.constant 3 : i32
      %dma_start3A_602 = arith.constant 0 : i32
      %dma_start3A_603 = arith.constant 0 : i32
      %dma_start3A_604 = tpu.memref_slice %arg20[%dma_start3A_600, %dma_start3A_601, %dma_start3A_602, %dma_start3A_603] : memref<2x4x128x32xf32, #tpu.memory_space<vmem>> -> memref<1x1x128x32xf32, #tpu.memory_space<vmem>>
      %dma_start3A_605 = tpu.memref_squeeze %dma_start3A_604 : memref<1x1x128x32xf32, #tpu.memory_space<vmem>> -> memref<128x32xf32, #tpu.memory_space<vmem>>
      %dma_start3A_606 = arith.constant 0 : i32
      %dma_start3A_607 = tpu.memref_slice %arg18[%dma_start3A_598, %dma_start3A_599, %dma_start3A_606] : memref<2x4x128xi32, #tpu.memory_space<vmem>> -> memref<1x1x128xi32, #tpu.memory_space<vmem>>
      %dma_start3A_608 = tpu.memref_squeeze %dma_start3A_607 : memref<1x1x128xi32, #tpu.memory_space<vmem>> -> memref<128xi32, #tpu.memory_space<vmem>>
      %dma_start3A_609 = arith.constant 0 : i32
      %dma_start3A_610 = arith.constant 0 : i32
      %dma_start3A_611 = tpu.memref_slice %arg10[%dma_start3A_609, %dma_start3A_610] : memref<10112x32xf32, #tpu.memory_space<vmem_shared>> -> memref<10112x32xf32, #tpu.memory_space<vmem_shared>>
      tpu.enqueue_indirect_dma source(%dma_start3A_611 : memref<10112x32xf32, #tpu.memory_space<vmem_shared>>) target(%dma_start3A_605 : memref<128x32xf32, #tpu.memory_space<vmem>>) offsets(%dma_start3A_608 : memref<128xi32, #tpu.memory_space<vmem>>) semaphore(%arg22 : memref<!tpu.dma_semaphore, #tpu.memory_space<semaphore_mem>>)
      %convert_element_type3A_612 = arith.extui %ge3A_522 : i1 to i32
      %cond3A_613 = arith.constant 0 : i32
      %cond3A_614 = arith.cmpi ne, %convert_element_type3A_612, %cond3A_613 : i32
      scf.if %cond3A_614 {
        %dma_wait3A_1001 = arith.constant 0 : i32
        %dma_wait3A_1002 = arith.constant 0 : i32
        %dma_wait3A_1003 = arith.constant 0 : i32
        %dma_wait3A_1004 = arith.constant 0 : i32
        %dma_wait3A_1005 = tpu.memref_slice %arg20[%dma_wait3A_1001, %dma_wait3A_1002, %dma_wait3A_1003, %dma_wait3A_1004] : memref<2x4x128x32xf32, #tpu.memory_space<vmem>> -> memref<1x1x128x32xf32, #tpu.memory_space<vmem>>
        %dma_wait3A_1006 = tpu.memref_squeeze %dma_wait3A_1005 : memref<1x1x128x32xf32, #tpu.memory_space<vmem>> -> memref<128x32xf32, #tpu.memory_space<vmem>>
        %dma_wait3A_1007 = arith.constant 0 : i32
        %dma_wait3A_1008 = arith.constant 0 : i32
        %dma_wait3A_1009 = tpu.memref_slice %arg11[%dma_wait3A_1007, %dma_wait3A_1008] : memref<10112x32xf32, #tpu.memory_space<vmem_shared>> -> memref<128x32xf32, #tpu.memory_space<vmem_shared>>
        %dma_wait3A_1010 = arith.constant 0 : i32
        %dma_wait3A_1011 = arith.constant 0 : i32
        %dma_wait3A_1012 = tpu.memref_slice %arg11[%dma_wait3A_1010, %dma_wait3A_1011] : memref<10112x32xf32, #tpu.memory_space<vmem_shared>> -> memref<128x32xf32, #tpu.memory_space<vmem_shared>>
        %dma_wait3A_1013 = arith.constant 0 : i32
        %dma_wait3A_1014 = arith.constant 0 : i32
        %dma_wait3A_1015 = tpu.memref_slice %arg20[%dma_wait3A_1001, %dma_wait3A_1002, %dma_wait3A_1013, %dma_wait3A_1014] : memref<2x4x128x32xf32, #tpu.memory_space<vmem>> -> memref<1x1x128x32xf32, #tpu.memory_space<vmem>>
        %dma_wait3A_1016 = tpu.memref_squeeze %dma_wait3A_1015 : memref<1x1x128x32xf32, #tpu.memory_space<vmem>> -> memref<128x32xf32, #tpu.memory_space<vmem>>
        tpu.wait_dma2 semaphore(%arg24 : memref<!tpu.dma_semaphore, #tpu.memory_space<semaphore_mem>>) src(%dma_wait3A_1016 : memref<128x32xf32, #tpu.memory_space<vmem>>) dst(%dma_wait3A_1012 : memref<128x32xf32, #tpu.memory_space<vmem_shared>>)
        %dma_wait3A_1017 = arith.constant 0 : i32
        %dma_wait3A_1018 = arith.constant 1 : i32
        %dma_wait3A_1019 = arith.constant 0 : i32
        %dma_wait3A_1020 = arith.constant 0 : i32
        %dma_wait3A_1021 = tpu.memref_slice %arg20[%dma_wait3A_1017, %dma_wait3A_1018, %dma_wait3A_1019, %dma_wait3A_1020] : memref<2x4x128x32xf32, #tpu.memory_space<vmem>> -> memref<1x1x128x32xf32, #tpu.memory_space<vmem>>
        %dma_wait3A_1022 = tpu.memref_squeeze %dma_wait3A_1021 : memref<1x1x128x32xf32, #tpu.memory_space<vmem>> -> memref<128x32xf32, #tpu.memory_space<vmem>>
        %dma_wait3A_1023 = arith.constant 0 : i32
        %dma_wait3A_1024 = arith.constant 0 : i32
        %dma_wait3A_1025 = tpu.memref_slice %arg11[%dma_wait3A_1023, %dma_wait3A_1024] : memref<10112x32xf32, #tpu.memory_space<vmem_shared>> -> memref<128x32xf32, #tpu.memory_space<vmem_shared>>
        %dma_wait3A_1026 = arith.constant 0 : i32
        %dma_wait3A_1027 = arith.constant 0 : i32
        %dma_wait3A_1028 = tpu.memref_slice %arg11[%dma_wait3A_1026, %dma_wait3A_1027] : memref<10112x32xf32, #tpu.memory_space<vmem_shared>> -> memref<128x32xf32, #tpu.memory_space<vmem_shared>>
        %dma_wait3A_1029 = arith.constant 0 : i32
        %dma_wait3A_1030 = arith.constant 0 : i32
        %dma_wait3A_1031 = tpu.memref_slice %arg20[%dma_wait3A_1017, %dma_wait3A_1018, %dma_wait3A_1029, %dma_wait3A_1030] : memref<2x4x128x32xf32, #tpu.memory_space<vmem>> -> memref<1x1x128x32xf32, #tpu.memory_space<vmem>>
        %dma_wait3A_1032 = tpu.memref_squeeze %dma_wait3A_1031 : memref<1x1x128x32xf32, #tpu.memory_space<vmem>> -> memref<128x32xf32, #tpu.memory_space<vmem>>
        tpu.wait_dma2 semaphore(%arg24 : memref<!tpu.dma_semaphore, #tpu.memory_space<semaphore_mem>>) src(%dma_wait3A_1032 : memref<128x32xf32, #tpu.memory_space<vmem>>) dst(%dma_wait3A_1028 : memref<128x32xf32, #tpu.memory_space<vmem_shared>>)
        %dma_wait3A_1033 = arith.constant 0 : i32
        %dma_wait3A_1034 = arith.constant 2 : i32
        %dma_wait3A_1035 = arith.constant 0 : i32
        %dma_wait3A_1036 = arith.constant 0 : i32
        %dma_wait3A_1037 = tpu.memref_slice %arg20[%dma_wait3A_1033, %dma_wait3A_1034, %dma_wait3A_1035, %dma_wait3A_1036] : memref<2x4x128x32xf32, #tpu.memory_space<vmem>> -> memref<1x1x128x32xf32, #tpu.memory_space<vmem>>
        %dma_wait3A_1038 = tpu.memref_squeeze %dma_wait3A_1037 : memref<1x1x128x32xf32, #tpu.memory_space<vmem>> -> memref<128x32xf32, #tpu.memory_space<vmem>>
        %dma_wait3A_1039 = arith.constant 0 : i32
        %dma_wait3A_1040 = arith.constant 0 : i32
        %dma_wait3A_1041 = tpu.memref_slice %arg11[%dma_wait3A_1039, %dma_wait3A_1040] : memref<10112x32xf32, #tpu.memory_space<vmem_shared>> -> memref<128x32xf32, #tpu.memory_space<vmem_shared>>
        %dma_wait3A_1042 = arith.constant 0 : i32
        %dma_wait3A_1043 = arith.constant 0 : i32
        %dma_wait3A_1044 = tpu.memref_slice %arg11[%dma_wait3A_1042, %dma_wait3A_1043] : memref<10112x32xf32, #tpu.memory_space<vmem_shared>> -> memref<128x32xf32, #tpu.memory_space<vmem_shared>>
        %dma_wait3A_1045 = arith.constant 0 : i32
        %dma_wait3A_1046 = arith.constant 0 : i32
        %dma_wait3A_1047 = tpu.memref_slice %arg20[%dma_wait3A_1033, %dma_wait3A_1034, %dma_wait3A_1045, %dma_wait3A_1046] : memref<2x4x128x32xf32, #tpu.memory_space<vmem>> -> memref<1x1x128x32xf32, #tpu.memory_space<vmem>>
        %dma_wait3A_1048 = tpu.memref_squeeze %dma_wait3A_1047 : memref<1x1x128x32xf32, #tpu.memory_space<vmem>> -> memref<128x32xf32, #tpu.memory_space<vmem>>
        tpu.wait_dma2 semaphore(%arg24 : memref<!tpu.dma_semaphore, #tpu.memory_space<semaphore_mem>>) src(%dma_wait3A_1048 : memref<128x32xf32, #tpu.memory_space<vmem>>) dst(%dma_wait3A_1044 : memref<128x32xf32, #tpu.memory_space<vmem_shared>>)
        %dma_wait3A_1049 = arith.constant 0 : i32
        %dma_wait3A_1050 = arith.constant 3 : i32
        %dma_wait3A_1051 = arith.constant 0 : i32
        %dma_wait3A_1052 = arith.constant 0 : i32
        %dma_wait3A_1053 = tpu.memref_slice %arg20[%dma_wait3A_1049, %dma_wait3A_1050, %dma_wait3A_1051, %dma_wait3A_1052] : memref<2x4x128x32xf32, #tpu.memory_space<vmem>> -> memref<1x1x128x32xf32, #tpu.memory_space<vmem>>
        %dma_wait3A_1054 = tpu.memref_squeeze %dma_wait3A_1053 : memref<1x1x128x32xf32, #tpu.memory_space<vmem>> -> memref<128x32xf32, #tpu.memory_space<vmem>>
        %dma_wait3A_1055 = arith.constant 0 : i32
        %dma_wait3A_1056 = arith.constant 0 : i32
        %dma_wait3A_1057 = tpu.memref_slice %arg11[%dma_wait3A_1055, %dma_wait3A_1056] : memref<10112x32xf32, #tpu.memory_space<vmem_shared>> -> memref<128x32xf32, #tpu.memory_space<vmem_shared>>
        %dma_wait3A_1058 = arith.constant 0 : i32
        %dma_wait3A_1059 = arith.constant 0 : i32
        %dma_wait3A_1060 = tpu.memref_slice %arg11[%dma_wait3A_1058, %dma_wait3A_1059] : memref<10112x32xf32, #tpu.memory_space<vmem_shared>> -> memref<128x32xf32, #tpu.memory_space<vmem_shared>>
        %dma_wait3A_1061 = arith.constant 0 : i32
        %dma_wait3A_1062 = arith.constant 0 : i32
        %dma_wait3A_1063 = tpu.memref_slice %arg20[%dma_wait3A_1049, %dma_wait3A_1050, %dma_wait3A_1061, %dma_wait3A_1062] : memref<2x4x128x32xf32, #tpu.memory_space<vmem>> -> memref<1x1x128x32xf32, #tpu.memory_space<vmem>>
        %dma_wait3A_1064 = tpu.memref_squeeze %dma_wait3A_1063 : memref<1x1x128x32xf32, #tpu.memory_space<vmem>> -> memref<128x32xf32, #tpu.memory_space<vmem>>
        tpu.wait_dma2 semaphore(%arg24 : memref<!tpu.dma_semaphore, #tpu.memory_space<semaphore_mem>>) src(%dma_wait3A_1064 : memref<128x32xf32, #tpu.memory_space<vmem>>) dst(%dma_wait3A_1060 : memref<128x32xf32, #tpu.memory_space<vmem_shared>>)
      } else {
      }
      %convert_element_type3A_615 = arith.extui %lt3A_525 : i1 to i32
      %cond3A_616 = arith.constant 0 : i32
      %cond3A_617 = arith.cmpi ne, %convert_element_type3A_615, %cond3A_616 : i32
      scf.if %cond3A_617 {
        %add3A_1001 = arith.constant 1 : i32
        %add3A_1002 = arith.addi %mul3A_521, %add3A_1001 : i32
        %mul3A_1003 = arith.constant 80 : i32
        %mul3A_1004 = arith.muli %add3A, %mul3A_1003 : i32
        %mul3A_1005 = arith.constant 4 : i32
        %mul3A_1006 = arith.muli %add3A_1002, %mul3A_1005 : i32
        %add3A_1007 = arith.addi %mul3A_1004, %mul3A_1006 : i32
        %dma_start3A_1008 = arith.constant 1 : i32
        %dma_start3A_1009 = arith.constant 0 : i32
        %dma_start3A_1010 = arith.constant 0 : i32
        %dma_start3A_1011 = tpu.memref_slice %arg18[%dma_start3A_1008, %dma_start3A_1009, %dma_start3A_1010] : memref<2x4x128xi32, #tpu.memory_space<vmem>> -> memref<1x4x128xi32, #tpu.memory_space<vmem>>
        %dma_start3A_1012 = tpu.memref_squeeze %dma_start3A_1011 : memref<1x4x128xi32, #tpu.memory_space<vmem>> -> memref<4x128xi32, #tpu.memory_space<vmem>>
        %dma_start3A_1013 = arith.constant 0 : i32
        %dma_start3A_1014 = tpu.memref_slice %arg5[%add3A_1007, %dma_start3A_1013] : memref<2560x128xi32, #tpu.memory_space<hbm>> -> memref<4x128xi32, #tpu.memory_space<hbm>>
        %dma_start3A_1015 = arith.constant 0 : i32
        %dma_start3A_1016 = arith.constant 0 : i32
        %dma_start3A_1017 = tpu.memref_slice %arg18[%dma_start3A_1008, %dma_start3A_1015, %dma_start3A_1016] : memref<2x4x128xi32, #tpu.memory_space<vmem>> -> memref<1x4x128xi32, #tpu.memory_space<vmem>>
        %dma_start3A_1018 = tpu.memref_squeeze %dma_start3A_1017 : memref<1x4x128xi32, #tpu.memory_space<vmem>> -> memref<4x128xi32, #tpu.memory_space<vmem>>
        %dma_start3A_1019 = arith.constant 0 : i32
        %dma_start3A_1020 = tpu.memref_slice %arg5[%add3A_1007, %dma_start3A_1019] : memref<2560x128xi32, #tpu.memory_space<hbm>> -> memref<4x128xi32, #tpu.memory_space<hbm>>
        tpu.enqueue_dma source(%dma_start3A_1020 : memref<4x128xi32, #tpu.memory_space<hbm>>) target(%dma_start3A_1018 : memref<4x128xi32, #tpu.memory_space<vmem>>) target_semaphore(%arg21 : memref<!tpu.dma_semaphore, #tpu.memory_space<semaphore_mem>>)
        %dma_start3A_1021 = arith.constant 1 : i32
        %dma_start3A_1022 = arith.constant 0 : i32
        %dma_start3A_1023 = arith.constant 0 : i32
        %dma_start3A_1024 = tpu.memref_slice %arg19[%dma_start3A_1021, %dma_start3A_1022, %dma_start3A_1023] : memref<2x4x128xi32, #tpu.memory_space<vmem>> -> memref<1x4x128xi32, #tpu.memory_space<vmem>>
        %dma_start3A_1025 = tpu.memref_squeeze %dma_start3A_1024 : memref<1x4x128xi32, #tpu.memory_space<vmem>> -> memref<4x128xi32, #tpu.memory_space<vmem>>
        %dma_start3A_1026 = arith.constant 0 : i32
        %dma_start3A_1027 = tpu.memref_slice %arg6[%add3A_1007, %dma_start3A_1026] : memref<2560x128xi32, #tpu.memory_space<hbm>> -> memref<4x128xi32, #tpu.memory_space<hbm>>
        %dma_start3A_1028 = arith.constant 0 : i32
        %dma_start3A_1029 = arith.constant 0 : i32
        %dma_start3A_1030 = tpu.memref_slice %arg19[%dma_start3A_1021, %dma_start3A_1028, %dma_start3A_1029] : memref<2x4x128xi32, #tpu.memory_space<vmem>> -> memref<1x4x128xi32, #tpu.memory_space<vmem>>
        %dma_start3A_1031 = tpu.memref_squeeze %dma_start3A_1030 : memref<1x4x128xi32, #tpu.memory_space<vmem>> -> memref<4x128xi32, #tpu.memory_space<vmem>>
        %dma_start3A_1032 = arith.constant 0 : i32
        %dma_start3A_1033 = tpu.memref_slice %arg6[%add3A_1007, %dma_start3A_1032] : memref<2560x128xi32, #tpu.memory_space<hbm>> -> memref<4x128xi32, #tpu.memory_space<hbm>>
        tpu.enqueue_dma source(%dma_start3A_1033 : memref<4x128xi32, #tpu.memory_space<hbm>>) target(%dma_start3A_1031 : memref<4x128xi32, #tpu.memory_space<vmem>>) target_semaphore(%arg21 : memref<!tpu.dma_semaphore, #tpu.memory_space<semaphore_mem>>)
      } else {
      }
      %dma_wait3A_618 = arith.constant 0 : i32
      %dma_wait3A_619 = arith.constant 0 : i32
      %dma_wait3A_620 = arith.constant 0 : i32
      %dma_wait3A_621 = arith.constant 0 : i32
      %dma_wait3A_622 = arith.constant 0 : i32
      %dma_wait3A_623 = arith.constant 0 : i32
      %dma_wait3A_624 = tpu.memref_slice %arg20[%dma_wait3A_620, %dma_wait3A_621, %dma_wait3A_622, %dma_wait3A_623] : memref<2x4x128x32xf32, #tpu.memory_space<vmem>> -> memref<1x1x128x32xf32, #tpu.memory_space<vmem>>
      %dma_wait3A_625 = tpu.memref_squeeze %dma_wait3A_624 : memref<1x1x128x32xf32, #tpu.memory_space<vmem>> -> memref<128x32xf32, #tpu.memory_space<vmem>>
      %dma_wait3A_626 = arith.constant 0 : i32
      %dma_wait3A_627 = tpu.memref_slice %arg18[%dma_wait3A_618, %dma_wait3A_619, %dma_wait3A_626] : memref<2x4x128xi32, #tpu.memory_space<vmem>> -> memref<1x1x128xi32, #tpu.memory_space<vmem>>
      %dma_wait3A_628 = tpu.memref_squeeze %dma_wait3A_627 : memref<1x1x128xi32, #tpu.memory_space<vmem>> -> memref<128xi32, #tpu.memory_space<vmem>>
      %dma_wait3A_629 = arith.constant 0 : i32
      %dma_wait3A_630 = arith.constant 0 : i32
      %dma_wait3A_631 = tpu.memref_slice %arg10[%dma_wait3A_629, %dma_wait3A_630] : memref<10112x32xf32, #tpu.memory_space<vmem_shared>> -> memref<10112x32xf32, #tpu.memory_space<vmem_shared>>
      tpu.wait_indirect_dma semaphore(%arg22 : memref<!tpu.dma_semaphore, #tpu.memory_space<semaphore_mem>>) src(%dma_wait3A_631 : memref<10112x32xf32, #tpu.memory_space<vmem_shared>>) dst(%dma_wait3A_625 : memref<128x32xf32, #tpu.memory_space<vmem>>)
      %dma_wait3A_632 = arith.constant 0 : i32
      %dma_wait3A_633 = arith.constant 1 : i32
      %dma_wait3A_634 = arith.constant 0 : i32
      %dma_wait3A_635 = arith.constant 1 : i32
      %dma_wait3A_636 = arith.constant 0 : i32
      %dma_wait3A_637 = arith.constant 0 : i32
      %dma_wait3A_638 = tpu.memref_slice %arg20[%dma_wait3A_634, %dma_wait3A_635, %dma_wait3A_636, %dma_wait3A_637] : memref<2x4x128x32xf32, #tpu.memory_space<vmem>> -> memref<1x1x128x32xf32, #tpu.memory_space<vmem>>
      %dma_wait3A_639 = tpu.memref_squeeze %dma_wait3A_638 : memref<1x1x128x32xf32, #tpu.memory_space<vmem>> -> memref<128x32xf32, #tpu.memory_space<vmem>>
      %dma_wait3A_640 = arith.constant 0 : i32
      %dma_wait3A_641 = tpu.memref_slice %arg18[%dma_wait3A_632, %dma_wait3A_633, %dma_wait3A_640] : memref<2x4x128xi32, #tpu.memory_space<vmem>> -> memref<1x1x128xi32, #tpu.memory_space<vmem>>
      %dma_wait3A_642 = tpu.memref_squeeze %dma_wait3A_641 : memref<1x1x128xi32, #tpu.memory_space<vmem>> -> memref<128xi32, #tpu.memory_space<vmem>>
      %dma_wait3A_643 = arith.constant 0 : i32
      %dma_wait3A_644 = arith.constant 0 : i32
      %dma_wait3A_645 = tpu.memref_slice %arg10[%dma_wait3A_643, %dma_wait3A_644] : memref<10112x32xf32, #tpu.memory_space<vmem_shared>> -> memref<10112x32xf32, #tpu.memory_space<vmem_shared>>
      tpu.wait_indirect_dma semaphore(%arg22 : memref<!tpu.dma_semaphore, #tpu.memory_space<semaphore_mem>>) src(%dma_wait3A_645 : memref<10112x32xf32, #tpu.memory_space<vmem_shared>>) dst(%dma_wait3A_639 : memref<128x32xf32, #tpu.memory_space<vmem>>)
      %dma_wait3A_646 = arith.constant 0 : i32
      %dma_wait3A_647 = arith.constant 2 : i32
      %dma_wait3A_648 = arith.constant 0 : i32
      %dma_wait3A_649 = arith.constant 2 : i32
      %dma_wait3A_650 = arith.constant 0 : i32
      %dma_wait3A_651 = arith.constant 0 : i32
      %dma_wait3A_652 = tpu.memref_slice %arg20[%dma_wait3A_648, %dma_wait3A_649, %dma_wait3A_650, %dma_wait3A_651] : memref<2x4x128x32xf32, #tpu.memory_space<vmem>> -> memref<1x1x128x32xf32, #tpu.memory_space<vmem>>
      %dma_wait3A_653 = tpu.memref_squeeze %dma_wait3A_652 : memref<1x1x128x32xf32, #tpu.memory_space<vmem>> -> memref<128x32xf32, #tpu.memory_space<vmem>>
      %dma_wait3A_654 = arith.constant 0 : i32
      %dma_wait3A_655 = tpu.memref_slice %arg18[%dma_wait3A_646, %dma_wait3A_647, %dma_wait3A_654] : memref<2x4x128xi32, #tpu.memory_space<vmem>> -> memref<1x1x128xi32, #tpu.memory_space<vmem>>
      %dma_wait3A_656 = tpu.memref_squeeze %dma_wait3A_655 : memref<1x1x128xi32, #tpu.memory_space<vmem>> -> memref<128xi32, #tpu.memory_space<vmem>>
      %dma_wait3A_657 = arith.constant 0 : i32
      %dma_wait3A_658 = arith.constant 0 : i32
      %dma_wait3A_659 = tpu.memref_slice %arg10[%dma_wait3A_657, %dma_wait3A_658] : memref<10112x32xf32, #tpu.memory_space<vmem_shared>> -> memref<10112x32xf32, #tpu.memory_space<vmem_shared>>
      tpu.wait_indirect_dma semaphore(%arg22 : memref<!tpu.dma_semaphore, #tpu.memory_space<semaphore_mem>>) src(%dma_wait3A_659 : memref<10112x32xf32, #tpu.memory_space<vmem_shared>>) dst(%dma_wait3A_653 : memref<128x32xf32, #tpu.memory_space<vmem>>)
      %dma_wait3A_660 = arith.constant 0 : i32
      %dma_wait3A_661 = arith.constant 3 : i32
      %dma_wait3A_662 = arith.constant 0 : i32
      %dma_wait3A_663 = arith.constant 3 : i32
      %dma_wait3A_664 = arith.constant 0 : i32
      %dma_wait3A_665 = arith.constant 0 : i32
      %dma_wait3A_666 = tpu.memref_slice %arg20[%dma_wait3A_662, %dma_wait3A_663, %dma_wait3A_664, %dma_wait3A_665] : memref<2x4x128x32xf32, #tpu.memory_space<vmem>> -> memref<1x1x128x32xf32, #tpu.memory_space<vmem>>
      %dma_wait3A_667 = tpu.memref_squeeze %dma_wait3A_666 : memref<1x1x128x32xf32, #tpu.memory_space<vmem>> -> memref<128x32xf32, #tpu.memory_space<vmem>>
      %dma_wait3A_668 = arith.constant 0 : i32
      %dma_wait3A_669 = tpu.memref_slice %arg18[%dma_wait3A_660, %dma_wait3A_661, %dma_wait3A_668] : memref<2x4x128xi32, #tpu.memory_space<vmem>> -> memref<1x1x128xi32, #tpu.memory_space<vmem>>
      %dma_wait3A_670 = tpu.memref_squeeze %dma_wait3A_669 : memref<1x1x128xi32, #tpu.memory_space<vmem>> -> memref<128xi32, #tpu.memory_space<vmem>>
      %dma_wait3A_671 = arith.constant 0 : i32
      %dma_wait3A_672 = arith.constant 0 : i32
      %dma_wait3A_673 = tpu.memref_slice %arg10[%dma_wait3A_671, %dma_wait3A_672] : memref<10112x32xf32, #tpu.memory_space<vmem_shared>> -> memref<10112x32xf32, #tpu.memory_space<vmem_shared>>
      tpu.wait_indirect_dma semaphore(%arg22 : memref<!tpu.dma_semaphore, #tpu.memory_space<semaphore_mem>>) src(%dma_wait3A_673 : memref<10112x32xf32, #tpu.memory_space<vmem_shared>>) dst(%dma_wait3A_667 : memref<128x32xf32, #tpu.memory_space<vmem>>)
      %dma_start3A_674 = arith.constant 0 : i32
      %dma_start3A_675 = arith.constant 0 : i32
      %dma_start3A_676 = arith.constant 0 : i32
      %dma_start3A_677 = arith.constant 0 : i32
      %dma_start3A_678 = arith.constant 0 : i32
      %dma_start3A_679 = arith.constant 0 : i32
      %dma_start3A_680 = tpu.memref_slice %arg20[%dma_start3A_674, %dma_start3A_675, %dma_start3A_678, %dma_start3A_679] : memref<2x4x128x32xf32, #tpu.memory_space<vmem>> -> memref<1x1x128x32xf32, #tpu.memory_space<vmem>>
      %dma_start3A_681 = tpu.memref_squeeze %dma_start3A_680 : memref<1x1x128x32xf32, #tpu.memory_space<vmem>> -> memref<128x32xf32, #tpu.memory_space<vmem>>
      %dma_start3A_682 = arith.constant 0 : i32
      %dma_start3A_683 = tpu.memref_slice %arg19[%dma_start3A_676, %dma_start3A_677, %dma_start3A_682] : memref<2x4x128xi32, #tpu.memory_space<vmem>> -> memref<1x1x128xi32, #tpu.memory_space<vmem>>
      %dma_start3A_684 = tpu.memref_squeeze %dma_start3A_683 : memref<1x1x128xi32, #tpu.memory_space<vmem>> -> memref<128xi32, #tpu.memory_space<vmem>>
      %dma_start3A_685 = arith.constant 0 : i32
      %dma_start3A_686 = arith.constant 0 : i32
      %dma_start3A_687 = tpu.memref_slice %arg11[%dma_start3A_685, %dma_start3A_686] : memref<10112x32xf32, #tpu.memory_space<vmem_shared>> -> memref<10112x32xf32, #tpu.memory_space<vmem_shared>>
      tpu.enqueue_indirect_dma source(%dma_start3A_681 : memref<128x32xf32, #tpu.memory_space<vmem>>) target(%dma_start3A_687 : memref<10112x32xf32, #tpu.memory_space<vmem_shared>>) offsets(%dma_start3A_684 : memref<128xi32, #tpu.memory_space<vmem>>) semaphore(%arg23 : memref<!tpu.dma_semaphore, #tpu.memory_space<semaphore_mem>>) {add = true}
      %dma_start3A_688 = arith.constant 0 : i32
      %dma_start3A_689 = arith.constant 1 : i32
      %dma_start3A_690 = arith.constant 0 : i32
      %dma_start3A_691 = arith.constant 1 : i32
      %dma_start3A_692 = arith.constant 0 : i32
      %dma_start3A_693 = arith.constant 0 : i32
      %dma_start3A_694 = tpu.memref_slice %arg20[%dma_start3A_688, %dma_start3A_689, %dma_start3A_692, %dma_start3A_693] : memref<2x4x128x32xf32, #tpu.memory_space<vmem>> -> memref<1x1x128x32xf32, #tpu.memory_space<vmem>>
      %dma_start3A_695 = tpu.memref_squeeze %dma_start3A_694 : memref<1x1x128x32xf32, #tpu.memory_space<vmem>> -> memref<128x32xf32, #tpu.memory_space<vmem>>
      %dma_start3A_696 = arith.constant 0 : i32
      %dma_start3A_697 = tpu.memref_slice %arg19[%dma_start3A_690, %dma_start3A_691, %dma_start3A_696] : memref<2x4x128xi32, #tpu.memory_space<vmem>> -> memref<1x1x128xi32, #tpu.memory_space<vmem>>
      %dma_start3A_698 = tpu.memref_squeeze %dma_start3A_697 : memref<1x1x128xi32, #tpu.memory_space<vmem>> -> memref<128xi32, #tpu.memory_space<vmem>>
      %dma_start3A_699 = arith.constant 0 : i32
      %dma_start3A_700 = arith.constant 0 : i32
      %dma_start3A_701 = tpu.memref_slice %arg11[%dma_start3A_699, %dma_start3A_700] : memref<10112x32xf32, #tpu.memory_space<vmem_shared>> -> memref<10112x32xf32, #tpu.memory_space<vmem_shared>>
      tpu.enqueue_indirect_dma source(%dma_start3A_695 : memref<128x32xf32, #tpu.memory_space<vmem>>) target(%dma_start3A_701 : memref<10112x32xf32, #tpu.memory_space<vmem_shared>>) offsets(%dma_start3A_698 : memref<128xi32, #tpu.memory_space<vmem>>) semaphore(%arg23 : memref<!tpu.dma_semaphore, #tpu.memory_space<semaphore_mem>>) {add = true}
      %dma_start3A_702 = arith.constant 0 : i32
      %dma_start3A_703 = arith.constant 2 : i32
      %dma_start3A_704 = arith.constant 0 : i32
      %dma_start3A_705 = arith.constant 2 : i32
      %dma_start3A_706 = arith.constant 0 : i32
      %dma_start3A_707 = arith.constant 0 : i32
      %dma_start3A_708 = tpu.memref_slice %arg20[%dma_start3A_702, %dma_start3A_703, %dma_start3A_706, %dma_start3A_707] : memref<2x4x128x32xf32, #tpu.memory_space<vmem>> -> memref<1x1x128x32xf32, #tpu.memory_space<vmem>>
      %dma_start3A_709 = tpu.memref_squeeze %dma_start3A_708 : memref<1x1x128x32xf32, #tpu.memory_space<vmem>> -> memref<128x32xf32, #tpu.memory_space<vmem>>
      %dma_start3A_710 = arith.constant 0 : i32
      %dma_start3A_711 = tpu.memref_slice %arg19[%dma_start3A_704, %dma_start3A_705, %dma_start3A_710] : memref<2x4x128xi32, #tpu.memory_space<vmem>> -> memref<1x1x128xi32, #tpu.memory_space<vmem>>
      %dma_start3A_712 = tpu.memref_squeeze %dma_start3A_711 : memref<1x1x128xi32, #tpu.memory_space<vmem>> -> memref<128xi32, #tpu.memory_space<vmem>>
      %dma_start3A_713 = arith.constant 0 : i32
      %dma_start3A_714 = arith.constant 0 : i32
      %dma_start3A_715 = tpu.memref_slice %arg11[%dma_start3A_713, %dma_start3A_714] : memref<10112x32xf32, #tpu.memory_space<vmem_shared>> -> memref<10112x32xf32, #tpu.memory_space<vmem_shared>>
      tpu.enqueue_indirect_dma source(%dma_start3A_709 : memref<128x32xf32, #tpu.memory_space<vmem>>) target(%dma_start3A_715 : memref<10112x32xf32, #tpu.memory_space<vmem_shared>>) offsets(%dma_start3A_712 : memref<128xi32, #tpu.memory_space<vmem>>) semaphore(%arg23 : memref<!tpu.dma_semaphore, #tpu.memory_space<semaphore_mem>>) {add = true}
      %dma_start3A_716 = arith.constant 0 : i32
      %dma_start3A_717 = arith.constant 3 : i32
      %dma_start3A_718 = arith.constant 0 : i32
      %dma_start3A_719 = arith.constant 3 : i32
      %dma_start3A_720 = arith.constant 0 : i32
      %dma_start3A_721 = arith.constant 0 : i32
      %dma_start3A_722 = tpu.memref_slice %arg20[%dma_start3A_716, %dma_start3A_717, %dma_start3A_720, %dma_start3A_721] : memref<2x4x128x32xf32, #tpu.memory_space<vmem>> -> memref<1x1x128x32xf32, #tpu.memory_space<vmem>>
      %dma_start3A_723 = tpu.memref_squeeze %dma_start3A_722 : memref<1x1x128x32xf32, #tpu.memory_space<vmem>> -> memref<128x32xf32, #tpu.memory_space<vmem>>
      %dma_start3A_724 = arith.constant 0 : i32
      %dma_start3A_725 = tpu.memref_slice %arg19[%dma_start3A_718, %dma_start3A_719, %dma_start3A_724] : memref<2x4x128xi32, #tpu.memory_space<vmem>> -> memref<1x1x128xi32, #tpu.memory_space<vmem>>
      %dma_start3A_726 = tpu.memref_squeeze %dma_start3A_725 : memref<1x1x128xi32, #tpu.memory_space<vmem>> -> memref<128xi32, #tpu.memory_space<vmem>>
      %dma_start3A_727 = arith.constant 0 : i32
      %dma_start3A_728 = arith.constant 0 : i32
      %dma_start3A_729 = tpu.memref_slice %arg11[%dma_start3A_727, %dma_start3A_728] : memref<10112x32xf32, #tpu.memory_space<vmem_shared>> -> memref<10112x32xf32, #tpu.memory_space<vmem_shared>>
      tpu.enqueue_indirect_dma source(%dma_start3A_723 : memref<128x32xf32, #tpu.memory_space<vmem>>) target(%dma_start3A_729 : memref<10112x32xf32, #tpu.memory_space<vmem_shared>>) offsets(%dma_start3A_726 : memref<128xi32, #tpu.memory_space<vmem>>) semaphore(%arg23 : memref<!tpu.dma_semaphore, #tpu.memory_space<semaphore_mem>>) {add = true}
      %add3A_730 = arith.constant 1 : i32
      %add3A_731 = arith.addi %mul3A_521, %add3A_730 : i32
      %add3A_732 = arith.constant 2 : i32
      %add3A_733 = arith.addi %mul3A_521, %add3A_732 : i32
      %lt3A_734 = arith.constant 20 : i32
      %lt3A_735 = arith.cmpi slt, %add3A_733, %lt3A_734 : i32
      %dma_wait3A_736 = arith.constant 1 : i32
      %dma_wait3A_737 = arith.constant 0 : i32
      %dma_wait3A_738 = arith.constant 0 : i32
      %dma_wait3A_739 = tpu.memref_slice %arg18[%dma_wait3A_736, %dma_wait3A_737, %dma_wait3A_738] : memref<2x4x128xi32, #tpu.memory_space<vmem>> -> memref<1x4x128xi32, #tpu.memory_space<vmem>>
      %dma_wait3A_740 = tpu.memref_squeeze %dma_wait3A_739 : memref<1x4x128xi32, #tpu.memory_space<vmem>> -> memref<4x128xi32, #tpu.memory_space<vmem>>
      %dma_wait3A_741 = arith.constant 0 : i32
      %dma_wait3A_742 = arith.constant 0 : i32
      %dma_wait3A_743 = tpu.memref_slice %arg5[%dma_wait3A_741, %dma_wait3A_742] : memref<2560x128xi32, #tpu.memory_space<hbm>> -> memref<4x128xi32, #tpu.memory_space<hbm>>
      %dma_wait3A_744 = arith.constant 0 : i32
      %dma_wait3A_745 = arith.constant 0 : i32
      %dma_wait3A_746 = tpu.memref_slice %arg18[%dma_wait3A_736, %dma_wait3A_744, %dma_wait3A_745] : memref<2x4x128xi32, #tpu.memory_space<vmem>> -> memref<1x4x128xi32, #tpu.memory_space<vmem>>
      %dma_wait3A_747 = tpu.memref_squeeze %dma_wait3A_746 : memref<1x4x128xi32, #tpu.memory_space<vmem>> -> memref<4x128xi32, #tpu.memory_space<vmem>>
      %dma_wait3A_748 = arith.constant 0 : i32
      %dma_wait3A_749 = arith.constant 0 : i32
      %dma_wait3A_750 = tpu.memref_slice %arg5[%dma_wait3A_748, %dma_wait3A_749] : memref<2560x128xi32, #tpu.memory_space<hbm>> -> memref<4x128xi32, #tpu.memory_space<hbm>>
      tpu.wait_dma2 semaphore(%arg21 : memref<!tpu.dma_semaphore, #tpu.memory_space<semaphore_mem>>) src(%dma_wait3A_750 : memref<4x128xi32, #tpu.memory_space<hbm>>) dst(%dma_wait3A_747 : memref<4x128xi32, #tpu.memory_space<vmem>>)
      %dma_wait3A_751 = arith.constant 1 : i32
      %dma_wait3A_752 = arith.constant 0 : i32
      %dma_wait3A_753 = arith.constant 0 : i32
      %dma_wait3A_754 = tpu.memref_slice %arg19[%dma_wait3A_751, %dma_wait3A_752, %dma_wait3A_753] : memref<2x4x128xi32, #tpu.memory_space<vmem>> -> memref<1x4x128xi32, #tpu.memory_space<vmem>>
      %dma_wait3A_755 = tpu.memref_squeeze %dma_wait3A_754 : memref<1x4x128xi32, #tpu.memory_space<vmem>> -> memref<4x128xi32, #tpu.memory_space<vmem>>
      %dma_wait3A_756 = arith.constant 0 : i32
      %dma_wait3A_757 = arith.constant 0 : i32
      %dma_wait3A_758 = tpu.memref_slice %arg6[%dma_wait3A_756, %dma_wait3A_757] : memref<2560x128xi32, #tpu.memory_space<hbm>> -> memref<4x128xi32, #tpu.memory_space<hbm>>
      %dma_wait3A_759 = arith.constant 0 : i32
      %dma_wait3A_760 = arith.constant 0 : i32
      %dma_wait3A_761 = tpu.memref_slice %arg19[%dma_wait3A_751, %dma_wait3A_759, %dma_wait3A_760] : memref<2x4x128xi32, #tpu.memory_space<vmem>> -> memref<1x4x128xi32, #tpu.memory_space<vmem>>
      %dma_wait3A_762 = tpu.memref_squeeze %dma_wait3A_761 : memref<1x4x128xi32, #tpu.memory_space<vmem>> -> memref<4x128xi32, #tpu.memory_space<vmem>>
      %dma_wait3A_763 = arith.constant 0 : i32
      %dma_wait3A_764 = arith.constant 0 : i32
      %dma_wait3A_765 = tpu.memref_slice %arg6[%dma_wait3A_763, %dma_wait3A_764] : memref<2560x128xi32, #tpu.memory_space<hbm>> -> memref<4x128xi32, #tpu.memory_space<hbm>>
      tpu.wait_dma2 semaphore(%arg21 : memref<!tpu.dma_semaphore, #tpu.memory_space<semaphore_mem>>) src(%dma_wait3A_765 : memref<4x128xi32, #tpu.memory_space<hbm>>) dst(%dma_wait3A_762 : memref<4x128xi32, #tpu.memory_space<vmem>>)
      %dma_start3A_766 = arith.constant 1 : i32
      %dma_start3A_767 = arith.constant 0 : i32
      %dma_start3A_768 = arith.constant 1 : i32
      %dma_start3A_769 = arith.constant 0 : i32
      %dma_start3A_770 = arith.constant 0 : i32
      %dma_start3A_771 = arith.constant 0 : i32
      %dma_start3A_772 = tpu.memref_slice %arg20[%dma_start3A_768, %dma_start3A_769, %dma_start3A_770, %dma_start3A_771] : memref<2x4x128x32xf32, #tpu.memory_space<vmem>> -> memref<1x1x128x32xf32, #tpu.memory_space<vmem>>
      %dma_start3A_773 = tpu.memref_squeeze %dma_start3A_772 : memref<1x1x128x32xf32, #tpu.memory_space<vmem>> -> memref<128x32xf32, #tpu.memory_space<vmem>>
      %dma_start3A_774 = arith.constant 0 : i32
      %dma_start3A_775 = tpu.memref_slice %arg18[%dma_start3A_766, %dma_start3A_767, %dma_start3A_774] : memref<2x4x128xi32, #tpu.memory_space<vmem>> -> memref<1x1x128xi32, #tpu.memory_space<vmem>>
      %dma_start3A_776 = tpu.memref_squeeze %dma_start3A_775 : memref<1x1x128xi32, #tpu.memory_space<vmem>> -> memref<128xi32, #tpu.memory_space<vmem>>
      %dma_start3A_777 = arith.constant 0 : i32
      %dma_start3A_778 = arith.constant 0 : i32
      %dma_start3A_779 = tpu.memref_slice %arg10[%dma_start3A_777, %dma_start3A_778] : memref<10112x32xf32, #tpu.memory_space<vmem_shared>> -> memref<10112x32xf32, #tpu.memory_space<vmem_shared>>
      tpu.enqueue_indirect_dma source(%dma_start3A_779 : memref<10112x32xf32, #tpu.memory_space<vmem_shared>>) target(%dma_start3A_773 : memref<128x32xf32, #tpu.memory_space<vmem>>) offsets(%dma_start3A_776 : memref<128xi32, #tpu.memory_space<vmem>>) semaphore(%arg22 : memref<!tpu.dma_semaphore, #tpu.memory_space<semaphore_mem>>)
      %dma_start3A_780 = arith.constant 1 : i32
      %dma_start3A_781 = arith.constant 1 : i32
      %dma_start3A_782 = arith.constant 1 : i32
      %dma_start3A_783 = arith.constant 1 : i32
      %dma_start3A_784 = arith.constant 0 : i32
      %dma_start3A_785 = arith.constant 0 : i32
      %dma_start3A_786 = tpu.memref_slice %arg20[%dma_start3A_782, %dma_start3A_783, %dma_start3A_784, %dma_start3A_785] : memref<2x4x128x32xf32, #tpu.memory_space<vmem>> -> memref<1x1x128x32xf32, #tpu.memory_space<vmem>>
      %dma_start3A_787 = tpu.memref_squeeze %dma_start3A_786 : memref<1x1x128x32xf32, #tpu.memory_space<vmem>> -> memref<128x32xf32, #tpu.memory_space<vmem>>
      %dma_start3A_788 = arith.constant 0 : i32
      %dma_start3A_789 = tpu.memref_slice %arg18[%dma_start3A_780, %dma_start3A_781, %dma_start3A_788] : memref<2x4x128xi32, #tpu.memory_space<vmem>> -> memref<1x1x128xi32, #tpu.memory_space<vmem>>
      %dma_start3A_790 = tpu.memref_squeeze %dma_start3A_789 : memref<1x1x128xi32, #tpu.memory_space<vmem>> -> memref<128xi32, #tpu.memory_space<vmem>>
      %dma_start3A_791 = arith.constant 0 : i32
      %dma_start3A_792 = arith.constant 0 : i32
      %dma_start3A_793 = tpu.memref_slice %arg10[%dma_start3A_791, %dma_start3A_792] : memref<10112x32xf32, #tpu.memory_space<vmem_shared>> -> memref<10112x32xf32, #tpu.memory_space<vmem_shared>>
      tpu.enqueue_indirect_dma source(%dma_start3A_793 : memref<10112x32xf32, #tpu.memory_space<vmem_shared>>) target(%dma_start3A_787 : memref<128x32xf32, #tpu.memory_space<vmem>>) offsets(%dma_start3A_790 : memref<128xi32, #tpu.memory_space<vmem>>) semaphore(%arg22 : memref<!tpu.dma_semaphore, #tpu.memory_space<semaphore_mem>>)
      %dma_start3A_794 = arith.constant 1 : i32
      %dma_start3A_795 = arith.constant 2 : i32
      %dma_start3A_796 = arith.constant 1 : i32
      %dma_start3A_797 = arith.constant 2 : i32
      %dma_start3A_798 = arith.constant 0 : i32
      %dma_start3A_799 = arith.constant 0 : i32
      %dma_start3A_800 = tpu.memref_slice %arg20[%dma_start3A_796, %dma_start3A_797, %dma_start3A_798, %dma_start3A_799] : memref<2x4x128x32xf32, #tpu.memory_space<vmem>> -> memref<1x1x128x32xf32, #tpu.memory_space<vmem>>
      %dma_start3A_801 = tpu.memref_squeeze %dma_start3A_800 : memref<1x1x128x32xf32, #tpu.memory_space<vmem>> -> memref<128x32xf32, #tpu.memory_space<vmem>>
      %dma_start3A_802 = arith.constant 0 : i32
      %dma_start3A_803 = tpu.memref_slice %arg18[%dma_start3A_794, %dma_start3A_795, %dma_start3A_802] : memref<2x4x128xi32, #tpu.memory_space<vmem>> -> memref<1x1x128xi32, #tpu.memory_space<vmem>>
      %dma_start3A_804 = tpu.memref_squeeze %dma_start3A_803 : memref<1x1x128xi32, #tpu.memory_space<vmem>> -> memref<128xi32, #tpu.memory_space<vmem>>
      %dma_start3A_805 = arith.constant 0 : i32
      %dma_start3A_806 = arith.constant 0 : i32
      %dma_start3A_807 = tpu.memref_slice %arg10[%dma_start3A_805, %dma_start3A_806] : memref<10112x32xf32, #tpu.memory_space<vmem_shared>> -> memref<10112x32xf32, #tpu.memory_space<vmem_shared>>
      tpu.enqueue_indirect_dma source(%dma_start3A_807 : memref<10112x32xf32, #tpu.memory_space<vmem_shared>>) target(%dma_start3A_801 : memref<128x32xf32, #tpu.memory_space<vmem>>) offsets(%dma_start3A_804 : memref<128xi32, #tpu.memory_space<vmem>>) semaphore(%arg22 : memref<!tpu.dma_semaphore, #tpu.memory_space<semaphore_mem>>)
      %dma_start3A_808 = arith.constant 1 : i32
      %dma_start3A_809 = arith.constant 3 : i32
      %dma_start3A_810 = arith.constant 1 : i32
      %dma_start3A_811 = arith.constant 3 : i32
      %dma_start3A_812 = arith.constant 0 : i32
      %dma_start3A_813 = arith.constant 0 : i32
      %dma_start3A_814 = tpu.memref_slice %arg20[%dma_start3A_810, %dma_start3A_811, %dma_start3A_812, %dma_start3A_813] : memref<2x4x128x32xf32, #tpu.memory_space<vmem>> -> memref<1x1x128x32xf32, #tpu.memory_space<vmem>>
      %dma_start3A_815 = tpu.memref_squeeze %dma_start3A_814 : memref<1x1x128x32xf32, #tpu.memory_space<vmem>> -> memref<128x32xf32, #tpu.memory_space<vmem>>
      %dma_start3A_816 = arith.constant 0 : i32
      %dma_start3A_817 = tpu.memref_slice %arg18[%dma_start3A_808, %dma_start3A_809, %dma_start3A_816] : memref<2x4x128xi32, #tpu.memory_space<vmem>> -> memref<1x1x128xi32, #tpu.memory_space<vmem>>
      %dma_start3A_818 = tpu.memref_squeeze %dma_start3A_817 : memref<1x1x128xi32, #tpu.memory_space<vmem>> -> memref<128xi32, #tpu.memory_space<vmem>>
      %dma_start3A_819 = arith.constant 0 : i32
      %dma_start3A_820 = arith.constant 0 : i32
      %dma_start3A_821 = tpu.memref_slice %arg10[%dma_start3A_819, %dma_start3A_820] : memref<10112x32xf32, #tpu.memory_space<vmem_shared>> -> memref<10112x32xf32, #tpu.memory_space<vmem_shared>>
      tpu.enqueue_indirect_dma source(%dma_start3A_821 : memref<10112x32xf32, #tpu.memory_space<vmem_shared>>) target(%dma_start3A_815 : memref<128x32xf32, #tpu.memory_space<vmem>>) offsets(%dma_start3A_818 : memref<128xi32, #tpu.memory_space<vmem>>) semaphore(%arg22 : memref<!tpu.dma_semaphore, #tpu.memory_space<semaphore_mem>>)
      %dma_wait3A_822 = arith.constant 0 : i32
      %dma_wait3A_823 = arith.constant 0 : i32
      %dma_wait3A_824 = arith.constant 0 : i32
      %dma_wait3A_825 = arith.constant 0 : i32
      %dma_wait3A_826 = tpu.memref_slice %arg20[%dma_wait3A_822, %dma_wait3A_823, %dma_wait3A_824, %dma_wait3A_825] : memref<2x4x128x32xf32, #tpu.memory_space<vmem>> -> memref<1x1x128x32xf32, #tpu.memory_space<vmem>>
      %dma_wait3A_827 = tpu.memref_squeeze %dma_wait3A_826 : memref<1x1x128x32xf32, #tpu.memory_space<vmem>> -> memref<128x32xf32, #tpu.memory_space<vmem>>
      %dma_wait3A_828 = arith.constant 0 : i32
      %dma_wait3A_829 = arith.constant 0 : i32
      %dma_wait3A_830 = tpu.memref_slice %arg11[%dma_wait3A_828, %dma_wait3A_829] : memref<10112x32xf32, #tpu.memory_space<vmem_shared>> -> memref<128x32xf32, #tpu.memory_space<vmem_shared>>
      %dma_wait3A_831 = arith.constant 0 : i32
      %dma_wait3A_832 = arith.constant 0 : i32
      %dma_wait3A_833 = tpu.memref_slice %arg11[%dma_wait3A_831, %dma_wait3A_832] : memref<10112x32xf32, #tpu.memory_space<vmem_shared>> -> memref<128x32xf32, #tpu.memory_space<vmem_shared>>
      %dma_wait3A_834 = arith.constant 0 : i32
      %dma_wait3A_835 = arith.constant 0 : i32
      %dma_wait3A_836 = tpu.memref_slice %arg20[%dma_wait3A_822, %dma_wait3A_823, %dma_wait3A_834, %dma_wait3A_835] : memref<2x4x128x32xf32, #tpu.memory_space<vmem>> -> memref<1x1x128x32xf32, #tpu.memory_space<vmem>>
      %dma_wait3A_837 = tpu.memref_squeeze %dma_wait3A_836 : memref<1x1x128x32xf32, #tpu.memory_space<vmem>> -> memref<128x32xf32, #tpu.memory_space<vmem>>
      tpu.wait_dma2 semaphore(%arg23 : memref<!tpu.dma_semaphore, #tpu.memory_space<semaphore_mem>>) src(%dma_wait3A_837 : memref<128x32xf32, #tpu.memory_space<vmem>>) dst(%dma_wait3A_833 : memref<128x32xf32, #tpu.memory_space<vmem_shared>>)
      %dma_wait3A_838 = arith.constant 0 : i32
      %dma_wait3A_839 = arith.constant 1 : i32
      %dma_wait3A_840 = arith.constant 0 : i32
      %dma_wait3A_841 = arith.constant 0 : i32
      %dma_wait3A_842 = tpu.memref_slice %arg20[%dma_wait3A_838, %dma_wait3A_839, %dma_wait3A_840, %dma_wait3A_841] : memref<2x4x128x32xf32, #tpu.memory_space<vmem>> -> memref<1x1x128x32xf32, #tpu.memory_space<vmem>>
      %dma_wait3A_843 = tpu.memref_squeeze %dma_wait3A_842 : memref<1x1x128x32xf32, #tpu.memory_space<vmem>> -> memref<128x32xf32, #tpu.memory_space<vmem>>
      %dma_wait3A_844 = arith.constant 0 : i32
      %dma_wait3A_845 = arith.constant 0 : i32
      %dma_wait3A_846 = tpu.memref_slice %arg11[%dma_wait3A_844, %dma_wait3A_845] : memref<10112x32xf32, #tpu.memory_space<vmem_shared>> -> memref<128x32xf32, #tpu.memory_space<vmem_shared>>
      %dma_wait3A_847 = arith.constant 0 : i32
      %dma_wait3A_848 = arith.constant 0 : i32
      %dma_wait3A_849 = tpu.memref_slice %arg11[%dma_wait3A_847, %dma_wait3A_848] : memref<10112x32xf32, #tpu.memory_space<vmem_shared>> -> memref<128x32xf32, #tpu.memory_space<vmem_shared>>
      %dma_wait3A_850 = arith.constant 0 : i32
      %dma_wait3A_851 = arith.constant 0 : i32
      %dma_wait3A_852 = tpu.memref_slice %arg20[%dma_wait3A_838, %dma_wait3A_839, %dma_wait3A_850, %dma_wait3A_851] : memref<2x4x128x32xf32, #tpu.memory_space<vmem>> -> memref<1x1x128x32xf32, #tpu.memory_space<vmem>>
      %dma_wait3A_853 = tpu.memref_squeeze %dma_wait3A_852 : memref<1x1x128x32xf32, #tpu.memory_space<vmem>> -> memref<128x32xf32, #tpu.memory_space<vmem>>
      tpu.wait_dma2 semaphore(%arg23 : memref<!tpu.dma_semaphore, #tpu.memory_space<semaphore_mem>>) src(%dma_wait3A_853 : memref<128x32xf32, #tpu.memory_space<vmem>>) dst(%dma_wait3A_849 : memref<128x32xf32, #tpu.memory_space<vmem_shared>>)
      %dma_wait3A_854 = arith.constant 0 : i32
      %dma_wait3A_855 = arith.constant 2 : i32
      %dma_wait3A_856 = arith.constant 0 : i32
      %dma_wait3A_857 = arith.constant 0 : i32
      %dma_wait3A_858 = tpu.memref_slice %arg20[%dma_wait3A_854, %dma_wait3A_855, %dma_wait3A_856, %dma_wait3A_857] : memref<2x4x128x32xf32, #tpu.memory_space<vmem>> -> memref<1x1x128x32xf32, #tpu.memory_space<vmem>>
      %dma_wait3A_859 = tpu.memref_squeeze %dma_wait3A_858 : memref<1x1x128x32xf32, #tpu.memory_space<vmem>> -> memref<128x32xf32, #tpu.memory_space<vmem>>
      %dma_wait3A_860 = arith.constant 0 : i32
      %dma_wait3A_861 = arith.constant 0 : i32
      %dma_wait3A_862 = tpu.memref_slice %arg11[%dma_wait3A_860, %dma_wait3A_861] : memref<10112x32xf32, #tpu.memory_space<vmem_shared>> -> memref<128x32xf32, #tpu.memory_space<vmem_shared>>
      %dma_wait3A_863 = arith.constant 0 : i32
      %dma_wait3A_864 = arith.constant 0 : i32
      %dma_wait3A_865 = tpu.memref_slice %arg11[%dma_wait3A_863, %dma_wait3A_864] : memref<10112x32xf32, #tpu.memory_space<vmem_shared>> -> memref<128x32xf32, #tpu.memory_space<vmem_shared>>
      %dma_wait3A_866 = arith.constant 0 : i32
      %dma_wait3A_867 = arith.constant 0 : i32
      %dma_wait3A_868 = tpu.memref_slice %arg20[%dma_wait3A_854, %dma_wait3A_855, %dma_wait3A_866, %dma_wait3A_867] : memref<2x4x128x32xf32, #tpu.memory_space<vmem>> -> memref<1x1x128x32xf32, #tpu.memory_space<vmem>>
      %dma_wait3A_869 = tpu.memref_squeeze %dma_wait3A_868 : memref<1x1x128x32xf32, #tpu.memory_space<vmem>> -> memref<128x32xf32, #tpu.memory_space<vmem>>
      tpu.wait_dma2 semaphore(%arg23 : memref<!tpu.dma_semaphore, #tpu.memory_space<semaphore_mem>>) src(%dma_wait3A_869 : memref<128x32xf32, #tpu.memory_space<vmem>>) dst(%dma_wait3A_865 : memref<128x32xf32, #tpu.memory_space<vmem_shared>>)
      %dma_wait3A_870 = arith.constant 0 : i32
      %dma_wait3A_871 = arith.constant 3 : i32
      %dma_wait3A_872 = arith.constant 0 : i32
      %dma_wait3A_873 = arith.constant 0 : i32
      %dma_wait3A_874 = tpu.memref_slice %arg20[%dma_wait3A_870, %dma_wait3A_871, %dma_wait3A_872, %dma_wait3A_873] : memref<2x4x128x32xf32, #tpu.memory_space<vmem>> -> memref<1x1x128x32xf32, #tpu.memory_space<vmem>>
      %dma_wait3A_875 = tpu.memref_squeeze %dma_wait3A_874 : memref<1x1x128x32xf32, #tpu.memory_space<vmem>> -> memref<128x32xf32, #tpu.memory_space<vmem>>
      %dma_wait3A_876 = arith.constant 0 : i32
      %dma_wait3A_877 = arith.constant 0 : i32
      %dma_wait3A_878 = tpu.memref_slice %arg11[%dma_wait3A_876, %dma_wait3A_877] : memref<10112x32xf32, #tpu.memory_space<vmem_shared>> -> memref<128x32xf32, #tpu.memory_space<vmem_shared>>
      %dma_wait3A_879 = arith.constant 0 : i32
      %dma_wait3A_880 = arith.constant 0 : i32
      %dma_wait3A_881 = tpu.memref_slice %arg11[%dma_wait3A_879, %dma_wait3A_880] : memref<10112x32xf32, #tpu.memory_space<vmem_shared>> -> memref<128x32xf32, #tpu.memory_space<vmem_shared>>
      %dma_wait3A_882 = arith.constant 0 : i32
      %dma_wait3A_883 = arith.constant 0 : i32
      %dma_wait3A_884 = tpu.memref_slice %arg20[%dma_wait3A_870, %dma_wait3A_871, %dma_wait3A_882, %dma_wait3A_883] : memref<2x4x128x32xf32, #tpu.memory_space<vmem>> -> memref<1x1x128x32xf32, #tpu.memory_space<vmem>>
      %dma_wait3A_885 = tpu.memref_squeeze %dma_wait3A_884 : memref<1x1x128x32xf32, #tpu.memory_space<vmem>> -> memref<128x32xf32, #tpu.memory_space<vmem>>
      tpu.wait_dma2 semaphore(%arg23 : memref<!tpu.dma_semaphore, #tpu.memory_space<semaphore_mem>>) src(%dma_wait3A_885 : memref<128x32xf32, #tpu.memory_space<vmem>>) dst(%dma_wait3A_881 : memref<128x32xf32, #tpu.memory_space<vmem_shared>>)
      %convert_element_type3A_886 = arith.extui %lt3A_735 : i1 to i32
      %cond3A_887 = arith.constant 0 : i32
      %cond3A_888 = arith.cmpi ne, %convert_element_type3A_886, %cond3A_887 : i32
      scf.if %cond3A_888 {
        %add3A_1001 = arith.constant 1 : i32
        %add3A_1002 = arith.addi %add3A_731, %add3A_1001 : i32
        %mul3A_1003 = arith.constant 80 : i32
        %mul3A_1004 = arith.muli %add3A, %mul3A_1003 : i32
        %mul3A_1005 = arith.constant 4 : i32
        %mul3A_1006 = arith.muli %add3A_1002, %mul3A_1005 : i32
        %add3A_1007 = arith.addi %mul3A_1004, %mul3A_1006 : i32
        %dma_start3A_1008 = arith.constant 0 : i32
        %dma_start3A_1009 = arith.constant 0 : i32
        %dma_start3A_1010 = arith.constant 0 : i32
        %dma_start3A_1011 = tpu.memref_slice %arg18[%dma_start3A_1008, %dma_start3A_1009, %dma_start3A_1010] : memref<2x4x128xi32, #tpu.memory_space<vmem>> -> memref<1x4x128xi32, #tpu.memory_space<vmem>>
        %dma_start3A_1012 = tpu.memref_squeeze %dma_start3A_1011 : memref<1x4x128xi32, #tpu.memory_space<vmem>> -> memref<4x128xi32, #tpu.memory_space<vmem>>
        %dma_start3A_1013 = arith.constant 0 : i32
        %dma_start3A_1014 = tpu.memref_slice %arg5[%add3A_1007, %dma_start3A_1013] : memref<2560x128xi32, #tpu.memory_space<hbm>> -> memref<4x128xi32, #tpu.memory_space<hbm>>
        %dma_start3A_1015 = arith.constant 0 : i32
        %dma_start3A_1016 = arith.constant 0 : i32
        %dma_start3A_1017 = tpu.memref_slice %arg18[%dma_start3A_1008, %dma_start3A_1015, %dma_start3A_1016] : memref<2x4x128xi32, #tpu.memory_space<vmem>> -> memref<1x4x128xi32, #tpu.memory_space<vmem>>
        %dma_start3A_1018 = tpu.memref_squeeze %dma_start3A_1017 : memref<1x4x128xi32, #tpu.memory_space<vmem>> -> memref<4x128xi32, #tpu.memory_space<vmem>>
        %dma_start3A_1019 = arith.constant 0 : i32
        %dma_start3A_1020 = tpu.memref_slice %arg5[%add3A_1007, %dma_start3A_1019] : memref<2560x128xi32, #tpu.memory_space<hbm>> -> memref<4x128xi32, #tpu.memory_space<hbm>>
        tpu.enqueue_dma source(%dma_start3A_1020 : memref<4x128xi32, #tpu.memory_space<hbm>>) target(%dma_start3A_1018 : memref<4x128xi32, #tpu.memory_space<vmem>>) target_semaphore(%arg21 : memref<!tpu.dma_semaphore, #tpu.memory_space<semaphore_mem>>)
        %dma_start3A_1021 = arith.constant 0 : i32
        %dma_start3A_1022 = arith.constant 0 : i32
        %dma_start3A_1023 = arith.constant 0 : i32
        %dma_start3A_1024 = tpu.memref_slice %arg19[%dma_start3A_1021, %dma_start3A_1022, %dma_start3A_1023] : memref<2x4x128xi32, #tpu.memory_space<vmem>> -> memref<1x4x128xi32, #tpu.memory_space<vmem>>
        %dma_start3A_1025 = tpu.memref_squeeze %dma_start3A_1024 : memref<1x4x128xi32, #tpu.memory_space<vmem>> -> memref<4x128xi32, #tpu.memory_space<vmem>>
        %dma_start3A_1026 = arith.constant 0 : i32
        %dma_start3A_1027 = tpu.memref_slice %arg6[%add3A_1007, %dma_start3A_1026] : memref<2560x128xi32, #tpu.memory_space<hbm>> -> memref<4x128xi32, #tpu.memory_space<hbm>>
        %dma_start3A_1028 = arith.constant 0 : i32
        %dma_start3A_1029 = arith.constant 0 : i32
        %dma_start3A_1030 = tpu.memref_slice %arg19[%dma_start3A_1021, %dma_start3A_1028, %dma_start3A_1029] : memref<2x4x128xi32, #tpu.memory_space<vmem>> -> memref<1x4x128xi32, #tpu.memory_space<vmem>>
        %dma_start3A_1031 = tpu.memref_squeeze %dma_start3A_1030 : memref<1x4x128xi32, #tpu.memory_space<vmem>> -> memref<4x128xi32, #tpu.memory_space<vmem>>
        %dma_start3A_1032 = arith.constant 0 : i32
        %dma_start3A_1033 = tpu.memref_slice %arg6[%add3A_1007, %dma_start3A_1032] : memref<2560x128xi32, #tpu.memory_space<hbm>> -> memref<4x128xi32, #tpu.memory_space<hbm>>
        tpu.enqueue_dma source(%dma_start3A_1033 : memref<4x128xi32, #tpu.memory_space<hbm>>) target(%dma_start3A_1031 : memref<4x128xi32, #tpu.memory_space<vmem>>) target_semaphore(%arg21 : memref<!tpu.dma_semaphore, #tpu.memory_space<semaphore_mem>>)
      } else {
      }
      %dma_wait3A_889 = arith.constant 1 : i32
      %dma_wait3A_890 = arith.constant 0 : i32
      %dma_wait3A_891 = arith.constant 1 : i32
      %dma_wait3A_892 = arith.constant 0 : i32
      %dma_wait3A_893 = arith.constant 0 : i32
      %dma_wait3A_894 = arith.constant 0 : i32
      %dma_wait3A_895 = tpu.memref_slice %arg20[%dma_wait3A_891, %dma_wait3A_892, %dma_wait3A_893, %dma_wait3A_894] : memref<2x4x128x32xf32, #tpu.memory_space<vmem>> -> memref<1x1x128x32xf32, #tpu.memory_space<vmem>>
      %dma_wait3A_896 = tpu.memref_squeeze %dma_wait3A_895 : memref<1x1x128x32xf32, #tpu.memory_space<vmem>> -> memref<128x32xf32, #tpu.memory_space<vmem>>
      %dma_wait3A_897 = arith.constant 0 : i32
      %dma_wait3A_898 = tpu.memref_slice %arg18[%dma_wait3A_889, %dma_wait3A_890, %dma_wait3A_897] : memref<2x4x128xi32, #tpu.memory_space<vmem>> -> memref<1x1x128xi32, #tpu.memory_space<vmem>>
      %dma_wait3A_899 = tpu.memref_squeeze %dma_wait3A_898 : memref<1x1x128xi32, #tpu.memory_space<vmem>> -> memref<128xi32, #tpu.memory_space<vmem>>
      %dma_wait3A_900 = arith.constant 0 : i32
      %dma_wait3A_901 = arith.constant 0 : i32
      %dma_wait3A_902 = tpu.memref_slice %arg10[%dma_wait3A_900, %dma_wait3A_901] : memref<10112x32xf32, #tpu.memory_space<vmem_shared>> -> memref<10112x32xf32, #tpu.memory_space<vmem_shared>>
      tpu.wait_indirect_dma semaphore(%arg22 : memref<!tpu.dma_semaphore, #tpu.memory_space<semaphore_mem>>) src(%dma_wait3A_902 : memref<10112x32xf32, #tpu.memory_space<vmem_shared>>) dst(%dma_wait3A_896 : memref<128x32xf32, #tpu.memory_space<vmem>>)
      %dma_wait3A_903 = arith.constant 1 : i32
      %dma_wait3A_904 = arith.constant 1 : i32
      %dma_wait3A_905 = arith.constant 1 : i32
      %dma_wait3A_906 = arith.constant 1 : i32
      %dma_wait3A_907 = arith.constant 0 : i32
      %dma_wait3A_908 = arith.constant 0 : i32
      %dma_wait3A_909 = tpu.memref_slice %arg20[%dma_wait3A_905, %dma_wait3A_906, %dma_wait3A_907, %dma_wait3A_908] : memref<2x4x128x32xf32, #tpu.memory_space<vmem>> -> memref<1x1x128x32xf32, #tpu.memory_space<vmem>>
      %dma_wait3A_910 = tpu.memref_squeeze %dma_wait3A_909 : memref<1x1x128x32xf32, #tpu.memory_space<vmem>> -> memref<128x32xf32, #tpu.memory_space<vmem>>
      %dma_wait3A_911 = arith.constant 0 : i32
      %dma_wait3A_912 = tpu.memref_slice %arg18[%dma_wait3A_903, %dma_wait3A_904, %dma_wait3A_911] : memref<2x4x128xi32, #tpu.memory_space<vmem>> -> memref<1x1x128xi32, #tpu.memory_space<vmem>>
      %dma_wait3A_913 = tpu.memref_squeeze %dma_wait3A_912 : memref<1x1x128xi32, #tpu.memory_space<vmem>> -> memref<128xi32, #tpu.memory_space<vmem>>
      %dma_wait3A_914 = arith.constant 0 : i32
      %dma_wait3A_915 = arith.constant 0 : i32
      %dma_wait3A_916 = tpu.memref_slice %arg10[%dma_wait3A_914, %dma_wait3A_915] : memref<10112x32xf32, #tpu.memory_space<vmem_shared>> -> memref<10112x32xf32, #tpu.memory_space<vmem_shared>>
      tpu.wait_indirect_dma semaphore(%arg22 : memref<!tpu.dma_semaphore, #tpu.memory_space<semaphore_mem>>) src(%dma_wait3A_916 : memref<10112x32xf32, #tpu.memory_space<vmem_shared>>) dst(%dma_wait3A_910 : memref<128x32xf32, #tpu.memory_space<vmem>>)
      %dma_wait3A_917 = arith.constant 1 : i32
      %dma_wait3A_918 = arith.constant 2 : i32
      %dma_wait3A_919 = arith.constant 1 : i32
      %dma_wait3A_920 = arith.constant 2 : i32
      %dma_wait3A_921 = arith.constant 0 : i32
      %dma_wait3A_922 = arith.constant 0 : i32
      %dma_wait3A_923 = tpu.memref_slice %arg20[%dma_wait3A_919, %dma_wait3A_920, %dma_wait3A_921, %dma_wait3A_922] : memref<2x4x128x32xf32, #tpu.memory_space<vmem>> -> memref<1x1x128x32xf32, #tpu.memory_space<vmem>>
      %dma_wait3A_924 = tpu.memref_squeeze %dma_wait3A_923 : memref<1x1x128x32xf32, #tpu.memory_space<vmem>> -> memref<128x32xf32, #tpu.memory_space<vmem>>
      %dma_wait3A_925 = arith.constant 0 : i32
      %dma_wait3A_926 = tpu.memref_slice %arg18[%dma_wait3A_917, %dma_wait3A_918, %dma_wait3A_925] : memref<2x4x128xi32, #tpu.memory_space<vmem>> -> memref<1x1x128xi32, #tpu.memory_space<vmem>>
      %dma_wait3A_927 = tpu.memref_squeeze %dma_wait3A_926 : memref<1x1x128xi32, #tpu.memory_space<vmem>> -> memref<128xi32, #tpu.memory_space<vmem>>
      %dma_wait3A_928 = arith.constant 0 : i32
      %dma_wait3A_929 = arith.constant 0 : i32
      %dma_wait3A_930 = tpu.memref_slice %arg10[%dma_wait3A_928, %dma_wait3A_929] : memref<10112x32xf32, #tpu.memory_space<vmem_shared>> -> memref<10112x32xf32, #tpu.memory_space<vmem_shared>>
      tpu.wait_indirect_dma semaphore(%arg22 : memref<!tpu.dma_semaphore, #tpu.memory_space<semaphore_mem>>) src(%dma_wait3A_930 : memref<10112x32xf32, #tpu.memory_space<vmem_shared>>) dst(%dma_wait3A_924 : memref<128x32xf32, #tpu.memory_space<vmem>>)
      %dma_wait3A_931 = arith.constant 1 : i32
      %dma_wait3A_932 = arith.constant 3 : i32
      %dma_wait3A_933 = arith.constant 1 : i32
      %dma_wait3A_934 = arith.constant 3 : i32
      %dma_wait3A_935 = arith.constant 0 : i32
      %dma_wait3A_936 = arith.constant 0 : i32
      %dma_wait3A_937 = tpu.memref_slice %arg20[%dma_wait3A_933, %dma_wait3A_934, %dma_wait3A_935, %dma_wait3A_936] : memref<2x4x128x32xf32, #tpu.memory_space<vmem>> -> memref<1x1x128x32xf32, #tpu.memory_space<vmem>>
      %dma_wait3A_938 = tpu.memref_squeeze %dma_wait3A_937 : memref<1x1x128x32xf32, #tpu.memory_space<vmem>> -> memref<128x32xf32, #tpu.memory_space<vmem>>
      %dma_wait3A_939 = arith.constant 0 : i32
      %dma_wait3A_940 = tpu.memref_slice %arg18[%dma_wait3A_931, %dma_wait3A_932, %dma_wait3A_939] : memref<2x4x128xi32, #tpu.memory_space<vmem>> -> memref<1x1x128xi32, #tpu.memory_space<vmem>>
      %dma_wait3A_941 = tpu.memref_squeeze %dma_wait3A_940 : memref<1x1x128xi32, #tpu.memory_space<vmem>> -> memref<128xi32, #tpu.memory_space<vmem>>
      %dma_wait3A_942 = arith.constant 0 : i32
      %dma_wait3A_943 = arith.constant 0 : i32
      %dma_wait3A_944 = tpu.memref_slice %arg10[%dma_wait3A_942, %dma_wait3A_943] : memref<10112x32xf32, #tpu.memory_space<vmem_shared>> -> memref<10112x32xf32, #tpu.memory_space<vmem_shared>>
      tpu.wait_indirect_dma semaphore(%arg22 : memref<!tpu.dma_semaphore, #tpu.memory_space<semaphore_mem>>) src(%dma_wait3A_944 : memref<10112x32xf32, #tpu.memory_space<vmem_shared>>) dst(%dma_wait3A_938 : memref<128x32xf32, #tpu.memory_space<vmem>>)
      %dma_start3A_945 = arith.constant 1 : i32
      %dma_start3A_946 = arith.constant 0 : i32
      %dma_start3A_947 = arith.constant 1 : i32
      %dma_start3A_948 = arith.constant 0 : i32
      %dma_start3A_949 = arith.constant 0 : i32
      %dma_start3A_950 = arith.constant 0 : i32
      %dma_start3A_951 = tpu.memref_slice %arg20[%dma_start3A_945, %dma_start3A_946, %dma_start3A_949, %dma_start3A_950] : memref<2x4x128x32xf32, #tpu.memory_space<vmem>> -> memref<1x1x128x32xf32, #tpu.memory_space<vmem>>
      %dma_start3A_952 = tpu.memref_squeeze %dma_start3A_951 : memref<1x1x128x32xf32, #tpu.memory_space<vmem>> -> memref<128x32xf32, #tpu.memory_space<vmem>>
      %dma_start3A_953 = arith.constant 0 : i32
      %dma_start3A_954 = tpu.memref_slice %arg19[%dma_start3A_947, %dma_start3A_948, %dma_start3A_953] : memref<2x4x128xi32, #tpu.memory_space<vmem>> -> memref<1x1x128xi32, #tpu.memory_space<vmem>>
      %dma_start3A_955 = tpu.memref_squeeze %dma_start3A_954 : memref<1x1x128xi32, #tpu.memory_space<vmem>> -> memref<128xi32, #tpu.memory_space<vmem>>
      %dma_start3A_956 = arith.constant 0 : i32
      %dma_start3A_957 = arith.constant 0 : i32
      %dma_start3A_958 = tpu.memref_slice %arg11[%dma_start3A_956, %dma_start3A_957] : memref<10112x32xf32, #tpu.memory_space<vmem_shared>> -> memref<10112x32xf32, #tpu.memory_space<vmem_shared>>
      tpu.enqueue_indirect_dma source(%dma_start3A_952 : memref<128x32xf32, #tpu.memory_space<vmem>>) target(%dma_start3A_958 : memref<10112x32xf32, #tpu.memory_space<vmem_shared>>) offsets(%dma_start3A_955 : memref<128xi32, #tpu.memory_space<vmem>>) semaphore(%arg24 : memref<!tpu.dma_semaphore, #tpu.memory_space<semaphore_mem>>) {add = true}
      %dma_start3A_959 = arith.constant 1 : i32
      %dma_start3A_960 = arith.constant 1 : i32
      %dma_start3A_961 = arith.constant 1 : i32
      %dma_start3A_962 = arith.constant 1 : i32
      %dma_start3A_963 = arith.constant 0 : i32
      %dma_start3A_964 = arith.constant 0 : i32
      %dma_start3A_965 = tpu.memref_slice %arg20[%dma_start3A_959, %dma_start3A_960, %dma_start3A_963, %dma_start3A_964] : memref<2x4x128x32xf32, #tpu.memory_space<vmem>> -> memref<1x1x128x32xf32, #tpu.memory_space<vmem>>
      %dma_start3A_966 = tpu.memref_squeeze %dma_start3A_965 : memref<1x1x128x32xf32, #tpu.memory_space<vmem>> -> memref<128x32xf32, #tpu.memory_space<vmem>>
      %dma_start3A_967 = arith.constant 0 : i32
      %dma_start3A_968 = tpu.memref_slice %arg19[%dma_start3A_961, %dma_start3A_962, %dma_start3A_967] : memref<2x4x128xi32, #tpu.memory_space<vmem>> -> memref<1x1x128xi32, #tpu.memory_space<vmem>>
      %dma_start3A_969 = tpu.memref_squeeze %dma_start3A_968 : memref<1x1x128xi32, #tpu.memory_space<vmem>> -> memref<128xi32, #tpu.memory_space<vmem>>
      %dma_start3A_970 = arith.constant 0 : i32
      %dma_start3A_971 = arith.constant 0 : i32
      %dma_start3A_972 = tpu.memref_slice %arg11[%dma_start3A_970, %dma_start3A_971] : memref<10112x32xf32, #tpu.memory_space<vmem_shared>> -> memref<10112x32xf32, #tpu.memory_space<vmem_shared>>
      tpu.enqueue_indirect_dma source(%dma_start3A_966 : memref<128x32xf32, #tpu.memory_space<vmem>>) target(%dma_start3A_972 : memref<10112x32xf32, #tpu.memory_space<vmem_shared>>) offsets(%dma_start3A_969 : memref<128xi32, #tpu.memory_space<vmem>>) semaphore(%arg24 : memref<!tpu.dma_semaphore, #tpu.memory_space<semaphore_mem>>) {add = true}
      %dma_start3A_973 = arith.constant 1 : i32
      %dma_start3A_974 = arith.constant 2 : i32
      %dma_start3A_975 = arith.constant 1 : i32
      %dma_start3A_976 = arith.constant 2 : i32
      %dma_start3A_977 = arith.constant 0 : i32
      %dma_start3A_978 = arith.constant 0 : i32
      %dma_start3A_979 = tpu.memref_slice %arg20[%dma_start3A_973, %dma_start3A_974, %dma_start3A_977, %dma_start3A_978] : memref<2x4x128x32xf32, #tpu.memory_space<vmem>> -> memref<1x1x128x32xf32, #tpu.memory_space<vmem>>
      %dma_start3A_980 = tpu.memref_squeeze %dma_start3A_979 : memref<1x1x128x32xf32, #tpu.memory_space<vmem>> -> memref<128x32xf32, #tpu.memory_space<vmem>>
      %dma_start3A_981 = arith.constant 0 : i32
      %dma_start3A_982 = tpu.memref_slice %arg19[%dma_start3A_975, %dma_start3A_976, %dma_start3A_981] : memref<2x4x128xi32, #tpu.memory_space<vmem>> -> memref<1x1x128xi32, #tpu.memory_space<vmem>>
      %dma_start3A_983 = tpu.memref_squeeze %dma_start3A_982 : memref<1x1x128xi32, #tpu.memory_space<vmem>> -> memref<128xi32, #tpu.memory_space<vmem>>
      %dma_start3A_984 = arith.constant 0 : i32
      %dma_start3A_985 = arith.constant 0 : i32
      %dma_start3A_986 = tpu.memref_slice %arg11[%dma_start3A_984, %dma_start3A_985] : memref<10112x32xf32, #tpu.memory_space<vmem_shared>> -> memref<10112x32xf32, #tpu.memory_space<vmem_shared>>
      tpu.enqueue_indirect_dma source(%dma_start3A_980 : memref<128x32xf32, #tpu.memory_space<vmem>>) target(%dma_start3A_986 : memref<10112x32xf32, #tpu.memory_space<vmem_shared>>) offsets(%dma_start3A_983 : memref<128xi32, #tpu.memory_space<vmem>>) semaphore(%arg24 : memref<!tpu.dma_semaphore, #tpu.memory_space<semaphore_mem>>) {add = true}
      %dma_start3A_987 = arith.constant 1 : i32
      %dma_start3A_988 = arith.constant 3 : i32
      %dma_start3A_989 = arith.constant 1 : i32
      %dma_start3A_990 = arith.constant 3 : i32
      %dma_start3A_991 = arith.constant 0 : i32
      %dma_start3A_992 = arith.constant 0 : i32
      %dma_start3A_993 = tpu.memref_slice %arg20[%dma_start3A_987, %dma_start3A_988, %dma_start3A_991, %dma_start3A_992] : memref<2x4x128x32xf32, #tpu.memory_space<vmem>> -> memref<1x1x128x32xf32, #tpu.memory_space<vmem>>
      %dma_start3A_994 = tpu.memref_squeeze %dma_start3A_993 : memref<1x1x128x32xf32, #tpu.memory_space<vmem>> -> memref<128x32xf32, #tpu.memory_space<vmem>>
      %dma_start3A_995 = arith.constant 0 : i32
      %dma_start3A_996 = tpu.memref_slice %arg19[%dma_start3A_989, %dma_start3A_990, %dma_start3A_995] : memref<2x4x128xi32, #tpu.memory_space<vmem>> -> memref<1x1x128xi32, #tpu.memory_space<vmem>>
      %dma_start3A_997 = tpu.memref_squeeze %dma_start3A_996 : memref<1x1x128xi32, #tpu.memory_space<vmem>> -> memref<128xi32, #tpu.memory_space<vmem>>
      %dma_start3A_998 = arith.constant 0 : i32
      %dma_start3A_999 = arith.constant 0 : i32
      %dma_start3A_1000 = tpu.memref_slice %arg11[%dma_start3A_998, %dma_start3A_999] : memref<10112x32xf32, #tpu.memory_space<vmem_shared>> -> memref<10112x32xf32, #tpu.memory_space<vmem_shared>>
      tpu.enqueue_indirect_dma source(%dma_start3A_994 : memref<128x32xf32, #tpu.memory_space<vmem>>) target(%dma_start3A_1000 : memref<10112x32xf32, #tpu.memory_space<vmem_shared>>) offsets(%dma_start3A_997 : memref<128xi32, #tpu.memory_space<vmem>>) semaphore(%arg24 : memref<!tpu.dma_semaphore, #tpu.memory_space<semaphore_mem>>) {add = true}
    }
    %scan3A_453 = arith.constant 10 : i32
    %dma_wait3A_454 = arith.constant 0 : i32
    %dma_wait3A_455 = arith.constant 0 : i32
    %dma_wait3A_456 = arith.constant 0 : i32
    %dma_wait3A_457 = arith.constant 0 : i32
    %dma_wait3A_458 = tpu.memref_slice %arg20[%dma_wait3A_454, %dma_wait3A_455, %dma_wait3A_456, %dma_wait3A_457] : memref<2x4x128x32xf32, #tpu.memory_space<vmem>> -> memref<1x1x128x32xf32, #tpu.memory_space<vmem>>
    %dma_wait3A_459 = tpu.memref_squeeze %dma_wait3A_458 : memref<1x1x128x32xf32, #tpu.memory_space<vmem>> -> memref<128x32xf32, #tpu.memory_space<vmem>>
    %dma_wait3A_460 = arith.constant 0 : i32
    %dma_wait3A_461 = arith.constant 0 : i32
    %dma_wait3A_462 = tpu.memref_slice %arg11[%dma_wait3A_460, %dma_wait3A_461] : memref<10112x32xf32, #tpu.memory_space<vmem_shared>> -> memref<128x32xf32, #tpu.memory_space<vmem_shared>>
    %dma_wait3A_463 = arith.constant 0 : i32
    %dma_wait3A_464 = arith.constant 0 : i32
    %dma_wait3A_465 = tpu.memref_slice %arg11[%dma_wait3A_463, %dma_wait3A_464] : memref<10112x32xf32, #tpu.memory_space<vmem_shared>> -> memref<128x32xf32, #tpu.memory_space<vmem_shared>>
    %dma_wait3A_466 = arith.constant 0 : i32
    %dma_wait3A_467 = arith.constant 0 : i32
    %dma_wait3A_468 = tpu.memref_slice %arg20[%dma_wait3A_454, %dma_wait3A_455, %dma_wait3A_466, %dma_wait3A_467] : memref<2x4x128x32xf32, #tpu.memory_space<vmem>> -> memref<1x1x128x32xf32, #tpu.memory_space<vmem>>
    %dma_wait3A_469 = tpu.memref_squeeze %dma_wait3A_468 : memref<1x1x128x32xf32, #tpu.memory_space<vmem>> -> memref<128x32xf32, #tpu.memory_space<vmem>>
    tpu.wait_dma2 semaphore(%arg24 : memref<!tpu.dma_semaphore, #tpu.memory_space<semaphore_mem>>) src(%dma_wait3A_469 : memref<128x32xf32, #tpu.memory_space<vmem>>) dst(%dma_wait3A_465 : memref<128x32xf32, #tpu.memory_space<vmem_shared>>)
    %dma_wait3A_470 = arith.constant 0 : i32
    %dma_wait3A_471 = arith.constant 1 : i32
    %dma_wait3A_472 = arith.constant 0 : i32
    %dma_wait3A_473 = arith.constant 0 : i32
    %dma_wait3A_474 = tpu.memref_slice %arg20[%dma_wait3A_470, %dma_wait3A_471, %dma_wait3A_472, %dma_wait3A_473] : memref<2x4x128x32xf32, #tpu.memory_space<vmem>> -> memref<1x1x128x32xf32, #tpu.memory_space<vmem>>
    %dma_wait3A_475 = tpu.memref_squeeze %dma_wait3A_474 : memref<1x1x128x32xf32, #tpu.memory_space<vmem>> -> memref<128x32xf32, #tpu.memory_space<vmem>>
    %dma_wait3A_476 = arith.constant 0 : i32
    %dma_wait3A_477 = arith.constant 0 : i32
    %dma_wait3A_478 = tpu.memref_slice %arg11[%dma_wait3A_476, %dma_wait3A_477] : memref<10112x32xf32, #tpu.memory_space<vmem_shared>> -> memref<128x32xf32, #tpu.memory_space<vmem_shared>>
    %dma_wait3A_479 = arith.constant 0 : i32
    %dma_wait3A_480 = arith.constant 0 : i32
    %dma_wait3A_481 = tpu.memref_slice %arg11[%dma_wait3A_479, %dma_wait3A_480] : memref<10112x32xf32, #tpu.memory_space<vmem_shared>> -> memref<128x32xf32, #tpu.memory_space<vmem_shared>>
    %dma_wait3A_482 = arith.constant 0 : i32
    %dma_wait3A_483 = arith.constant 0 : i32
    %dma_wait3A_484 = tpu.memref_slice %arg20[%dma_wait3A_470, %dma_wait3A_471, %dma_wait3A_482, %dma_wait3A_483] : memref<2x4x128x32xf32, #tpu.memory_space<vmem>> -> memref<1x1x128x32xf32, #tpu.memory_space<vmem>>
    %dma_wait3A_485 = tpu.memref_squeeze %dma_wait3A_484 : memref<1x1x128x32xf32, #tpu.memory_space<vmem>> -> memref<128x32xf32, #tpu.memory_space<vmem>>
    tpu.wait_dma2 semaphore(%arg24 : memref<!tpu.dma_semaphore, #tpu.memory_space<semaphore_mem>>) src(%dma_wait3A_485 : memref<128x32xf32, #tpu.memory_space<vmem>>) dst(%dma_wait3A_481 : memref<128x32xf32, #tpu.memory_space<vmem_shared>>)
    %dma_wait3A_486 = arith.constant 0 : i32
    %dma_wait3A_487 = arith.constant 2 : i32
    %dma_wait3A_488 = arith.constant 0 : i32
    %dma_wait3A_489 = arith.constant 0 : i32
    %dma_wait3A_490 = tpu.memref_slice %arg20[%dma_wait3A_486, %dma_wait3A_487, %dma_wait3A_488, %dma_wait3A_489] : memref<2x4x128x32xf32, #tpu.memory_space<vmem>> -> memref<1x1x128x32xf32, #tpu.memory_space<vmem>>
    %dma_wait3A_491 = tpu.memref_squeeze %dma_wait3A_490 : memref<1x1x128x32xf32, #tpu.memory_space<vmem>> -> memref<128x32xf32, #tpu.memory_space<vmem>>
    %dma_wait3A_492 = arith.constant 0 : i32
    %dma_wait3A_493 = arith.constant 0 : i32
    %dma_wait3A_494 = tpu.memref_slice %arg11[%dma_wait3A_492, %dma_wait3A_493] : memref<10112x32xf32, #tpu.memory_space<vmem_shared>> -> memref<128x32xf32, #tpu.memory_space<vmem_shared>>
    %dma_wait3A_495 = arith.constant 0 : i32
    %dma_wait3A_496 = arith.constant 0 : i32
    %dma_wait3A_497 = tpu.memref_slice %arg11[%dma_wait3A_495, %dma_wait3A_496] : memref<10112x32xf32, #tpu.memory_space<vmem_shared>> -> memref<128x32xf32, #tpu.memory_space<vmem_shared>>
    %dma_wait3A_498 = arith.constant 0 : i32
    %dma_wait3A_499 = arith.constant 0 : i32
    %dma_wait3A_500 = tpu.memref_slice %arg20[%dma_wait3A_486, %dma_wait3A_487, %dma_wait3A_498, %dma_wait3A_499] : memref<2x4x128x32xf32, #tpu.memory_space<vmem>> -> memref<1x1x128x32xf32, #tpu.memory_space<vmem>>
    %dma_wait3A_501 = tpu.memref_squeeze %dma_wait3A_500 : memref<1x1x128x32xf32, #tpu.memory_space<vmem>> -> memref<128x32xf32, #tpu.memory_space<vmem>>
    tpu.wait_dma2 semaphore(%arg24 : memref<!tpu.dma_semaphore, #tpu.memory_space<semaphore_mem>>) src(%dma_wait3A_501 : memref<128x32xf32, #tpu.memory_space<vmem>>) dst(%dma_wait3A_497 : memref<128x32xf32, #tpu.memory_space<vmem_shared>>)
    %dma_wait3A_502 = arith.constant 0 : i32
    %dma_wait3A_503 = arith.constant 3 : i32
    %dma_wait3A_504 = arith.constant 0 : i32
    %dma_wait3A_505 = arith.constant 0 : i32
    %dma_wait3A_506 = tpu.memref_slice %arg20[%dma_wait3A_502, %dma_wait3A_503, %dma_wait3A_504, %dma_wait3A_505] : memref<2x4x128x32xf32, #tpu.memory_space<vmem>> -> memref<1x1x128x32xf32, #tpu.memory_space<vmem>>
    %dma_wait3A_507 = tpu.memref_squeeze %dma_wait3A_506 : memref<1x1x128x32xf32, #tpu.memory_space<vmem>> -> memref<128x32xf32, #tpu.memory_space<vmem>>
    %dma_wait3A_508 = arith.constant 0 : i32
    %dma_wait3A_509 = arith.constant 0 : i32
    %dma_wait3A_510 = tpu.memref_slice %arg11[%dma_wait3A_508, %dma_wait3A_509] : memref<10112x32xf32, #tpu.memory_space<vmem_shared>> -> memref<128x32xf32, #tpu.memory_space<vmem_shared>>
    %dma_wait3A_511 = arith.constant 0 : i32
    %dma_wait3A_512 = arith.constant 0 : i32
    %dma_wait3A_513 = tpu.memref_slice %arg11[%dma_wait3A_511, %dma_wait3A_512] : memref<10112x32xf32, #tpu.memory_space<vmem_shared>> -> memref<128x32xf32, #tpu.memory_space<vmem_shared>>
    %dma_wait3A_514 = arith.constant 0 : i32
    %dma_wait3A_515 = arith.constant 0 : i32
    %dma_wait3A_516 = tpu.memref_slice %arg20[%dma_wait3A_502, %dma_wait3A_503, %dma_wait3A_514, %dma_wait3A_515] : memref<2x4x128x32xf32, #tpu.memory_space<vmem>> -> memref<1x1x128x32xf32, #tpu.memory_space<vmem>>
    %dma_wait3A_517 = tpu.memref_squeeze %dma_wait3A_516 : memref<1x1x128x32xf32, #tpu.memory_space<vmem>> -> memref<128x32xf32, #tpu.memory_space<vmem>>
    tpu.wait_dma2 semaphore(%arg24 : memref<!tpu.dma_semaphore, #tpu.memory_space<semaphore_mem>>) src(%dma_wait3A_517 : memref<128x32xf32, #tpu.memory_space<vmem>>) dst(%dma_wait3A_513 : memref<128x32xf32, #tpu.memory_space<vmem_shared>>)
    %barrier3A_518 = arith.constant 0 : index
    tpu.barrier barrier_id(%barrier3A_518)
    "tpu.region"() ({
      %run_scoped3A = tpu.sem_alloc : memref<!tpu.dma_semaphore, #tpu.memory_space<semaphore_mem>>
      %dma_start3A_519 = arith.constant 0 : i32
      %dma_start3A_520 = tpu.memref_slice %arg8[%arg0, %mul3A_31, %dma_start3A_519] : memref<2x10112x32xf32, #tpu.memory_space<hbm>> -> memref<1x632x32xf32, #tpu.memory_space<hbm>>
      %dma_start3A_521 = tpu.memref_squeeze %dma_start3A_520 : memref<1x632x32xf32, #tpu.memory_space<hbm>> -> memref<632x32xf32, #tpu.memory_space<hbm>>
      %dma_start3A_522 = arith.constant 0 : i32
      %dma_start3A_523 = tpu.memref_slice %arg11[%mul3A_31, %dma_start3A_522] : memref<10112x32xf32, #tpu.memory_space<vmem_shared>> -> memref<632x32xf32, #tpu.memory_space<vmem_shared>>
      tpu.enqueue_dma source(%dma_start3A_523 : memref<632x32xf32, #tpu.memory_space<vmem_shared>>) target(%dma_start3A_521 : memref<632x32xf32, #tpu.memory_space<hbm>>) target_semaphore(%run_scoped3A : memref<!tpu.dma_semaphore, #tpu.memory_space<semaphore_mem>>)
      %dma_wait3A_524 = arith.constant 0 : i32
      %dma_wait3A_525 = tpu.memref_slice %arg8[%arg0, %mul3A_31, %dma_wait3A_524] : memref<2x10112x32xf32, #tpu.memory_space<hbm>> -> memref<1x632x32xf32, #tpu.memory_space<hbm>>
      %dma_wait3A_526 = tpu.memref_squeeze %dma_wait3A_525 : memref<1x632x32xf32, #tpu.memory_space<hbm>> -> memref<632x32xf32, #tpu.memory_space<hbm>>
      %dma_wait3A_527 = arith.constant 0 : i32
      %dma_wait3A_528 = tpu.memref_slice %arg11[%mul3A_31, %dma_wait3A_527] : memref<10112x32xf32, #tpu.memory_space<vmem_shared>> -> memref<632x32xf32, #tpu.memory_space<vmem_shared>>
      tpu.wait_dma2 semaphore(%run_scoped3A : memref<!tpu.dma_semaphore, #tpu.memory_space<semaphore_mem>>) src(%dma_wait3A_528 : memref<632x32xf32, #tpu.memory_space<vmem_shared>>) dst(%dma_wait3A_526 : memref<632x32xf32, #tpu.memory_space<hbm>>)
      tpu.yield
    }) : () -> ()
    return
  }
}

#map = affine_map<(d0, d1) -> (0, 0)>
#map1 = affine_map<(d0, d1) -> (0, 0, 0)>
module attributes {stable_mosaic.version = 14 : i64} {
  func.func @sage_edge_pass1(%arg0: i32, %arg1: i32, %arg2: memref<10112x32xf32, #tpu.memory_space<hbm>>, %arg3: memref<2560x128xi32, #tpu.memory_space<hbm>>, %arg4: memref<2560x128xi32, #tpu.memory_space<hbm>>, %arg5: memref<10112x32xf32, #tpu.memory_space<hbm>>, %arg6: memref<10112x16xf32, #tpu.memory_space<hbm>>, %arg7: memref<128x16xf32, #tpu.memory_space<hbm>>, %arg8: memref<2x10112x32xf32, #tpu.memory_space<hbm>>, %arg9: memref<2x10112x16xf32, #tpu.memory_space<hbm>>, %arg10: memref<10112x32xf32, #tpu.memory_space<vmem_shared>>, %arg11: memref<10112x32xf32, #tpu.memory_space<vmem_shared>>, %arg12: memref<10112x16xf32, #tpu.memory_space<vmem_shared>>, %arg13: memref<128x16xf32, #tpu.memory_space<vmem>>, %arg14: memref<2x8x128xi32, #tpu.memory_space<vmem>>, %arg15: memref<2x8x128xi32, #tpu.memory_space<vmem>>, %arg16: memref<2x8x128x32xf32, #tpu.memory_space<vmem>>, %arg17: memref<!tpu.dma_semaphore, #tpu.memory_space<semaphore_mem>>, %arg18: memref<!tpu.dma_semaphore, #tpu.memory_space<semaphore_mem>>, %arg19: memref<!tpu.dma_semaphore, #tpu.memory_space<semaphore_mem>>, %arg20: memref<!tpu.dma_semaphore, #tpu.memory_space<semaphore_mem>>) attributes {dimension_semantics = [#tpu.dimension_semantics<core_parallel>, #tpu.dimension_semantics<subcore_parallel>], iteration_bounds = array<i64: 2, 16>, scalar_prefetch = 0 : i64, scratch_operands = 11 : i64, tpu.core_type = #tpu.core_type<sc_vector_subcore>, window_params = [{transform_indices = #map}, {transform_indices = #map}, {transform_indices = #map}, {transform_indices = #map}, {transform_indices = #map}, {transform_indices = #map}, {transform_indices = #map1}, {transform_indices = #map1}]} {
    %mul3A = arith.constant 2 : i32
    %mul3A_0 = arith.muli %arg1, %mul3A : i32
    %add3A = arith.addi %mul3A_0, %arg0 : i32
    %mul3A_1 = arith.constant 80 : i32
    %mul3A_2 = arith.muli %add3A, %mul3A_1 : i32
    %add3A_3 = arith.constant 0 : i32
    %add3A_4 = arith.addi %mul3A_2, %add3A_3 : i32
    %dma_start3A = arith.constant 0 : i32
    %dma_start3A_5 = arith.constant 0 : i32
    %dma_start3A_6 = arith.constant 0 : i32
    %dma_start3A_7 = tpu.memref_slice %arg14[%dma_start3A, %dma_start3A_5, %dma_start3A_6] : memref<2x8x128xi32, #tpu.memory_space<vmem>> -> memref<1x8x128xi32, #tpu.memory_space<vmem>>
    %dma_start3A_8 = tpu.memref_squeeze %dma_start3A_7 : memref<1x8x128xi32, #tpu.memory_space<vmem>> -> memref<8x128xi32, #tpu.memory_space<vmem>>
    %dma_start3A_9 = arith.constant 0 : i32
    %dma_start3A_10 = tpu.memref_slice %arg3[%add3A_4, %dma_start3A_9] : memref<2560x128xi32, #tpu.memory_space<hbm>> -> memref<8x128xi32, #tpu.memory_space<hbm>>
    %dma_start3A_11 = arith.constant 0 : i32
    %dma_start3A_12 = arith.constant 0 : i32
    %dma_start3A_13 = tpu.memref_slice %arg14[%dma_start3A, %dma_start3A_11, %dma_start3A_12] : memref<2x8x128xi32, #tpu.memory_space<vmem>> -> memref<1x8x128xi32, #tpu.memory_space<vmem>>
    %dma_start3A_14 = tpu.memref_squeeze %dma_start3A_13 : memref<1x8x128xi32, #tpu.memory_space<vmem>> -> memref<8x128xi32, #tpu.memory_space<vmem>>
    %dma_start3A_15 = arith.constant 0 : i32
    %dma_start3A_16 = tpu.memref_slice %arg3[%add3A_4, %dma_start3A_15] : memref<2560x128xi32, #tpu.memory_space<hbm>> -> memref<8x128xi32, #tpu.memory_space<hbm>>
    tpu.enqueue_dma source(%dma_start3A_16 : memref<8x128xi32, #tpu.memory_space<hbm>>) target(%dma_start3A_14 : memref<8x128xi32, #tpu.memory_space<vmem>>) target_semaphore(%arg17 : memref<!tpu.dma_semaphore, #tpu.memory_space<semaphore_mem>>)
    %dma_start3A_17 = arith.constant 0 : i32
    %dma_start3A_18 = arith.constant 0 : i32
    %dma_start3A_19 = arith.constant 0 : i32
    %dma_start3A_20 = tpu.memref_slice %arg15[%dma_start3A_17, %dma_start3A_18, %dma_start3A_19] : memref<2x8x128xi32, #tpu.memory_space<vmem>> -> memref<1x8x128xi32, #tpu.memory_space<vmem>>
    %dma_start3A_21 = tpu.memref_squeeze %dma_start3A_20 : memref<1x8x128xi32, #tpu.memory_space<vmem>> -> memref<8x128xi32, #tpu.memory_space<vmem>>
    %dma_start3A_22 = arith.constant 0 : i32
    %dma_start3A_23 = tpu.memref_slice %arg4[%add3A_4, %dma_start3A_22] : memref<2560x128xi32, #tpu.memory_space<hbm>> -> memref<8x128xi32, #tpu.memory_space<hbm>>
    %dma_start3A_24 = arith.constant 0 : i32
    %dma_start3A_25 = arith.constant 0 : i32
    %dma_start3A_26 = tpu.memref_slice %arg15[%dma_start3A_17, %dma_start3A_24, %dma_start3A_25] : memref<2x8x128xi32, #tpu.memory_space<vmem>> -> memref<1x8x128xi32, #tpu.memory_space<vmem>>
    %dma_start3A_27 = tpu.memref_squeeze %dma_start3A_26 : memref<1x8x128xi32, #tpu.memory_space<vmem>> -> memref<8x128xi32, #tpu.memory_space<vmem>>
    %dma_start3A_28 = arith.constant 0 : i32
    %dma_start3A_29 = tpu.memref_slice %arg4[%add3A_4, %dma_start3A_28] : memref<2560x128xi32, #tpu.memory_space<hbm>> -> memref<8x128xi32, #tpu.memory_space<hbm>>
    tpu.enqueue_dma source(%dma_start3A_29 : memref<8x128xi32, #tpu.memory_space<hbm>>) target(%dma_start3A_27 : memref<8x128xi32, #tpu.memory_space<vmem>>) target_semaphore(%arg17 : memref<!tpu.dma_semaphore, #tpu.memory_space<semaphore_mem>>)
    %mul3A_30 = arith.constant 632 : i32
    %mul3A_31 = arith.muli %arg1, %mul3A_30 : i32
    %dma_start3A_32 = arith.constant 0 : i32
    %dma_start3A_33 = tpu.memref_slice %arg10[%mul3A_31, %dma_start3A_32] : memref<10112x32xf32, #tpu.memory_space<vmem_shared>> -> memref<632x32xf32, #tpu.memory_space<vmem_shared>>
    %dma_start3A_34 = arith.constant 0 : i32
    %dma_start3A_35 = tpu.memref_slice %arg2[%mul3A_31, %dma_start3A_34] : memref<10112x32xf32, #tpu.memory_space<hbm>> -> memref<632x32xf32, #tpu.memory_space<hbm>>
    tpu.enqueue_dma source(%dma_start3A_35 : memref<632x32xf32, #tpu.memory_space<hbm>>) target(%dma_start3A_33 : memref<632x32xf32, #tpu.memory_space<vmem_shared>>) target_semaphore(%arg18 : memref<!tpu.dma_semaphore, #tpu.memory_space<semaphore_mem>>)
    %dma_start3A_36 = arith.constant 0 : i32
    %dma_start3A_37 = tpu.memref_slice %arg11[%mul3A_31, %dma_start3A_36] : memref<10112x32xf32, #tpu.memory_space<vmem_shared>> -> memref<632x32xf32, #tpu.memory_space<vmem_shared>>
    %dma_start3A_38 = arith.constant 0 : i32
    %dma_start3A_39 = tpu.memref_slice %arg5[%mul3A_31, %dma_start3A_38] : memref<10112x32xf32, #tpu.memory_space<hbm>> -> memref<632x32xf32, #tpu.memory_space<hbm>>
    tpu.enqueue_dma source(%dma_start3A_39 : memref<632x32xf32, #tpu.memory_space<hbm>>) target(%dma_start3A_37 : memref<632x32xf32, #tpu.memory_space<vmem_shared>>) target_semaphore(%arg18 : memref<!tpu.dma_semaphore, #tpu.memory_space<semaphore_mem>>)
    %dma_start3A_40 = arith.constant 0 : i32
    %dma_start3A_41 = tpu.memref_slice %arg12[%mul3A_31, %dma_start3A_40] : memref<10112x16xf32, #tpu.memory_space<vmem_shared>> -> memref<632x16xf32, #tpu.memory_space<vmem_shared>>
    %dma_start3A_42 = arith.constant 0 : i32
    %dma_start3A_43 = tpu.memref_slice %arg6[%mul3A_31, %dma_start3A_42] : memref<10112x16xf32, #tpu.memory_space<hbm>> -> memref<632x16xf32, #tpu.memory_space<hbm>>
    tpu.enqueue_dma source(%dma_start3A_43 : memref<632x16xf32, #tpu.memory_space<hbm>>) target(%dma_start3A_41 : memref<632x16xf32, #tpu.memory_space<vmem_shared>>) target_semaphore(%arg18 : memref<!tpu.dma_semaphore, #tpu.memory_space<semaphore_mem>>)
    tpu.enqueue_dma source(%arg7 : memref<128x16xf32, #tpu.memory_space<hbm>>) target(%arg13 : memref<128x16xf32, #tpu.memory_space<vmem>>) target_semaphore(%arg18 : memref<!tpu.dma_semaphore, #tpu.memory_space<semaphore_mem>>)
    %dma_wait3A = arith.constant 0 : i32
    %dma_wait3A_44 = tpu.memref_slice %arg10[%mul3A_31, %dma_wait3A] : memref<10112x32xf32, #tpu.memory_space<vmem_shared>> -> memref<632x32xf32, #tpu.memory_space<vmem_shared>>
    %dma_wait3A_45 = arith.constant 0 : i32
    %dma_wait3A_46 = tpu.memref_slice %arg2[%mul3A_31, %dma_wait3A_45] : memref<10112x32xf32, #tpu.memory_space<hbm>> -> memref<632x32xf32, #tpu.memory_space<hbm>>
    tpu.wait_dma2 semaphore(%arg18 : memref<!tpu.dma_semaphore, #tpu.memory_space<semaphore_mem>>) src(%dma_wait3A_46 : memref<632x32xf32, #tpu.memory_space<hbm>>) dst(%dma_wait3A_44 : memref<632x32xf32, #tpu.memory_space<vmem_shared>>)
    %dma_wait3A_47 = arith.constant 0 : i32
    %dma_wait3A_48 = tpu.memref_slice %arg11[%mul3A_31, %dma_wait3A_47] : memref<10112x32xf32, #tpu.memory_space<vmem_shared>> -> memref<632x32xf32, #tpu.memory_space<vmem_shared>>
    %dma_wait3A_49 = arith.constant 0 : i32
    %dma_wait3A_50 = tpu.memref_slice %arg5[%mul3A_31, %dma_wait3A_49] : memref<10112x32xf32, #tpu.memory_space<hbm>> -> memref<632x32xf32, #tpu.memory_space<hbm>>
    tpu.wait_dma2 semaphore(%arg18 : memref<!tpu.dma_semaphore, #tpu.memory_space<semaphore_mem>>) src(%dma_wait3A_50 : memref<632x32xf32, #tpu.memory_space<hbm>>) dst(%dma_wait3A_48 : memref<632x32xf32, #tpu.memory_space<vmem_shared>>)
    %dma_wait3A_51 = arith.constant 0 : i32
    %dma_wait3A_52 = tpu.memref_slice %arg12[%mul3A_31, %dma_wait3A_51] : memref<10112x16xf32, #tpu.memory_space<vmem_shared>> -> memref<632x16xf32, #tpu.memory_space<vmem_shared>>
    %dma_wait3A_53 = arith.constant 0 : i32
    %dma_wait3A_54 = tpu.memref_slice %arg6[%mul3A_31, %dma_wait3A_53] : memref<10112x16xf32, #tpu.memory_space<hbm>> -> memref<632x16xf32, #tpu.memory_space<hbm>>
    tpu.wait_dma2 semaphore(%arg18 : memref<!tpu.dma_semaphore, #tpu.memory_space<semaphore_mem>>) src(%dma_wait3A_54 : memref<632x16xf32, #tpu.memory_space<hbm>>) dst(%dma_wait3A_52 : memref<632x16xf32, #tpu.memory_space<vmem_shared>>)
    tpu.wait_dma2 semaphore(%arg18 : memref<!tpu.dma_semaphore, #tpu.memory_space<semaphore_mem>>) src(%arg7 : memref<128x16xf32, #tpu.memory_space<hbm>>) dst(%arg13 : memref<128x16xf32, #tpu.memory_space<vmem>>)
    %barrier3A = arith.constant 0 : index
    tpu.barrier barrier_id(%barrier3A)
    %scan3A = arith.constant 0 : i32
    %scan3A_55 = arith.constant 0 : i32
    %scan3A_56 = arith.constant 5 : i32
    %scan3A_57 = arith.addi %scan3A_55, %scan3A_56 : i32
    %scan3A_58 = arith.constant 1 : i32
    scf.for %scan3A_237 = %scan3A_55 to %scan3A_57 step %scan3A_58  : i32 {
      %mul3A_238 = arith.constant 2 : i32
      %mul3A_239 = arith.muli %mul3A_238, %scan3A_237 : i32
      %ge3A = arith.constant 1 : i32
      %ge3A_240 = arith.cmpi sge, %scan3A_237, %ge3A : i32
      %add3A_241 = arith.constant 1 : i32
      %add3A_242 = arith.addi %mul3A_239, %add3A_241 : i32
      %lt3A = arith.constant 10 : i32
      %lt3A_243 = arith.cmpi slt, %add3A_242, %lt3A : i32
      %dma_wait3A_244 = arith.constant 0 : i32
      %dma_wait3A_245 = arith.constant 0 : i32
      %dma_wait3A_246 = arith.constant 0 : i32
      %dma_wait3A_247 = tpu.memref_slice %arg14[%dma_wait3A_244, %dma_wait3A_245, %dma_wait3A_246] : memref<2x8x128xi32, #tpu.memory_space<vmem>> -> memref<1x8x128xi32, #tpu.memory_space<vmem>>
      %dma_wait3A_248 = tpu.memref_squeeze %dma_wait3A_247 : memref<1x8x128xi32, #tpu.memory_space<vmem>> -> memref<8x128xi32, #tpu.memory_space<vmem>>
      %dma_wait3A_249 = arith.constant 0 : i32
      %dma_wait3A_250 = arith.constant 0 : i32
      %dma_wait3A_251 = tpu.memref_slice %arg3[%dma_wait3A_249, %dma_wait3A_250] : memref<2560x128xi32, #tpu.memory_space<hbm>> -> memref<8x128xi32, #tpu.memory_space<hbm>>
      %dma_wait3A_252 = arith.constant 0 : i32
      %dma_wait3A_253 = arith.constant 0 : i32
      %dma_wait3A_254 = tpu.memref_slice %arg14[%dma_wait3A_244, %dma_wait3A_252, %dma_wait3A_253] : memref<2x8x128xi32, #tpu.memory_space<vmem>> -> memref<1x8x128xi32, #tpu.memory_space<vmem>>
      %dma_wait3A_255 = tpu.memref_squeeze %dma_wait3A_254 : memref<1x8x128xi32, #tpu.memory_space<vmem>> -> memref<8x128xi32, #tpu.memory_space<vmem>>
      %dma_wait3A_256 = arith.constant 0 : i32
      %dma_wait3A_257 = arith.constant 0 : i32
      %dma_wait3A_258 = tpu.memref_slice %arg3[%dma_wait3A_256, %dma_wait3A_257] : memref<2560x128xi32, #tpu.memory_space<hbm>> -> memref<8x128xi32, #tpu.memory_space<hbm>>
      tpu.wait_dma2 semaphore(%arg17 : memref<!tpu.dma_semaphore, #tpu.memory_space<semaphore_mem>>) src(%dma_wait3A_258 : memref<8x128xi32, #tpu.memory_space<hbm>>) dst(%dma_wait3A_255 : memref<8x128xi32, #tpu.memory_space<vmem>>)
      %dma_wait3A_259 = arith.constant 0 : i32
      %dma_wait3A_260 = arith.constant 0 : i32
      %dma_wait3A_261 = arith.constant 0 : i32
      %dma_wait3A_262 = tpu.memref_slice %arg15[%dma_wait3A_259, %dma_wait3A_260, %dma_wait3A_261] : memref<2x8x128xi32, #tpu.memory_space<vmem>> -> memref<1x8x128xi32, #tpu.memory_space<vmem>>
      %dma_wait3A_263 = tpu.memref_squeeze %dma_wait3A_262 : memref<1x8x128xi32, #tpu.memory_space<vmem>> -> memref<8x128xi32, #tpu.memory_space<vmem>>
      %dma_wait3A_264 = arith.constant 0 : i32
      %dma_wait3A_265 = arith.constant 0 : i32
      %dma_wait3A_266 = tpu.memref_slice %arg4[%dma_wait3A_264, %dma_wait3A_265] : memref<2560x128xi32, #tpu.memory_space<hbm>> -> memref<8x128xi32, #tpu.memory_space<hbm>>
      %dma_wait3A_267 = arith.constant 0 : i32
      %dma_wait3A_268 = arith.constant 0 : i32
      %dma_wait3A_269 = tpu.memref_slice %arg15[%dma_wait3A_259, %dma_wait3A_267, %dma_wait3A_268] : memref<2x8x128xi32, #tpu.memory_space<vmem>> -> memref<1x8x128xi32, #tpu.memory_space<vmem>>
      %dma_wait3A_270 = tpu.memref_squeeze %dma_wait3A_269 : memref<1x8x128xi32, #tpu.memory_space<vmem>> -> memref<8x128xi32, #tpu.memory_space<vmem>>
      %dma_wait3A_271 = arith.constant 0 : i32
      %dma_wait3A_272 = arith.constant 0 : i32
      %dma_wait3A_273 = tpu.memref_slice %arg4[%dma_wait3A_271, %dma_wait3A_272] : memref<2560x128xi32, #tpu.memory_space<hbm>> -> memref<8x128xi32, #tpu.memory_space<hbm>>
      tpu.wait_dma2 semaphore(%arg17 : memref<!tpu.dma_semaphore, #tpu.memory_space<semaphore_mem>>) src(%dma_wait3A_273 : memref<8x128xi32, #tpu.memory_space<hbm>>) dst(%dma_wait3A_270 : memref<8x128xi32, #tpu.memory_space<vmem>>)
      %dma_start3A_274 = arith.constant 0 : i32
      %dma_start3A_275 = arith.constant 0 : i32
      %dma_start3A_276 = arith.constant 0 : i32
      %dma_start3A_277 = arith.constant 0 : i32
      %dma_start3A_278 = arith.constant 0 : i32
      %dma_start3A_279 = arith.constant 0 : i32
      %dma_start3A_280 = tpu.memref_slice %arg16[%dma_start3A_276, %dma_start3A_277, %dma_start3A_278, %dma_start3A_279] : memref<2x8x128x32xf32, #tpu.memory_space<vmem>> -> memref<1x1x128x32xf32, #tpu.memory_space<vmem>>
      %dma_start3A_281 = tpu.memref_squeeze %dma_start3A_280 : memref<1x1x128x32xf32, #tpu.memory_space<vmem>> -> memref<128x32xf32, #tpu.memory_space<vmem>>
      %dma_start3A_282 = arith.constant 0 : i32
      %dma_start3A_283 = tpu.memref_slice %arg14[%dma_start3A_274, %dma_start3A_275, %dma_start3A_282] : memref<2x8x128xi32, #tpu.memory_space<vmem>> -> memref<1x1x128xi32, #tpu.memory_space<vmem>>
      %dma_start3A_284 = tpu.memref_squeeze %dma_start3A_283 : memref<1x1x128xi32, #tpu.memory_space<vmem>> -> memref<128xi32, #tpu.memory_space<vmem>>
      %dma_start3A_285 = arith.constant 0 : i32
      %dma_start3A_286 = arith.constant 0 : i32
      %dma_start3A_287 = tpu.memref_slice %arg10[%dma_start3A_285, %dma_start3A_286] : memref<10112x32xf32, #tpu.memory_space<vmem_shared>> -> memref<10112x32xf32, #tpu.memory_space<vmem_shared>>
      tpu.enqueue_indirect_dma source(%dma_start3A_287 : memref<10112x32xf32, #tpu.memory_space<vmem_shared>>) target(%dma_start3A_281 : memref<128x32xf32, #tpu.memory_space<vmem>>) offsets(%dma_start3A_284 : memref<128xi32, #tpu.memory_space<vmem>>) semaphore(%arg18 : memref<!tpu.dma_semaphore, #tpu.memory_space<semaphore_mem>>)
      %dma_start3A_288 = arith.constant 0 : i32
      %dma_start3A_289 = arith.constant 1 : i32
      %dma_start3A_290 = arith.constant 0 : i32
      %dma_start3A_291 = arith.constant 1 : i32
      %dma_start3A_292 = arith.constant 0 : i32
      %dma_start3A_293 = arith.constant 0 : i32
      %dma_start3A_294 = tpu.memref_slice %arg16[%dma_start3A_290, %dma_start3A_291, %dma_start3A_292, %dma_start3A_293] : memref<2x8x128x32xf32, #tpu.memory_space<vmem>> -> memref<1x1x128x32xf32, #tpu.memory_space<vmem>>
      %dma_start3A_295 = tpu.memref_squeeze %dma_start3A_294 : memref<1x1x128x32xf32, #tpu.memory_space<vmem>> -> memref<128x32xf32, #tpu.memory_space<vmem>>
      %dma_start3A_296 = arith.constant 0 : i32
      %dma_start3A_297 = tpu.memref_slice %arg14[%dma_start3A_288, %dma_start3A_289, %dma_start3A_296] : memref<2x8x128xi32, #tpu.memory_space<vmem>> -> memref<1x1x128xi32, #tpu.memory_space<vmem>>
      %dma_start3A_298 = tpu.memref_squeeze %dma_start3A_297 : memref<1x1x128xi32, #tpu.memory_space<vmem>> -> memref<128xi32, #tpu.memory_space<vmem>>
      %dma_start3A_299 = arith.constant 0 : i32
      %dma_start3A_300 = arith.constant 0 : i32
      %dma_start3A_301 = tpu.memref_slice %arg10[%dma_start3A_299, %dma_start3A_300] : memref<10112x32xf32, #tpu.memory_space<vmem_shared>> -> memref<10112x32xf32, #tpu.memory_space<vmem_shared>>
      tpu.enqueue_indirect_dma source(%dma_start3A_301 : memref<10112x32xf32, #tpu.memory_space<vmem_shared>>) target(%dma_start3A_295 : memref<128x32xf32, #tpu.memory_space<vmem>>) offsets(%dma_start3A_298 : memref<128xi32, #tpu.memory_space<vmem>>) semaphore(%arg18 : memref<!tpu.dma_semaphore, #tpu.memory_space<semaphore_mem>>)
      %dma_start3A_302 = arith.constant 0 : i32
      %dma_start3A_303 = arith.constant 2 : i32
      %dma_start3A_304 = arith.constant 0 : i32
      %dma_start3A_305 = arith.constant 2 : i32
      %dma_start3A_306 = arith.constant 0 : i32
      %dma_start3A_307 = arith.constant 0 : i32
      %dma_start3A_308 = tpu.memref_slice %arg16[%dma_start3A_304, %dma_start3A_305, %dma_start3A_306, %dma_start3A_307] : memref<2x8x128x32xf32, #tpu.memory_space<vmem>> -> memref<1x1x128x32xf32, #tpu.memory_space<vmem>>
      %dma_start3A_309 = tpu.memref_squeeze %dma_start3A_308 : memref<1x1x128x32xf32, #tpu.memory_space<vmem>> -> memref<128x32xf32, #tpu.memory_space<vmem>>
      %dma_start3A_310 = arith.constant 0 : i32
      %dma_start3A_311 = tpu.memref_slice %arg14[%dma_start3A_302, %dma_start3A_303, %dma_start3A_310] : memref<2x8x128xi32, #tpu.memory_space<vmem>> -> memref<1x1x128xi32, #tpu.memory_space<vmem>>
      %dma_start3A_312 = tpu.memref_squeeze %dma_start3A_311 : memref<1x1x128xi32, #tpu.memory_space<vmem>> -> memref<128xi32, #tpu.memory_space<vmem>>
      %dma_start3A_313 = arith.constant 0 : i32
      %dma_start3A_314 = arith.constant 0 : i32
      %dma_start3A_315 = tpu.memref_slice %arg10[%dma_start3A_313, %dma_start3A_314] : memref<10112x32xf32, #tpu.memory_space<vmem_shared>> -> memref<10112x32xf32, #tpu.memory_space<vmem_shared>>
      tpu.enqueue_indirect_dma source(%dma_start3A_315 : memref<10112x32xf32, #tpu.memory_space<vmem_shared>>) target(%dma_start3A_309 : memref<128x32xf32, #tpu.memory_space<vmem>>) offsets(%dma_start3A_312 : memref<128xi32, #tpu.memory_space<vmem>>) semaphore(%arg18 : memref<!tpu.dma_semaphore, #tpu.memory_space<semaphore_mem>>)
      %dma_start3A_316 = arith.constant 0 : i32
      %dma_start3A_317 = arith.constant 3 : i32
      %dma_start3A_318 = arith.constant 0 : i32
      %dma_start3A_319 = arith.constant 3 : i32
      %dma_start3A_320 = arith.constant 0 : i32
      %dma_start3A_321 = arith.constant 0 : i32
      %dma_start3A_322 = tpu.memref_slice %arg16[%dma_start3A_318, %dma_start3A_319, %dma_start3A_320, %dma_start3A_321] : memref<2x8x128x32xf32, #tpu.memory_space<vmem>> -> memref<1x1x128x32xf32, #tpu.memory_space<vmem>>
      %dma_start3A_323 = tpu.memref_squeeze %dma_start3A_322 : memref<1x1x128x32xf32, #tpu.memory_space<vmem>> -> memref<128x32xf32, #tpu.memory_space<vmem>>
      %dma_start3A_324 = arith.constant 0 : i32
      %dma_start3A_325 = tpu.memref_slice %arg14[%dma_start3A_316, %dma_start3A_317, %dma_start3A_324] : memref<2x8x128xi32, #tpu.memory_space<vmem>> -> memref<1x1x128xi32, #tpu.memory_space<vmem>>
      %dma_start3A_326 = tpu.memref_squeeze %dma_start3A_325 : memref<1x1x128xi32, #tpu.memory_space<vmem>> -> memref<128xi32, #tpu.memory_space<vmem>>
      %dma_start3A_327 = arith.constant 0 : i32
      %dma_start3A_328 = arith.constant 0 : i32
      %dma_start3A_329 = tpu.memref_slice %arg10[%dma_start3A_327, %dma_start3A_328] : memref<10112x32xf32, #tpu.memory_space<vmem_shared>> -> memref<10112x32xf32, #tpu.memory_space<vmem_shared>>
      tpu.enqueue_indirect_dma source(%dma_start3A_329 : memref<10112x32xf32, #tpu.memory_space<vmem_shared>>) target(%dma_start3A_323 : memref<128x32xf32, #tpu.memory_space<vmem>>) offsets(%dma_start3A_326 : memref<128xi32, #tpu.memory_space<vmem>>) semaphore(%arg18 : memref<!tpu.dma_semaphore, #tpu.memory_space<semaphore_mem>>)
      %dma_start3A_330 = arith.constant 0 : i32
      %dma_start3A_331 = arith.constant 4 : i32
      %dma_start3A_332 = arith.constant 0 : i32
      %dma_start3A_333 = arith.constant 4 : i32
      %dma_start3A_334 = arith.constant 0 : i32
      %dma_start3A_335 = arith.constant 0 : i32
      %dma_start3A_336 = tpu.memref_slice %arg16[%dma_start3A_332, %dma_start3A_333, %dma_start3A_334, %dma_start3A_335] : memref<2x8x128x32xf32, #tpu.memory_space<vmem>> -> memref<1x1x128x32xf32, #tpu.memory_space<vmem>>
      %dma_start3A_337 = tpu.memref_squeeze %dma_start3A_336 : memref<1x1x128x32xf32, #tpu.memory_space<vmem>> -> memref<128x32xf32, #tpu.memory_space<vmem>>
      %dma_start3A_338 = arith.constant 0 : i32
      %dma_start3A_339 = tpu.memref_slice %arg14[%dma_start3A_330, %dma_start3A_331, %dma_start3A_338] : memref<2x8x128xi32, #tpu.memory_space<vmem>> -> memref<1x1x128xi32, #tpu.memory_space<vmem>>
      %dma_start3A_340 = tpu.memref_squeeze %dma_start3A_339 : memref<1x1x128xi32, #tpu.memory_space<vmem>> -> memref<128xi32, #tpu.memory_space<vmem>>
      %dma_start3A_341 = arith.constant 0 : i32
      %dma_start3A_342 = arith.constant 0 : i32
      %dma_start3A_343 = tpu.memref_slice %arg10[%dma_start3A_341, %dma_start3A_342] : memref<10112x32xf32, #tpu.memory_space<vmem_shared>> -> memref<10112x32xf32, #tpu.memory_space<vmem_shared>>
      tpu.enqueue_indirect_dma source(%dma_start3A_343 : memref<10112x32xf32, #tpu.memory_space<vmem_shared>>) target(%dma_start3A_337 : memref<128x32xf32, #tpu.memory_space<vmem>>) offsets(%dma_start3A_340 : memref<128xi32, #tpu.memory_space<vmem>>) semaphore(%arg18 : memref<!tpu.dma_semaphore, #tpu.memory_space<semaphore_mem>>)
      %dma_start3A_344 = arith.constant 0 : i32
      %dma_start3A_345 = arith.constant 5 : i32
      %dma_start3A_346 = arith.constant 0 : i32
      %dma_start3A_347 = arith.constant 5 : i32
      %dma_start3A_348 = arith.constant 0 : i32
      %dma_start3A_349 = arith.constant 0 : i32
      %dma_start3A_350 = tpu.memref_slice %arg16[%dma_start3A_346, %dma_start3A_347, %dma_start3A_348, %dma_start3A_349] : memref<2x8x128x32xf32, #tpu.memory_space<vmem>> -> memref<1x1x128x32xf32, #tpu.memory_space<vmem>>
      %dma_start3A_351 = tpu.memref_squeeze %dma_start3A_350 : memref<1x1x128x32xf32, #tpu.memory_space<vmem>> -> memref<128x32xf32, #tpu.memory_space<vmem>>
      %dma_start3A_352 = arith.constant 0 : i32
      %dma_start3A_353 = tpu.memref_slice %arg14[%dma_start3A_344, %dma_start3A_345, %dma_start3A_352] : memref<2x8x128xi32, #tpu.memory_space<vmem>> -> memref<1x1x128xi32, #tpu.memory_space<vmem>>
      %dma_start3A_354 = tpu.memref_squeeze %dma_start3A_353 : memref<1x1x128xi32, #tpu.memory_space<vmem>> -> memref<128xi32, #tpu.memory_space<vmem>>
      %dma_start3A_355 = arith.constant 0 : i32
      %dma_start3A_356 = arith.constant 0 : i32
      %dma_start3A_357 = tpu.memref_slice %arg10[%dma_start3A_355, %dma_start3A_356] : memref<10112x32xf32, #tpu.memory_space<vmem_shared>> -> memref<10112x32xf32, #tpu.memory_space<vmem_shared>>
      tpu.enqueue_indirect_dma source(%dma_start3A_357 : memref<10112x32xf32, #tpu.memory_space<vmem_shared>>) target(%dma_start3A_351 : memref<128x32xf32, #tpu.memory_space<vmem>>) offsets(%dma_start3A_354 : memref<128xi32, #tpu.memory_space<vmem>>) semaphore(%arg18 : memref<!tpu.dma_semaphore, #tpu.memory_space<semaphore_mem>>)
      %dma_start3A_358 = arith.constant 0 : i32
      %dma_start3A_359 = arith.constant 6 : i32
      %dma_start3A_360 = arith.constant 0 : i32
      %dma_start3A_361 = arith.constant 6 : i32
      %dma_start3A_362 = arith.constant 0 : i32
      %dma_start3A_363 = arith.constant 0 : i32
      %dma_start3A_364 = tpu.memref_slice %arg16[%dma_start3A_360, %dma_start3A_361, %dma_start3A_362, %dma_start3A_363] : memref<2x8x128x32xf32, #tpu.memory_space<vmem>> -> memref<1x1x128x32xf32, #tpu.memory_space<vmem>>
      %dma_start3A_365 = tpu.memref_squeeze %dma_start3A_364 : memref<1x1x128x32xf32, #tpu.memory_space<vmem>> -> memref<128x32xf32, #tpu.memory_space<vmem>>
      %dma_start3A_366 = arith.constant 0 : i32
      %dma_start3A_367 = tpu.memref_slice %arg14[%dma_start3A_358, %dma_start3A_359, %dma_start3A_366] : memref<2x8x128xi32, #tpu.memory_space<vmem>> -> memref<1x1x128xi32, #tpu.memory_space<vmem>>
      %dma_start3A_368 = tpu.memref_squeeze %dma_start3A_367 : memref<1x1x128xi32, #tpu.memory_space<vmem>> -> memref<128xi32, #tpu.memory_space<vmem>>
      %dma_start3A_369 = arith.constant 0 : i32
      %dma_start3A_370 = arith.constant 0 : i32
      %dma_start3A_371 = tpu.memref_slice %arg10[%dma_start3A_369, %dma_start3A_370] : memref<10112x32xf32, #tpu.memory_space<vmem_shared>> -> memref<10112x32xf32, #tpu.memory_space<vmem_shared>>
      tpu.enqueue_indirect_dma source(%dma_start3A_371 : memref<10112x32xf32, #tpu.memory_space<vmem_shared>>) target(%dma_start3A_365 : memref<128x32xf32, #tpu.memory_space<vmem>>) offsets(%dma_start3A_368 : memref<128xi32, #tpu.memory_space<vmem>>) semaphore(%arg18 : memref<!tpu.dma_semaphore, #tpu.memory_space<semaphore_mem>>)
      %dma_start3A_372 = arith.constant 0 : i32
      %dma_start3A_373 = arith.constant 7 : i32
      %dma_start3A_374 = arith.constant 0 : i32
      %dma_start3A_375 = arith.constant 7 : i32
      %dma_start3A_376 = arith.constant 0 : i32
      %dma_start3A_377 = arith.constant 0 : i32
      %dma_start3A_378 = tpu.memref_slice %arg16[%dma_start3A_374, %dma_start3A_375, %dma_start3A_376, %dma_start3A_377] : memref<2x8x128x32xf32, #tpu.memory_space<vmem>> -> memref<1x1x128x32xf32, #tpu.memory_space<vmem>>
      %dma_start3A_379 = tpu.memref_squeeze %dma_start3A_378 : memref<1x1x128x32xf32, #tpu.memory_space<vmem>> -> memref<128x32xf32, #tpu.memory_space<vmem>>
      %dma_start3A_380 = arith.constant 0 : i32
      %dma_start3A_381 = tpu.memref_slice %arg14[%dma_start3A_372, %dma_start3A_373, %dma_start3A_380] : memref<2x8x128xi32, #tpu.memory_space<vmem>> -> memref<1x1x128xi32, #tpu.memory_space<vmem>>
      %dma_start3A_382 = tpu.memref_squeeze %dma_start3A_381 : memref<1x1x128xi32, #tpu.memory_space<vmem>> -> memref<128xi32, #tpu.memory_space<vmem>>
      %dma_start3A_383 = arith.constant 0 : i32
      %dma_start3A_384 = arith.constant 0 : i32
      %dma_start3A_385 = tpu.memref_slice %arg10[%dma_start3A_383, %dma_start3A_384] : memref<10112x32xf32, #tpu.memory_space<vmem_shared>> -> memref<10112x32xf32, #tpu.memory_space<vmem_shared>>
      tpu.enqueue_indirect_dma source(%dma_start3A_385 : memref<10112x32xf32, #tpu.memory_space<vmem_shared>>) target(%dma_start3A_379 : memref<128x32xf32, #tpu.memory_space<vmem>>) offsets(%dma_start3A_382 : memref<128xi32, #tpu.memory_space<vmem>>) semaphore(%arg18 : memref<!tpu.dma_semaphore, #tpu.memory_space<semaphore_mem>>)
      %convert_element_type3A = arith.extui %ge3A_240 : i1 to i32
      %cond3A = arith.constant 0 : i32
      %cond3A_386 = arith.cmpi ne, %convert_element_type3A, %cond3A : i32
      scf.if %cond3A_386 {
        %dma_wait3A_1293 = arith.constant 0 : i32
        %dma_wait3A_1294 = arith.constant 0 : i32
        %dma_wait3A_1295 = arith.constant 0 : i32
        %dma_wait3A_1296 = arith.constant 0 : i32
        %dma_wait3A_1297 = tpu.memref_slice %arg16[%dma_wait3A_1293, %dma_wait3A_1294, %dma_wait3A_1295, %dma_wait3A_1296] : memref<2x8x128x32xf32, #tpu.memory_space<vmem>> -> memref<1x1x128x32xf32, #tpu.memory_space<vmem>>
        %dma_wait3A_1298 = tpu.memref_squeeze %dma_wait3A_1297 : memref<1x1x128x32xf32, #tpu.memory_space<vmem>> -> memref<128x32xf32, #tpu.memory_space<vmem>>
        %dma_wait3A_1299 = arith.constant 0 : i32
        %dma_wait3A_1300 = arith.constant 0 : i32
        %dma_wait3A_1301 = tpu.memref_slice %arg11[%dma_wait3A_1299, %dma_wait3A_1300] : memref<10112x32xf32, #tpu.memory_space<vmem_shared>> -> memref<128x32xf32, #tpu.memory_space<vmem_shared>>
        %dma_wait3A_1302 = arith.constant 0 : i32
        %dma_wait3A_1303 = arith.constant 0 : i32
        %dma_wait3A_1304 = tpu.memref_slice %arg11[%dma_wait3A_1302, %dma_wait3A_1303] : memref<10112x32xf32, #tpu.memory_space<vmem_shared>> -> memref<128x32xf32, #tpu.memory_space<vmem_shared>>
        %dma_wait3A_1305 = arith.constant 0 : i32
        %dma_wait3A_1306 = arith.constant 0 : i32
        %dma_wait3A_1307 = tpu.memref_slice %arg16[%dma_wait3A_1293, %dma_wait3A_1294, %dma_wait3A_1305, %dma_wait3A_1306] : memref<2x8x128x32xf32, #tpu.memory_space<vmem>> -> memref<1x1x128x32xf32, #tpu.memory_space<vmem>>
        %dma_wait3A_1308 = tpu.memref_squeeze %dma_wait3A_1307 : memref<1x1x128x32xf32, #tpu.memory_space<vmem>> -> memref<128x32xf32, #tpu.memory_space<vmem>>
        tpu.wait_dma2 semaphore(%arg20 : memref<!tpu.dma_semaphore, #tpu.memory_space<semaphore_mem>>) src(%dma_wait3A_1308 : memref<128x32xf32, #tpu.memory_space<vmem>>) dst(%dma_wait3A_1304 : memref<128x32xf32, #tpu.memory_space<vmem_shared>>)
        %dma_wait3A_1309 = arith.constant 0 : i32
        %dma_wait3A_1310 = arith.constant 0 : i32
        %dma_wait3A_1311 = tpu.memref_slice %arg12[%dma_wait3A_1309, %dma_wait3A_1310] : memref<10112x16xf32, #tpu.memory_space<vmem_shared>> -> memref<128x16xf32, #tpu.memory_space<vmem_shared>>
        %dma_wait3A_1312 = arith.constant 0 : i32
        %dma_wait3A_1313 = arith.constant 0 : i32
        %dma_wait3A_1314 = tpu.memref_slice %arg12[%dma_wait3A_1312, %dma_wait3A_1313] : memref<10112x16xf32, #tpu.memory_space<vmem_shared>> -> memref<128x16xf32, #tpu.memory_space<vmem_shared>>
        tpu.wait_dma2 semaphore(%arg20 : memref<!tpu.dma_semaphore, #tpu.memory_space<semaphore_mem>>) src(%arg13 : memref<128x16xf32, #tpu.memory_space<vmem>>) dst(%dma_wait3A_1314 : memref<128x16xf32, #tpu.memory_space<vmem_shared>>)
        %dma_wait3A_1315 = arith.constant 0 : i32
        %dma_wait3A_1316 = arith.constant 1 : i32
        %dma_wait3A_1317 = arith.constant 0 : i32
        %dma_wait3A_1318 = arith.constant 0 : i32
        %dma_wait3A_1319 = tpu.memref_slice %arg16[%dma_wait3A_1315, %dma_wait3A_1316, %dma_wait3A_1317, %dma_wait3A_1318] : memref<2x8x128x32xf32, #tpu.memory_space<vmem>> -> memref<1x1x128x32xf32, #tpu.memory_space<vmem>>
        %dma_wait3A_1320 = tpu.memref_squeeze %dma_wait3A_1319 : memref<1x1x128x32xf32, #tpu.memory_space<vmem>> -> memref<128x32xf32, #tpu.memory_space<vmem>>
        %dma_wait3A_1321 = arith.constant 0 : i32
        %dma_wait3A_1322 = arith.constant 0 : i32
        %dma_wait3A_1323 = tpu.memref_slice %arg11[%dma_wait3A_1321, %dma_wait3A_1322] : memref<10112x32xf32, #tpu.memory_space<vmem_shared>> -> memref<128x32xf32, #tpu.memory_space<vmem_shared>>
        %dma_wait3A_1324 = arith.constant 0 : i32
        %dma_wait3A_1325 = arith.constant 0 : i32
        %dma_wait3A_1326 = tpu.memref_slice %arg11[%dma_wait3A_1324, %dma_wait3A_1325] : memref<10112x32xf32, #tpu.memory_space<vmem_shared>> -> memref<128x32xf32, #tpu.memory_space<vmem_shared>>
        %dma_wait3A_1327 = arith.constant 0 : i32
        %dma_wait3A_1328 = arith.constant 0 : i32
        %dma_wait3A_1329 = tpu.memref_slice %arg16[%dma_wait3A_1315, %dma_wait3A_1316, %dma_wait3A_1327, %dma_wait3A_1328] : memref<2x8x128x32xf32, #tpu.memory_space<vmem>> -> memref<1x1x128x32xf32, #tpu.memory_space<vmem>>
        %dma_wait3A_1330 = tpu.memref_squeeze %dma_wait3A_1329 : memref<1x1x128x32xf32, #tpu.memory_space<vmem>> -> memref<128x32xf32, #tpu.memory_space<vmem>>
        tpu.wait_dma2 semaphore(%arg20 : memref<!tpu.dma_semaphore, #tpu.memory_space<semaphore_mem>>) src(%dma_wait3A_1330 : memref<128x32xf32, #tpu.memory_space<vmem>>) dst(%dma_wait3A_1326 : memref<128x32xf32, #tpu.memory_space<vmem_shared>>)
        %dma_wait3A_1331 = arith.constant 0 : i32
        %dma_wait3A_1332 = arith.constant 0 : i32
        %dma_wait3A_1333 = tpu.memref_slice %arg12[%dma_wait3A_1331, %dma_wait3A_1332] : memref<10112x16xf32, #tpu.memory_space<vmem_shared>> -> memref<128x16xf32, #tpu.memory_space<vmem_shared>>
        %dma_wait3A_1334 = arith.constant 0 : i32
        %dma_wait3A_1335 = arith.constant 0 : i32
        %dma_wait3A_1336 = tpu.memref_slice %arg12[%dma_wait3A_1334, %dma_wait3A_1335] : memref<10112x16xf32, #tpu.memory_space<vmem_shared>> -> memref<128x16xf32, #tpu.memory_space<vmem_shared>>
        tpu.wait_dma2 semaphore(%arg20 : memref<!tpu.dma_semaphore, #tpu.memory_space<semaphore_mem>>) src(%arg13 : memref<128x16xf32, #tpu.memory_space<vmem>>) dst(%dma_wait3A_1336 : memref<128x16xf32, #tpu.memory_space<vmem_shared>>)
        %dma_wait3A_1337 = arith.constant 0 : i32
        %dma_wait3A_1338 = arith.constant 2 : i32
        %dma_wait3A_1339 = arith.constant 0 : i32
        %dma_wait3A_1340 = arith.constant 0 : i32
        %dma_wait3A_1341 = tpu.memref_slice %arg16[%dma_wait3A_1337, %dma_wait3A_1338, %dma_wait3A_1339, %dma_wait3A_1340] : memref<2x8x128x32xf32, #tpu.memory_space<vmem>> -> memref<1x1x128x32xf32, #tpu.memory_space<vmem>>
        %dma_wait3A_1342 = tpu.memref_squeeze %dma_wait3A_1341 : memref<1x1x128x32xf32, #tpu.memory_space<vmem>> -> memref<128x32xf32, #tpu.memory_space<vmem>>
        %dma_wait3A_1343 = arith.constant 0 : i32
        %dma_wait3A_1344 = arith.constant 0 : i32
        %dma_wait3A_1345 = tpu.memref_slice %arg11[%dma_wait3A_1343, %dma_wait3A_1344] : memref<10112x32xf32, #tpu.memory_space<vmem_shared>> -> memref<128x32xf32, #tpu.memory_space<vmem_shared>>
        %dma_wait3A_1346 = arith.constant 0 : i32
        %dma_wait3A_1347 = arith.constant 0 : i32
        %dma_wait3A_1348 = tpu.memref_slice %arg11[%dma_wait3A_1346, %dma_wait3A_1347] : memref<10112x32xf32, #tpu.memory_space<vmem_shared>> -> memref<128x32xf32, #tpu.memory_space<vmem_shared>>
        %dma_wait3A_1349 = arith.constant 0 : i32
        %dma_wait3A_1350 = arith.constant 0 : i32
        %dma_wait3A_1351 = tpu.memref_slice %arg16[%dma_wait3A_1337, %dma_wait3A_1338, %dma_wait3A_1349, %dma_wait3A_1350] : memref<2x8x128x32xf32, #tpu.memory_space<vmem>> -> memref<1x1x128x32xf32, #tpu.memory_space<vmem>>
        %dma_wait3A_1352 = tpu.memref_squeeze %dma_wait3A_1351 : memref<1x1x128x32xf32, #tpu.memory_space<vmem>> -> memref<128x32xf32, #tpu.memory_space<vmem>>
        tpu.wait_dma2 semaphore(%arg20 : memref<!tpu.dma_semaphore, #tpu.memory_space<semaphore_mem>>) src(%dma_wait3A_1352 : memref<128x32xf32, #tpu.memory_space<vmem>>) dst(%dma_wait3A_1348 : memref<128x32xf32, #tpu.memory_space<vmem_shared>>)
        %dma_wait3A_1353 = arith.constant 0 : i32
        %dma_wait3A_1354 = arith.constant 0 : i32
        %dma_wait3A_1355 = tpu.memref_slice %arg12[%dma_wait3A_1353, %dma_wait3A_1354] : memref<10112x16xf32, #tpu.memory_space<vmem_shared>> -> memref<128x16xf32, #tpu.memory_space<vmem_shared>>
        %dma_wait3A_1356 = arith.constant 0 : i32
        %dma_wait3A_1357 = arith.constant 0 : i32
        %dma_wait3A_1358 = tpu.memref_slice %arg12[%dma_wait3A_1356, %dma_wait3A_1357] : memref<10112x16xf32, #tpu.memory_space<vmem_shared>> -> memref<128x16xf32, #tpu.memory_space<vmem_shared>>
        tpu.wait_dma2 semaphore(%arg20 : memref<!tpu.dma_semaphore, #tpu.memory_space<semaphore_mem>>) src(%arg13 : memref<128x16xf32, #tpu.memory_space<vmem>>) dst(%dma_wait3A_1358 : memref<128x16xf32, #tpu.memory_space<vmem_shared>>)
        %dma_wait3A_1359 = arith.constant 0 : i32
        %dma_wait3A_1360 = arith.constant 3 : i32
        %dma_wait3A_1361 = arith.constant 0 : i32
        %dma_wait3A_1362 = arith.constant 0 : i32
        %dma_wait3A_1363 = tpu.memref_slice %arg16[%dma_wait3A_1359, %dma_wait3A_1360, %dma_wait3A_1361, %dma_wait3A_1362] : memref<2x8x128x32xf32, #tpu.memory_space<vmem>> -> memref<1x1x128x32xf32, #tpu.memory_space<vmem>>
        %dma_wait3A_1364 = tpu.memref_squeeze %dma_wait3A_1363 : memref<1x1x128x32xf32, #tpu.memory_space<vmem>> -> memref<128x32xf32, #tpu.memory_space<vmem>>
        %dma_wait3A_1365 = arith.constant 0 : i32
        %dma_wait3A_1366 = arith.constant 0 : i32
        %dma_wait3A_1367 = tpu.memref_slice %arg11[%dma_wait3A_1365, %dma_wait3A_1366] : memref<10112x32xf32, #tpu.memory_space<vmem_shared>> -> memref<128x32xf32, #tpu.memory_space<vmem_shared>>
        %dma_wait3A_1368 = arith.constant 0 : i32
        %dma_wait3A_1369 = arith.constant 0 : i32
        %dma_wait3A_1370 = tpu.memref_slice %arg11[%dma_wait3A_1368, %dma_wait3A_1369] : memref<10112x32xf32, #tpu.memory_space<vmem_shared>> -> memref<128x32xf32, #tpu.memory_space<vmem_shared>>
        %dma_wait3A_1371 = arith.constant 0 : i32
        %dma_wait3A_1372 = arith.constant 0 : i32
        %dma_wait3A_1373 = tpu.memref_slice %arg16[%dma_wait3A_1359, %dma_wait3A_1360, %dma_wait3A_1371, %dma_wait3A_1372] : memref<2x8x128x32xf32, #tpu.memory_space<vmem>> -> memref<1x1x128x32xf32, #tpu.memory_space<vmem>>
        %dma_wait3A_1374 = tpu.memref_squeeze %dma_wait3A_1373 : memref<1x1x128x32xf32, #tpu.memory_space<vmem>> -> memref<128x32xf32, #tpu.memory_space<vmem>>
        tpu.wait_dma2 semaphore(%arg20 : memref<!tpu.dma_semaphore, #tpu.memory_space<semaphore_mem>>) src(%dma_wait3A_1374 : memref<128x32xf32, #tpu.memory_space<vmem>>) dst(%dma_wait3A_1370 : memref<128x32xf32, #tpu.memory_space<vmem_shared>>)
        %dma_wait3A_1375 = arith.constant 0 : i32
        %dma_wait3A_1376 = arith.constant 0 : i32
        %dma_wait3A_1377 = tpu.memref_slice %arg12[%dma_wait3A_1375, %dma_wait3A_1376] : memref<10112x16xf32, #tpu.memory_space<vmem_shared>> -> memref<128x16xf32, #tpu.memory_space<vmem_shared>>
        %dma_wait3A_1378 = arith.constant 0 : i32
        %dma_wait3A_1379 = arith.constant 0 : i32
        %dma_wait3A_1380 = tpu.memref_slice %arg12[%dma_wait3A_1378, %dma_wait3A_1379] : memref<10112x16xf32, #tpu.memory_space<vmem_shared>> -> memref<128x16xf32, #tpu.memory_space<vmem_shared>>
        tpu.wait_dma2 semaphore(%arg20 : memref<!tpu.dma_semaphore, #tpu.memory_space<semaphore_mem>>) src(%arg13 : memref<128x16xf32, #tpu.memory_space<vmem>>) dst(%dma_wait3A_1380 : memref<128x16xf32, #tpu.memory_space<vmem_shared>>)
        %dma_wait3A_1381 = arith.constant 0 : i32
        %dma_wait3A_1382 = arith.constant 4 : i32
        %dma_wait3A_1383 = arith.constant 0 : i32
        %dma_wait3A_1384 = arith.constant 0 : i32
        %dma_wait3A_1385 = tpu.memref_slice %arg16[%dma_wait3A_1381, %dma_wait3A_1382, %dma_wait3A_1383, %dma_wait3A_1384] : memref<2x8x128x32xf32, #tpu.memory_space<vmem>> -> memref<1x1x128x32xf32, #tpu.memory_space<vmem>>
        %dma_wait3A_1386 = tpu.memref_squeeze %dma_wait3A_1385 : memref<1x1x128x32xf32, #tpu.memory_space<vmem>> -> memref<128x32xf32, #tpu.memory_space<vmem>>
        %dma_wait3A_1387 = arith.constant 0 : i32
        %dma_wait3A_1388 = arith.constant 0 : i32
        %dma_wait3A_1389 = tpu.memref_slice %arg11[%dma_wait3A_1387, %dma_wait3A_1388] : memref<10112x32xf32, #tpu.memory_space<vmem_shared>> -> memref<128x32xf32, #tpu.memory_space<vmem_shared>>
        %dma_wait3A_1390 = arith.constant 0 : i32
        %dma_wait3A_1391 = arith.constant 0 : i32
        %dma_wait3A_1392 = tpu.memref_slice %arg11[%dma_wait3A_1390, %dma_wait3A_1391] : memref<10112x32xf32, #tpu.memory_space<vmem_shared>> -> memref<128x32xf32, #tpu.memory_space<vmem_shared>>
        %dma_wait3A_1393 = arith.constant 0 : i32
        %dma_wait3A_1394 = arith.constant 0 : i32
        %dma_wait3A_1395 = tpu.memref_slice %arg16[%dma_wait3A_1381, %dma_wait3A_1382, %dma_wait3A_1393, %dma_wait3A_1394] : memref<2x8x128x32xf32, #tpu.memory_space<vmem>> -> memref<1x1x128x32xf32, #tpu.memory_space<vmem>>
        %dma_wait3A_1396 = tpu.memref_squeeze %dma_wait3A_1395 : memref<1x1x128x32xf32, #tpu.memory_space<vmem>> -> memref<128x32xf32, #tpu.memory_space<vmem>>
        tpu.wait_dma2 semaphore(%arg20 : memref<!tpu.dma_semaphore, #tpu.memory_space<semaphore_mem>>) src(%dma_wait3A_1396 : memref<128x32xf32, #tpu.memory_space<vmem>>) dst(%dma_wait3A_1392 : memref<128x32xf32, #tpu.memory_space<vmem_shared>>)
        %dma_wait3A_1397 = arith.constant 0 : i32
        %dma_wait3A_1398 = arith.constant 0 : i32
        %dma_wait3A_1399 = tpu.memref_slice %arg12[%dma_wait3A_1397, %dma_wait3A_1398] : memref<10112x16xf32, #tpu.memory_space<vmem_shared>> -> memref<128x16xf32, #tpu.memory_space<vmem_shared>>
        %dma_wait3A_1400 = arith.constant 0 : i32
        %dma_wait3A_1401 = arith.constant 0 : i32
        %dma_wait3A_1402 = tpu.memref_slice %arg12[%dma_wait3A_1400, %dma_wait3A_1401] : memref<10112x16xf32, #tpu.memory_space<vmem_shared>> -> memref<128x16xf32, #tpu.memory_space<vmem_shared>>
        tpu.wait_dma2 semaphore(%arg20 : memref<!tpu.dma_semaphore, #tpu.memory_space<semaphore_mem>>) src(%arg13 : memref<128x16xf32, #tpu.memory_space<vmem>>) dst(%dma_wait3A_1402 : memref<128x16xf32, #tpu.memory_space<vmem_shared>>)
        %dma_wait3A_1403 = arith.constant 0 : i32
        %dma_wait3A_1404 = arith.constant 5 : i32
        %dma_wait3A_1405 = arith.constant 0 : i32
        %dma_wait3A_1406 = arith.constant 0 : i32
        %dma_wait3A_1407 = tpu.memref_slice %arg16[%dma_wait3A_1403, %dma_wait3A_1404, %dma_wait3A_1405, %dma_wait3A_1406] : memref<2x8x128x32xf32, #tpu.memory_space<vmem>> -> memref<1x1x128x32xf32, #tpu.memory_space<vmem>>
        %dma_wait3A_1408 = tpu.memref_squeeze %dma_wait3A_1407 : memref<1x1x128x32xf32, #tpu.memory_space<vmem>> -> memref<128x32xf32, #tpu.memory_space<vmem>>
        %dma_wait3A_1409 = arith.constant 0 : i32
        %dma_wait3A_1410 = arith.constant 0 : i32
        %dma_wait3A_1411 = tpu.memref_slice %arg11[%dma_wait3A_1409, %dma_wait3A_1410] : memref<10112x32xf32, #tpu.memory_space<vmem_shared>> -> memref<128x32xf32, #tpu.memory_space<vmem_shared>>
        %dma_wait3A_1412 = arith.constant 0 : i32
        %dma_wait3A_1413 = arith.constant 0 : i32
        %dma_wait3A_1414 = tpu.memref_slice %arg11[%dma_wait3A_1412, %dma_wait3A_1413] : memref<10112x32xf32, #tpu.memory_space<vmem_shared>> -> memref<128x32xf32, #tpu.memory_space<vmem_shared>>
        %dma_wait3A_1415 = arith.constant 0 : i32
        %dma_wait3A_1416 = arith.constant 0 : i32
        %dma_wait3A_1417 = tpu.memref_slice %arg16[%dma_wait3A_1403, %dma_wait3A_1404, %dma_wait3A_1415, %dma_wait3A_1416] : memref<2x8x128x32xf32, #tpu.memory_space<vmem>> -> memref<1x1x128x32xf32, #tpu.memory_space<vmem>>
        %dma_wait3A_1418 = tpu.memref_squeeze %dma_wait3A_1417 : memref<1x1x128x32xf32, #tpu.memory_space<vmem>> -> memref<128x32xf32, #tpu.memory_space<vmem>>
        tpu.wait_dma2 semaphore(%arg20 : memref<!tpu.dma_semaphore, #tpu.memory_space<semaphore_mem>>) src(%dma_wait3A_1418 : memref<128x32xf32, #tpu.memory_space<vmem>>) dst(%dma_wait3A_1414 : memref<128x32xf32, #tpu.memory_space<vmem_shared>>)
        %dma_wait3A_1419 = arith.constant 0 : i32
        %dma_wait3A_1420 = arith.constant 0 : i32
        %dma_wait3A_1421 = tpu.memref_slice %arg12[%dma_wait3A_1419, %dma_wait3A_1420] : memref<10112x16xf32, #tpu.memory_space<vmem_shared>> -> memref<128x16xf32, #tpu.memory_space<vmem_shared>>
        %dma_wait3A_1422 = arith.constant 0 : i32
        %dma_wait3A_1423 = arith.constant 0 : i32
        %dma_wait3A_1424 = tpu.memref_slice %arg12[%dma_wait3A_1422, %dma_wait3A_1423] : memref<10112x16xf32, #tpu.memory_space<vmem_shared>> -> memref<128x16xf32, #tpu.memory_space<vmem_shared>>
        tpu.wait_dma2 semaphore(%arg20 : memref<!tpu.dma_semaphore, #tpu.memory_space<semaphore_mem>>) src(%arg13 : memref<128x16xf32, #tpu.memory_space<vmem>>) dst(%dma_wait3A_1424 : memref<128x16xf32, #tpu.memory_space<vmem_shared>>)
        %dma_wait3A_1425 = arith.constant 0 : i32
        %dma_wait3A_1426 = arith.constant 6 : i32
        %dma_wait3A_1427 = arith.constant 0 : i32
        %dma_wait3A_1428 = arith.constant 0 : i32
        %dma_wait3A_1429 = tpu.memref_slice %arg16[%dma_wait3A_1425, %dma_wait3A_1426, %dma_wait3A_1427, %dma_wait3A_1428] : memref<2x8x128x32xf32, #tpu.memory_space<vmem>> -> memref<1x1x128x32xf32, #tpu.memory_space<vmem>>
        %dma_wait3A_1430 = tpu.memref_squeeze %dma_wait3A_1429 : memref<1x1x128x32xf32, #tpu.memory_space<vmem>> -> memref<128x32xf32, #tpu.memory_space<vmem>>
        %dma_wait3A_1431 = arith.constant 0 : i32
        %dma_wait3A_1432 = arith.constant 0 : i32
        %dma_wait3A_1433 = tpu.memref_slice %arg11[%dma_wait3A_1431, %dma_wait3A_1432] : memref<10112x32xf32, #tpu.memory_space<vmem_shared>> -> memref<128x32xf32, #tpu.memory_space<vmem_shared>>
        %dma_wait3A_1434 = arith.constant 0 : i32
        %dma_wait3A_1435 = arith.constant 0 : i32
        %dma_wait3A_1436 = tpu.memref_slice %arg11[%dma_wait3A_1434, %dma_wait3A_1435] : memref<10112x32xf32, #tpu.memory_space<vmem_shared>> -> memref<128x32xf32, #tpu.memory_space<vmem_shared>>
        %dma_wait3A_1437 = arith.constant 0 : i32
        %dma_wait3A_1438 = arith.constant 0 : i32
        %dma_wait3A_1439 = tpu.memref_slice %arg16[%dma_wait3A_1425, %dma_wait3A_1426, %dma_wait3A_1437, %dma_wait3A_1438] : memref<2x8x128x32xf32, #tpu.memory_space<vmem>> -> memref<1x1x128x32xf32, #tpu.memory_space<vmem>>
        %dma_wait3A_1440 = tpu.memref_squeeze %dma_wait3A_1439 : memref<1x1x128x32xf32, #tpu.memory_space<vmem>> -> memref<128x32xf32, #tpu.memory_space<vmem>>
        tpu.wait_dma2 semaphore(%arg20 : memref<!tpu.dma_semaphore, #tpu.memory_space<semaphore_mem>>) src(%dma_wait3A_1440 : memref<128x32xf32, #tpu.memory_space<vmem>>) dst(%dma_wait3A_1436 : memref<128x32xf32, #tpu.memory_space<vmem_shared>>)
        %dma_wait3A_1441 = arith.constant 0 : i32
        %dma_wait3A_1442 = arith.constant 0 : i32
        %dma_wait3A_1443 = tpu.memref_slice %arg12[%dma_wait3A_1441, %dma_wait3A_1442] : memref<10112x16xf32, #tpu.memory_space<vmem_shared>> -> memref<128x16xf32, #tpu.memory_space<vmem_shared>>
        %dma_wait3A_1444 = arith.constant 0 : i32
        %dma_wait3A_1445 = arith.constant 0 : i32
        %dma_wait3A_1446 = tpu.memref_slice %arg12[%dma_wait3A_1444, %dma_wait3A_1445] : memref<10112x16xf32, #tpu.memory_space<vmem_shared>> -> memref<128x16xf32, #tpu.memory_space<vmem_shared>>
        tpu.wait_dma2 semaphore(%arg20 : memref<!tpu.dma_semaphore, #tpu.memory_space<semaphore_mem>>) src(%arg13 : memref<128x16xf32, #tpu.memory_space<vmem>>) dst(%dma_wait3A_1446 : memref<128x16xf32, #tpu.memory_space<vmem_shared>>)
        %dma_wait3A_1447 = arith.constant 0 : i32
        %dma_wait3A_1448 = arith.constant 7 : i32
        %dma_wait3A_1449 = arith.constant 0 : i32
        %dma_wait3A_1450 = arith.constant 0 : i32
        %dma_wait3A_1451 = tpu.memref_slice %arg16[%dma_wait3A_1447, %dma_wait3A_1448, %dma_wait3A_1449, %dma_wait3A_1450] : memref<2x8x128x32xf32, #tpu.memory_space<vmem>> -> memref<1x1x128x32xf32, #tpu.memory_space<vmem>>
        %dma_wait3A_1452 = tpu.memref_squeeze %dma_wait3A_1451 : memref<1x1x128x32xf32, #tpu.memory_space<vmem>> -> memref<128x32xf32, #tpu.memory_space<vmem>>
        %dma_wait3A_1453 = arith.constant 0 : i32
        %dma_wait3A_1454 = arith.constant 0 : i32
        %dma_wait3A_1455 = tpu.memref_slice %arg11[%dma_wait3A_1453, %dma_wait3A_1454] : memref<10112x32xf32, #tpu.memory_space<vmem_shared>> -> memref<128x32xf32, #tpu.memory_space<vmem_shared>>
        %dma_wait3A_1456 = arith.constant 0 : i32
        %dma_wait3A_1457 = arith.constant 0 : i32
        %dma_wait3A_1458 = tpu.memref_slice %arg11[%dma_wait3A_1456, %dma_wait3A_1457] : memref<10112x32xf32, #tpu.memory_space<vmem_shared>> -> memref<128x32xf32, #tpu.memory_space<vmem_shared>>
        %dma_wait3A_1459 = arith.constant 0 : i32
        %dma_wait3A_1460 = arith.constant 0 : i32
        %dma_wait3A_1461 = tpu.memref_slice %arg16[%dma_wait3A_1447, %dma_wait3A_1448, %dma_wait3A_1459, %dma_wait3A_1460] : memref<2x8x128x32xf32, #tpu.memory_space<vmem>> -> memref<1x1x128x32xf32, #tpu.memory_space<vmem>>
        %dma_wait3A_1462 = tpu.memref_squeeze %dma_wait3A_1461 : memref<1x1x128x32xf32, #tpu.memory_space<vmem>> -> memref<128x32xf32, #tpu.memory_space<vmem>>
        tpu.wait_dma2 semaphore(%arg20 : memref<!tpu.dma_semaphore, #tpu.memory_space<semaphore_mem>>) src(%dma_wait3A_1462 : memref<128x32xf32, #tpu.memory_space<vmem>>) dst(%dma_wait3A_1458 : memref<128x32xf32, #tpu.memory_space<vmem_shared>>)
        %dma_wait3A_1463 = arith.constant 0 : i32
        %dma_wait3A_1464 = arith.constant 0 : i32
        %dma_wait3A_1465 = tpu.memref_slice %arg12[%dma_wait3A_1463, %dma_wait3A_1464] : memref<10112x16xf32, #tpu.memory_space<vmem_shared>> -> memref<128x16xf32, #tpu.memory_space<vmem_shared>>
        %dma_wait3A_1466 = arith.constant 0 : i32
        %dma_wait3A_1467 = arith.constant 0 : i32
        %dma_wait3A_1468 = tpu.memref_slice %arg12[%dma_wait3A_1466, %dma_wait3A_1467] : memref<10112x16xf32, #tpu.memory_space<vmem_shared>> -> memref<128x16xf32, #tpu.memory_space<vmem_shared>>
        tpu.wait_dma2 semaphore(%arg20 : memref<!tpu.dma_semaphore, #tpu.memory_space<semaphore_mem>>) src(%arg13 : memref<128x16xf32, #tpu.memory_space<vmem>>) dst(%dma_wait3A_1468 : memref<128x16xf32, #tpu.memory_space<vmem_shared>>)
      } else {
      }
      %convert_element_type3A_387 = arith.extui %lt3A_243 : i1 to i32
      %cond3A_388 = arith.constant 0 : i32
      %cond3A_389 = arith.cmpi ne, %convert_element_type3A_387, %cond3A_388 : i32
      scf.if %cond3A_389 {
        %add3A_1293 = arith.constant 1 : i32
        %add3A_1294 = arith.addi %mul3A_239, %add3A_1293 : i32
        %mul3A_1295 = arith.constant 80 : i32
        %mul3A_1296 = arith.muli %add3A, %mul3A_1295 : i32
        %mul3A_1297 = arith.constant 8 : i32
        %mul3A_1298 = arith.muli %add3A_1294, %mul3A_1297 : i32
        %add3A_1299 = arith.addi %mul3A_1296, %mul3A_1298 : i32
        %dma_start3A_1300 = arith.constant 1 : i32
        %dma_start3A_1301 = arith.constant 0 : i32
        %dma_start3A_1302 = arith.constant 0 : i32
        %dma_start3A_1303 = tpu.memref_slice %arg14[%dma_start3A_1300, %dma_start3A_1301, %dma_start3A_1302] : memref<2x8x128xi32, #tpu.memory_space<vmem>> -> memref<1x8x128xi32, #tpu.memory_space<vmem>>
        %dma_start3A_1304 = tpu.memref_squeeze %dma_start3A_1303 : memref<1x8x128xi32, #tpu.memory_space<vmem>> -> memref<8x128xi32, #tpu.memory_space<vmem>>
        %dma_start3A_1305 = arith.constant 0 : i32
        %dma_start3A_1306 = tpu.memref_slice %arg3[%add3A_1299, %dma_start3A_1305] : memref<2560x128xi32, #tpu.memory_space<hbm>> -> memref<8x128xi32, #tpu.memory_space<hbm>>
        %dma_start3A_1307 = arith.constant 0 : i32
        %dma_start3A_1308 = arith.constant 0 : i32
        %dma_start3A_1309 = tpu.memref_slice %arg14[%dma_start3A_1300, %dma_start3A_1307, %dma_start3A_1308] : memref<2x8x128xi32, #tpu.memory_space<vmem>> -> memref<1x8x128xi32, #tpu.memory_space<vmem>>
        %dma_start3A_1310 = tpu.memref_squeeze %dma_start3A_1309 : memref<1x8x128xi32, #tpu.memory_space<vmem>> -> memref<8x128xi32, #tpu.memory_space<vmem>>
        %dma_start3A_1311 = arith.constant 0 : i32
        %dma_start3A_1312 = tpu.memref_slice %arg3[%add3A_1299, %dma_start3A_1311] : memref<2560x128xi32, #tpu.memory_space<hbm>> -> memref<8x128xi32, #tpu.memory_space<hbm>>
        tpu.enqueue_dma source(%dma_start3A_1312 : memref<8x128xi32, #tpu.memory_space<hbm>>) target(%dma_start3A_1310 : memref<8x128xi32, #tpu.memory_space<vmem>>) target_semaphore(%arg17 : memref<!tpu.dma_semaphore, #tpu.memory_space<semaphore_mem>>)
        %dma_start3A_1313 = arith.constant 1 : i32
        %dma_start3A_1314 = arith.constant 0 : i32
        %dma_start3A_1315 = arith.constant 0 : i32
        %dma_start3A_1316 = tpu.memref_slice %arg15[%dma_start3A_1313, %dma_start3A_1314, %dma_start3A_1315] : memref<2x8x128xi32, #tpu.memory_space<vmem>> -> memref<1x8x128xi32, #tpu.memory_space<vmem>>
        %dma_start3A_1317 = tpu.memref_squeeze %dma_start3A_1316 : memref<1x8x128xi32, #tpu.memory_space<vmem>> -> memref<8x128xi32, #tpu.memory_space<vmem>>
        %dma_start3A_1318 = arith.constant 0 : i32
        %dma_start3A_1319 = tpu.memref_slice %arg4[%add3A_1299, %dma_start3A_1318] : memref<2560x128xi32, #tpu.memory_space<hbm>> -> memref<8x128xi32, #tpu.memory_space<hbm>>
        %dma_start3A_1320 = arith.constant 0 : i32
        %dma_start3A_1321 = arith.constant 0 : i32
        %dma_start3A_1322 = tpu.memref_slice %arg15[%dma_start3A_1313, %dma_start3A_1320, %dma_start3A_1321] : memref<2x8x128xi32, #tpu.memory_space<vmem>> -> memref<1x8x128xi32, #tpu.memory_space<vmem>>
        %dma_start3A_1323 = tpu.memref_squeeze %dma_start3A_1322 : memref<1x8x128xi32, #tpu.memory_space<vmem>> -> memref<8x128xi32, #tpu.memory_space<vmem>>
        %dma_start3A_1324 = arith.constant 0 : i32
        %dma_start3A_1325 = tpu.memref_slice %arg4[%add3A_1299, %dma_start3A_1324] : memref<2560x128xi32, #tpu.memory_space<hbm>> -> memref<8x128xi32, #tpu.memory_space<hbm>>
        tpu.enqueue_dma source(%dma_start3A_1325 : memref<8x128xi32, #tpu.memory_space<hbm>>) target(%dma_start3A_1323 : memref<8x128xi32, #tpu.memory_space<vmem>>) target_semaphore(%arg17 : memref<!tpu.dma_semaphore, #tpu.memory_space<semaphore_mem>>)
      } else {
      }
      %dma_wait3A_390 = arith.constant 0 : i32
      %dma_wait3A_391 = arith.constant 0 : i32
      %dma_wait3A_392 = arith.constant 0 : i32
      %dma_wait3A_393 = arith.constant 0 : i32
      %dma_wait3A_394 = arith.constant 0 : i32
      %dma_wait3A_395 = arith.constant 0 : i32
      %dma_wait3A_396 = tpu.memref_slice %arg16[%dma_wait3A_392, %dma_wait3A_393, %dma_wait3A_394, %dma_wait3A_395] : memref<2x8x128x32xf32, #tpu.memory_space<vmem>> -> memref<1x1x128x32xf32, #tpu.memory_space<vmem>>
      %dma_wait3A_397 = tpu.memref_squeeze %dma_wait3A_396 : memref<1x1x128x32xf32, #tpu.memory_space<vmem>> -> memref<128x32xf32, #tpu.memory_space<vmem>>
      %dma_wait3A_398 = arith.constant 0 : i32
      %dma_wait3A_399 = tpu.memref_slice %arg14[%dma_wait3A_390, %dma_wait3A_391, %dma_wait3A_398] : memref<2x8x128xi32, #tpu.memory_space<vmem>> -> memref<1x1x128xi32, #tpu.memory_space<vmem>>
      %dma_wait3A_400 = tpu.memref_squeeze %dma_wait3A_399 : memref<1x1x128xi32, #tpu.memory_space<vmem>> -> memref<128xi32, #tpu.memory_space<vmem>>
      %dma_wait3A_401 = arith.constant 0 : i32
      %dma_wait3A_402 = arith.constant 0 : i32
      %dma_wait3A_403 = tpu.memref_slice %arg10[%dma_wait3A_401, %dma_wait3A_402] : memref<10112x32xf32, #tpu.memory_space<vmem_shared>> -> memref<10112x32xf32, #tpu.memory_space<vmem_shared>>
      tpu.wait_indirect_dma semaphore(%arg18 : memref<!tpu.dma_semaphore, #tpu.memory_space<semaphore_mem>>) src(%dma_wait3A_403 : memref<10112x32xf32, #tpu.memory_space<vmem_shared>>) dst(%dma_wait3A_397 : memref<128x32xf32, #tpu.memory_space<vmem>>)
      %dma_wait3A_404 = arith.constant 0 : i32
      %dma_wait3A_405 = arith.constant 1 : i32
      %dma_wait3A_406 = arith.constant 0 : i32
      %dma_wait3A_407 = arith.constant 1 : i32
      %dma_wait3A_408 = arith.constant 0 : i32
      %dma_wait3A_409 = arith.constant 0 : i32
      %dma_wait3A_410 = tpu.memref_slice %arg16[%dma_wait3A_406, %dma_wait3A_407, %dma_wait3A_408, %dma_wait3A_409] : memref<2x8x128x32xf32, #tpu.memory_space<vmem>> -> memref<1x1x128x32xf32, #tpu.memory_space<vmem>>
      %dma_wait3A_411 = tpu.memref_squeeze %dma_wait3A_410 : memref<1x1x128x32xf32, #tpu.memory_space<vmem>> -> memref<128x32xf32, #tpu.memory_space<vmem>>
      %dma_wait3A_412 = arith.constant 0 : i32
      %dma_wait3A_413 = tpu.memref_slice %arg14[%dma_wait3A_404, %dma_wait3A_405, %dma_wait3A_412] : memref<2x8x128xi32, #tpu.memory_space<vmem>> -> memref<1x1x128xi32, #tpu.memory_space<vmem>>
      %dma_wait3A_414 = tpu.memref_squeeze %dma_wait3A_413 : memref<1x1x128xi32, #tpu.memory_space<vmem>> -> memref<128xi32, #tpu.memory_space<vmem>>
      %dma_wait3A_415 = arith.constant 0 : i32
      %dma_wait3A_416 = arith.constant 0 : i32
      %dma_wait3A_417 = tpu.memref_slice %arg10[%dma_wait3A_415, %dma_wait3A_416] : memref<10112x32xf32, #tpu.memory_space<vmem_shared>> -> memref<10112x32xf32, #tpu.memory_space<vmem_shared>>
      tpu.wait_indirect_dma semaphore(%arg18 : memref<!tpu.dma_semaphore, #tpu.memory_space<semaphore_mem>>) src(%dma_wait3A_417 : memref<10112x32xf32, #tpu.memory_space<vmem_shared>>) dst(%dma_wait3A_411 : memref<128x32xf32, #tpu.memory_space<vmem>>)
      %dma_wait3A_418 = arith.constant 0 : i32
      %dma_wait3A_419 = arith.constant 2 : i32
      %dma_wait3A_420 = arith.constant 0 : i32
      %dma_wait3A_421 = arith.constant 2 : i32
      %dma_wait3A_422 = arith.constant 0 : i32
      %dma_wait3A_423 = arith.constant 0 : i32
      %dma_wait3A_424 = tpu.memref_slice %arg16[%dma_wait3A_420, %dma_wait3A_421, %dma_wait3A_422, %dma_wait3A_423] : memref<2x8x128x32xf32, #tpu.memory_space<vmem>> -> memref<1x1x128x32xf32, #tpu.memory_space<vmem>>
      %dma_wait3A_425 = tpu.memref_squeeze %dma_wait3A_424 : memref<1x1x128x32xf32, #tpu.memory_space<vmem>> -> memref<128x32xf32, #tpu.memory_space<vmem>>
      %dma_wait3A_426 = arith.constant 0 : i32
      %dma_wait3A_427 = tpu.memref_slice %arg14[%dma_wait3A_418, %dma_wait3A_419, %dma_wait3A_426] : memref<2x8x128xi32, #tpu.memory_space<vmem>> -> memref<1x1x128xi32, #tpu.memory_space<vmem>>
      %dma_wait3A_428 = tpu.memref_squeeze %dma_wait3A_427 : memref<1x1x128xi32, #tpu.memory_space<vmem>> -> memref<128xi32, #tpu.memory_space<vmem>>
      %dma_wait3A_429 = arith.constant 0 : i32
      %dma_wait3A_430 = arith.constant 0 : i32
      %dma_wait3A_431 = tpu.memref_slice %arg10[%dma_wait3A_429, %dma_wait3A_430] : memref<10112x32xf32, #tpu.memory_space<vmem_shared>> -> memref<10112x32xf32, #tpu.memory_space<vmem_shared>>
      tpu.wait_indirect_dma semaphore(%arg18 : memref<!tpu.dma_semaphore, #tpu.memory_space<semaphore_mem>>) src(%dma_wait3A_431 : memref<10112x32xf32, #tpu.memory_space<vmem_shared>>) dst(%dma_wait3A_425 : memref<128x32xf32, #tpu.memory_space<vmem>>)
      %dma_wait3A_432 = arith.constant 0 : i32
      %dma_wait3A_433 = arith.constant 3 : i32
      %dma_wait3A_434 = arith.constant 0 : i32
      %dma_wait3A_435 = arith.constant 3 : i32
      %dma_wait3A_436 = arith.constant 0 : i32
      %dma_wait3A_437 = arith.constant 0 : i32
      %dma_wait3A_438 = tpu.memref_slice %arg16[%dma_wait3A_434, %dma_wait3A_435, %dma_wait3A_436, %dma_wait3A_437] : memref<2x8x128x32xf32, #tpu.memory_space<vmem>> -> memref<1x1x128x32xf32, #tpu.memory_space<vmem>>
      %dma_wait3A_439 = tpu.memref_squeeze %dma_wait3A_438 : memref<1x1x128x32xf32, #tpu.memory_space<vmem>> -> memref<128x32xf32, #tpu.memory_space<vmem>>
      %dma_wait3A_440 = arith.constant 0 : i32
      %dma_wait3A_441 = tpu.memref_slice %arg14[%dma_wait3A_432, %dma_wait3A_433, %dma_wait3A_440] : memref<2x8x128xi32, #tpu.memory_space<vmem>> -> memref<1x1x128xi32, #tpu.memory_space<vmem>>
      %dma_wait3A_442 = tpu.memref_squeeze %dma_wait3A_441 : memref<1x1x128xi32, #tpu.memory_space<vmem>> -> memref<128xi32, #tpu.memory_space<vmem>>
      %dma_wait3A_443 = arith.constant 0 : i32
      %dma_wait3A_444 = arith.constant 0 : i32
      %dma_wait3A_445 = tpu.memref_slice %arg10[%dma_wait3A_443, %dma_wait3A_444] : memref<10112x32xf32, #tpu.memory_space<vmem_shared>> -> memref<10112x32xf32, #tpu.memory_space<vmem_shared>>
      tpu.wait_indirect_dma semaphore(%arg18 : memref<!tpu.dma_semaphore, #tpu.memory_space<semaphore_mem>>) src(%dma_wait3A_445 : memref<10112x32xf32, #tpu.memory_space<vmem_shared>>) dst(%dma_wait3A_439 : memref<128x32xf32, #tpu.memory_space<vmem>>)
      %dma_wait3A_446 = arith.constant 0 : i32
      %dma_wait3A_447 = arith.constant 4 : i32
      %dma_wait3A_448 = arith.constant 0 : i32
      %dma_wait3A_449 = arith.constant 4 : i32
      %dma_wait3A_450 = arith.constant 0 : i32
      %dma_wait3A_451 = arith.constant 0 : i32
      %dma_wait3A_452 = tpu.memref_slice %arg16[%dma_wait3A_448, %dma_wait3A_449, %dma_wait3A_450, %dma_wait3A_451] : memref<2x8x128x32xf32, #tpu.memory_space<vmem>> -> memref<1x1x128x32xf32, #tpu.memory_space<vmem>>
      %dma_wait3A_453 = tpu.memref_squeeze %dma_wait3A_452 : memref<1x1x128x32xf32, #tpu.memory_space<vmem>> -> memref<128x32xf32, #tpu.memory_space<vmem>>
      %dma_wait3A_454 = arith.constant 0 : i32
      %dma_wait3A_455 = tpu.memref_slice %arg14[%dma_wait3A_446, %dma_wait3A_447, %dma_wait3A_454] : memref<2x8x128xi32, #tpu.memory_space<vmem>> -> memref<1x1x128xi32, #tpu.memory_space<vmem>>
      %dma_wait3A_456 = tpu.memref_squeeze %dma_wait3A_455 : memref<1x1x128xi32, #tpu.memory_space<vmem>> -> memref<128xi32, #tpu.memory_space<vmem>>
      %dma_wait3A_457 = arith.constant 0 : i32
      %dma_wait3A_458 = arith.constant 0 : i32
      %dma_wait3A_459 = tpu.memref_slice %arg10[%dma_wait3A_457, %dma_wait3A_458] : memref<10112x32xf32, #tpu.memory_space<vmem_shared>> -> memref<10112x32xf32, #tpu.memory_space<vmem_shared>>
      tpu.wait_indirect_dma semaphore(%arg18 : memref<!tpu.dma_semaphore, #tpu.memory_space<semaphore_mem>>) src(%dma_wait3A_459 : memref<10112x32xf32, #tpu.memory_space<vmem_shared>>) dst(%dma_wait3A_453 : memref<128x32xf32, #tpu.memory_space<vmem>>)
      %dma_wait3A_460 = arith.constant 0 : i32
      %dma_wait3A_461 = arith.constant 5 : i32
      %dma_wait3A_462 = arith.constant 0 : i32
      %dma_wait3A_463 = arith.constant 5 : i32
      %dma_wait3A_464 = arith.constant 0 : i32
      %dma_wait3A_465 = arith.constant 0 : i32
      %dma_wait3A_466 = tpu.memref_slice %arg16[%dma_wait3A_462, %dma_wait3A_463, %dma_wait3A_464, %dma_wait3A_465] : memref<2x8x128x32xf32, #tpu.memory_space<vmem>> -> memref<1x1x128x32xf32, #tpu.memory_space<vmem>>
      %dma_wait3A_467 = tpu.memref_squeeze %dma_wait3A_466 : memref<1x1x128x32xf32, #tpu.memory_space<vmem>> -> memref<128x32xf32, #tpu.memory_space<vmem>>
      %dma_wait3A_468 = arith.constant 0 : i32
      %dma_wait3A_469 = tpu.memref_slice %arg14[%dma_wait3A_460, %dma_wait3A_461, %dma_wait3A_468] : memref<2x8x128xi32, #tpu.memory_space<vmem>> -> memref<1x1x128xi32, #tpu.memory_space<vmem>>
      %dma_wait3A_470 = tpu.memref_squeeze %dma_wait3A_469 : memref<1x1x128xi32, #tpu.memory_space<vmem>> -> memref<128xi32, #tpu.memory_space<vmem>>
      %dma_wait3A_471 = arith.constant 0 : i32
      %dma_wait3A_472 = arith.constant 0 : i32
      %dma_wait3A_473 = tpu.memref_slice %arg10[%dma_wait3A_471, %dma_wait3A_472] : memref<10112x32xf32, #tpu.memory_space<vmem_shared>> -> memref<10112x32xf32, #tpu.memory_space<vmem_shared>>
      tpu.wait_indirect_dma semaphore(%arg18 : memref<!tpu.dma_semaphore, #tpu.memory_space<semaphore_mem>>) src(%dma_wait3A_473 : memref<10112x32xf32, #tpu.memory_space<vmem_shared>>) dst(%dma_wait3A_467 : memref<128x32xf32, #tpu.memory_space<vmem>>)
      %dma_wait3A_474 = arith.constant 0 : i32
      %dma_wait3A_475 = arith.constant 6 : i32
      %dma_wait3A_476 = arith.constant 0 : i32
      %dma_wait3A_477 = arith.constant 6 : i32
      %dma_wait3A_478 = arith.constant 0 : i32
      %dma_wait3A_479 = arith.constant 0 : i32
      %dma_wait3A_480 = tpu.memref_slice %arg16[%dma_wait3A_476, %dma_wait3A_477, %dma_wait3A_478, %dma_wait3A_479] : memref<2x8x128x32xf32, #tpu.memory_space<vmem>> -> memref<1x1x128x32xf32, #tpu.memory_space<vmem>>
      %dma_wait3A_481 = tpu.memref_squeeze %dma_wait3A_480 : memref<1x1x128x32xf32, #tpu.memory_space<vmem>> -> memref<128x32xf32, #tpu.memory_space<vmem>>
      %dma_wait3A_482 = arith.constant 0 : i32
      %dma_wait3A_483 = tpu.memref_slice %arg14[%dma_wait3A_474, %dma_wait3A_475, %dma_wait3A_482] : memref<2x8x128xi32, #tpu.memory_space<vmem>> -> memref<1x1x128xi32, #tpu.memory_space<vmem>>
      %dma_wait3A_484 = tpu.memref_squeeze %dma_wait3A_483 : memref<1x1x128xi32, #tpu.memory_space<vmem>> -> memref<128xi32, #tpu.memory_space<vmem>>
      %dma_wait3A_485 = arith.constant 0 : i32
      %dma_wait3A_486 = arith.constant 0 : i32
      %dma_wait3A_487 = tpu.memref_slice %arg10[%dma_wait3A_485, %dma_wait3A_486] : memref<10112x32xf32, #tpu.memory_space<vmem_shared>> -> memref<10112x32xf32, #tpu.memory_space<vmem_shared>>
      tpu.wait_indirect_dma semaphore(%arg18 : memref<!tpu.dma_semaphore, #tpu.memory_space<semaphore_mem>>) src(%dma_wait3A_487 : memref<10112x32xf32, #tpu.memory_space<vmem_shared>>) dst(%dma_wait3A_481 : memref<128x32xf32, #tpu.memory_space<vmem>>)
      %dma_wait3A_488 = arith.constant 0 : i32
      %dma_wait3A_489 = arith.constant 7 : i32
      %dma_wait3A_490 = arith.constant 0 : i32
      %dma_wait3A_491 = arith.constant 7 : i32
      %dma_wait3A_492 = arith.constant 0 : i32
      %dma_wait3A_493 = arith.constant 0 : i32
      %dma_wait3A_494 = tpu.memref_slice %arg16[%dma_wait3A_490, %dma_wait3A_491, %dma_wait3A_492, %dma_wait3A_493] : memref<2x8x128x32xf32, #tpu.memory_space<vmem>> -> memref<1x1x128x32xf32, #tpu.memory_space<vmem>>
      %dma_wait3A_495 = tpu.memref_squeeze %dma_wait3A_494 : memref<1x1x128x32xf32, #tpu.memory_space<vmem>> -> memref<128x32xf32, #tpu.memory_space<vmem>>
      %dma_wait3A_496 = arith.constant 0 : i32
      %dma_wait3A_497 = tpu.memref_slice %arg14[%dma_wait3A_488, %dma_wait3A_489, %dma_wait3A_496] : memref<2x8x128xi32, #tpu.memory_space<vmem>> -> memref<1x1x128xi32, #tpu.memory_space<vmem>>
      %dma_wait3A_498 = tpu.memref_squeeze %dma_wait3A_497 : memref<1x1x128xi32, #tpu.memory_space<vmem>> -> memref<128xi32, #tpu.memory_space<vmem>>
      %dma_wait3A_499 = arith.constant 0 : i32
      %dma_wait3A_500 = arith.constant 0 : i32
      %dma_wait3A_501 = tpu.memref_slice %arg10[%dma_wait3A_499, %dma_wait3A_500] : memref<10112x32xf32, #tpu.memory_space<vmem_shared>> -> memref<10112x32xf32, #tpu.memory_space<vmem_shared>>
      tpu.wait_indirect_dma semaphore(%arg18 : memref<!tpu.dma_semaphore, #tpu.memory_space<semaphore_mem>>) src(%dma_wait3A_501 : memref<10112x32xf32, #tpu.memory_space<vmem_shared>>) dst(%dma_wait3A_495 : memref<128x32xf32, #tpu.memory_space<vmem>>)
      %dma_start3A_502 = arith.constant 0 : i32
      %dma_start3A_503 = arith.constant 0 : i32
      %dma_start3A_504 = arith.constant 0 : i32
      %dma_start3A_505 = arith.constant 0 : i32
      %dma_start3A_506 = arith.constant 0 : i32
      %dma_start3A_507 = arith.constant 0 : i32
      %dma_start3A_508 = tpu.memref_slice %arg16[%dma_start3A_502, %dma_start3A_503, %dma_start3A_506, %dma_start3A_507] : memref<2x8x128x32xf32, #tpu.memory_space<vmem>> -> memref<1x1x128x32xf32, #tpu.memory_space<vmem>>
      %dma_start3A_509 = tpu.memref_squeeze %dma_start3A_508 : memref<1x1x128x32xf32, #tpu.memory_space<vmem>> -> memref<128x32xf32, #tpu.memory_space<vmem>>
      %dma_start3A_510 = arith.constant 0 : i32
      %dma_start3A_511 = tpu.memref_slice %arg15[%dma_start3A_504, %dma_start3A_505, %dma_start3A_510] : memref<2x8x128xi32, #tpu.memory_space<vmem>> -> memref<1x1x128xi32, #tpu.memory_space<vmem>>
      %dma_start3A_512 = tpu.memref_squeeze %dma_start3A_511 : memref<1x1x128xi32, #tpu.memory_space<vmem>> -> memref<128xi32, #tpu.memory_space<vmem>>
      %dma_start3A_513 = arith.constant 0 : i32
      %dma_start3A_514 = arith.constant 0 : i32
      %dma_start3A_515 = tpu.memref_slice %arg11[%dma_start3A_513, %dma_start3A_514] : memref<10112x32xf32, #tpu.memory_space<vmem_shared>> -> memref<10112x32xf32, #tpu.memory_space<vmem_shared>>
      tpu.enqueue_indirect_dma source(%dma_start3A_509 : memref<128x32xf32, #tpu.memory_space<vmem>>) target(%dma_start3A_515 : memref<10112x32xf32, #tpu.memory_space<vmem_shared>>) offsets(%dma_start3A_512 : memref<128xi32, #tpu.memory_space<vmem>>) semaphore(%arg19 : memref<!tpu.dma_semaphore, #tpu.memory_space<semaphore_mem>>) {add = true}
      %dma_start3A_516 = arith.constant 0 : i32
      %dma_start3A_517 = arith.constant 0 : i32
      %dma_start3A_518 = arith.constant 0 : i32
      %dma_start3A_519 = tpu.memref_slice %arg15[%dma_start3A_516, %dma_start3A_517, %dma_start3A_518] : memref<2x8x128xi32, #tpu.memory_space<vmem>> -> memref<1x1x128xi32, #tpu.memory_space<vmem>>
      %dma_start3A_520 = tpu.memref_squeeze %dma_start3A_519 : memref<1x1x128xi32, #tpu.memory_space<vmem>> -> memref<128xi32, #tpu.memory_space<vmem>>
      %dma_start3A_521 = arith.constant 0 : i32
      %dma_start3A_522 = arith.constant 0 : i32
      %dma_start3A_523 = tpu.memref_slice %arg12[%dma_start3A_521, %dma_start3A_522] : memref<10112x16xf32, #tpu.memory_space<vmem_shared>> -> memref<10112x16xf32, #tpu.memory_space<vmem_shared>>
      tpu.enqueue_indirect_dma source(%arg13 : memref<128x16xf32, #tpu.memory_space<vmem>>) target(%dma_start3A_523 : memref<10112x16xf32, #tpu.memory_space<vmem_shared>>) offsets(%dma_start3A_520 : memref<128xi32, #tpu.memory_space<vmem>>) semaphore(%arg19 : memref<!tpu.dma_semaphore, #tpu.memory_space<semaphore_mem>>) {add = true}
      %dma_start3A_524 = arith.constant 0 : i32
      %dma_start3A_525 = arith.constant 1 : i32
      %dma_start3A_526 = arith.constant 0 : i32
      %dma_start3A_527 = arith.constant 1 : i32
      %dma_start3A_528 = arith.constant 0 : i32
      %dma_start3A_529 = arith.constant 0 : i32
      %dma_start3A_530 = tpu.memref_slice %arg16[%dma_start3A_524, %dma_start3A_525, %dma_start3A_528, %dma_start3A_529] : memref<2x8x128x32xf32, #tpu.memory_space<vmem>> -> memref<1x1x128x32xf32, #tpu.memory_space<vmem>>
      %dma_start3A_531 = tpu.memref_squeeze %dma_start3A_530 : memref<1x1x128x32xf32, #tpu.memory_space<vmem>> -> memref<128x32xf32, #tpu.memory_space<vmem>>
      %dma_start3A_532 = arith.constant 0 : i32
      %dma_start3A_533 = tpu.memref_slice %arg15[%dma_start3A_526, %dma_start3A_527, %dma_start3A_532] : memref<2x8x128xi32, #tpu.memory_space<vmem>> -> memref<1x1x128xi32, #tpu.memory_space<vmem>>
      %dma_start3A_534 = tpu.memref_squeeze %dma_start3A_533 : memref<1x1x128xi32, #tpu.memory_space<vmem>> -> memref<128xi32, #tpu.memory_space<vmem>>
      %dma_start3A_535 = arith.constant 0 : i32
      %dma_start3A_536 = arith.constant 0 : i32
      %dma_start3A_537 = tpu.memref_slice %arg11[%dma_start3A_535, %dma_start3A_536] : memref<10112x32xf32, #tpu.memory_space<vmem_shared>> -> memref<10112x32xf32, #tpu.memory_space<vmem_shared>>
      tpu.enqueue_indirect_dma source(%dma_start3A_531 : memref<128x32xf32, #tpu.memory_space<vmem>>) target(%dma_start3A_537 : memref<10112x32xf32, #tpu.memory_space<vmem_shared>>) offsets(%dma_start3A_534 : memref<128xi32, #tpu.memory_space<vmem>>) semaphore(%arg19 : memref<!tpu.dma_semaphore, #tpu.memory_space<semaphore_mem>>) {add = true}
      %dma_start3A_538 = arith.constant 0 : i32
      %dma_start3A_539 = arith.constant 1 : i32
      %dma_start3A_540 = arith.constant 0 : i32
      %dma_start3A_541 = tpu.memref_slice %arg15[%dma_start3A_538, %dma_start3A_539, %dma_start3A_540] : memref<2x8x128xi32, #tpu.memory_space<vmem>> -> memref<1x1x128xi32, #tpu.memory_space<vmem>>
      %dma_start3A_542 = tpu.memref_squeeze %dma_start3A_541 : memref<1x1x128xi32, #tpu.memory_space<vmem>> -> memref<128xi32, #tpu.memory_space<vmem>>
      %dma_start3A_543 = arith.constant 0 : i32
      %dma_start3A_544 = arith.constant 0 : i32
      %dma_start3A_545 = tpu.memref_slice %arg12[%dma_start3A_543, %dma_start3A_544] : memref<10112x16xf32, #tpu.memory_space<vmem_shared>> -> memref<10112x16xf32, #tpu.memory_space<vmem_shared>>
      tpu.enqueue_indirect_dma source(%arg13 : memref<128x16xf32, #tpu.memory_space<vmem>>) target(%dma_start3A_545 : memref<10112x16xf32, #tpu.memory_space<vmem_shared>>) offsets(%dma_start3A_542 : memref<128xi32, #tpu.memory_space<vmem>>) semaphore(%arg19 : memref<!tpu.dma_semaphore, #tpu.memory_space<semaphore_mem>>) {add = true}
      %dma_start3A_546 = arith.constant 0 : i32
      %dma_start3A_547 = arith.constant 2 : i32
      %dma_start3A_548 = arith.constant 0 : i32
      %dma_start3A_549 = arith.constant 2 : i32
      %dma_start3A_550 = arith.constant 0 : i32
      %dma_start3A_551 = arith.constant 0 : i32
      %dma_start3A_552 = tpu.memref_slice %arg16[%dma_start3A_546, %dma_start3A_547, %dma_start3A_550, %dma_start3A_551] : memref<2x8x128x32xf32, #tpu.memory_space<vmem>> -> memref<1x1x128x32xf32, #tpu.memory_space<vmem>>
      %dma_start3A_553 = tpu.memref_squeeze %dma_start3A_552 : memref<1x1x128x32xf32, #tpu.memory_space<vmem>> -> memref<128x32xf32, #tpu.memory_space<vmem>>
      %dma_start3A_554 = arith.constant 0 : i32
      %dma_start3A_555 = tpu.memref_slice %arg15[%dma_start3A_548, %dma_start3A_549, %dma_start3A_554] : memref<2x8x128xi32, #tpu.memory_space<vmem>> -> memref<1x1x128xi32, #tpu.memory_space<vmem>>
      %dma_start3A_556 = tpu.memref_squeeze %dma_start3A_555 : memref<1x1x128xi32, #tpu.memory_space<vmem>> -> memref<128xi32, #tpu.memory_space<vmem>>
      %dma_start3A_557 = arith.constant 0 : i32
      %dma_start3A_558 = arith.constant 0 : i32
      %dma_start3A_559 = tpu.memref_slice %arg11[%dma_start3A_557, %dma_start3A_558] : memref<10112x32xf32, #tpu.memory_space<vmem_shared>> -> memref<10112x32xf32, #tpu.memory_space<vmem_shared>>
      tpu.enqueue_indirect_dma source(%dma_start3A_553 : memref<128x32xf32, #tpu.memory_space<vmem>>) target(%dma_start3A_559 : memref<10112x32xf32, #tpu.memory_space<vmem_shared>>) offsets(%dma_start3A_556 : memref<128xi32, #tpu.memory_space<vmem>>) semaphore(%arg19 : memref<!tpu.dma_semaphore, #tpu.memory_space<semaphore_mem>>) {add = true}
      %dma_start3A_560 = arith.constant 0 : i32
      %dma_start3A_561 = arith.constant 2 : i32
      %dma_start3A_562 = arith.constant 0 : i32
      %dma_start3A_563 = tpu.memref_slice %arg15[%dma_start3A_560, %dma_start3A_561, %dma_start3A_562] : memref<2x8x128xi32, #tpu.memory_space<vmem>> -> memref<1x1x128xi32, #tpu.memory_space<vmem>>
      %dma_start3A_564 = tpu.memref_squeeze %dma_start3A_563 : memref<1x1x128xi32, #tpu.memory_space<vmem>> -> memref<128xi32, #tpu.memory_space<vmem>>
      %dma_start3A_565 = arith.constant 0 : i32
      %dma_start3A_566 = arith.constant 0 : i32
      %dma_start3A_567 = tpu.memref_slice %arg12[%dma_start3A_565, %dma_start3A_566] : memref<10112x16xf32, #tpu.memory_space<vmem_shared>> -> memref<10112x16xf32, #tpu.memory_space<vmem_shared>>
      tpu.enqueue_indirect_dma source(%arg13 : memref<128x16xf32, #tpu.memory_space<vmem>>) target(%dma_start3A_567 : memref<10112x16xf32, #tpu.memory_space<vmem_shared>>) offsets(%dma_start3A_564 : memref<128xi32, #tpu.memory_space<vmem>>) semaphore(%arg19 : memref<!tpu.dma_semaphore, #tpu.memory_space<semaphore_mem>>) {add = true}
      %dma_start3A_568 = arith.constant 0 : i32
      %dma_start3A_569 = arith.constant 3 : i32
      %dma_start3A_570 = arith.constant 0 : i32
      %dma_start3A_571 = arith.constant 3 : i32
      %dma_start3A_572 = arith.constant 0 : i32
      %dma_start3A_573 = arith.constant 0 : i32
      %dma_start3A_574 = tpu.memref_slice %arg16[%dma_start3A_568, %dma_start3A_569, %dma_start3A_572, %dma_start3A_573] : memref<2x8x128x32xf32, #tpu.memory_space<vmem>> -> memref<1x1x128x32xf32, #tpu.memory_space<vmem>>
      %dma_start3A_575 = tpu.memref_squeeze %dma_start3A_574 : memref<1x1x128x32xf32, #tpu.memory_space<vmem>> -> memref<128x32xf32, #tpu.memory_space<vmem>>
      %dma_start3A_576 = arith.constant 0 : i32
      %dma_start3A_577 = tpu.memref_slice %arg15[%dma_start3A_570, %dma_start3A_571, %dma_start3A_576] : memref<2x8x128xi32, #tpu.memory_space<vmem>> -> memref<1x1x128xi32, #tpu.memory_space<vmem>>
      %dma_start3A_578 = tpu.memref_squeeze %dma_start3A_577 : memref<1x1x128xi32, #tpu.memory_space<vmem>> -> memref<128xi32, #tpu.memory_space<vmem>>
      %dma_start3A_579 = arith.constant 0 : i32
      %dma_start3A_580 = arith.constant 0 : i32
      %dma_start3A_581 = tpu.memref_slice %arg11[%dma_start3A_579, %dma_start3A_580] : memref<10112x32xf32, #tpu.memory_space<vmem_shared>> -> memref<10112x32xf32, #tpu.memory_space<vmem_shared>>
      tpu.enqueue_indirect_dma source(%dma_start3A_575 : memref<128x32xf32, #tpu.memory_space<vmem>>) target(%dma_start3A_581 : memref<10112x32xf32, #tpu.memory_space<vmem_shared>>) offsets(%dma_start3A_578 : memref<128xi32, #tpu.memory_space<vmem>>) semaphore(%arg19 : memref<!tpu.dma_semaphore, #tpu.memory_space<semaphore_mem>>) {add = true}
      %dma_start3A_582 = arith.constant 0 : i32
      %dma_start3A_583 = arith.constant 3 : i32
      %dma_start3A_584 = arith.constant 0 : i32
      %dma_start3A_585 = tpu.memref_slice %arg15[%dma_start3A_582, %dma_start3A_583, %dma_start3A_584] : memref<2x8x128xi32, #tpu.memory_space<vmem>> -> memref<1x1x128xi32, #tpu.memory_space<vmem>>
      %dma_start3A_586 = tpu.memref_squeeze %dma_start3A_585 : memref<1x1x128xi32, #tpu.memory_space<vmem>> -> memref<128xi32, #tpu.memory_space<vmem>>
      %dma_start3A_587 = arith.constant 0 : i32
      %dma_start3A_588 = arith.constant 0 : i32
      %dma_start3A_589 = tpu.memref_slice %arg12[%dma_start3A_587, %dma_start3A_588] : memref<10112x16xf32, #tpu.memory_space<vmem_shared>> -> memref<10112x16xf32, #tpu.memory_space<vmem_shared>>
      tpu.enqueue_indirect_dma source(%arg13 : memref<128x16xf32, #tpu.memory_space<vmem>>) target(%dma_start3A_589 : memref<10112x16xf32, #tpu.memory_space<vmem_shared>>) offsets(%dma_start3A_586 : memref<128xi32, #tpu.memory_space<vmem>>) semaphore(%arg19 : memref<!tpu.dma_semaphore, #tpu.memory_space<semaphore_mem>>) {add = true}
      %dma_start3A_590 = arith.constant 0 : i32
      %dma_start3A_591 = arith.constant 4 : i32
      %dma_start3A_592 = arith.constant 0 : i32
      %dma_start3A_593 = arith.constant 4 : i32
      %dma_start3A_594 = arith.constant 0 : i32
      %dma_start3A_595 = arith.constant 0 : i32
      %dma_start3A_596 = tpu.memref_slice %arg16[%dma_start3A_590, %dma_start3A_591, %dma_start3A_594, %dma_start3A_595] : memref<2x8x128x32xf32, #tpu.memory_space<vmem>> -> memref<1x1x128x32xf32, #tpu.memory_space<vmem>>
      %dma_start3A_597 = tpu.memref_squeeze %dma_start3A_596 : memref<1x1x128x32xf32, #tpu.memory_space<vmem>> -> memref<128x32xf32, #tpu.memory_space<vmem>>
      %dma_start3A_598 = arith.constant 0 : i32
      %dma_start3A_599 = tpu.memref_slice %arg15[%dma_start3A_592, %dma_start3A_593, %dma_start3A_598] : memref<2x8x128xi32, #tpu.memory_space<vmem>> -> memref<1x1x128xi32, #tpu.memory_space<vmem>>
      %dma_start3A_600 = tpu.memref_squeeze %dma_start3A_599 : memref<1x1x128xi32, #tpu.memory_space<vmem>> -> memref<128xi32, #tpu.memory_space<vmem>>
      %dma_start3A_601 = arith.constant 0 : i32
      %dma_start3A_602 = arith.constant 0 : i32
      %dma_start3A_603 = tpu.memref_slice %arg11[%dma_start3A_601, %dma_start3A_602] : memref<10112x32xf32, #tpu.memory_space<vmem_shared>> -> memref<10112x32xf32, #tpu.memory_space<vmem_shared>>
      tpu.enqueue_indirect_dma source(%dma_start3A_597 : memref<128x32xf32, #tpu.memory_space<vmem>>) target(%dma_start3A_603 : memref<10112x32xf32, #tpu.memory_space<vmem_shared>>) offsets(%dma_start3A_600 : memref<128xi32, #tpu.memory_space<vmem>>) semaphore(%arg19 : memref<!tpu.dma_semaphore, #tpu.memory_space<semaphore_mem>>) {add = true}
      %dma_start3A_604 = arith.constant 0 : i32
      %dma_start3A_605 = arith.constant 4 : i32
      %dma_start3A_606 = arith.constant 0 : i32
      %dma_start3A_607 = tpu.memref_slice %arg15[%dma_start3A_604, %dma_start3A_605, %dma_start3A_606] : memref<2x8x128xi32, #tpu.memory_space<vmem>> -> memref<1x1x128xi32, #tpu.memory_space<vmem>>
      %dma_start3A_608 = tpu.memref_squeeze %dma_start3A_607 : memref<1x1x128xi32, #tpu.memory_space<vmem>> -> memref<128xi32, #tpu.memory_space<vmem>>
      %dma_start3A_609 = arith.constant 0 : i32
      %dma_start3A_610 = arith.constant 0 : i32
      %dma_start3A_611 = tpu.memref_slice %arg12[%dma_start3A_609, %dma_start3A_610] : memref<10112x16xf32, #tpu.memory_space<vmem_shared>> -> memref<10112x16xf32, #tpu.memory_space<vmem_shared>>
      tpu.enqueue_indirect_dma source(%arg13 : memref<128x16xf32, #tpu.memory_space<vmem>>) target(%dma_start3A_611 : memref<10112x16xf32, #tpu.memory_space<vmem_shared>>) offsets(%dma_start3A_608 : memref<128xi32, #tpu.memory_space<vmem>>) semaphore(%arg19 : memref<!tpu.dma_semaphore, #tpu.memory_space<semaphore_mem>>) {add = true}
      %dma_start3A_612 = arith.constant 0 : i32
      %dma_start3A_613 = arith.constant 5 : i32
      %dma_start3A_614 = arith.constant 0 : i32
      %dma_start3A_615 = arith.constant 5 : i32
      %dma_start3A_616 = arith.constant 0 : i32
      %dma_start3A_617 = arith.constant 0 : i32
      %dma_start3A_618 = tpu.memref_slice %arg16[%dma_start3A_612, %dma_start3A_613, %dma_start3A_616, %dma_start3A_617] : memref<2x8x128x32xf32, #tpu.memory_space<vmem>> -> memref<1x1x128x32xf32, #tpu.memory_space<vmem>>
      %dma_start3A_619 = tpu.memref_squeeze %dma_start3A_618 : memref<1x1x128x32xf32, #tpu.memory_space<vmem>> -> memref<128x32xf32, #tpu.memory_space<vmem>>
      %dma_start3A_620 = arith.constant 0 : i32
      %dma_start3A_621 = tpu.memref_slice %arg15[%dma_start3A_614, %dma_start3A_615, %dma_start3A_620] : memref<2x8x128xi32, #tpu.memory_space<vmem>> -> memref<1x1x128xi32, #tpu.memory_space<vmem>>
      %dma_start3A_622 = tpu.memref_squeeze %dma_start3A_621 : memref<1x1x128xi32, #tpu.memory_space<vmem>> -> memref<128xi32, #tpu.memory_space<vmem>>
      %dma_start3A_623 = arith.constant 0 : i32
      %dma_start3A_624 = arith.constant 0 : i32
      %dma_start3A_625 = tpu.memref_slice %arg11[%dma_start3A_623, %dma_start3A_624] : memref<10112x32xf32, #tpu.memory_space<vmem_shared>> -> memref<10112x32xf32, #tpu.memory_space<vmem_shared>>
      tpu.enqueue_indirect_dma source(%dma_start3A_619 : memref<128x32xf32, #tpu.memory_space<vmem>>) target(%dma_start3A_625 : memref<10112x32xf32, #tpu.memory_space<vmem_shared>>) offsets(%dma_start3A_622 : memref<128xi32, #tpu.memory_space<vmem>>) semaphore(%arg19 : memref<!tpu.dma_semaphore, #tpu.memory_space<semaphore_mem>>) {add = true}
      %dma_start3A_626 = arith.constant 0 : i32
      %dma_start3A_627 = arith.constant 5 : i32
      %dma_start3A_628 = arith.constant 0 : i32
      %dma_start3A_629 = tpu.memref_slice %arg15[%dma_start3A_626, %dma_start3A_627, %dma_start3A_628] : memref<2x8x128xi32, #tpu.memory_space<vmem>> -> memref<1x1x128xi32, #tpu.memory_space<vmem>>
      %dma_start3A_630 = tpu.memref_squeeze %dma_start3A_629 : memref<1x1x128xi32, #tpu.memory_space<vmem>> -> memref<128xi32, #tpu.memory_space<vmem>>
      %dma_start3A_631 = arith.constant 0 : i32
      %dma_start3A_632 = arith.constant 0 : i32
      %dma_start3A_633 = tpu.memref_slice %arg12[%dma_start3A_631, %dma_start3A_632] : memref<10112x16xf32, #tpu.memory_space<vmem_shared>> -> memref<10112x16xf32, #tpu.memory_space<vmem_shared>>
      tpu.enqueue_indirect_dma source(%arg13 : memref<128x16xf32, #tpu.memory_space<vmem>>) target(%dma_start3A_633 : memref<10112x16xf32, #tpu.memory_space<vmem_shared>>) offsets(%dma_start3A_630 : memref<128xi32, #tpu.memory_space<vmem>>) semaphore(%arg19 : memref<!tpu.dma_semaphore, #tpu.memory_space<semaphore_mem>>) {add = true}
      %dma_start3A_634 = arith.constant 0 : i32
      %dma_start3A_635 = arith.constant 6 : i32
      %dma_start3A_636 = arith.constant 0 : i32
      %dma_start3A_637 = arith.constant 6 : i32
      %dma_start3A_638 = arith.constant 0 : i32
      %dma_start3A_639 = arith.constant 0 : i32
      %dma_start3A_640 = tpu.memref_slice %arg16[%dma_start3A_634, %dma_start3A_635, %dma_start3A_638, %dma_start3A_639] : memref<2x8x128x32xf32, #tpu.memory_space<vmem>> -> memref<1x1x128x32xf32, #tpu.memory_space<vmem>>
      %dma_start3A_641 = tpu.memref_squeeze %dma_start3A_640 : memref<1x1x128x32xf32, #tpu.memory_space<vmem>> -> memref<128x32xf32, #tpu.memory_space<vmem>>
      %dma_start3A_642 = arith.constant 0 : i32
      %dma_start3A_643 = tpu.memref_slice %arg15[%dma_start3A_636, %dma_start3A_637, %dma_start3A_642] : memref<2x8x128xi32, #tpu.memory_space<vmem>> -> memref<1x1x128xi32, #tpu.memory_space<vmem>>
      %dma_start3A_644 = tpu.memref_squeeze %dma_start3A_643 : memref<1x1x128xi32, #tpu.memory_space<vmem>> -> memref<128xi32, #tpu.memory_space<vmem>>
      %dma_start3A_645 = arith.constant 0 : i32
      %dma_start3A_646 = arith.constant 0 : i32
      %dma_start3A_647 = tpu.memref_slice %arg11[%dma_start3A_645, %dma_start3A_646] : memref<10112x32xf32, #tpu.memory_space<vmem_shared>> -> memref<10112x32xf32, #tpu.memory_space<vmem_shared>>
      tpu.enqueue_indirect_dma source(%dma_start3A_641 : memref<128x32xf32, #tpu.memory_space<vmem>>) target(%dma_start3A_647 : memref<10112x32xf32, #tpu.memory_space<vmem_shared>>) offsets(%dma_start3A_644 : memref<128xi32, #tpu.memory_space<vmem>>) semaphore(%arg19 : memref<!tpu.dma_semaphore, #tpu.memory_space<semaphore_mem>>) {add = true}
      %dma_start3A_648 = arith.constant 0 : i32
      %dma_start3A_649 = arith.constant 6 : i32
      %dma_start3A_650 = arith.constant 0 : i32
      %dma_start3A_651 = tpu.memref_slice %arg15[%dma_start3A_648, %dma_start3A_649, %dma_start3A_650] : memref<2x8x128xi32, #tpu.memory_space<vmem>> -> memref<1x1x128xi32, #tpu.memory_space<vmem>>
      %dma_start3A_652 = tpu.memref_squeeze %dma_start3A_651 : memref<1x1x128xi32, #tpu.memory_space<vmem>> -> memref<128xi32, #tpu.memory_space<vmem>>
      %dma_start3A_653 = arith.constant 0 : i32
      %dma_start3A_654 = arith.constant 0 : i32
      %dma_start3A_655 = tpu.memref_slice %arg12[%dma_start3A_653, %dma_start3A_654] : memref<10112x16xf32, #tpu.memory_space<vmem_shared>> -> memref<10112x16xf32, #tpu.memory_space<vmem_shared>>
      tpu.enqueue_indirect_dma source(%arg13 : memref<128x16xf32, #tpu.memory_space<vmem>>) target(%dma_start3A_655 : memref<10112x16xf32, #tpu.memory_space<vmem_shared>>) offsets(%dma_start3A_652 : memref<128xi32, #tpu.memory_space<vmem>>) semaphore(%arg19 : memref<!tpu.dma_semaphore, #tpu.memory_space<semaphore_mem>>) {add = true}
      %dma_start3A_656 = arith.constant 0 : i32
      %dma_start3A_657 = arith.constant 7 : i32
      %dma_start3A_658 = arith.constant 0 : i32
      %dma_start3A_659 = arith.constant 7 : i32
      %dma_start3A_660 = arith.constant 0 : i32
      %dma_start3A_661 = arith.constant 0 : i32
      %dma_start3A_662 = tpu.memref_slice %arg16[%dma_start3A_656, %dma_start3A_657, %dma_start3A_660, %dma_start3A_661] : memref<2x8x128x32xf32, #tpu.memory_space<vmem>> -> memref<1x1x128x32xf32, #tpu.memory_space<vmem>>
      %dma_start3A_663 = tpu.memref_squeeze %dma_start3A_662 : memref<1x1x128x32xf32, #tpu.memory_space<vmem>> -> memref<128x32xf32, #tpu.memory_space<vmem>>
      %dma_start3A_664 = arith.constant 0 : i32
      %dma_start3A_665 = tpu.memref_slice %arg15[%dma_start3A_658, %dma_start3A_659, %dma_start3A_664] : memref<2x8x128xi32, #tpu.memory_space<vmem>> -> memref<1x1x128xi32, #tpu.memory_space<vmem>>
      %dma_start3A_666 = tpu.memref_squeeze %dma_start3A_665 : memref<1x1x128xi32, #tpu.memory_space<vmem>> -> memref<128xi32, #tpu.memory_space<vmem>>
      %dma_start3A_667 = arith.constant 0 : i32
      %dma_start3A_668 = arith.constant 0 : i32
      %dma_start3A_669 = tpu.memref_slice %arg11[%dma_start3A_667, %dma_start3A_668] : memref<10112x32xf32, #tpu.memory_space<vmem_shared>> -> memref<10112x32xf32, #tpu.memory_space<vmem_shared>>
      tpu.enqueue_indirect_dma source(%dma_start3A_663 : memref<128x32xf32, #tpu.memory_space<vmem>>) target(%dma_start3A_669 : memref<10112x32xf32, #tpu.memory_space<vmem_shared>>) offsets(%dma_start3A_666 : memref<128xi32, #tpu.memory_space<vmem>>) semaphore(%arg19 : memref<!tpu.dma_semaphore, #tpu.memory_space<semaphore_mem>>) {add = true}
      %dma_start3A_670 = arith.constant 0 : i32
      %dma_start3A_671 = arith.constant 7 : i32
      %dma_start3A_672 = arith.constant 0 : i32
      %dma_start3A_673 = tpu.memref_slice %arg15[%dma_start3A_670, %dma_start3A_671, %dma_start3A_672] : memref<2x8x128xi32, #tpu.memory_space<vmem>> -> memref<1x1x128xi32, #tpu.memory_space<vmem>>
      %dma_start3A_674 = tpu.memref_squeeze %dma_start3A_673 : memref<1x1x128xi32, #tpu.memory_space<vmem>> -> memref<128xi32, #tpu.memory_space<vmem>>
      %dma_start3A_675 = arith.constant 0 : i32
      %dma_start3A_676 = arith.constant 0 : i32
      %dma_start3A_677 = tpu.memref_slice %arg12[%dma_start3A_675, %dma_start3A_676] : memref<10112x16xf32, #tpu.memory_space<vmem_shared>> -> memref<10112x16xf32, #tpu.memory_space<vmem_shared>>
      tpu.enqueue_indirect_dma source(%arg13 : memref<128x16xf32, #tpu.memory_space<vmem>>) target(%dma_start3A_677 : memref<10112x16xf32, #tpu.memory_space<vmem_shared>>) offsets(%dma_start3A_674 : memref<128xi32, #tpu.memory_space<vmem>>) semaphore(%arg19 : memref<!tpu.dma_semaphore, #tpu.memory_space<semaphore_mem>>) {add = true}
      %add3A_678 = arith.constant 1 : i32
      %add3A_679 = arith.addi %mul3A_239, %add3A_678 : i32
      %add3A_680 = arith.constant 2 : i32
      %add3A_681 = arith.addi %mul3A_239, %add3A_680 : i32
      %lt3A_682 = arith.constant 10 : i32
      %lt3A_683 = arith.cmpi slt, %add3A_681, %lt3A_682 : i32
      %dma_wait3A_684 = arith.constant 1 : i32
      %dma_wait3A_685 = arith.constant 0 : i32
      %dma_wait3A_686 = arith.constant 0 : i32
      %dma_wait3A_687 = tpu.memref_slice %arg14[%dma_wait3A_684, %dma_wait3A_685, %dma_wait3A_686] : memref<2x8x128xi32, #tpu.memory_space<vmem>> -> memref<1x8x128xi32, #tpu.memory_space<vmem>>
      %dma_wait3A_688 = tpu.memref_squeeze %dma_wait3A_687 : memref<1x8x128xi32, #tpu.memory_space<vmem>> -> memref<8x128xi32, #tpu.memory_space<vmem>>
      %dma_wait3A_689 = arith.constant 0 : i32
      %dma_wait3A_690 = arith.constant 0 : i32
      %dma_wait3A_691 = tpu.memref_slice %arg3[%dma_wait3A_689, %dma_wait3A_690] : memref<2560x128xi32, #tpu.memory_space<hbm>> -> memref<8x128xi32, #tpu.memory_space<hbm>>
      %dma_wait3A_692 = arith.constant 0 : i32
      %dma_wait3A_693 = arith.constant 0 : i32
      %dma_wait3A_694 = tpu.memref_slice %arg14[%dma_wait3A_684, %dma_wait3A_692, %dma_wait3A_693] : memref<2x8x128xi32, #tpu.memory_space<vmem>> -> memref<1x8x128xi32, #tpu.memory_space<vmem>>
      %dma_wait3A_695 = tpu.memref_squeeze %dma_wait3A_694 : memref<1x8x128xi32, #tpu.memory_space<vmem>> -> memref<8x128xi32, #tpu.memory_space<vmem>>
      %dma_wait3A_696 = arith.constant 0 : i32
      %dma_wait3A_697 = arith.constant 0 : i32
      %dma_wait3A_698 = tpu.memref_slice %arg3[%dma_wait3A_696, %dma_wait3A_697] : memref<2560x128xi32, #tpu.memory_space<hbm>> -> memref<8x128xi32, #tpu.memory_space<hbm>>
      tpu.wait_dma2 semaphore(%arg17 : memref<!tpu.dma_semaphore, #tpu.memory_space<semaphore_mem>>) src(%dma_wait3A_698 : memref<8x128xi32, #tpu.memory_space<hbm>>) dst(%dma_wait3A_695 : memref<8x128xi32, #tpu.memory_space<vmem>>)
      %dma_wait3A_699 = arith.constant 1 : i32
      %dma_wait3A_700 = arith.constant 0 : i32
      %dma_wait3A_701 = arith.constant 0 : i32
      %dma_wait3A_702 = tpu.memref_slice %arg15[%dma_wait3A_699, %dma_wait3A_700, %dma_wait3A_701] : memref<2x8x128xi32, #tpu.memory_space<vmem>> -> memref<1x8x128xi32, #tpu.memory_space<vmem>>
      %dma_wait3A_703 = tpu.memref_squeeze %dma_wait3A_702 : memref<1x8x128xi32, #tpu.memory_space<vmem>> -> memref<8x128xi32, #tpu.memory_space<vmem>>
      %dma_wait3A_704 = arith.constant 0 : i32
      %dma_wait3A_705 = arith.constant 0 : i32
      %dma_wait3A_706 = tpu.memref_slice %arg4[%dma_wait3A_704, %dma_wait3A_705] : memref<2560x128xi32, #tpu.memory_space<hbm>> -> memref<8x128xi32, #tpu.memory_space<hbm>>
      %dma_wait3A_707 = arith.constant 0 : i32
      %dma_wait3A_708 = arith.constant 0 : i32
      %dma_wait3A_709 = tpu.memref_slice %arg15[%dma_wait3A_699, %dma_wait3A_707, %dma_wait3A_708] : memref<2x8x128xi32, #tpu.memory_space<vmem>> -> memref<1x8x128xi32, #tpu.memory_space<vmem>>
      %dma_wait3A_710 = tpu.memref_squeeze %dma_wait3A_709 : memref<1x8x128xi32, #tpu.memory_space<vmem>> -> memref<8x128xi32, #tpu.memory_space<vmem>>
      %dma_wait3A_711 = arith.constant 0 : i32
      %dma_wait3A_712 = arith.constant 0 : i32
      %dma_wait3A_713 = tpu.memref_slice %arg4[%dma_wait3A_711, %dma_wait3A_712] : memref<2560x128xi32, #tpu.memory_space<hbm>> -> memref<8x128xi32, #tpu.memory_space<hbm>>
      tpu.wait_dma2 semaphore(%arg17 : memref<!tpu.dma_semaphore, #tpu.memory_space<semaphore_mem>>) src(%dma_wait3A_713 : memref<8x128xi32, #tpu.memory_space<hbm>>) dst(%dma_wait3A_710 : memref<8x128xi32, #tpu.memory_space<vmem>>)
      %dma_start3A_714 = arith.constant 1 : i32
      %dma_start3A_715 = arith.constant 0 : i32
      %dma_start3A_716 = arith.constant 1 : i32
      %dma_start3A_717 = arith.constant 0 : i32
      %dma_start3A_718 = arith.constant 0 : i32
      %dma_start3A_719 = arith.constant 0 : i32
      %dma_start3A_720 = tpu.memref_slice %arg16[%dma_start3A_716, %dma_start3A_717, %dma_start3A_718, %dma_start3A_719] : memref<2x8x128x32xf32, #tpu.memory_space<vmem>> -> memref<1x1x128x32xf32, #tpu.memory_space<vmem>>
      %dma_start3A_721 = tpu.memref_squeeze %dma_start3A_720 : memref<1x1x128x32xf32, #tpu.memory_space<vmem>> -> memref<128x32xf32, #tpu.memory_space<vmem>>
      %dma_start3A_722 = arith.constant 0 : i32
      %dma_start3A_723 = tpu.memref_slice %arg14[%dma_start3A_714, %dma_start3A_715, %dma_start3A_722] : memref<2x8x128xi32, #tpu.memory_space<vmem>> -> memref<1x1x128xi32, #tpu.memory_space<vmem>>
      %dma_start3A_724 = tpu.memref_squeeze %dma_start3A_723 : memref<1x1x128xi32, #tpu.memory_space<vmem>> -> memref<128xi32, #tpu.memory_space<vmem>>
      %dma_start3A_725 = arith.constant 0 : i32
      %dma_start3A_726 = arith.constant 0 : i32
      %dma_start3A_727 = tpu.memref_slice %arg10[%dma_start3A_725, %dma_start3A_726] : memref<10112x32xf32, #tpu.memory_space<vmem_shared>> -> memref<10112x32xf32, #tpu.memory_space<vmem_shared>>
      tpu.enqueue_indirect_dma source(%dma_start3A_727 : memref<10112x32xf32, #tpu.memory_space<vmem_shared>>) target(%dma_start3A_721 : memref<128x32xf32, #tpu.memory_space<vmem>>) offsets(%dma_start3A_724 : memref<128xi32, #tpu.memory_space<vmem>>) semaphore(%arg18 : memref<!tpu.dma_semaphore, #tpu.memory_space<semaphore_mem>>)
      %dma_start3A_728 = arith.constant 1 : i32
      %dma_start3A_729 = arith.constant 1 : i32
      %dma_start3A_730 = arith.constant 1 : i32
      %dma_start3A_731 = arith.constant 1 : i32
      %dma_start3A_732 = arith.constant 0 : i32
      %dma_start3A_733 = arith.constant 0 : i32
      %dma_start3A_734 = tpu.memref_slice %arg16[%dma_start3A_730, %dma_start3A_731, %dma_start3A_732, %dma_start3A_733] : memref<2x8x128x32xf32, #tpu.memory_space<vmem>> -> memref<1x1x128x32xf32, #tpu.memory_space<vmem>>
      %dma_start3A_735 = tpu.memref_squeeze %dma_start3A_734 : memref<1x1x128x32xf32, #tpu.memory_space<vmem>> -> memref<128x32xf32, #tpu.memory_space<vmem>>
      %dma_start3A_736 = arith.constant 0 : i32
      %dma_start3A_737 = tpu.memref_slice %arg14[%dma_start3A_728, %dma_start3A_729, %dma_start3A_736] : memref<2x8x128xi32, #tpu.memory_space<vmem>> -> memref<1x1x128xi32, #tpu.memory_space<vmem>>
      %dma_start3A_738 = tpu.memref_squeeze %dma_start3A_737 : memref<1x1x128xi32, #tpu.memory_space<vmem>> -> memref<128xi32, #tpu.memory_space<vmem>>
      %dma_start3A_739 = arith.constant 0 : i32
      %dma_start3A_740 = arith.constant 0 : i32
      %dma_start3A_741 = tpu.memref_slice %arg10[%dma_start3A_739, %dma_start3A_740] : memref<10112x32xf32, #tpu.memory_space<vmem_shared>> -> memref<10112x32xf32, #tpu.memory_space<vmem_shared>>
      tpu.enqueue_indirect_dma source(%dma_start3A_741 : memref<10112x32xf32, #tpu.memory_space<vmem_shared>>) target(%dma_start3A_735 : memref<128x32xf32, #tpu.memory_space<vmem>>) offsets(%dma_start3A_738 : memref<128xi32, #tpu.memory_space<vmem>>) semaphore(%arg18 : memref<!tpu.dma_semaphore, #tpu.memory_space<semaphore_mem>>)
      %dma_start3A_742 = arith.constant 1 : i32
      %dma_start3A_743 = arith.constant 2 : i32
      %dma_start3A_744 = arith.constant 1 : i32
      %dma_start3A_745 = arith.constant 2 : i32
      %dma_start3A_746 = arith.constant 0 : i32
      %dma_start3A_747 = arith.constant 0 : i32
      %dma_start3A_748 = tpu.memref_slice %arg16[%dma_start3A_744, %dma_start3A_745, %dma_start3A_746, %dma_start3A_747] : memref<2x8x128x32xf32, #tpu.memory_space<vmem>> -> memref<1x1x128x32xf32, #tpu.memory_space<vmem>>
      %dma_start3A_749 = tpu.memref_squeeze %dma_start3A_748 : memref<1x1x128x32xf32, #tpu.memory_space<vmem>> -> memref<128x32xf32, #tpu.memory_space<vmem>>
      %dma_start3A_750 = arith.constant 0 : i32
      %dma_start3A_751 = tpu.memref_slice %arg14[%dma_start3A_742, %dma_start3A_743, %dma_start3A_750] : memref<2x8x128xi32, #tpu.memory_space<vmem>> -> memref<1x1x128xi32, #tpu.memory_space<vmem>>
      %dma_start3A_752 = tpu.memref_squeeze %dma_start3A_751 : memref<1x1x128xi32, #tpu.memory_space<vmem>> -> memref<128xi32, #tpu.memory_space<vmem>>
      %dma_start3A_753 = arith.constant 0 : i32
      %dma_start3A_754 = arith.constant 0 : i32
      %dma_start3A_755 = tpu.memref_slice %arg10[%dma_start3A_753, %dma_start3A_754] : memref<10112x32xf32, #tpu.memory_space<vmem_shared>> -> memref<10112x32xf32, #tpu.memory_space<vmem_shared>>
      tpu.enqueue_indirect_dma source(%dma_start3A_755 : memref<10112x32xf32, #tpu.memory_space<vmem_shared>>) target(%dma_start3A_749 : memref<128x32xf32, #tpu.memory_space<vmem>>) offsets(%dma_start3A_752 : memref<128xi32, #tpu.memory_space<vmem>>) semaphore(%arg18 : memref<!tpu.dma_semaphore, #tpu.memory_space<semaphore_mem>>)
      %dma_start3A_756 = arith.constant 1 : i32
      %dma_start3A_757 = arith.constant 3 : i32
      %dma_start3A_758 = arith.constant 1 : i32
      %dma_start3A_759 = arith.constant 3 : i32
      %dma_start3A_760 = arith.constant 0 : i32
      %dma_start3A_761 = arith.constant 0 : i32
      %dma_start3A_762 = tpu.memref_slice %arg16[%dma_start3A_758, %dma_start3A_759, %dma_start3A_760, %dma_start3A_761] : memref<2x8x128x32xf32, #tpu.memory_space<vmem>> -> memref<1x1x128x32xf32, #tpu.memory_space<vmem>>
      %dma_start3A_763 = tpu.memref_squeeze %dma_start3A_762 : memref<1x1x128x32xf32, #tpu.memory_space<vmem>> -> memref<128x32xf32, #tpu.memory_space<vmem>>
      %dma_start3A_764 = arith.constant 0 : i32
      %dma_start3A_765 = tpu.memref_slice %arg14[%dma_start3A_756, %dma_start3A_757, %dma_start3A_764] : memref<2x8x128xi32, #tpu.memory_space<vmem>> -> memref<1x1x128xi32, #tpu.memory_space<vmem>>
      %dma_start3A_766 = tpu.memref_squeeze %dma_start3A_765 : memref<1x1x128xi32, #tpu.memory_space<vmem>> -> memref<128xi32, #tpu.memory_space<vmem>>
      %dma_start3A_767 = arith.constant 0 : i32
      %dma_start3A_768 = arith.constant 0 : i32
      %dma_start3A_769 = tpu.memref_slice %arg10[%dma_start3A_767, %dma_start3A_768] : memref<10112x32xf32, #tpu.memory_space<vmem_shared>> -> memref<10112x32xf32, #tpu.memory_space<vmem_shared>>
      tpu.enqueue_indirect_dma source(%dma_start3A_769 : memref<10112x32xf32, #tpu.memory_space<vmem_shared>>) target(%dma_start3A_763 : memref<128x32xf32, #tpu.memory_space<vmem>>) offsets(%dma_start3A_766 : memref<128xi32, #tpu.memory_space<vmem>>) semaphore(%arg18 : memref<!tpu.dma_semaphore, #tpu.memory_space<semaphore_mem>>)
      %dma_start3A_770 = arith.constant 1 : i32
      %dma_start3A_771 = arith.constant 4 : i32
      %dma_start3A_772 = arith.constant 1 : i32
      %dma_start3A_773 = arith.constant 4 : i32
      %dma_start3A_774 = arith.constant 0 : i32
      %dma_start3A_775 = arith.constant 0 : i32
      %dma_start3A_776 = tpu.memref_slice %arg16[%dma_start3A_772, %dma_start3A_773, %dma_start3A_774, %dma_start3A_775] : memref<2x8x128x32xf32, #tpu.memory_space<vmem>> -> memref<1x1x128x32xf32, #tpu.memory_space<vmem>>
      %dma_start3A_777 = tpu.memref_squeeze %dma_start3A_776 : memref<1x1x128x32xf32, #tpu.memory_space<vmem>> -> memref<128x32xf32, #tpu.memory_space<vmem>>
      %dma_start3A_778 = arith.constant 0 : i32
      %dma_start3A_779 = tpu.memref_slice %arg14[%dma_start3A_770, %dma_start3A_771, %dma_start3A_778] : memref<2x8x128xi32, #tpu.memory_space<vmem>> -> memref<1x1x128xi32, #tpu.memory_space<vmem>>
      %dma_start3A_780 = tpu.memref_squeeze %dma_start3A_779 : memref<1x1x128xi32, #tpu.memory_space<vmem>> -> memref<128xi32, #tpu.memory_space<vmem>>
      %dma_start3A_781 = arith.constant 0 : i32
      %dma_start3A_782 = arith.constant 0 : i32
      %dma_start3A_783 = tpu.memref_slice %arg10[%dma_start3A_781, %dma_start3A_782] : memref<10112x32xf32, #tpu.memory_space<vmem_shared>> -> memref<10112x32xf32, #tpu.memory_space<vmem_shared>>
      tpu.enqueue_indirect_dma source(%dma_start3A_783 : memref<10112x32xf32, #tpu.memory_space<vmem_shared>>) target(%dma_start3A_777 : memref<128x32xf32, #tpu.memory_space<vmem>>) offsets(%dma_start3A_780 : memref<128xi32, #tpu.memory_space<vmem>>) semaphore(%arg18 : memref<!tpu.dma_semaphore, #tpu.memory_space<semaphore_mem>>)
      %dma_start3A_784 = arith.constant 1 : i32
      %dma_start3A_785 = arith.constant 5 : i32
      %dma_start3A_786 = arith.constant 1 : i32
      %dma_start3A_787 = arith.constant 5 : i32
      %dma_start3A_788 = arith.constant 0 : i32
      %dma_start3A_789 = arith.constant 0 : i32
      %dma_start3A_790 = tpu.memref_slice %arg16[%dma_start3A_786, %dma_start3A_787, %dma_start3A_788, %dma_start3A_789] : memref<2x8x128x32xf32, #tpu.memory_space<vmem>> -> memref<1x1x128x32xf32, #tpu.memory_space<vmem>>
      %dma_start3A_791 = tpu.memref_squeeze %dma_start3A_790 : memref<1x1x128x32xf32, #tpu.memory_space<vmem>> -> memref<128x32xf32, #tpu.memory_space<vmem>>
      %dma_start3A_792 = arith.constant 0 : i32
      %dma_start3A_793 = tpu.memref_slice %arg14[%dma_start3A_784, %dma_start3A_785, %dma_start3A_792] : memref<2x8x128xi32, #tpu.memory_space<vmem>> -> memref<1x1x128xi32, #tpu.memory_space<vmem>>
      %dma_start3A_794 = tpu.memref_squeeze %dma_start3A_793 : memref<1x1x128xi32, #tpu.memory_space<vmem>> -> memref<128xi32, #tpu.memory_space<vmem>>
      %dma_start3A_795 = arith.constant 0 : i32
      %dma_start3A_796 = arith.constant 0 : i32
      %dma_start3A_797 = tpu.memref_slice %arg10[%dma_start3A_795, %dma_start3A_796] : memref<10112x32xf32, #tpu.memory_space<vmem_shared>> -> memref<10112x32xf32, #tpu.memory_space<vmem_shared>>
      tpu.enqueue_indirect_dma source(%dma_start3A_797 : memref<10112x32xf32, #tpu.memory_space<vmem_shared>>) target(%dma_start3A_791 : memref<128x32xf32, #tpu.memory_space<vmem>>) offsets(%dma_start3A_794 : memref<128xi32, #tpu.memory_space<vmem>>) semaphore(%arg18 : memref<!tpu.dma_semaphore, #tpu.memory_space<semaphore_mem>>)
      %dma_start3A_798 = arith.constant 1 : i32
      %dma_start3A_799 = arith.constant 6 : i32
      %dma_start3A_800 = arith.constant 1 : i32
      %dma_start3A_801 = arith.constant 6 : i32
      %dma_start3A_802 = arith.constant 0 : i32
      %dma_start3A_803 = arith.constant 0 : i32
      %dma_start3A_804 = tpu.memref_slice %arg16[%dma_start3A_800, %dma_start3A_801, %dma_start3A_802, %dma_start3A_803] : memref<2x8x128x32xf32, #tpu.memory_space<vmem>> -> memref<1x1x128x32xf32, #tpu.memory_space<vmem>>
      %dma_start3A_805 = tpu.memref_squeeze %dma_start3A_804 : memref<1x1x128x32xf32, #tpu.memory_space<vmem>> -> memref<128x32xf32, #tpu.memory_space<vmem>>
      %dma_start3A_806 = arith.constant 0 : i32
      %dma_start3A_807 = tpu.memref_slice %arg14[%dma_start3A_798, %dma_start3A_799, %dma_start3A_806] : memref<2x8x128xi32, #tpu.memory_space<vmem>> -> memref<1x1x128xi32, #tpu.memory_space<vmem>>
      %dma_start3A_808 = tpu.memref_squeeze %dma_start3A_807 : memref<1x1x128xi32, #tpu.memory_space<vmem>> -> memref<128xi32, #tpu.memory_space<vmem>>
      %dma_start3A_809 = arith.constant 0 : i32
      %dma_start3A_810 = arith.constant 0 : i32
      %dma_start3A_811 = tpu.memref_slice %arg10[%dma_start3A_809, %dma_start3A_810] : memref<10112x32xf32, #tpu.memory_space<vmem_shared>> -> memref<10112x32xf32, #tpu.memory_space<vmem_shared>>
      tpu.enqueue_indirect_dma source(%dma_start3A_811 : memref<10112x32xf32, #tpu.memory_space<vmem_shared>>) target(%dma_start3A_805 : memref<128x32xf32, #tpu.memory_space<vmem>>) offsets(%dma_start3A_808 : memref<128xi32, #tpu.memory_space<vmem>>) semaphore(%arg18 : memref<!tpu.dma_semaphore, #tpu.memory_space<semaphore_mem>>)
      %dma_start3A_812 = arith.constant 1 : i32
      %dma_start3A_813 = arith.constant 7 : i32
      %dma_start3A_814 = arith.constant 1 : i32
      %dma_start3A_815 = arith.constant 7 : i32
      %dma_start3A_816 = arith.constant 0 : i32
      %dma_start3A_817 = arith.constant 0 : i32
      %dma_start3A_818 = tpu.memref_slice %arg16[%dma_start3A_814, %dma_start3A_815, %dma_start3A_816, %dma_start3A_817] : memref<2x8x128x32xf32, #tpu.memory_space<vmem>> -> memref<1x1x128x32xf32, #tpu.memory_space<vmem>>
      %dma_start3A_819 = tpu.memref_squeeze %dma_start3A_818 : memref<1x1x128x32xf32, #tpu.memory_space<vmem>> -> memref<128x32xf32, #tpu.memory_space<vmem>>
      %dma_start3A_820 = arith.constant 0 : i32
      %dma_start3A_821 = tpu.memref_slice %arg14[%dma_start3A_812, %dma_start3A_813, %dma_start3A_820] : memref<2x8x128xi32, #tpu.memory_space<vmem>> -> memref<1x1x128xi32, #tpu.memory_space<vmem>>
      %dma_start3A_822 = tpu.memref_squeeze %dma_start3A_821 : memref<1x1x128xi32, #tpu.memory_space<vmem>> -> memref<128xi32, #tpu.memory_space<vmem>>
      %dma_start3A_823 = arith.constant 0 : i32
      %dma_start3A_824 = arith.constant 0 : i32
      %dma_start3A_825 = tpu.memref_slice %arg10[%dma_start3A_823, %dma_start3A_824] : memref<10112x32xf32, #tpu.memory_space<vmem_shared>> -> memref<10112x32xf32, #tpu.memory_space<vmem_shared>>
      tpu.enqueue_indirect_dma source(%dma_start3A_825 : memref<10112x32xf32, #tpu.memory_space<vmem_shared>>) target(%dma_start3A_819 : memref<128x32xf32, #tpu.memory_space<vmem>>) offsets(%dma_start3A_822 : memref<128xi32, #tpu.memory_space<vmem>>) semaphore(%arg18 : memref<!tpu.dma_semaphore, #tpu.memory_space<semaphore_mem>>)
      %dma_wait3A_826 = arith.constant 0 : i32
      %dma_wait3A_827 = arith.constant 0 : i32
      %dma_wait3A_828 = arith.constant 0 : i32
      %dma_wait3A_829 = arith.constant 0 : i32
      %dma_wait3A_830 = tpu.memref_slice %arg16[%dma_wait3A_826, %dma_wait3A_827, %dma_wait3A_828, %dma_wait3A_829] : memref<2x8x128x32xf32, #tpu.memory_space<vmem>> -> memref<1x1x128x32xf32, #tpu.memory_space<vmem>>
      %dma_wait3A_831 = tpu.memref_squeeze %dma_wait3A_830 : memref<1x1x128x32xf32, #tpu.memory_space<vmem>> -> memref<128x32xf32, #tpu.memory_space<vmem>>
      %dma_wait3A_832 = arith.constant 0 : i32
      %dma_wait3A_833 = arith.constant 0 : i32
      %dma_wait3A_834 = tpu.memref_slice %arg11[%dma_wait3A_832, %dma_wait3A_833] : memref<10112x32xf32, #tpu.memory_space<vmem_shared>> -> memref<128x32xf32, #tpu.memory_space<vmem_shared>>
      %dma_wait3A_835 = arith.constant 0 : i32
      %dma_wait3A_836 = arith.constant 0 : i32
      %dma_wait3A_837 = tpu.memref_slice %arg11[%dma_wait3A_835, %dma_wait3A_836] : memref<10112x32xf32, #tpu.memory_space<vmem_shared>> -> memref<128x32xf32, #tpu.memory_space<vmem_shared>>
      %dma_wait3A_838 = arith.constant 0 : i32
      %dma_wait3A_839 = arith.constant 0 : i32
      %dma_wait3A_840 = tpu.memref_slice %arg16[%dma_wait3A_826, %dma_wait3A_827, %dma_wait3A_838, %dma_wait3A_839] : memref<2x8x128x32xf32, #tpu.memory_space<vmem>> -> memref<1x1x128x32xf32, #tpu.memory_space<vmem>>
      %dma_wait3A_841 = tpu.memref_squeeze %dma_wait3A_840 : memref<1x1x128x32xf32, #tpu.memory_space<vmem>> -> memref<128x32xf32, #tpu.memory_space<vmem>>
      tpu.wait_dma2 semaphore(%arg19 : memref<!tpu.dma_semaphore, #tpu.memory_space<semaphore_mem>>) src(%dma_wait3A_841 : memref<128x32xf32, #tpu.memory_space<vmem>>) dst(%dma_wait3A_837 : memref<128x32xf32, #tpu.memory_space<vmem_shared>>)
      %dma_wait3A_842 = arith.constant 0 : i32
      %dma_wait3A_843 = arith.constant 0 : i32
      %dma_wait3A_844 = tpu.memref_slice %arg12[%dma_wait3A_842, %dma_wait3A_843] : memref<10112x16xf32, #tpu.memory_space<vmem_shared>> -> memref<128x16xf32, #tpu.memory_space<vmem_shared>>
      %dma_wait3A_845 = arith.constant 0 : i32
      %dma_wait3A_846 = arith.constant 0 : i32
      %dma_wait3A_847 = tpu.memref_slice %arg12[%dma_wait3A_845, %dma_wait3A_846] : memref<10112x16xf32, #tpu.memory_space<vmem_shared>> -> memref<128x16xf32, #tpu.memory_space<vmem_shared>>
      tpu.wait_dma2 semaphore(%arg19 : memref<!tpu.dma_semaphore, #tpu.memory_space<semaphore_mem>>) src(%arg13 : memref<128x16xf32, #tpu.memory_space<vmem>>) dst(%dma_wait3A_847 : memref<128x16xf32, #tpu.memory_space<vmem_shared>>)
      %dma_wait3A_848 = arith.constant 0 : i32
      %dma_wait3A_849 = arith.constant 1 : i32
      %dma_wait3A_850 = arith.constant 0 : i32
      %dma_wait3A_851 = arith.constant 0 : i32
      %dma_wait3A_852 = tpu.memref_slice %arg16[%dma_wait3A_848, %dma_wait3A_849, %dma_wait3A_850, %dma_wait3A_851] : memref<2x8x128x32xf32, #tpu.memory_space<vmem>> -> memref<1x1x128x32xf32, #tpu.memory_space<vmem>>
      %dma_wait3A_853 = tpu.memref_squeeze %dma_wait3A_852 : memref<1x1x128x32xf32, #tpu.memory_space<vmem>> -> memref<128x32xf32, #tpu.memory_space<vmem>>
      %dma_wait3A_854 = arith.constant 0 : i32
      %dma_wait3A_855 = arith.constant 0 : i32
      %dma_wait3A_856 = tpu.memref_slice %arg11[%dma_wait3A_854, %dma_wait3A_855] : memref<10112x32xf32, #tpu.memory_space<vmem_shared>> -> memref<128x32xf32, #tpu.memory_space<vmem_shared>>
      %dma_wait3A_857 = arith.constant 0 : i32
      %dma_wait3A_858 = arith.constant 0 : i32
      %dma_wait3A_859 = tpu.memref_slice %arg11[%dma_wait3A_857, %dma_wait3A_858] : memref<10112x32xf32, #tpu.memory_space<vmem_shared>> -> memref<128x32xf32, #tpu.memory_space<vmem_shared>>
      %dma_wait3A_860 = arith.constant 0 : i32
      %dma_wait3A_861 = arith.constant 0 : i32
      %dma_wait3A_862 = tpu.memref_slice %arg16[%dma_wait3A_848, %dma_wait3A_849, %dma_wait3A_860, %dma_wait3A_861] : memref<2x8x128x32xf32, #tpu.memory_space<vmem>> -> memref<1x1x128x32xf32, #tpu.memory_space<vmem>>
      %dma_wait3A_863 = tpu.memref_squeeze %dma_wait3A_862 : memref<1x1x128x32xf32, #tpu.memory_space<vmem>> -> memref<128x32xf32, #tpu.memory_space<vmem>>
      tpu.wait_dma2 semaphore(%arg19 : memref<!tpu.dma_semaphore, #tpu.memory_space<semaphore_mem>>) src(%dma_wait3A_863 : memref<128x32xf32, #tpu.memory_space<vmem>>) dst(%dma_wait3A_859 : memref<128x32xf32, #tpu.memory_space<vmem_shared>>)
      %dma_wait3A_864 = arith.constant 0 : i32
      %dma_wait3A_865 = arith.constant 0 : i32
      %dma_wait3A_866 = tpu.memref_slice %arg12[%dma_wait3A_864, %dma_wait3A_865] : memref<10112x16xf32, #tpu.memory_space<vmem_shared>> -> memref<128x16xf32, #tpu.memory_space<vmem_shared>>
      %dma_wait3A_867 = arith.constant 0 : i32
      %dma_wait3A_868 = arith.constant 0 : i32
      %dma_wait3A_869 = tpu.memref_slice %arg12[%dma_wait3A_867, %dma_wait3A_868] : memref<10112x16xf32, #tpu.memory_space<vmem_shared>> -> memref<128x16xf32, #tpu.memory_space<vmem_shared>>
      tpu.wait_dma2 semaphore(%arg19 : memref<!tpu.dma_semaphore, #tpu.memory_space<semaphore_mem>>) src(%arg13 : memref<128x16xf32, #tpu.memory_space<vmem>>) dst(%dma_wait3A_869 : memref<128x16xf32, #tpu.memory_space<vmem_shared>>)
      %dma_wait3A_870 = arith.constant 0 : i32
      %dma_wait3A_871 = arith.constant 2 : i32
      %dma_wait3A_872 = arith.constant 0 : i32
      %dma_wait3A_873 = arith.constant 0 : i32
      %dma_wait3A_874 = tpu.memref_slice %arg16[%dma_wait3A_870, %dma_wait3A_871, %dma_wait3A_872, %dma_wait3A_873] : memref<2x8x128x32xf32, #tpu.memory_space<vmem>> -> memref<1x1x128x32xf32, #tpu.memory_space<vmem>>
      %dma_wait3A_875 = tpu.memref_squeeze %dma_wait3A_874 : memref<1x1x128x32xf32, #tpu.memory_space<vmem>> -> memref<128x32xf32, #tpu.memory_space<vmem>>
      %dma_wait3A_876 = arith.constant 0 : i32
      %dma_wait3A_877 = arith.constant 0 : i32
      %dma_wait3A_878 = tpu.memref_slice %arg11[%dma_wait3A_876, %dma_wait3A_877] : memref<10112x32xf32, #tpu.memory_space<vmem_shared>> -> memref<128x32xf32, #tpu.memory_space<vmem_shared>>
      %dma_wait3A_879 = arith.constant 0 : i32
      %dma_wait3A_880 = arith.constant 0 : i32
      %dma_wait3A_881 = tpu.memref_slice %arg11[%dma_wait3A_879, %dma_wait3A_880] : memref<10112x32xf32, #tpu.memory_space<vmem_shared>> -> memref<128x32xf32, #tpu.memory_space<vmem_shared>>
      %dma_wait3A_882 = arith.constant 0 : i32
      %dma_wait3A_883 = arith.constant 0 : i32
      %dma_wait3A_884 = tpu.memref_slice %arg16[%dma_wait3A_870, %dma_wait3A_871, %dma_wait3A_882, %dma_wait3A_883] : memref<2x8x128x32xf32, #tpu.memory_space<vmem>> -> memref<1x1x128x32xf32, #tpu.memory_space<vmem>>
      %dma_wait3A_885 = tpu.memref_squeeze %dma_wait3A_884 : memref<1x1x128x32xf32, #tpu.memory_space<vmem>> -> memref<128x32xf32, #tpu.memory_space<vmem>>
      tpu.wait_dma2 semaphore(%arg19 : memref<!tpu.dma_semaphore, #tpu.memory_space<semaphore_mem>>) src(%dma_wait3A_885 : memref<128x32xf32, #tpu.memory_space<vmem>>) dst(%dma_wait3A_881 : memref<128x32xf32, #tpu.memory_space<vmem_shared>>)
      %dma_wait3A_886 = arith.constant 0 : i32
      %dma_wait3A_887 = arith.constant 0 : i32
      %dma_wait3A_888 = tpu.memref_slice %arg12[%dma_wait3A_886, %dma_wait3A_887] : memref<10112x16xf32, #tpu.memory_space<vmem_shared>> -> memref<128x16xf32, #tpu.memory_space<vmem_shared>>
      %dma_wait3A_889 = arith.constant 0 : i32
      %dma_wait3A_890 = arith.constant 0 : i32
      %dma_wait3A_891 = tpu.memref_slice %arg12[%dma_wait3A_889, %dma_wait3A_890] : memref<10112x16xf32, #tpu.memory_space<vmem_shared>> -> memref<128x16xf32, #tpu.memory_space<vmem_shared>>
      tpu.wait_dma2 semaphore(%arg19 : memref<!tpu.dma_semaphore, #tpu.memory_space<semaphore_mem>>) src(%arg13 : memref<128x16xf32, #tpu.memory_space<vmem>>) dst(%dma_wait3A_891 : memref<128x16xf32, #tpu.memory_space<vmem_shared>>)
      %dma_wait3A_892 = arith.constant 0 : i32
      %dma_wait3A_893 = arith.constant 3 : i32
      %dma_wait3A_894 = arith.constant 0 : i32
      %dma_wait3A_895 = arith.constant 0 : i32
      %dma_wait3A_896 = tpu.memref_slice %arg16[%dma_wait3A_892, %dma_wait3A_893, %dma_wait3A_894, %dma_wait3A_895] : memref<2x8x128x32xf32, #tpu.memory_space<vmem>> -> memref<1x1x128x32xf32, #tpu.memory_space<vmem>>
      %dma_wait3A_897 = tpu.memref_squeeze %dma_wait3A_896 : memref<1x1x128x32xf32, #tpu.memory_space<vmem>> -> memref<128x32xf32, #tpu.memory_space<vmem>>
      %dma_wait3A_898 = arith.constant 0 : i32
      %dma_wait3A_899 = arith.constant 0 : i32
      %dma_wait3A_900 = tpu.memref_slice %arg11[%dma_wait3A_898, %dma_wait3A_899] : memref<10112x32xf32, #tpu.memory_space<vmem_shared>> -> memref<128x32xf32, #tpu.memory_space<vmem_shared>>
      %dma_wait3A_901 = arith.constant 0 : i32
      %dma_wait3A_902 = arith.constant 0 : i32
      %dma_wait3A_903 = tpu.memref_slice %arg11[%dma_wait3A_901, %dma_wait3A_902] : memref<10112x32xf32, #tpu.memory_space<vmem_shared>> -> memref<128x32xf32, #tpu.memory_space<vmem_shared>>
      %dma_wait3A_904 = arith.constant 0 : i32
      %dma_wait3A_905 = arith.constant 0 : i32
      %dma_wait3A_906 = tpu.memref_slice %arg16[%dma_wait3A_892, %dma_wait3A_893, %dma_wait3A_904, %dma_wait3A_905] : memref<2x8x128x32xf32, #tpu.memory_space<vmem>> -> memref<1x1x128x32xf32, #tpu.memory_space<vmem>>
      %dma_wait3A_907 = tpu.memref_squeeze %dma_wait3A_906 : memref<1x1x128x32xf32, #tpu.memory_space<vmem>> -> memref<128x32xf32, #tpu.memory_space<vmem>>
      tpu.wait_dma2 semaphore(%arg19 : memref<!tpu.dma_semaphore, #tpu.memory_space<semaphore_mem>>) src(%dma_wait3A_907 : memref<128x32xf32, #tpu.memory_space<vmem>>) dst(%dma_wait3A_903 : memref<128x32xf32, #tpu.memory_space<vmem_shared>>)
      %dma_wait3A_908 = arith.constant 0 : i32
      %dma_wait3A_909 = arith.constant 0 : i32
      %dma_wait3A_910 = tpu.memref_slice %arg12[%dma_wait3A_908, %dma_wait3A_909] : memref<10112x16xf32, #tpu.memory_space<vmem_shared>> -> memref<128x16xf32, #tpu.memory_space<vmem_shared>>
      %dma_wait3A_911 = arith.constant 0 : i32
      %dma_wait3A_912 = arith.constant 0 : i32
      %dma_wait3A_913 = tpu.memref_slice %arg12[%dma_wait3A_911, %dma_wait3A_912] : memref<10112x16xf32, #tpu.memory_space<vmem_shared>> -> memref<128x16xf32, #tpu.memory_space<vmem_shared>>
      tpu.wait_dma2 semaphore(%arg19 : memref<!tpu.dma_semaphore, #tpu.memory_space<semaphore_mem>>) src(%arg13 : memref<128x16xf32, #tpu.memory_space<vmem>>) dst(%dma_wait3A_913 : memref<128x16xf32, #tpu.memory_space<vmem_shared>>)
      %dma_wait3A_914 = arith.constant 0 : i32
      %dma_wait3A_915 = arith.constant 4 : i32
      %dma_wait3A_916 = arith.constant 0 : i32
      %dma_wait3A_917 = arith.constant 0 : i32
      %dma_wait3A_918 = tpu.memref_slice %arg16[%dma_wait3A_914, %dma_wait3A_915, %dma_wait3A_916, %dma_wait3A_917] : memref<2x8x128x32xf32, #tpu.memory_space<vmem>> -> memref<1x1x128x32xf32, #tpu.memory_space<vmem>>
      %dma_wait3A_919 = tpu.memref_squeeze %dma_wait3A_918 : memref<1x1x128x32xf32, #tpu.memory_space<vmem>> -> memref<128x32xf32, #tpu.memory_space<vmem>>
      %dma_wait3A_920 = arith.constant 0 : i32
      %dma_wait3A_921 = arith.constant 0 : i32
      %dma_wait3A_922 = tpu.memref_slice %arg11[%dma_wait3A_920, %dma_wait3A_921] : memref<10112x32xf32, #tpu.memory_space<vmem_shared>> -> memref<128x32xf32, #tpu.memory_space<vmem_shared>>
      %dma_wait3A_923 = arith.constant 0 : i32
      %dma_wait3A_924 = arith.constant 0 : i32
      %dma_wait3A_925 = tpu.memref_slice %arg11[%dma_wait3A_923, %dma_wait3A_924] : memref<10112x32xf32, #tpu.memory_space<vmem_shared>> -> memref<128x32xf32, #tpu.memory_space<vmem_shared>>
      %dma_wait3A_926 = arith.constant 0 : i32
      %dma_wait3A_927 = arith.constant 0 : i32
      %dma_wait3A_928 = tpu.memref_slice %arg16[%dma_wait3A_914, %dma_wait3A_915, %dma_wait3A_926, %dma_wait3A_927] : memref<2x8x128x32xf32, #tpu.memory_space<vmem>> -> memref<1x1x128x32xf32, #tpu.memory_space<vmem>>
      %dma_wait3A_929 = tpu.memref_squeeze %dma_wait3A_928 : memref<1x1x128x32xf32, #tpu.memory_space<vmem>> -> memref<128x32xf32, #tpu.memory_space<vmem>>
      tpu.wait_dma2 semaphore(%arg19 : memref<!tpu.dma_semaphore, #tpu.memory_space<semaphore_mem>>) src(%dma_wait3A_929 : memref<128x32xf32, #tpu.memory_space<vmem>>) dst(%dma_wait3A_925 : memref<128x32xf32, #tpu.memory_space<vmem_shared>>)
      %dma_wait3A_930 = arith.constant 0 : i32
      %dma_wait3A_931 = arith.constant 0 : i32
      %dma_wait3A_932 = tpu.memref_slice %arg12[%dma_wait3A_930, %dma_wait3A_931] : memref<10112x16xf32, #tpu.memory_space<vmem_shared>> -> memref<128x16xf32, #tpu.memory_space<vmem_shared>>
      %dma_wait3A_933 = arith.constant 0 : i32
      %dma_wait3A_934 = arith.constant 0 : i32
      %dma_wait3A_935 = tpu.memref_slice %arg12[%dma_wait3A_933, %dma_wait3A_934] : memref<10112x16xf32, #tpu.memory_space<vmem_shared>> -> memref<128x16xf32, #tpu.memory_space<vmem_shared>>
      tpu.wait_dma2 semaphore(%arg19 : memref<!tpu.dma_semaphore, #tpu.memory_space<semaphore_mem>>) src(%arg13 : memref<128x16xf32, #tpu.memory_space<vmem>>) dst(%dma_wait3A_935 : memref<128x16xf32, #tpu.memory_space<vmem_shared>>)
      %dma_wait3A_936 = arith.constant 0 : i32
      %dma_wait3A_937 = arith.constant 5 : i32
      %dma_wait3A_938 = arith.constant 0 : i32
      %dma_wait3A_939 = arith.constant 0 : i32
      %dma_wait3A_940 = tpu.memref_slice %arg16[%dma_wait3A_936, %dma_wait3A_937, %dma_wait3A_938, %dma_wait3A_939] : memref<2x8x128x32xf32, #tpu.memory_space<vmem>> -> memref<1x1x128x32xf32, #tpu.memory_space<vmem>>
      %dma_wait3A_941 = tpu.memref_squeeze %dma_wait3A_940 : memref<1x1x128x32xf32, #tpu.memory_space<vmem>> -> memref<128x32xf32, #tpu.memory_space<vmem>>
      %dma_wait3A_942 = arith.constant 0 : i32
      %dma_wait3A_943 = arith.constant 0 : i32
      %dma_wait3A_944 = tpu.memref_slice %arg11[%dma_wait3A_942, %dma_wait3A_943] : memref<10112x32xf32, #tpu.memory_space<vmem_shared>> -> memref<128x32xf32, #tpu.memory_space<vmem_shared>>
      %dma_wait3A_945 = arith.constant 0 : i32
      %dma_wait3A_946 = arith.constant 0 : i32
      %dma_wait3A_947 = tpu.memref_slice %arg11[%dma_wait3A_945, %dma_wait3A_946] : memref<10112x32xf32, #tpu.memory_space<vmem_shared>> -> memref<128x32xf32, #tpu.memory_space<vmem_shared>>
      %dma_wait3A_948 = arith.constant 0 : i32
      %dma_wait3A_949 = arith.constant 0 : i32
      %dma_wait3A_950 = tpu.memref_slice %arg16[%dma_wait3A_936, %dma_wait3A_937, %dma_wait3A_948, %dma_wait3A_949] : memref<2x8x128x32xf32, #tpu.memory_space<vmem>> -> memref<1x1x128x32xf32, #tpu.memory_space<vmem>>
      %dma_wait3A_951 = tpu.memref_squeeze %dma_wait3A_950 : memref<1x1x128x32xf32, #tpu.memory_space<vmem>> -> memref<128x32xf32, #tpu.memory_space<vmem>>
      tpu.wait_dma2 semaphore(%arg19 : memref<!tpu.dma_semaphore, #tpu.memory_space<semaphore_mem>>) src(%dma_wait3A_951 : memref<128x32xf32, #tpu.memory_space<vmem>>) dst(%dma_wait3A_947 : memref<128x32xf32, #tpu.memory_space<vmem_shared>>)
      %dma_wait3A_952 = arith.constant 0 : i32
      %dma_wait3A_953 = arith.constant 0 : i32
      %dma_wait3A_954 = tpu.memref_slice %arg12[%dma_wait3A_952, %dma_wait3A_953] : memref<10112x16xf32, #tpu.memory_space<vmem_shared>> -> memref<128x16xf32, #tpu.memory_space<vmem_shared>>
      %dma_wait3A_955 = arith.constant 0 : i32
      %dma_wait3A_956 = arith.constant 0 : i32
      %dma_wait3A_957 = tpu.memref_slice %arg12[%dma_wait3A_955, %dma_wait3A_956] : memref<10112x16xf32, #tpu.memory_space<vmem_shared>> -> memref<128x16xf32, #tpu.memory_space<vmem_shared>>
      tpu.wait_dma2 semaphore(%arg19 : memref<!tpu.dma_semaphore, #tpu.memory_space<semaphore_mem>>) src(%arg13 : memref<128x16xf32, #tpu.memory_space<vmem>>) dst(%dma_wait3A_957 : memref<128x16xf32, #tpu.memory_space<vmem_shared>>)
      %dma_wait3A_958 = arith.constant 0 : i32
      %dma_wait3A_959 = arith.constant 6 : i32
      %dma_wait3A_960 = arith.constant 0 : i32
      %dma_wait3A_961 = arith.constant 0 : i32
      %dma_wait3A_962 = tpu.memref_slice %arg16[%dma_wait3A_958, %dma_wait3A_959, %dma_wait3A_960, %dma_wait3A_961] : memref<2x8x128x32xf32, #tpu.memory_space<vmem>> -> memref<1x1x128x32xf32, #tpu.memory_space<vmem>>
      %dma_wait3A_963 = tpu.memref_squeeze %dma_wait3A_962 : memref<1x1x128x32xf32, #tpu.memory_space<vmem>> -> memref<128x32xf32, #tpu.memory_space<vmem>>
      %dma_wait3A_964 = arith.constant 0 : i32
      %dma_wait3A_965 = arith.constant 0 : i32
      %dma_wait3A_966 = tpu.memref_slice %arg11[%dma_wait3A_964, %dma_wait3A_965] : memref<10112x32xf32, #tpu.memory_space<vmem_shared>> -> memref<128x32xf32, #tpu.memory_space<vmem_shared>>
      %dma_wait3A_967 = arith.constant 0 : i32
      %dma_wait3A_968 = arith.constant 0 : i32
      %dma_wait3A_969 = tpu.memref_slice %arg11[%dma_wait3A_967, %dma_wait3A_968] : memref<10112x32xf32, #tpu.memory_space<vmem_shared>> -> memref<128x32xf32, #tpu.memory_space<vmem_shared>>
      %dma_wait3A_970 = arith.constant 0 : i32
      %dma_wait3A_971 = arith.constant 0 : i32
      %dma_wait3A_972 = tpu.memref_slice %arg16[%dma_wait3A_958, %dma_wait3A_959, %dma_wait3A_970, %dma_wait3A_971] : memref<2x8x128x32xf32, #tpu.memory_space<vmem>> -> memref<1x1x128x32xf32, #tpu.memory_space<vmem>>
      %dma_wait3A_973 = tpu.memref_squeeze %dma_wait3A_972 : memref<1x1x128x32xf32, #tpu.memory_space<vmem>> -> memref<128x32xf32, #tpu.memory_space<vmem>>
      tpu.wait_dma2 semaphore(%arg19 : memref<!tpu.dma_semaphore, #tpu.memory_space<semaphore_mem>>) src(%dma_wait3A_973 : memref<128x32xf32, #tpu.memory_space<vmem>>) dst(%dma_wait3A_969 : memref<128x32xf32, #tpu.memory_space<vmem_shared>>)
      %dma_wait3A_974 = arith.constant 0 : i32
      %dma_wait3A_975 = arith.constant 0 : i32
      %dma_wait3A_976 = tpu.memref_slice %arg12[%dma_wait3A_974, %dma_wait3A_975] : memref<10112x16xf32, #tpu.memory_space<vmem_shared>> -> memref<128x16xf32, #tpu.memory_space<vmem_shared>>
      %dma_wait3A_977 = arith.constant 0 : i32
      %dma_wait3A_978 = arith.constant 0 : i32
      %dma_wait3A_979 = tpu.memref_slice %arg12[%dma_wait3A_977, %dma_wait3A_978] : memref<10112x16xf32, #tpu.memory_space<vmem_shared>> -> memref<128x16xf32, #tpu.memory_space<vmem_shared>>
      tpu.wait_dma2 semaphore(%arg19 : memref<!tpu.dma_semaphore, #tpu.memory_space<semaphore_mem>>) src(%arg13 : memref<128x16xf32, #tpu.memory_space<vmem>>) dst(%dma_wait3A_979 : memref<128x16xf32, #tpu.memory_space<vmem_shared>>)
      %dma_wait3A_980 = arith.constant 0 : i32
      %dma_wait3A_981 = arith.constant 7 : i32
      %dma_wait3A_982 = arith.constant 0 : i32
      %dma_wait3A_983 = arith.constant 0 : i32
      %dma_wait3A_984 = tpu.memref_slice %arg16[%dma_wait3A_980, %dma_wait3A_981, %dma_wait3A_982, %dma_wait3A_983] : memref<2x8x128x32xf32, #tpu.memory_space<vmem>> -> memref<1x1x128x32xf32, #tpu.memory_space<vmem>>
      %dma_wait3A_985 = tpu.memref_squeeze %dma_wait3A_984 : memref<1x1x128x32xf32, #tpu.memory_space<vmem>> -> memref<128x32xf32, #tpu.memory_space<vmem>>
      %dma_wait3A_986 = arith.constant 0 : i32
      %dma_wait3A_987 = arith.constant 0 : i32
      %dma_wait3A_988 = tpu.memref_slice %arg11[%dma_wait3A_986, %dma_wait3A_987] : memref<10112x32xf32, #tpu.memory_space<vmem_shared>> -> memref<128x32xf32, #tpu.memory_space<vmem_shared>>
      %dma_wait3A_989 = arith.constant 0 : i32
      %dma_wait3A_990 = arith.constant 0 : i32
      %dma_wait3A_991 = tpu.memref_slice %arg11[%dma_wait3A_989, %dma_wait3A_990] : memref<10112x32xf32, #tpu.memory_space<vmem_shared>> -> memref<128x32xf32, #tpu.memory_space<vmem_shared>>
      %dma_wait3A_992 = arith.constant 0 : i32
      %dma_wait3A_993 = arith.constant 0 : i32
      %dma_wait3A_994 = tpu.memref_slice %arg16[%dma_wait3A_980, %dma_wait3A_981, %dma_wait3A_992, %dma_wait3A_993] : memref<2x8x128x32xf32, #tpu.memory_space<vmem>> -> memref<1x1x128x32xf32, #tpu.memory_space<vmem>>
      %dma_wait3A_995 = tpu.memref_squeeze %dma_wait3A_994 : memref<1x1x128x32xf32, #tpu.memory_space<vmem>> -> memref<128x32xf32, #tpu.memory_space<vmem>>
      tpu.wait_dma2 semaphore(%arg19 : memref<!tpu.dma_semaphore, #tpu.memory_space<semaphore_mem>>) src(%dma_wait3A_995 : memref<128x32xf32, #tpu.memory_space<vmem>>) dst(%dma_wait3A_991 : memref<128x32xf32, #tpu.memory_space<vmem_shared>>)
      %dma_wait3A_996 = arith.constant 0 : i32
      %dma_wait3A_997 = arith.constant 0 : i32
      %dma_wait3A_998 = tpu.memref_slice %arg12[%dma_wait3A_996, %dma_wait3A_997] : memref<10112x16xf32, #tpu.memory_space<vmem_shared>> -> memref<128x16xf32, #tpu.memory_space<vmem_shared>>
      %dma_wait3A_999 = arith.constant 0 : i32
      %dma_wait3A_1000 = arith.constant 0 : i32
      %dma_wait3A_1001 = tpu.memref_slice %arg12[%dma_wait3A_999, %dma_wait3A_1000] : memref<10112x16xf32, #tpu.memory_space<vmem_shared>> -> memref<128x16xf32, #tpu.memory_space<vmem_shared>>
      tpu.wait_dma2 semaphore(%arg19 : memref<!tpu.dma_semaphore, #tpu.memory_space<semaphore_mem>>) src(%arg13 : memref<128x16xf32, #tpu.memory_space<vmem>>) dst(%dma_wait3A_1001 : memref<128x16xf32, #tpu.memory_space<vmem_shared>>)
      %convert_element_type3A_1002 = arith.extui %lt3A_683 : i1 to i32
      %cond3A_1003 = arith.constant 0 : i32
      %cond3A_1004 = arith.cmpi ne, %convert_element_type3A_1002, %cond3A_1003 : i32
      scf.if %cond3A_1004 {
        %add3A_1293 = arith.constant 1 : i32
        %add3A_1294 = arith.addi %add3A_679, %add3A_1293 : i32
        %mul3A_1295 = arith.constant 80 : i32
        %mul3A_1296 = arith.muli %add3A, %mul3A_1295 : i32
        %mul3A_1297 = arith.constant 8 : i32
        %mul3A_1298 = arith.muli %add3A_1294, %mul3A_1297 : i32
        %add3A_1299 = arith.addi %mul3A_1296, %mul3A_1298 : i32
        %dma_start3A_1300 = arith.constant 0 : i32
        %dma_start3A_1301 = arith.constant 0 : i32
        %dma_start3A_1302 = arith.constant 0 : i32
        %dma_start3A_1303 = tpu.memref_slice %arg14[%dma_start3A_1300, %dma_start3A_1301, %dma_start3A_1302] : memref<2x8x128xi32, #tpu.memory_space<vmem>> -> memref<1x8x128xi32, #tpu.memory_space<vmem>>
        %dma_start3A_1304 = tpu.memref_squeeze %dma_start3A_1303 : memref<1x8x128xi32, #tpu.memory_space<vmem>> -> memref<8x128xi32, #tpu.memory_space<vmem>>
        %dma_start3A_1305 = arith.constant 0 : i32
        %dma_start3A_1306 = tpu.memref_slice %arg3[%add3A_1299, %dma_start3A_1305] : memref<2560x128xi32, #tpu.memory_space<hbm>> -> memref<8x128xi32, #tpu.memory_space<hbm>>
        %dma_start3A_1307 = arith.constant 0 : i32
        %dma_start3A_1308 = arith.constant 0 : i32
        %dma_start3A_1309 = tpu.memref_slice %arg14[%dma_start3A_1300, %dma_start3A_1307, %dma_start3A_1308] : memref<2x8x128xi32, #tpu.memory_space<vmem>> -> memref<1x8x128xi32, #tpu.memory_space<vmem>>
        %dma_start3A_1310 = tpu.memref_squeeze %dma_start3A_1309 : memref<1x8x128xi32, #tpu.memory_space<vmem>> -> memref<8x128xi32, #tpu.memory_space<vmem>>
        %dma_start3A_1311 = arith.constant 0 : i32
        %dma_start3A_1312 = tpu.memref_slice %arg3[%add3A_1299, %dma_start3A_1311] : memref<2560x128xi32, #tpu.memory_space<hbm>> -> memref<8x128xi32, #tpu.memory_space<hbm>>
        tpu.enqueue_dma source(%dma_start3A_1312 : memref<8x128xi32, #tpu.memory_space<hbm>>) target(%dma_start3A_1310 : memref<8x128xi32, #tpu.memory_space<vmem>>) target_semaphore(%arg17 : memref<!tpu.dma_semaphore, #tpu.memory_space<semaphore_mem>>)
        %dma_start3A_1313 = arith.constant 0 : i32
        %dma_start3A_1314 = arith.constant 0 : i32
        %dma_start3A_1315 = arith.constant 0 : i32
        %dma_start3A_1316 = tpu.memref_slice %arg15[%dma_start3A_1313, %dma_start3A_1314, %dma_start3A_1315] : memref<2x8x128xi32, #tpu.memory_space<vmem>> -> memref<1x8x128xi32, #tpu.memory_space<vmem>>
        %dma_start3A_1317 = tpu.memref_squeeze %dma_start3A_1316 : memref<1x8x128xi32, #tpu.memory_space<vmem>> -> memref<8x128xi32, #tpu.memory_space<vmem>>
        %dma_start3A_1318 = arith.constant 0 : i32
        %dma_start3A_1319 = tpu.memref_slice %arg4[%add3A_1299, %dma_start3A_1318] : memref<2560x128xi32, #tpu.memory_space<hbm>> -> memref<8x128xi32, #tpu.memory_space<hbm>>
        %dma_start3A_1320 = arith.constant 0 : i32
        %dma_start3A_1321 = arith.constant 0 : i32
        %dma_start3A_1322 = tpu.memref_slice %arg15[%dma_start3A_1313, %dma_start3A_1320, %dma_start3A_1321] : memref<2x8x128xi32, #tpu.memory_space<vmem>> -> memref<1x8x128xi32, #tpu.memory_space<vmem>>
        %dma_start3A_1323 = tpu.memref_squeeze %dma_start3A_1322 : memref<1x8x128xi32, #tpu.memory_space<vmem>> -> memref<8x128xi32, #tpu.memory_space<vmem>>
        %dma_start3A_1324 = arith.constant 0 : i32
        %dma_start3A_1325 = tpu.memref_slice %arg4[%add3A_1299, %dma_start3A_1324] : memref<2560x128xi32, #tpu.memory_space<hbm>> -> memref<8x128xi32, #tpu.memory_space<hbm>>
        tpu.enqueue_dma source(%dma_start3A_1325 : memref<8x128xi32, #tpu.memory_space<hbm>>) target(%dma_start3A_1323 : memref<8x128xi32, #tpu.memory_space<vmem>>) target_semaphore(%arg17 : memref<!tpu.dma_semaphore, #tpu.memory_space<semaphore_mem>>)
      } else {
      }
      %dma_wait3A_1005 = arith.constant 1 : i32
      %dma_wait3A_1006 = arith.constant 0 : i32
      %dma_wait3A_1007 = arith.constant 1 : i32
      %dma_wait3A_1008 = arith.constant 0 : i32
      %dma_wait3A_1009 = arith.constant 0 : i32
      %dma_wait3A_1010 = arith.constant 0 : i32
      %dma_wait3A_1011 = tpu.memref_slice %arg16[%dma_wait3A_1007, %dma_wait3A_1008, %dma_wait3A_1009, %dma_wait3A_1010] : memref<2x8x128x32xf32, #tpu.memory_space<vmem>> -> memref<1x1x128x32xf32, #tpu.memory_space<vmem>>
      %dma_wait3A_1012 = tpu.memref_squeeze %dma_wait3A_1011 : memref<1x1x128x32xf32, #tpu.memory_space<vmem>> -> memref<128x32xf32, #tpu.memory_space<vmem>>
      %dma_wait3A_1013 = arith.constant 0 : i32
      %dma_wait3A_1014 = tpu.memref_slice %arg14[%dma_wait3A_1005, %dma_wait3A_1006, %dma_wait3A_1013] : memref<2x8x128xi32, #tpu.memory_space<vmem>> -> memref<1x1x128xi32, #tpu.memory_space<vmem>>
      %dma_wait3A_1015 = tpu.memref_squeeze %dma_wait3A_1014 : memref<1x1x128xi32, #tpu.memory_space<vmem>> -> memref<128xi32, #tpu.memory_space<vmem>>
      %dma_wait3A_1016 = arith.constant 0 : i32
      %dma_wait3A_1017 = arith.constant 0 : i32
      %dma_wait3A_1018 = tpu.memref_slice %arg10[%dma_wait3A_1016, %dma_wait3A_1017] : memref<10112x32xf32, #tpu.memory_space<vmem_shared>> -> memref<10112x32xf32, #tpu.memory_space<vmem_shared>>
      tpu.wait_indirect_dma semaphore(%arg18 : memref<!tpu.dma_semaphore, #tpu.memory_space<semaphore_mem>>) src(%dma_wait3A_1018 : memref<10112x32xf32, #tpu.memory_space<vmem_shared>>) dst(%dma_wait3A_1012 : memref<128x32xf32, #tpu.memory_space<vmem>>)
      %dma_wait3A_1019 = arith.constant 1 : i32
      %dma_wait3A_1020 = arith.constant 1 : i32
      %dma_wait3A_1021 = arith.constant 1 : i32
      %dma_wait3A_1022 = arith.constant 1 : i32
      %dma_wait3A_1023 = arith.constant 0 : i32
      %dma_wait3A_1024 = arith.constant 0 : i32
      %dma_wait3A_1025 = tpu.memref_slice %arg16[%dma_wait3A_1021, %dma_wait3A_1022, %dma_wait3A_1023, %dma_wait3A_1024] : memref<2x8x128x32xf32, #tpu.memory_space<vmem>> -> memref<1x1x128x32xf32, #tpu.memory_space<vmem>>
      %dma_wait3A_1026 = tpu.memref_squeeze %dma_wait3A_1025 : memref<1x1x128x32xf32, #tpu.memory_space<vmem>> -> memref<128x32xf32, #tpu.memory_space<vmem>>
      %dma_wait3A_1027 = arith.constant 0 : i32
      %dma_wait3A_1028 = tpu.memref_slice %arg14[%dma_wait3A_1019, %dma_wait3A_1020, %dma_wait3A_1027] : memref<2x8x128xi32, #tpu.memory_space<vmem>> -> memref<1x1x128xi32, #tpu.memory_space<vmem>>
      %dma_wait3A_1029 = tpu.memref_squeeze %dma_wait3A_1028 : memref<1x1x128xi32, #tpu.memory_space<vmem>> -> memref<128xi32, #tpu.memory_space<vmem>>
      %dma_wait3A_1030 = arith.constant 0 : i32
      %dma_wait3A_1031 = arith.constant 0 : i32
      %dma_wait3A_1032 = tpu.memref_slice %arg10[%dma_wait3A_1030, %dma_wait3A_1031] : memref<10112x32xf32, #tpu.memory_space<vmem_shared>> -> memref<10112x32xf32, #tpu.memory_space<vmem_shared>>
      tpu.wait_indirect_dma semaphore(%arg18 : memref<!tpu.dma_semaphore, #tpu.memory_space<semaphore_mem>>) src(%dma_wait3A_1032 : memref<10112x32xf32, #tpu.memory_space<vmem_shared>>) dst(%dma_wait3A_1026 : memref<128x32xf32, #tpu.memory_space<vmem>>)
      %dma_wait3A_1033 = arith.constant 1 : i32
      %dma_wait3A_1034 = arith.constant 2 : i32
      %dma_wait3A_1035 = arith.constant 1 : i32
      %dma_wait3A_1036 = arith.constant 2 : i32
      %dma_wait3A_1037 = arith.constant 0 : i32
      %dma_wait3A_1038 = arith.constant 0 : i32
      %dma_wait3A_1039 = tpu.memref_slice %arg16[%dma_wait3A_1035, %dma_wait3A_1036, %dma_wait3A_1037, %dma_wait3A_1038] : memref<2x8x128x32xf32, #tpu.memory_space<vmem>> -> memref<1x1x128x32xf32, #tpu.memory_space<vmem>>
      %dma_wait3A_1040 = tpu.memref_squeeze %dma_wait3A_1039 : memref<1x1x128x32xf32, #tpu.memory_space<vmem>> -> memref<128x32xf32, #tpu.memory_space<vmem>>
      %dma_wait3A_1041 = arith.constant 0 : i32
      %dma_wait3A_1042 = tpu.memref_slice %arg14[%dma_wait3A_1033, %dma_wait3A_1034, %dma_wait3A_1041] : memref<2x8x128xi32, #tpu.memory_space<vmem>> -> memref<1x1x128xi32, #tpu.memory_space<vmem>>
      %dma_wait3A_1043 = tpu.memref_squeeze %dma_wait3A_1042 : memref<1x1x128xi32, #tpu.memory_space<vmem>> -> memref<128xi32, #tpu.memory_space<vmem>>
      %dma_wait3A_1044 = arith.constant 0 : i32
      %dma_wait3A_1045 = arith.constant 0 : i32
      %dma_wait3A_1046 = tpu.memref_slice %arg10[%dma_wait3A_1044, %dma_wait3A_1045] : memref<10112x32xf32, #tpu.memory_space<vmem_shared>> -> memref<10112x32xf32, #tpu.memory_space<vmem_shared>>
      tpu.wait_indirect_dma semaphore(%arg18 : memref<!tpu.dma_semaphore, #tpu.memory_space<semaphore_mem>>) src(%dma_wait3A_1046 : memref<10112x32xf32, #tpu.memory_space<vmem_shared>>) dst(%dma_wait3A_1040 : memref<128x32xf32, #tpu.memory_space<vmem>>)
      %dma_wait3A_1047 = arith.constant 1 : i32
      %dma_wait3A_1048 = arith.constant 3 : i32
      %dma_wait3A_1049 = arith.constant 1 : i32
      %dma_wait3A_1050 = arith.constant 3 : i32
      %dma_wait3A_1051 = arith.constant 0 : i32
      %dma_wait3A_1052 = arith.constant 0 : i32
      %dma_wait3A_1053 = tpu.memref_slice %arg16[%dma_wait3A_1049, %dma_wait3A_1050, %dma_wait3A_1051, %dma_wait3A_1052] : memref<2x8x128x32xf32, #tpu.memory_space<vmem>> -> memref<1x1x128x32xf32, #tpu.memory_space<vmem>>
      %dma_wait3A_1054 = tpu.memref_squeeze %dma_wait3A_1053 : memref<1x1x128x32xf32, #tpu.memory_space<vmem>> -> memref<128x32xf32, #tpu.memory_space<vmem>>
      %dma_wait3A_1055 = arith.constant 0 : i32
      %dma_wait3A_1056 = tpu.memref_slice %arg14[%dma_wait3A_1047, %dma_wait3A_1048, %dma_wait3A_1055] : memref<2x8x128xi32, #tpu.memory_space<vmem>> -> memref<1x1x128xi32, #tpu.memory_space<vmem>>
      %dma_wait3A_1057 = tpu.memref_squeeze %dma_wait3A_1056 : memref<1x1x128xi32, #tpu.memory_space<vmem>> -> memref<128xi32, #tpu.memory_space<vmem>>
      %dma_wait3A_1058 = arith.constant 0 : i32
      %dma_wait3A_1059 = arith.constant 0 : i32
      %dma_wait3A_1060 = tpu.memref_slice %arg10[%dma_wait3A_1058, %dma_wait3A_1059] : memref<10112x32xf32, #tpu.memory_space<vmem_shared>> -> memref<10112x32xf32, #tpu.memory_space<vmem_shared>>
      tpu.wait_indirect_dma semaphore(%arg18 : memref<!tpu.dma_semaphore, #tpu.memory_space<semaphore_mem>>) src(%dma_wait3A_1060 : memref<10112x32xf32, #tpu.memory_space<vmem_shared>>) dst(%dma_wait3A_1054 : memref<128x32xf32, #tpu.memory_space<vmem>>)
      %dma_wait3A_1061 = arith.constant 1 : i32
      %dma_wait3A_1062 = arith.constant 4 : i32
      %dma_wait3A_1063 = arith.constant 1 : i32
      %dma_wait3A_1064 = arith.constant 4 : i32
      %dma_wait3A_1065 = arith.constant 0 : i32
      %dma_wait3A_1066 = arith.constant 0 : i32
      %dma_wait3A_1067 = tpu.memref_slice %arg16[%dma_wait3A_1063, %dma_wait3A_1064, %dma_wait3A_1065, %dma_wait3A_1066] : memref<2x8x128x32xf32, #tpu.memory_space<vmem>> -> memref<1x1x128x32xf32, #tpu.memory_space<vmem>>
      %dma_wait3A_1068 = tpu.memref_squeeze %dma_wait3A_1067 : memref<1x1x128x32xf32, #tpu.memory_space<vmem>> -> memref<128x32xf32, #tpu.memory_space<vmem>>
      %dma_wait3A_1069 = arith.constant 0 : i32
      %dma_wait3A_1070 = tpu.memref_slice %arg14[%dma_wait3A_1061, %dma_wait3A_1062, %dma_wait3A_1069] : memref<2x8x128xi32, #tpu.memory_space<vmem>> -> memref<1x1x128xi32, #tpu.memory_space<vmem>>
      %dma_wait3A_1071 = tpu.memref_squeeze %dma_wait3A_1070 : memref<1x1x128xi32, #tpu.memory_space<vmem>> -> memref<128xi32, #tpu.memory_space<vmem>>
      %dma_wait3A_1072 = arith.constant 0 : i32
      %dma_wait3A_1073 = arith.constant 0 : i32
      %dma_wait3A_1074 = tpu.memref_slice %arg10[%dma_wait3A_1072, %dma_wait3A_1073] : memref<10112x32xf32, #tpu.memory_space<vmem_shared>> -> memref<10112x32xf32, #tpu.memory_space<vmem_shared>>
      tpu.wait_indirect_dma semaphore(%arg18 : memref<!tpu.dma_semaphore, #tpu.memory_space<semaphore_mem>>) src(%dma_wait3A_1074 : memref<10112x32xf32, #tpu.memory_space<vmem_shared>>) dst(%dma_wait3A_1068 : memref<128x32xf32, #tpu.memory_space<vmem>>)
      %dma_wait3A_1075 = arith.constant 1 : i32
      %dma_wait3A_1076 = arith.constant 5 : i32
      %dma_wait3A_1077 = arith.constant 1 : i32
      %dma_wait3A_1078 = arith.constant 5 : i32
      %dma_wait3A_1079 = arith.constant 0 : i32
      %dma_wait3A_1080 = arith.constant 0 : i32
      %dma_wait3A_1081 = tpu.memref_slice %arg16[%dma_wait3A_1077, %dma_wait3A_1078, %dma_wait3A_1079, %dma_wait3A_1080] : memref<2x8x128x32xf32, #tpu.memory_space<vmem>> -> memref<1x1x128x32xf32, #tpu.memory_space<vmem>>
      %dma_wait3A_1082 = tpu.memref_squeeze %dma_wait3A_1081 : memref<1x1x128x32xf32, #tpu.memory_space<vmem>> -> memref<128x32xf32, #tpu.memory_space<vmem>>
      %dma_wait3A_1083 = arith.constant 0 : i32
      %dma_wait3A_1084 = tpu.memref_slice %arg14[%dma_wait3A_1075, %dma_wait3A_1076, %dma_wait3A_1083] : memref<2x8x128xi32, #tpu.memory_space<vmem>> -> memref<1x1x128xi32, #tpu.memory_space<vmem>>
      %dma_wait3A_1085 = tpu.memref_squeeze %dma_wait3A_1084 : memref<1x1x128xi32, #tpu.memory_space<vmem>> -> memref<128xi32, #tpu.memory_space<vmem>>
      %dma_wait3A_1086 = arith.constant 0 : i32
      %dma_wait3A_1087 = arith.constant 0 : i32
      %dma_wait3A_1088 = tpu.memref_slice %arg10[%dma_wait3A_1086, %dma_wait3A_1087] : memref<10112x32xf32, #tpu.memory_space<vmem_shared>> -> memref<10112x32xf32, #tpu.memory_space<vmem_shared>>
      tpu.wait_indirect_dma semaphore(%arg18 : memref<!tpu.dma_semaphore, #tpu.memory_space<semaphore_mem>>) src(%dma_wait3A_1088 : memref<10112x32xf32, #tpu.memory_space<vmem_shared>>) dst(%dma_wait3A_1082 : memref<128x32xf32, #tpu.memory_space<vmem>>)
      %dma_wait3A_1089 = arith.constant 1 : i32
      %dma_wait3A_1090 = arith.constant 6 : i32
      %dma_wait3A_1091 = arith.constant 1 : i32
      %dma_wait3A_1092 = arith.constant 6 : i32
      %dma_wait3A_1093 = arith.constant 0 : i32
      %dma_wait3A_1094 = arith.constant 0 : i32
      %dma_wait3A_1095 = tpu.memref_slice %arg16[%dma_wait3A_1091, %dma_wait3A_1092, %dma_wait3A_1093, %dma_wait3A_1094] : memref<2x8x128x32xf32, #tpu.memory_space<vmem>> -> memref<1x1x128x32xf32, #tpu.memory_space<vmem>>
      %dma_wait3A_1096 = tpu.memref_squeeze %dma_wait3A_1095 : memref<1x1x128x32xf32, #tpu.memory_space<vmem>> -> memref<128x32xf32, #tpu.memory_space<vmem>>
      %dma_wait3A_1097 = arith.constant 0 : i32
      %dma_wait3A_1098 = tpu.memref_slice %arg14[%dma_wait3A_1089, %dma_wait3A_1090, %dma_wait3A_1097] : memref<2x8x128xi32, #tpu.memory_space<vmem>> -> memref<1x1x128xi32, #tpu.memory_space<vmem>>
      %dma_wait3A_1099 = tpu.memref_squeeze %dma_wait3A_1098 : memref<1x1x128xi32, #tpu.memory_space<vmem>> -> memref<128xi32, #tpu.memory_space<vmem>>
      %dma_wait3A_1100 = arith.constant 0 : i32
      %dma_wait3A_1101 = arith.constant 0 : i32
      %dma_wait3A_1102 = tpu.memref_slice %arg10[%dma_wait3A_1100, %dma_wait3A_1101] : memref<10112x32xf32, #tpu.memory_space<vmem_shared>> -> memref<10112x32xf32, #tpu.memory_space<vmem_shared>>
      tpu.wait_indirect_dma semaphore(%arg18 : memref<!tpu.dma_semaphore, #tpu.memory_space<semaphore_mem>>) src(%dma_wait3A_1102 : memref<10112x32xf32, #tpu.memory_space<vmem_shared>>) dst(%dma_wait3A_1096 : memref<128x32xf32, #tpu.memory_space<vmem>>)
      %dma_wait3A_1103 = arith.constant 1 : i32
      %dma_wait3A_1104 = arith.constant 7 : i32
      %dma_wait3A_1105 = arith.constant 1 : i32
      %dma_wait3A_1106 = arith.constant 7 : i32
      %dma_wait3A_1107 = arith.constant 0 : i32
      %dma_wait3A_1108 = arith.constant 0 : i32
      %dma_wait3A_1109 = tpu.memref_slice %arg16[%dma_wait3A_1105, %dma_wait3A_1106, %dma_wait3A_1107, %dma_wait3A_1108] : memref<2x8x128x32xf32, #tpu.memory_space<vmem>> -> memref<1x1x128x32xf32, #tpu.memory_space<vmem>>
      %dma_wait3A_1110 = tpu.memref_squeeze %dma_wait3A_1109 : memref<1x1x128x32xf32, #tpu.memory_space<vmem>> -> memref<128x32xf32, #tpu.memory_space<vmem>>
      %dma_wait3A_1111 = arith.constant 0 : i32
      %dma_wait3A_1112 = tpu.memref_slice %arg14[%dma_wait3A_1103, %dma_wait3A_1104, %dma_wait3A_1111] : memref<2x8x128xi32, #tpu.memory_space<vmem>> -> memref<1x1x128xi32, #tpu.memory_space<vmem>>
      %dma_wait3A_1113 = tpu.memref_squeeze %dma_wait3A_1112 : memref<1x1x128xi32, #tpu.memory_space<vmem>> -> memref<128xi32, #tpu.memory_space<vmem>>
      %dma_wait3A_1114 = arith.constant 0 : i32
      %dma_wait3A_1115 = arith.constant 0 : i32
      %dma_wait3A_1116 = tpu.memref_slice %arg10[%dma_wait3A_1114, %dma_wait3A_1115] : memref<10112x32xf32, #tpu.memory_space<vmem_shared>> -> memref<10112x32xf32, #tpu.memory_space<vmem_shared>>
      tpu.wait_indirect_dma semaphore(%arg18 : memref<!tpu.dma_semaphore, #tpu.memory_space<semaphore_mem>>) src(%dma_wait3A_1116 : memref<10112x32xf32, #tpu.memory_space<vmem_shared>>) dst(%dma_wait3A_1110 : memref<128x32xf32, #tpu.memory_space<vmem>>)
      %dma_start3A_1117 = arith.constant 1 : i32
      %dma_start3A_1118 = arith.constant 0 : i32
      %dma_start3A_1119 = arith.constant 1 : i32
      %dma_start3A_1120 = arith.constant 0 : i32
      %dma_start3A_1121 = arith.constant 0 : i32
      %dma_start3A_1122 = arith.constant 0 : i32
      %dma_start3A_1123 = tpu.memref_slice %arg16[%dma_start3A_1117, %dma_start3A_1118, %dma_start3A_1121, %dma_start3A_1122] : memref<2x8x128x32xf32, #tpu.memory_space<vmem>> -> memref<1x1x128x32xf32, #tpu.memory_space<vmem>>
      %dma_start3A_1124 = tpu.memref_squeeze %dma_start3A_1123 : memref<1x1x128x32xf32, #tpu.memory_space<vmem>> -> memref<128x32xf32, #tpu.memory_space<vmem>>
      %dma_start3A_1125 = arith.constant 0 : i32
      %dma_start3A_1126 = tpu.memref_slice %arg15[%dma_start3A_1119, %dma_start3A_1120, %dma_start3A_1125] : memref<2x8x128xi32, #tpu.memory_space<vmem>> -> memref<1x1x128xi32, #tpu.memory_space<vmem>>
      %dma_start3A_1127 = tpu.memref_squeeze %dma_start3A_1126 : memref<1x1x128xi32, #tpu.memory_space<vmem>> -> memref<128xi32, #tpu.memory_space<vmem>>
      %dma_start3A_1128 = arith.constant 0 : i32
      %dma_start3A_1129 = arith.constant 0 : i32
      %dma_start3A_1130 = tpu.memref_slice %arg11[%dma_start3A_1128, %dma_start3A_1129] : memref<10112x32xf32, #tpu.memory_space<vmem_shared>> -> memref<10112x32xf32, #tpu.memory_space<vmem_shared>>
      tpu.enqueue_indirect_dma source(%dma_start3A_1124 : memref<128x32xf32, #tpu.memory_space<vmem>>) target(%dma_start3A_1130 : memref<10112x32xf32, #tpu.memory_space<vmem_shared>>) offsets(%dma_start3A_1127 : memref<128xi32, #tpu.memory_space<vmem>>) semaphore(%arg20 : memref<!tpu.dma_semaphore, #tpu.memory_space<semaphore_mem>>) {add = true}
      %dma_start3A_1131 = arith.constant 1 : i32
      %dma_start3A_1132 = arith.constant 0 : i32
      %dma_start3A_1133 = arith.constant 0 : i32
      %dma_start3A_1134 = tpu.memref_slice %arg15[%dma_start3A_1131, %dma_start3A_1132, %dma_start3A_1133] : memref<2x8x128xi32, #tpu.memory_space<vmem>> -> memref<1x1x128xi32, #tpu.memory_space<vmem>>
      %dma_start3A_1135 = tpu.memref_squeeze %dma_start3A_1134 : memref<1x1x128xi32, #tpu.memory_space<vmem>> -> memref<128xi32, #tpu.memory_space<vmem>>
      %dma_start3A_1136 = arith.constant 0 : i32
      %dma_start3A_1137 = arith.constant 0 : i32
      %dma_start3A_1138 = tpu.memref_slice %arg12[%dma_start3A_1136, %dma_start3A_1137] : memref<10112x16xf32, #tpu.memory_space<vmem_shared>> -> memref<10112x16xf32, #tpu.memory_space<vmem_shared>>
      tpu.enqueue_indirect_dma source(%arg13 : memref<128x16xf32, #tpu.memory_space<vmem>>) target(%dma_start3A_1138 : memref<10112x16xf32, #tpu.memory_space<vmem_shared>>) offsets(%dma_start3A_1135 : memref<128xi32, #tpu.memory_space<vmem>>) semaphore(%arg20 : memref<!tpu.dma_semaphore, #tpu.memory_space<semaphore_mem>>) {add = true}
      %dma_start3A_1139 = arith.constant 1 : i32
      %dma_start3A_1140 = arith.constant 1 : i32
      %dma_start3A_1141 = arith.constant 1 : i32
      %dma_start3A_1142 = arith.constant 1 : i32
      %dma_start3A_1143 = arith.constant 0 : i32
      %dma_start3A_1144 = arith.constant 0 : i32
      %dma_start3A_1145 = tpu.memref_slice %arg16[%dma_start3A_1139, %dma_start3A_1140, %dma_start3A_1143, %dma_start3A_1144] : memref<2x8x128x32xf32, #tpu.memory_space<vmem>> -> memref<1x1x128x32xf32, #tpu.memory_space<vmem>>
      %dma_start3A_1146 = tpu.memref_squeeze %dma_start3A_1145 : memref<1x1x128x32xf32, #tpu.memory_space<vmem>> -> memref<128x32xf32, #tpu.memory_space<vmem>>
      %dma_start3A_1147 = arith.constant 0 : i32
      %dma_start3A_1148 = tpu.memref_slice %arg15[%dma_start3A_1141, %dma_start3A_1142, %dma_start3A_1147] : memref<2x8x128xi32, #tpu.memory_space<vmem>> -> memref<1x1x128xi32, #tpu.memory_space<vmem>>
      %dma_start3A_1149 = tpu.memref_squeeze %dma_start3A_1148 : memref<1x1x128xi32, #tpu.memory_space<vmem>> -> memref<128xi32, #tpu.memory_space<vmem>>
      %dma_start3A_1150 = arith.constant 0 : i32
      %dma_start3A_1151 = arith.constant 0 : i32
      %dma_start3A_1152 = tpu.memref_slice %arg11[%dma_start3A_1150, %dma_start3A_1151] : memref<10112x32xf32, #tpu.memory_space<vmem_shared>> -> memref<10112x32xf32, #tpu.memory_space<vmem_shared>>
      tpu.enqueue_indirect_dma source(%dma_start3A_1146 : memref<128x32xf32, #tpu.memory_space<vmem>>) target(%dma_start3A_1152 : memref<10112x32xf32, #tpu.memory_space<vmem_shared>>) offsets(%dma_start3A_1149 : memref<128xi32, #tpu.memory_space<vmem>>) semaphore(%arg20 : memref<!tpu.dma_semaphore, #tpu.memory_space<semaphore_mem>>) {add = true}
      %dma_start3A_1153 = arith.constant 1 : i32
      %dma_start3A_1154 = arith.constant 1 : i32
      %dma_start3A_1155 = arith.constant 0 : i32
      %dma_start3A_1156 = tpu.memref_slice %arg15[%dma_start3A_1153, %dma_start3A_1154, %dma_start3A_1155] : memref<2x8x128xi32, #tpu.memory_space<vmem>> -> memref<1x1x128xi32, #tpu.memory_space<vmem>>
      %dma_start3A_1157 = tpu.memref_squeeze %dma_start3A_1156 : memref<1x1x128xi32, #tpu.memory_space<vmem>> -> memref<128xi32, #tpu.memory_space<vmem>>
      %dma_start3A_1158 = arith.constant 0 : i32
      %dma_start3A_1159 = arith.constant 0 : i32
      %dma_start3A_1160 = tpu.memref_slice %arg12[%dma_start3A_1158, %dma_start3A_1159] : memref<10112x16xf32, #tpu.memory_space<vmem_shared>> -> memref<10112x16xf32, #tpu.memory_space<vmem_shared>>
      tpu.enqueue_indirect_dma source(%arg13 : memref<128x16xf32, #tpu.memory_space<vmem>>) target(%dma_start3A_1160 : memref<10112x16xf32, #tpu.memory_space<vmem_shared>>) offsets(%dma_start3A_1157 : memref<128xi32, #tpu.memory_space<vmem>>) semaphore(%arg20 : memref<!tpu.dma_semaphore, #tpu.memory_space<semaphore_mem>>) {add = true}
      %dma_start3A_1161 = arith.constant 1 : i32
      %dma_start3A_1162 = arith.constant 2 : i32
      %dma_start3A_1163 = arith.constant 1 : i32
      %dma_start3A_1164 = arith.constant 2 : i32
      %dma_start3A_1165 = arith.constant 0 : i32
      %dma_start3A_1166 = arith.constant 0 : i32
      %dma_start3A_1167 = tpu.memref_slice %arg16[%dma_start3A_1161, %dma_start3A_1162, %dma_start3A_1165, %dma_start3A_1166] : memref<2x8x128x32xf32, #tpu.memory_space<vmem>> -> memref<1x1x128x32xf32, #tpu.memory_space<vmem>>
      %dma_start3A_1168 = tpu.memref_squeeze %dma_start3A_1167 : memref<1x1x128x32xf32, #tpu.memory_space<vmem>> -> memref<128x32xf32, #tpu.memory_space<vmem>>
      %dma_start3A_1169 = arith.constant 0 : i32
      %dma_start3A_1170 = tpu.memref_slice %arg15[%dma_start3A_1163, %dma_start3A_1164, %dma_start3A_1169] : memref<2x8x128xi32, #tpu.memory_space<vmem>> -> memref<1x1x128xi32, #tpu.memory_space<vmem>>
      %dma_start3A_1171 = tpu.memref_squeeze %dma_start3A_1170 : memref<1x1x128xi32, #tpu.memory_space<vmem>> -> memref<128xi32, #tpu.memory_space<vmem>>
      %dma_start3A_1172 = arith.constant 0 : i32
      %dma_start3A_1173 = arith.constant 0 : i32
      %dma_start3A_1174 = tpu.memref_slice %arg11[%dma_start3A_1172, %dma_start3A_1173] : memref<10112x32xf32, #tpu.memory_space<vmem_shared>> -> memref<10112x32xf32, #tpu.memory_space<vmem_shared>>
      tpu.enqueue_indirect_dma source(%dma_start3A_1168 : memref<128x32xf32, #tpu.memory_space<vmem>>) target(%dma_start3A_1174 : memref<10112x32xf32, #tpu.memory_space<vmem_shared>>) offsets(%dma_start3A_1171 : memref<128xi32, #tpu.memory_space<vmem>>) semaphore(%arg20 : memref<!tpu.dma_semaphore, #tpu.memory_space<semaphore_mem>>) {add = true}
      %dma_start3A_1175 = arith.constant 1 : i32
      %dma_start3A_1176 = arith.constant 2 : i32
      %dma_start3A_1177 = arith.constant 0 : i32
      %dma_start3A_1178 = tpu.memref_slice %arg15[%dma_start3A_1175, %dma_start3A_1176, %dma_start3A_1177] : memref<2x8x128xi32, #tpu.memory_space<vmem>> -> memref<1x1x128xi32, #tpu.memory_space<vmem>>
      %dma_start3A_1179 = tpu.memref_squeeze %dma_start3A_1178 : memref<1x1x128xi32, #tpu.memory_space<vmem>> -> memref<128xi32, #tpu.memory_space<vmem>>
      %dma_start3A_1180 = arith.constant 0 : i32
      %dma_start3A_1181 = arith.constant 0 : i32
      %dma_start3A_1182 = tpu.memref_slice %arg12[%dma_start3A_1180, %dma_start3A_1181] : memref<10112x16xf32, #tpu.memory_space<vmem_shared>> -> memref<10112x16xf32, #tpu.memory_space<vmem_shared>>
      tpu.enqueue_indirect_dma source(%arg13 : memref<128x16xf32, #tpu.memory_space<vmem>>) target(%dma_start3A_1182 : memref<10112x16xf32, #tpu.memory_space<vmem_shared>>) offsets(%dma_start3A_1179 : memref<128xi32, #tpu.memory_space<vmem>>) semaphore(%arg20 : memref<!tpu.dma_semaphore, #tpu.memory_space<semaphore_mem>>) {add = true}
      %dma_start3A_1183 = arith.constant 1 : i32
      %dma_start3A_1184 = arith.constant 3 : i32
      %dma_start3A_1185 = arith.constant 1 : i32
      %dma_start3A_1186 = arith.constant 3 : i32
      %dma_start3A_1187 = arith.constant 0 : i32
      %dma_start3A_1188 = arith.constant 0 : i32
      %dma_start3A_1189 = tpu.memref_slice %arg16[%dma_start3A_1183, %dma_start3A_1184, %dma_start3A_1187, %dma_start3A_1188] : memref<2x8x128x32xf32, #tpu.memory_space<vmem>> -> memref<1x1x128x32xf32, #tpu.memory_space<vmem>>
      %dma_start3A_1190 = tpu.memref_squeeze %dma_start3A_1189 : memref<1x1x128x32xf32, #tpu.memory_space<vmem>> -> memref<128x32xf32, #tpu.memory_space<vmem>>
      %dma_start3A_1191 = arith.constant 0 : i32
      %dma_start3A_1192 = tpu.memref_slice %arg15[%dma_start3A_1185, %dma_start3A_1186, %dma_start3A_1191] : memref<2x8x128xi32, #tpu.memory_space<vmem>> -> memref<1x1x128xi32, #tpu.memory_space<vmem>>
      %dma_start3A_1193 = tpu.memref_squeeze %dma_start3A_1192 : memref<1x1x128xi32, #tpu.memory_space<vmem>> -> memref<128xi32, #tpu.memory_space<vmem>>
      %dma_start3A_1194 = arith.constant 0 : i32
      %dma_start3A_1195 = arith.constant 0 : i32
      %dma_start3A_1196 = tpu.memref_slice %arg11[%dma_start3A_1194, %dma_start3A_1195] : memref<10112x32xf32, #tpu.memory_space<vmem_shared>> -> memref<10112x32xf32, #tpu.memory_space<vmem_shared>>
      tpu.enqueue_indirect_dma source(%dma_start3A_1190 : memref<128x32xf32, #tpu.memory_space<vmem>>) target(%dma_start3A_1196 : memref<10112x32xf32, #tpu.memory_space<vmem_shared>>) offsets(%dma_start3A_1193 : memref<128xi32, #tpu.memory_space<vmem>>) semaphore(%arg20 : memref<!tpu.dma_semaphore, #tpu.memory_space<semaphore_mem>>) {add = true}
      %dma_start3A_1197 = arith.constant 1 : i32
      %dma_start3A_1198 = arith.constant 3 : i32
      %dma_start3A_1199 = arith.constant 0 : i32
      %dma_start3A_1200 = tpu.memref_slice %arg15[%dma_start3A_1197, %dma_start3A_1198, %dma_start3A_1199] : memref<2x8x128xi32, #tpu.memory_space<vmem>> -> memref<1x1x128xi32, #tpu.memory_space<vmem>>
      %dma_start3A_1201 = tpu.memref_squeeze %dma_start3A_1200 : memref<1x1x128xi32, #tpu.memory_space<vmem>> -> memref<128xi32, #tpu.memory_space<vmem>>
      %dma_start3A_1202 = arith.constant 0 : i32
      %dma_start3A_1203 = arith.constant 0 : i32
      %dma_start3A_1204 = tpu.memref_slice %arg12[%dma_start3A_1202, %dma_start3A_1203] : memref<10112x16xf32, #tpu.memory_space<vmem_shared>> -> memref<10112x16xf32, #tpu.memory_space<vmem_shared>>
      tpu.enqueue_indirect_dma source(%arg13 : memref<128x16xf32, #tpu.memory_space<vmem>>) target(%dma_start3A_1204 : memref<10112x16xf32, #tpu.memory_space<vmem_shared>>) offsets(%dma_start3A_1201 : memref<128xi32, #tpu.memory_space<vmem>>) semaphore(%arg20 : memref<!tpu.dma_semaphore, #tpu.memory_space<semaphore_mem>>) {add = true}
      %dma_start3A_1205 = arith.constant 1 : i32
      %dma_start3A_1206 = arith.constant 4 : i32
      %dma_start3A_1207 = arith.constant 1 : i32
      %dma_start3A_1208 = arith.constant 4 : i32
      %dma_start3A_1209 = arith.constant 0 : i32
      %dma_start3A_1210 = arith.constant 0 : i32
      %dma_start3A_1211 = tpu.memref_slice %arg16[%dma_start3A_1205, %dma_start3A_1206, %dma_start3A_1209, %dma_start3A_1210] : memref<2x8x128x32xf32, #tpu.memory_space<vmem>> -> memref<1x1x128x32xf32, #tpu.memory_space<vmem>>
      %dma_start3A_1212 = tpu.memref_squeeze %dma_start3A_1211 : memref<1x1x128x32xf32, #tpu.memory_space<vmem>> -> memref<128x32xf32, #tpu.memory_space<vmem>>
      %dma_start3A_1213 = arith.constant 0 : i32
      %dma_start3A_1214 = tpu.memref_slice %arg15[%dma_start3A_1207, %dma_start3A_1208, %dma_start3A_1213] : memref<2x8x128xi32, #tpu.memory_space<vmem>> -> memref<1x1x128xi32, #tpu.memory_space<vmem>>
      %dma_start3A_1215 = tpu.memref_squeeze %dma_start3A_1214 : memref<1x1x128xi32, #tpu.memory_space<vmem>> -> memref<128xi32, #tpu.memory_space<vmem>>
      %dma_start3A_1216 = arith.constant 0 : i32
      %dma_start3A_1217 = arith.constant 0 : i32
      %dma_start3A_1218 = tpu.memref_slice %arg11[%dma_start3A_1216, %dma_start3A_1217] : memref<10112x32xf32, #tpu.memory_space<vmem_shared>> -> memref<10112x32xf32, #tpu.memory_space<vmem_shared>>
      tpu.enqueue_indirect_dma source(%dma_start3A_1212 : memref<128x32xf32, #tpu.memory_space<vmem>>) target(%dma_start3A_1218 : memref<10112x32xf32, #tpu.memory_space<vmem_shared>>) offsets(%dma_start3A_1215 : memref<128xi32, #tpu.memory_space<vmem>>) semaphore(%arg20 : memref<!tpu.dma_semaphore, #tpu.memory_space<semaphore_mem>>) {add = true}
      %dma_start3A_1219 = arith.constant 1 : i32
      %dma_start3A_1220 = arith.constant 4 : i32
      %dma_start3A_1221 = arith.constant 0 : i32
      %dma_start3A_1222 = tpu.memref_slice %arg15[%dma_start3A_1219, %dma_start3A_1220, %dma_start3A_1221] : memref<2x8x128xi32, #tpu.memory_space<vmem>> -> memref<1x1x128xi32, #tpu.memory_space<vmem>>
      %dma_start3A_1223 = tpu.memref_squeeze %dma_start3A_1222 : memref<1x1x128xi32, #tpu.memory_space<vmem>> -> memref<128xi32, #tpu.memory_space<vmem>>
      %dma_start3A_1224 = arith.constant 0 : i32
      %dma_start3A_1225 = arith.constant 0 : i32
      %dma_start3A_1226 = tpu.memref_slice %arg12[%dma_start3A_1224, %dma_start3A_1225] : memref<10112x16xf32, #tpu.memory_space<vmem_shared>> -> memref<10112x16xf32, #tpu.memory_space<vmem_shared>>
      tpu.enqueue_indirect_dma source(%arg13 : memref<128x16xf32, #tpu.memory_space<vmem>>) target(%dma_start3A_1226 : memref<10112x16xf32, #tpu.memory_space<vmem_shared>>) offsets(%dma_start3A_1223 : memref<128xi32, #tpu.memory_space<vmem>>) semaphore(%arg20 : memref<!tpu.dma_semaphore, #tpu.memory_space<semaphore_mem>>) {add = true}
      %dma_start3A_1227 = arith.constant 1 : i32
      %dma_start3A_1228 = arith.constant 5 : i32
      %dma_start3A_1229 = arith.constant 1 : i32
      %dma_start3A_1230 = arith.constant 5 : i32
      %dma_start3A_1231 = arith.constant 0 : i32
      %dma_start3A_1232 = arith.constant 0 : i32
      %dma_start3A_1233 = tpu.memref_slice %arg16[%dma_start3A_1227, %dma_start3A_1228, %dma_start3A_1231, %dma_start3A_1232] : memref<2x8x128x32xf32, #tpu.memory_space<vmem>> -> memref<1x1x128x32xf32, #tpu.memory_space<vmem>>
      %dma_start3A_1234 = tpu.memref_squeeze %dma_start3A_1233 : memref<1x1x128x32xf32, #tpu.memory_space<vmem>> -> memref<128x32xf32, #tpu.memory_space<vmem>>
      %dma_start3A_1235 = arith.constant 0 : i32
      %dma_start3A_1236 = tpu.memref_slice %arg15[%dma_start3A_1229, %dma_start3A_1230, %dma_start3A_1235] : memref<2x8x128xi32, #tpu.memory_space<vmem>> -> memref<1x1x128xi32, #tpu.memory_space<vmem>>
      %dma_start3A_1237 = tpu.memref_squeeze %dma_start3A_1236 : memref<1x1x128xi32, #tpu.memory_space<vmem>> -> memref<128xi32, #tpu.memory_space<vmem>>
      %dma_start3A_1238 = arith.constant 0 : i32
      %dma_start3A_1239 = arith.constant 0 : i32
      %dma_start3A_1240 = tpu.memref_slice %arg11[%dma_start3A_1238, %dma_start3A_1239] : memref<10112x32xf32, #tpu.memory_space<vmem_shared>> -> memref<10112x32xf32, #tpu.memory_space<vmem_shared>>
      tpu.enqueue_indirect_dma source(%dma_start3A_1234 : memref<128x32xf32, #tpu.memory_space<vmem>>) target(%dma_start3A_1240 : memref<10112x32xf32, #tpu.memory_space<vmem_shared>>) offsets(%dma_start3A_1237 : memref<128xi32, #tpu.memory_space<vmem>>) semaphore(%arg20 : memref<!tpu.dma_semaphore, #tpu.memory_space<semaphore_mem>>) {add = true}
      %dma_start3A_1241 = arith.constant 1 : i32
      %dma_start3A_1242 = arith.constant 5 : i32
      %dma_start3A_1243 = arith.constant 0 : i32
      %dma_start3A_1244 = tpu.memref_slice %arg15[%dma_start3A_1241, %dma_start3A_1242, %dma_start3A_1243] : memref<2x8x128xi32, #tpu.memory_space<vmem>> -> memref<1x1x128xi32, #tpu.memory_space<vmem>>
      %dma_start3A_1245 = tpu.memref_squeeze %dma_start3A_1244 : memref<1x1x128xi32, #tpu.memory_space<vmem>> -> memref<128xi32, #tpu.memory_space<vmem>>
      %dma_start3A_1246 = arith.constant 0 : i32
      %dma_start3A_1247 = arith.constant 0 : i32
      %dma_start3A_1248 = tpu.memref_slice %arg12[%dma_start3A_1246, %dma_start3A_1247] : memref<10112x16xf32, #tpu.memory_space<vmem_shared>> -> memref<10112x16xf32, #tpu.memory_space<vmem_shared>>
      tpu.enqueue_indirect_dma source(%arg13 : memref<128x16xf32, #tpu.memory_space<vmem>>) target(%dma_start3A_1248 : memref<10112x16xf32, #tpu.memory_space<vmem_shared>>) offsets(%dma_start3A_1245 : memref<128xi32, #tpu.memory_space<vmem>>) semaphore(%arg20 : memref<!tpu.dma_semaphore, #tpu.memory_space<semaphore_mem>>) {add = true}
      %dma_start3A_1249 = arith.constant 1 : i32
      %dma_start3A_1250 = arith.constant 6 : i32
      %dma_start3A_1251 = arith.constant 1 : i32
      %dma_start3A_1252 = arith.constant 6 : i32
      %dma_start3A_1253 = arith.constant 0 : i32
      %dma_start3A_1254 = arith.constant 0 : i32
      %dma_start3A_1255 = tpu.memref_slice %arg16[%dma_start3A_1249, %dma_start3A_1250, %dma_start3A_1253, %dma_start3A_1254] : memref<2x8x128x32xf32, #tpu.memory_space<vmem>> -> memref<1x1x128x32xf32, #tpu.memory_space<vmem>>
      %dma_start3A_1256 = tpu.memref_squeeze %dma_start3A_1255 : memref<1x1x128x32xf32, #tpu.memory_space<vmem>> -> memref<128x32xf32, #tpu.memory_space<vmem>>
      %dma_start3A_1257 = arith.constant 0 : i32
      %dma_start3A_1258 = tpu.memref_slice %arg15[%dma_start3A_1251, %dma_start3A_1252, %dma_start3A_1257] : memref<2x8x128xi32, #tpu.memory_space<vmem>> -> memref<1x1x128xi32, #tpu.memory_space<vmem>>
      %dma_start3A_1259 = tpu.memref_squeeze %dma_start3A_1258 : memref<1x1x128xi32, #tpu.memory_space<vmem>> -> memref<128xi32, #tpu.memory_space<vmem>>
      %dma_start3A_1260 = arith.constant 0 : i32
      %dma_start3A_1261 = arith.constant 0 : i32
      %dma_start3A_1262 = tpu.memref_slice %arg11[%dma_start3A_1260, %dma_start3A_1261] : memref<10112x32xf32, #tpu.memory_space<vmem_shared>> -> memref<10112x32xf32, #tpu.memory_space<vmem_shared>>
      tpu.enqueue_indirect_dma source(%dma_start3A_1256 : memref<128x32xf32, #tpu.memory_space<vmem>>) target(%dma_start3A_1262 : memref<10112x32xf32, #tpu.memory_space<vmem_shared>>) offsets(%dma_start3A_1259 : memref<128xi32, #tpu.memory_space<vmem>>) semaphore(%arg20 : memref<!tpu.dma_semaphore, #tpu.memory_space<semaphore_mem>>) {add = true}
      %dma_start3A_1263 = arith.constant 1 : i32
      %dma_start3A_1264 = arith.constant 6 : i32
      %dma_start3A_1265 = arith.constant 0 : i32
      %dma_start3A_1266 = tpu.memref_slice %arg15[%dma_start3A_1263, %dma_start3A_1264, %dma_start3A_1265] : memref<2x8x128xi32, #tpu.memory_space<vmem>> -> memref<1x1x128xi32, #tpu.memory_space<vmem>>
      %dma_start3A_1267 = tpu.memref_squeeze %dma_start3A_1266 : memref<1x1x128xi32, #tpu.memory_space<vmem>> -> memref<128xi32, #tpu.memory_space<vmem>>
      %dma_start3A_1268 = arith.constant 0 : i32
      %dma_start3A_1269 = arith.constant 0 : i32
      %dma_start3A_1270 = tpu.memref_slice %arg12[%dma_start3A_1268, %dma_start3A_1269] : memref<10112x16xf32, #tpu.memory_space<vmem_shared>> -> memref<10112x16xf32, #tpu.memory_space<vmem_shared>>
      tpu.enqueue_indirect_dma source(%arg13 : memref<128x16xf32, #tpu.memory_space<vmem>>) target(%dma_start3A_1270 : memref<10112x16xf32, #tpu.memory_space<vmem_shared>>) offsets(%dma_start3A_1267 : memref<128xi32, #tpu.memory_space<vmem>>) semaphore(%arg20 : memref<!tpu.dma_semaphore, #tpu.memory_space<semaphore_mem>>) {add = true}
      %dma_start3A_1271 = arith.constant 1 : i32
      %dma_start3A_1272 = arith.constant 7 : i32
      %dma_start3A_1273 = arith.constant 1 : i32
      %dma_start3A_1274 = arith.constant 7 : i32
      %dma_start3A_1275 = arith.constant 0 : i32
      %dma_start3A_1276 = arith.constant 0 : i32
      %dma_start3A_1277 = tpu.memref_slice %arg16[%dma_start3A_1271, %dma_start3A_1272, %dma_start3A_1275, %dma_start3A_1276] : memref<2x8x128x32xf32, #tpu.memory_space<vmem>> -> memref<1x1x128x32xf32, #tpu.memory_space<vmem>>
      %dma_start3A_1278 = tpu.memref_squeeze %dma_start3A_1277 : memref<1x1x128x32xf32, #tpu.memory_space<vmem>> -> memref<128x32xf32, #tpu.memory_space<vmem>>
      %dma_start3A_1279 = arith.constant 0 : i32
      %dma_start3A_1280 = tpu.memref_slice %arg15[%dma_start3A_1273, %dma_start3A_1274, %dma_start3A_1279] : memref<2x8x128xi32, #tpu.memory_space<vmem>> -> memref<1x1x128xi32, #tpu.memory_space<vmem>>
      %dma_start3A_1281 = tpu.memref_squeeze %dma_start3A_1280 : memref<1x1x128xi32, #tpu.memory_space<vmem>> -> memref<128xi32, #tpu.memory_space<vmem>>
      %dma_start3A_1282 = arith.constant 0 : i32
      %dma_start3A_1283 = arith.constant 0 : i32
      %dma_start3A_1284 = tpu.memref_slice %arg11[%dma_start3A_1282, %dma_start3A_1283] : memref<10112x32xf32, #tpu.memory_space<vmem_shared>> -> memref<10112x32xf32, #tpu.memory_space<vmem_shared>>
      tpu.enqueue_indirect_dma source(%dma_start3A_1278 : memref<128x32xf32, #tpu.memory_space<vmem>>) target(%dma_start3A_1284 : memref<10112x32xf32, #tpu.memory_space<vmem_shared>>) offsets(%dma_start3A_1281 : memref<128xi32, #tpu.memory_space<vmem>>) semaphore(%arg20 : memref<!tpu.dma_semaphore, #tpu.memory_space<semaphore_mem>>) {add = true}
      %dma_start3A_1285 = arith.constant 1 : i32
      %dma_start3A_1286 = arith.constant 7 : i32
      %dma_start3A_1287 = arith.constant 0 : i32
      %dma_start3A_1288 = tpu.memref_slice %arg15[%dma_start3A_1285, %dma_start3A_1286, %dma_start3A_1287] : memref<2x8x128xi32, #tpu.memory_space<vmem>> -> memref<1x1x128xi32, #tpu.memory_space<vmem>>
      %dma_start3A_1289 = tpu.memref_squeeze %dma_start3A_1288 : memref<1x1x128xi32, #tpu.memory_space<vmem>> -> memref<128xi32, #tpu.memory_space<vmem>>
      %dma_start3A_1290 = arith.constant 0 : i32
      %dma_start3A_1291 = arith.constant 0 : i32
      %dma_start3A_1292 = tpu.memref_slice %arg12[%dma_start3A_1290, %dma_start3A_1291] : memref<10112x16xf32, #tpu.memory_space<vmem_shared>> -> memref<10112x16xf32, #tpu.memory_space<vmem_shared>>
      tpu.enqueue_indirect_dma source(%arg13 : memref<128x16xf32, #tpu.memory_space<vmem>>) target(%dma_start3A_1292 : memref<10112x16xf32, #tpu.memory_space<vmem_shared>>) offsets(%dma_start3A_1289 : memref<128xi32, #tpu.memory_space<vmem>>) semaphore(%arg20 : memref<!tpu.dma_semaphore, #tpu.memory_space<semaphore_mem>>) {add = true}
    }
    %scan3A_59 = arith.constant 5 : i32
    %dma_wait3A_60 = arith.constant 0 : i32
    %dma_wait3A_61 = arith.constant 0 : i32
    %dma_wait3A_62 = arith.constant 0 : i32
    %dma_wait3A_63 = arith.constant 0 : i32
    %dma_wait3A_64 = tpu.memref_slice %arg16[%dma_wait3A_60, %dma_wait3A_61, %dma_wait3A_62, %dma_wait3A_63] : memref<2x8x128x32xf32, #tpu.memory_space<vmem>> -> memref<1x1x128x32xf32, #tpu.memory_space<vmem>>
    %dma_wait3A_65 = tpu.memref_squeeze %dma_wait3A_64 : memref<1x1x128x32xf32, #tpu.memory_space<vmem>> -> memref<128x32xf32, #tpu.memory_space<vmem>>
    %dma_wait3A_66 = arith.constant 0 : i32
    %dma_wait3A_67 = arith.constant 0 : i32
    %dma_wait3A_68 = tpu.memref_slice %arg11[%dma_wait3A_66, %dma_wait3A_67] : memref<10112x32xf32, #tpu.memory_space<vmem_shared>> -> memref<128x32xf32, #tpu.memory_space<vmem_shared>>
    %dma_wait3A_69 = arith.constant 0 : i32
    %dma_wait3A_70 = arith.constant 0 : i32
    %dma_wait3A_71 = tpu.memref_slice %arg11[%dma_wait3A_69, %dma_wait3A_70] : memref<10112x32xf32, #tpu.memory_space<vmem_shared>> -> memref<128x32xf32, #tpu.memory_space<vmem_shared>>
    %dma_wait3A_72 = arith.constant 0 : i32
    %dma_wait3A_73 = arith.constant 0 : i32
    %dma_wait3A_74 = tpu.memref_slice %arg16[%dma_wait3A_60, %dma_wait3A_61, %dma_wait3A_72, %dma_wait3A_73] : memref<2x8x128x32xf32, #tpu.memory_space<vmem>> -> memref<1x1x128x32xf32, #tpu.memory_space<vmem>>
    %dma_wait3A_75 = tpu.memref_squeeze %dma_wait3A_74 : memref<1x1x128x32xf32, #tpu.memory_space<vmem>> -> memref<128x32xf32, #tpu.memory_space<vmem>>
    tpu.wait_dma2 semaphore(%arg20 : memref<!tpu.dma_semaphore, #tpu.memory_space<semaphore_mem>>) src(%dma_wait3A_75 : memref<128x32xf32, #tpu.memory_space<vmem>>) dst(%dma_wait3A_71 : memref<128x32xf32, #tpu.memory_space<vmem_shared>>)
    %dma_wait3A_76 = arith.constant 0 : i32
    %dma_wait3A_77 = arith.constant 0 : i32
    %dma_wait3A_78 = tpu.memref_slice %arg12[%dma_wait3A_76, %dma_wait3A_77] : memref<10112x16xf32, #tpu.memory_space<vmem_shared>> -> memref<128x16xf32, #tpu.memory_space<vmem_shared>>
    %dma_wait3A_79 = arith.constant 0 : i32
    %dma_wait3A_80 = arith.constant 0 : i32
    %dma_wait3A_81 = tpu.memref_slice %arg12[%dma_wait3A_79, %dma_wait3A_80] : memref<10112x16xf32, #tpu.memory_space<vmem_shared>> -> memref<128x16xf32, #tpu.memory_space<vmem_shared>>
    tpu.wait_dma2 semaphore(%arg20 : memref<!tpu.dma_semaphore, #tpu.memory_space<semaphore_mem>>) src(%arg13 : memref<128x16xf32, #tpu.memory_space<vmem>>) dst(%dma_wait3A_81 : memref<128x16xf32, #tpu.memory_space<vmem_shared>>)
    %dma_wait3A_82 = arith.constant 0 : i32
    %dma_wait3A_83 = arith.constant 1 : i32
    %dma_wait3A_84 = arith.constant 0 : i32
    %dma_wait3A_85 = arith.constant 0 : i32
    %dma_wait3A_86 = tpu.memref_slice %arg16[%dma_wait3A_82, %dma_wait3A_83, %dma_wait3A_84, %dma_wait3A_85] : memref<2x8x128x32xf32, #tpu.memory_space<vmem>> -> memref<1x1x128x32xf32, #tpu.memory_space<vmem>>
    %dma_wait3A_87 = tpu.memref_squeeze %dma_wait3A_86 : memref<1x1x128x32xf32, #tpu.memory_space<vmem>> -> memref<128x32xf32, #tpu.memory_space<vmem>>
    %dma_wait3A_88 = arith.constant 0 : i32
    %dma_wait3A_89 = arith.constant 0 : i32
    %dma_wait3A_90 = tpu.memref_slice %arg11[%dma_wait3A_88, %dma_wait3A_89] : memref<10112x32xf32, #tpu.memory_space<vmem_shared>> -> memref<128x32xf32, #tpu.memory_space<vmem_shared>>
    %dma_wait3A_91 = arith.constant 0 : i32
    %dma_wait3A_92 = arith.constant 0 : i32
    %dma_wait3A_93 = tpu.memref_slice %arg11[%dma_wait3A_91, %dma_wait3A_92] : memref<10112x32xf32, #tpu.memory_space<vmem_shared>> -> memref<128x32xf32, #tpu.memory_space<vmem_shared>>
    %dma_wait3A_94 = arith.constant 0 : i32
    %dma_wait3A_95 = arith.constant 0 : i32
    %dma_wait3A_96 = tpu.memref_slice %arg16[%dma_wait3A_82, %dma_wait3A_83, %dma_wait3A_94, %dma_wait3A_95] : memref<2x8x128x32xf32, #tpu.memory_space<vmem>> -> memref<1x1x128x32xf32, #tpu.memory_space<vmem>>
    %dma_wait3A_97 = tpu.memref_squeeze %dma_wait3A_96 : memref<1x1x128x32xf32, #tpu.memory_space<vmem>> -> memref<128x32xf32, #tpu.memory_space<vmem>>
    tpu.wait_dma2 semaphore(%arg20 : memref<!tpu.dma_semaphore, #tpu.memory_space<semaphore_mem>>) src(%dma_wait3A_97 : memref<128x32xf32, #tpu.memory_space<vmem>>) dst(%dma_wait3A_93 : memref<128x32xf32, #tpu.memory_space<vmem_shared>>)
    %dma_wait3A_98 = arith.constant 0 : i32
    %dma_wait3A_99 = arith.constant 0 : i32
    %dma_wait3A_100 = tpu.memref_slice %arg12[%dma_wait3A_98, %dma_wait3A_99] : memref<10112x16xf32, #tpu.memory_space<vmem_shared>> -> memref<128x16xf32, #tpu.memory_space<vmem_shared>>
    %dma_wait3A_101 = arith.constant 0 : i32
    %dma_wait3A_102 = arith.constant 0 : i32
    %dma_wait3A_103 = tpu.memref_slice %arg12[%dma_wait3A_101, %dma_wait3A_102] : memref<10112x16xf32, #tpu.memory_space<vmem_shared>> -> memref<128x16xf32, #tpu.memory_space<vmem_shared>>
    tpu.wait_dma2 semaphore(%arg20 : memref<!tpu.dma_semaphore, #tpu.memory_space<semaphore_mem>>) src(%arg13 : memref<128x16xf32, #tpu.memory_space<vmem>>) dst(%dma_wait3A_103 : memref<128x16xf32, #tpu.memory_space<vmem_shared>>)
    %dma_wait3A_104 = arith.constant 0 : i32
    %dma_wait3A_105 = arith.constant 2 : i32
    %dma_wait3A_106 = arith.constant 0 : i32
    %dma_wait3A_107 = arith.constant 0 : i32
    %dma_wait3A_108 = tpu.memref_slice %arg16[%dma_wait3A_104, %dma_wait3A_105, %dma_wait3A_106, %dma_wait3A_107] : memref<2x8x128x32xf32, #tpu.memory_space<vmem>> -> memref<1x1x128x32xf32, #tpu.memory_space<vmem>>
    %dma_wait3A_109 = tpu.memref_squeeze %dma_wait3A_108 : memref<1x1x128x32xf32, #tpu.memory_space<vmem>> -> memref<128x32xf32, #tpu.memory_space<vmem>>
    %dma_wait3A_110 = arith.constant 0 : i32
    %dma_wait3A_111 = arith.constant 0 : i32
    %dma_wait3A_112 = tpu.memref_slice %arg11[%dma_wait3A_110, %dma_wait3A_111] : memref<10112x32xf32, #tpu.memory_space<vmem_shared>> -> memref<128x32xf32, #tpu.memory_space<vmem_shared>>
    %dma_wait3A_113 = arith.constant 0 : i32
    %dma_wait3A_114 = arith.constant 0 : i32
    %dma_wait3A_115 = tpu.memref_slice %arg11[%dma_wait3A_113, %dma_wait3A_114] : memref<10112x32xf32, #tpu.memory_space<vmem_shared>> -> memref<128x32xf32, #tpu.memory_space<vmem_shared>>
    %dma_wait3A_116 = arith.constant 0 : i32
    %dma_wait3A_117 = arith.constant 0 : i32
    %dma_wait3A_118 = tpu.memref_slice %arg16[%dma_wait3A_104, %dma_wait3A_105, %dma_wait3A_116, %dma_wait3A_117] : memref<2x8x128x32xf32, #tpu.memory_space<vmem>> -> memref<1x1x128x32xf32, #tpu.memory_space<vmem>>
    %dma_wait3A_119 = tpu.memref_squeeze %dma_wait3A_118 : memref<1x1x128x32xf32, #tpu.memory_space<vmem>> -> memref<128x32xf32, #tpu.memory_space<vmem>>
    tpu.wait_dma2 semaphore(%arg20 : memref<!tpu.dma_semaphore, #tpu.memory_space<semaphore_mem>>) src(%dma_wait3A_119 : memref<128x32xf32, #tpu.memory_space<vmem>>) dst(%dma_wait3A_115 : memref<128x32xf32, #tpu.memory_space<vmem_shared>>)
    %dma_wait3A_120 = arith.constant 0 : i32
    %dma_wait3A_121 = arith.constant 0 : i32
    %dma_wait3A_122 = tpu.memref_slice %arg12[%dma_wait3A_120, %dma_wait3A_121] : memref<10112x16xf32, #tpu.memory_space<vmem_shared>> -> memref<128x16xf32, #tpu.memory_space<vmem_shared>>
    %dma_wait3A_123 = arith.constant 0 : i32
    %dma_wait3A_124 = arith.constant 0 : i32
    %dma_wait3A_125 = tpu.memref_slice %arg12[%dma_wait3A_123, %dma_wait3A_124] : memref<10112x16xf32, #tpu.memory_space<vmem_shared>> -> memref<128x16xf32, #tpu.memory_space<vmem_shared>>
    tpu.wait_dma2 semaphore(%arg20 : memref<!tpu.dma_semaphore, #tpu.memory_space<semaphore_mem>>) src(%arg13 : memref<128x16xf32, #tpu.memory_space<vmem>>) dst(%dma_wait3A_125 : memref<128x16xf32, #tpu.memory_space<vmem_shared>>)
    %dma_wait3A_126 = arith.constant 0 : i32
    %dma_wait3A_127 = arith.constant 3 : i32
    %dma_wait3A_128 = arith.constant 0 : i32
    %dma_wait3A_129 = arith.constant 0 : i32
    %dma_wait3A_130 = tpu.memref_slice %arg16[%dma_wait3A_126, %dma_wait3A_127, %dma_wait3A_128, %dma_wait3A_129] : memref<2x8x128x32xf32, #tpu.memory_space<vmem>> -> memref<1x1x128x32xf32, #tpu.memory_space<vmem>>
    %dma_wait3A_131 = tpu.memref_squeeze %dma_wait3A_130 : memref<1x1x128x32xf32, #tpu.memory_space<vmem>> -> memref<128x32xf32, #tpu.memory_space<vmem>>
    %dma_wait3A_132 = arith.constant 0 : i32
    %dma_wait3A_133 = arith.constant 0 : i32
    %dma_wait3A_134 = tpu.memref_slice %arg11[%dma_wait3A_132, %dma_wait3A_133] : memref<10112x32xf32, #tpu.memory_space<vmem_shared>> -> memref<128x32xf32, #tpu.memory_space<vmem_shared>>
    %dma_wait3A_135 = arith.constant 0 : i32
    %dma_wait3A_136 = arith.constant 0 : i32
    %dma_wait3A_137 = tpu.memref_slice %arg11[%dma_wait3A_135, %dma_wait3A_136] : memref<10112x32xf32, #tpu.memory_space<vmem_shared>> -> memref<128x32xf32, #tpu.memory_space<vmem_shared>>
    %dma_wait3A_138 = arith.constant 0 : i32
    %dma_wait3A_139 = arith.constant 0 : i32
    %dma_wait3A_140 = tpu.memref_slice %arg16[%dma_wait3A_126, %dma_wait3A_127, %dma_wait3A_138, %dma_wait3A_139] : memref<2x8x128x32xf32, #tpu.memory_space<vmem>> -> memref<1x1x128x32xf32, #tpu.memory_space<vmem>>
    %dma_wait3A_141 = tpu.memref_squeeze %dma_wait3A_140 : memref<1x1x128x32xf32, #tpu.memory_space<vmem>> -> memref<128x32xf32, #tpu.memory_space<vmem>>
    tpu.wait_dma2 semaphore(%arg20 : memref<!tpu.dma_semaphore, #tpu.memory_space<semaphore_mem>>) src(%dma_wait3A_141 : memref<128x32xf32, #tpu.memory_space<vmem>>) dst(%dma_wait3A_137 : memref<128x32xf32, #tpu.memory_space<vmem_shared>>)
    %dma_wait3A_142 = arith.constant 0 : i32
    %dma_wait3A_143 = arith.constant 0 : i32
    %dma_wait3A_144 = tpu.memref_slice %arg12[%dma_wait3A_142, %dma_wait3A_143] : memref<10112x16xf32, #tpu.memory_space<vmem_shared>> -> memref<128x16xf32, #tpu.memory_space<vmem_shared>>
    %dma_wait3A_145 = arith.constant 0 : i32
    %dma_wait3A_146 = arith.constant 0 : i32
    %dma_wait3A_147 = tpu.memref_slice %arg12[%dma_wait3A_145, %dma_wait3A_146] : memref<10112x16xf32, #tpu.memory_space<vmem_shared>> -> memref<128x16xf32, #tpu.memory_space<vmem_shared>>
    tpu.wait_dma2 semaphore(%arg20 : memref<!tpu.dma_semaphore, #tpu.memory_space<semaphore_mem>>) src(%arg13 : memref<128x16xf32, #tpu.memory_space<vmem>>) dst(%dma_wait3A_147 : memref<128x16xf32, #tpu.memory_space<vmem_shared>>)
    %dma_wait3A_148 = arith.constant 0 : i32
    %dma_wait3A_149 = arith.constant 4 : i32
    %dma_wait3A_150 = arith.constant 0 : i32
    %dma_wait3A_151 = arith.constant 0 : i32
    %dma_wait3A_152 = tpu.memref_slice %arg16[%dma_wait3A_148, %dma_wait3A_149, %dma_wait3A_150, %dma_wait3A_151] : memref<2x8x128x32xf32, #tpu.memory_space<vmem>> -> memref<1x1x128x32xf32, #tpu.memory_space<vmem>>
    %dma_wait3A_153 = tpu.memref_squeeze %dma_wait3A_152 : memref<1x1x128x32xf32, #tpu.memory_space<vmem>> -> memref<128x32xf32, #tpu.memory_space<vmem>>
    %dma_wait3A_154 = arith.constant 0 : i32
    %dma_wait3A_155 = arith.constant 0 : i32
    %dma_wait3A_156 = tpu.memref_slice %arg11[%dma_wait3A_154, %dma_wait3A_155] : memref<10112x32xf32, #tpu.memory_space<vmem_shared>> -> memref<128x32xf32, #tpu.memory_space<vmem_shared>>
    %dma_wait3A_157 = arith.constant 0 : i32
    %dma_wait3A_158 = arith.constant 0 : i32
    %dma_wait3A_159 = tpu.memref_slice %arg11[%dma_wait3A_157, %dma_wait3A_158] : memref<10112x32xf32, #tpu.memory_space<vmem_shared>> -> memref<128x32xf32, #tpu.memory_space<vmem_shared>>
    %dma_wait3A_160 = arith.constant 0 : i32
    %dma_wait3A_161 = arith.constant 0 : i32
    %dma_wait3A_162 = tpu.memref_slice %arg16[%dma_wait3A_148, %dma_wait3A_149, %dma_wait3A_160, %dma_wait3A_161] : memref<2x8x128x32xf32, #tpu.memory_space<vmem>> -> memref<1x1x128x32xf32, #tpu.memory_space<vmem>>
    %dma_wait3A_163 = tpu.memref_squeeze %dma_wait3A_162 : memref<1x1x128x32xf32, #tpu.memory_space<vmem>> -> memref<128x32xf32, #tpu.memory_space<vmem>>
    tpu.wait_dma2 semaphore(%arg20 : memref<!tpu.dma_semaphore, #tpu.memory_space<semaphore_mem>>) src(%dma_wait3A_163 : memref<128x32xf32, #tpu.memory_space<vmem>>) dst(%dma_wait3A_159 : memref<128x32xf32, #tpu.memory_space<vmem_shared>>)
    %dma_wait3A_164 = arith.constant 0 : i32
    %dma_wait3A_165 = arith.constant 0 : i32
    %dma_wait3A_166 = tpu.memref_slice %arg12[%dma_wait3A_164, %dma_wait3A_165] : memref<10112x16xf32, #tpu.memory_space<vmem_shared>> -> memref<128x16xf32, #tpu.memory_space<vmem_shared>>
    %dma_wait3A_167 = arith.constant 0 : i32
    %dma_wait3A_168 = arith.constant 0 : i32
    %dma_wait3A_169 = tpu.memref_slice %arg12[%dma_wait3A_167, %dma_wait3A_168] : memref<10112x16xf32, #tpu.memory_space<vmem_shared>> -> memref<128x16xf32, #tpu.memory_space<vmem_shared>>
    tpu.wait_dma2 semaphore(%arg20 : memref<!tpu.dma_semaphore, #tpu.memory_space<semaphore_mem>>) src(%arg13 : memref<128x16xf32, #tpu.memory_space<vmem>>) dst(%dma_wait3A_169 : memref<128x16xf32, #tpu.memory_space<vmem_shared>>)
    %dma_wait3A_170 = arith.constant 0 : i32
    %dma_wait3A_171 = arith.constant 5 : i32
    %dma_wait3A_172 = arith.constant 0 : i32
    %dma_wait3A_173 = arith.constant 0 : i32
    %dma_wait3A_174 = tpu.memref_slice %arg16[%dma_wait3A_170, %dma_wait3A_171, %dma_wait3A_172, %dma_wait3A_173] : memref<2x8x128x32xf32, #tpu.memory_space<vmem>> -> memref<1x1x128x32xf32, #tpu.memory_space<vmem>>
    %dma_wait3A_175 = tpu.memref_squeeze %dma_wait3A_174 : memref<1x1x128x32xf32, #tpu.memory_space<vmem>> -> memref<128x32xf32, #tpu.memory_space<vmem>>
    %dma_wait3A_176 = arith.constant 0 : i32
    %dma_wait3A_177 = arith.constant 0 : i32
    %dma_wait3A_178 = tpu.memref_slice %arg11[%dma_wait3A_176, %dma_wait3A_177] : memref<10112x32xf32, #tpu.memory_space<vmem_shared>> -> memref<128x32xf32, #tpu.memory_space<vmem_shared>>
    %dma_wait3A_179 = arith.constant 0 : i32
    %dma_wait3A_180 = arith.constant 0 : i32
    %dma_wait3A_181 = tpu.memref_slice %arg11[%dma_wait3A_179, %dma_wait3A_180] : memref<10112x32xf32, #tpu.memory_space<vmem_shared>> -> memref<128x32xf32, #tpu.memory_space<vmem_shared>>
    %dma_wait3A_182 = arith.constant 0 : i32
    %dma_wait3A_183 = arith.constant 0 : i32
    %dma_wait3A_184 = tpu.memref_slice %arg16[%dma_wait3A_170, %dma_wait3A_171, %dma_wait3A_182, %dma_wait3A_183] : memref<2x8x128x32xf32, #tpu.memory_space<vmem>> -> memref<1x1x128x32xf32, #tpu.memory_space<vmem>>
    %dma_wait3A_185 = tpu.memref_squeeze %dma_wait3A_184 : memref<1x1x128x32xf32, #tpu.memory_space<vmem>> -> memref<128x32xf32, #tpu.memory_space<vmem>>
    tpu.wait_dma2 semaphore(%arg20 : memref<!tpu.dma_semaphore, #tpu.memory_space<semaphore_mem>>) src(%dma_wait3A_185 : memref<128x32xf32, #tpu.memory_space<vmem>>) dst(%dma_wait3A_181 : memref<128x32xf32, #tpu.memory_space<vmem_shared>>)
    %dma_wait3A_186 = arith.constant 0 : i32
    %dma_wait3A_187 = arith.constant 0 : i32
    %dma_wait3A_188 = tpu.memref_slice %arg12[%dma_wait3A_186, %dma_wait3A_187] : memref<10112x16xf32, #tpu.memory_space<vmem_shared>> -> memref<128x16xf32, #tpu.memory_space<vmem_shared>>
    %dma_wait3A_189 = arith.constant 0 : i32
    %dma_wait3A_190 = arith.constant 0 : i32
    %dma_wait3A_191 = tpu.memref_slice %arg12[%dma_wait3A_189, %dma_wait3A_190] : memref<10112x16xf32, #tpu.memory_space<vmem_shared>> -> memref<128x16xf32, #tpu.memory_space<vmem_shared>>
    tpu.wait_dma2 semaphore(%arg20 : memref<!tpu.dma_semaphore, #tpu.memory_space<semaphore_mem>>) src(%arg13 : memref<128x16xf32, #tpu.memory_space<vmem>>) dst(%dma_wait3A_191 : memref<128x16xf32, #tpu.memory_space<vmem_shared>>)
    %dma_wait3A_192 = arith.constant 0 : i32
    %dma_wait3A_193 = arith.constant 6 : i32
    %dma_wait3A_194 = arith.constant 0 : i32
    %dma_wait3A_195 = arith.constant 0 : i32
    %dma_wait3A_196 = tpu.memref_slice %arg16[%dma_wait3A_192, %dma_wait3A_193, %dma_wait3A_194, %dma_wait3A_195] : memref<2x8x128x32xf32, #tpu.memory_space<vmem>> -> memref<1x1x128x32xf32, #tpu.memory_space<vmem>>
    %dma_wait3A_197 = tpu.memref_squeeze %dma_wait3A_196 : memref<1x1x128x32xf32, #tpu.memory_space<vmem>> -> memref<128x32xf32, #tpu.memory_space<vmem>>
    %dma_wait3A_198 = arith.constant 0 : i32
    %dma_wait3A_199 = arith.constant 0 : i32
    %dma_wait3A_200 = tpu.memref_slice %arg11[%dma_wait3A_198, %dma_wait3A_199] : memref<10112x32xf32, #tpu.memory_space<vmem_shared>> -> memref<128x32xf32, #tpu.memory_space<vmem_shared>>
    %dma_wait3A_201 = arith.constant 0 : i32
    %dma_wait3A_202 = arith.constant 0 : i32
    %dma_wait3A_203 = tpu.memref_slice %arg11[%dma_wait3A_201, %dma_wait3A_202] : memref<10112x32xf32, #tpu.memory_space<vmem_shared>> -> memref<128x32xf32, #tpu.memory_space<vmem_shared>>
    %dma_wait3A_204 = arith.constant 0 : i32
    %dma_wait3A_205 = arith.constant 0 : i32
    %dma_wait3A_206 = tpu.memref_slice %arg16[%dma_wait3A_192, %dma_wait3A_193, %dma_wait3A_204, %dma_wait3A_205] : memref<2x8x128x32xf32, #tpu.memory_space<vmem>> -> memref<1x1x128x32xf32, #tpu.memory_space<vmem>>
    %dma_wait3A_207 = tpu.memref_squeeze %dma_wait3A_206 : memref<1x1x128x32xf32, #tpu.memory_space<vmem>> -> memref<128x32xf32, #tpu.memory_space<vmem>>
    tpu.wait_dma2 semaphore(%arg20 : memref<!tpu.dma_semaphore, #tpu.memory_space<semaphore_mem>>) src(%dma_wait3A_207 : memref<128x32xf32, #tpu.memory_space<vmem>>) dst(%dma_wait3A_203 : memref<128x32xf32, #tpu.memory_space<vmem_shared>>)
    %dma_wait3A_208 = arith.constant 0 : i32
    %dma_wait3A_209 = arith.constant 0 : i32
    %dma_wait3A_210 = tpu.memref_slice %arg12[%dma_wait3A_208, %dma_wait3A_209] : memref<10112x16xf32, #tpu.memory_space<vmem_shared>> -> memref<128x16xf32, #tpu.memory_space<vmem_shared>>
    %dma_wait3A_211 = arith.constant 0 : i32
    %dma_wait3A_212 = arith.constant 0 : i32
    %dma_wait3A_213 = tpu.memref_slice %arg12[%dma_wait3A_211, %dma_wait3A_212] : memref<10112x16xf32, #tpu.memory_space<vmem_shared>> -> memref<128x16xf32, #tpu.memory_space<vmem_shared>>
    tpu.wait_dma2 semaphore(%arg20 : memref<!tpu.dma_semaphore, #tpu.memory_space<semaphore_mem>>) src(%arg13 : memref<128x16xf32, #tpu.memory_space<vmem>>) dst(%dma_wait3A_213 : memref<128x16xf32, #tpu.memory_space<vmem_shared>>)
    %dma_wait3A_214 = arith.constant 0 : i32
    %dma_wait3A_215 = arith.constant 7 : i32
    %dma_wait3A_216 = arith.constant 0 : i32
    %dma_wait3A_217 = arith.constant 0 : i32
    %dma_wait3A_218 = tpu.memref_slice %arg16[%dma_wait3A_214, %dma_wait3A_215, %dma_wait3A_216, %dma_wait3A_217] : memref<2x8x128x32xf32, #tpu.memory_space<vmem>> -> memref<1x1x128x32xf32, #tpu.memory_space<vmem>>
    %dma_wait3A_219 = tpu.memref_squeeze %dma_wait3A_218 : memref<1x1x128x32xf32, #tpu.memory_space<vmem>> -> memref<128x32xf32, #tpu.memory_space<vmem>>
    %dma_wait3A_220 = arith.constant 0 : i32
    %dma_wait3A_221 = arith.constant 0 : i32
    %dma_wait3A_222 = tpu.memref_slice %arg11[%dma_wait3A_220, %dma_wait3A_221] : memref<10112x32xf32, #tpu.memory_space<vmem_shared>> -> memref<128x32xf32, #tpu.memory_space<vmem_shared>>
    %dma_wait3A_223 = arith.constant 0 : i32
    %dma_wait3A_224 = arith.constant 0 : i32
    %dma_wait3A_225 = tpu.memref_slice %arg11[%dma_wait3A_223, %dma_wait3A_224] : memref<10112x32xf32, #tpu.memory_space<vmem_shared>> -> memref<128x32xf32, #tpu.memory_space<vmem_shared>>
    %dma_wait3A_226 = arith.constant 0 : i32
    %dma_wait3A_227 = arith.constant 0 : i32
    %dma_wait3A_228 = tpu.memref_slice %arg16[%dma_wait3A_214, %dma_wait3A_215, %dma_wait3A_226, %dma_wait3A_227] : memref<2x8x128x32xf32, #tpu.memory_space<vmem>> -> memref<1x1x128x32xf32, #tpu.memory_space<vmem>>
    %dma_wait3A_229 = tpu.memref_squeeze %dma_wait3A_228 : memref<1x1x128x32xf32, #tpu.memory_space<vmem>> -> memref<128x32xf32, #tpu.memory_space<vmem>>
    tpu.wait_dma2 semaphore(%arg20 : memref<!tpu.dma_semaphore, #tpu.memory_space<semaphore_mem>>) src(%dma_wait3A_229 : memref<128x32xf32, #tpu.memory_space<vmem>>) dst(%dma_wait3A_225 : memref<128x32xf32, #tpu.memory_space<vmem_shared>>)
    %dma_wait3A_230 = arith.constant 0 : i32
    %dma_wait3A_231 = arith.constant 0 : i32
    %dma_wait3A_232 = tpu.memref_slice %arg12[%dma_wait3A_230, %dma_wait3A_231] : memref<10112x16xf32, #tpu.memory_space<vmem_shared>> -> memref<128x16xf32, #tpu.memory_space<vmem_shared>>
    %dma_wait3A_233 = arith.constant 0 : i32
    %dma_wait3A_234 = arith.constant 0 : i32
    %dma_wait3A_235 = tpu.memref_slice %arg12[%dma_wait3A_233, %dma_wait3A_234] : memref<10112x16xf32, #tpu.memory_space<vmem_shared>> -> memref<128x16xf32, #tpu.memory_space<vmem_shared>>
    tpu.wait_dma2 semaphore(%arg20 : memref<!tpu.dma_semaphore, #tpu.memory_space<semaphore_mem>>) src(%arg13 : memref<128x16xf32, #tpu.memory_space<vmem>>) dst(%dma_wait3A_235 : memref<128x16xf32, #tpu.memory_space<vmem_shared>>)
    %barrier3A_236 = arith.constant 0 : index
    tpu.barrier barrier_id(%barrier3A_236)
    "tpu.region"() ({
      %run_scoped3A = tpu.sem_alloc : memref<!tpu.dma_semaphore, #tpu.memory_space<semaphore_mem>>
      %dma_start3A_237 = arith.constant 0 : i32
      %dma_start3A_238 = tpu.memref_slice %arg8[%arg0, %mul3A_31, %dma_start3A_237] : memref<2x10112x32xf32, #tpu.memory_space<hbm>> -> memref<1x632x32xf32, #tpu.memory_space<hbm>>
      %dma_start3A_239 = tpu.memref_squeeze %dma_start3A_238 : memref<1x632x32xf32, #tpu.memory_space<hbm>> -> memref<632x32xf32, #tpu.memory_space<hbm>>
      %dma_start3A_240 = arith.constant 0 : i32
      %dma_start3A_241 = tpu.memref_slice %arg11[%mul3A_31, %dma_start3A_240] : memref<10112x32xf32, #tpu.memory_space<vmem_shared>> -> memref<632x32xf32, #tpu.memory_space<vmem_shared>>
      tpu.enqueue_dma source(%dma_start3A_241 : memref<632x32xf32, #tpu.memory_space<vmem_shared>>) target(%dma_start3A_239 : memref<632x32xf32, #tpu.memory_space<hbm>>) target_semaphore(%run_scoped3A : memref<!tpu.dma_semaphore, #tpu.memory_space<semaphore_mem>>)
      %dma_wait3A_242 = arith.constant 0 : i32
      %dma_wait3A_243 = tpu.memref_slice %arg8[%arg0, %mul3A_31, %dma_wait3A_242] : memref<2x10112x32xf32, #tpu.memory_space<hbm>> -> memref<1x632x32xf32, #tpu.memory_space<hbm>>
      %dma_wait3A_244 = tpu.memref_squeeze %dma_wait3A_243 : memref<1x632x32xf32, #tpu.memory_space<hbm>> -> memref<632x32xf32, #tpu.memory_space<hbm>>
      %dma_wait3A_245 = arith.constant 0 : i32
      %dma_wait3A_246 = tpu.memref_slice %arg11[%mul3A_31, %dma_wait3A_245] : memref<10112x32xf32, #tpu.memory_space<vmem_shared>> -> memref<632x32xf32, #tpu.memory_space<vmem_shared>>
      tpu.wait_dma2 semaphore(%run_scoped3A : memref<!tpu.dma_semaphore, #tpu.memory_space<semaphore_mem>>) src(%dma_wait3A_246 : memref<632x32xf32, #tpu.memory_space<vmem_shared>>) dst(%dma_wait3A_244 : memref<632x32xf32, #tpu.memory_space<hbm>>)
      tpu.yield
    }) : () -> ()
    "tpu.region"() ({
      %run_scoped3A = tpu.sem_alloc : memref<!tpu.dma_semaphore, #tpu.memory_space<semaphore_mem>>
      %dma_start3A_237 = arith.constant 0 : i32
      %dma_start3A_238 = tpu.memref_slice %arg9[%arg0, %mul3A_31, %dma_start3A_237] : memref<2x10112x16xf32, #tpu.memory_space<hbm>> -> memref<1x632x16xf32, #tpu.memory_space<hbm>>
      %dma_start3A_239 = tpu.memref_squeeze %dma_start3A_238 : memref<1x632x16xf32, #tpu.memory_space<hbm>> -> memref<632x16xf32, #tpu.memory_space<hbm>>
      %dma_start3A_240 = arith.constant 0 : i32
      %dma_start3A_241 = tpu.memref_slice %arg12[%mul3A_31, %dma_start3A_240] : memref<10112x16xf32, #tpu.memory_space<vmem_shared>> -> memref<632x16xf32, #tpu.memory_space<vmem_shared>>
      tpu.enqueue_dma source(%dma_start3A_241 : memref<632x16xf32, #tpu.memory_space<vmem_shared>>) target(%dma_start3A_239 : memref<632x16xf32, #tpu.memory_space<hbm>>) target_semaphore(%run_scoped3A : memref<!tpu.dma_semaphore, #tpu.memory_space<semaphore_mem>>)
      %dma_wait3A_242 = arith.constant 0 : i32
      %dma_wait3A_243 = tpu.memref_slice %arg9[%arg0, %mul3A_31, %dma_wait3A_242] : memref<2x10112x16xf32, #tpu.memory_space<hbm>> -> memref<1x632x16xf32, #tpu.memory_space<hbm>>
      %dma_wait3A_244 = tpu.memref_squeeze %dma_wait3A_243 : memref<1x632x16xf32, #tpu.memory_space<hbm>> -> memref<632x16xf32, #tpu.memory_space<hbm>>
      %dma_wait3A_245 = arith.constant 0 : i32
      %dma_wait3A_246 = tpu.memref_slice %arg12[%mul3A_31, %dma_wait3A_245] : memref<10112x16xf32, #tpu.memory_space<vmem_shared>> -> memref<632x16xf32, #tpu.memory_space<vmem_shared>>
      tpu.wait_dma2 semaphore(%run_scoped3A : memref<!tpu.dma_semaphore, #tpu.memory_space<semaphore_mem>>) src(%dma_wait3A_246 : memref<632x16xf32, #tpu.memory_space<vmem_shared>>) dst(%dma_wait3A_244 : memref<632x16xf32, #tpu.memory_space<hbm>>)
      tpu.yield
    }) : () -> ()
    return
  }
}

module attributes {stable_mosaic.version = 14 : i64} {
  func.func @_pre_body(%arg0: memref<10000x128xf32, #tpu.memory_space<vmem>>, %arg1: memref<32x128xf32, #tpu.memory_space<vmem>>, %arg2: memref<32x128xf32, #tpu.memory_space<vmem>>, %arg3: memref<1x32xf32, #tpu.memory_space<vmem>>, %arg4: memref<10112x32xf32, #tpu.memory_space<vmem>>, %arg5: memref<10112x32xf32, #tpu.memory_space<vmem>>) attributes {dimension_semantics = [], scalar_prefetch = 0 : i64, scratch_operands = 0 : i64, tpu.core_type = #tpu.core_type<tc>} {
    %get3A = arith.constant 0 : index
    %get3A_0 = arith.constant 0 : index
    %get3A_1 = vector.load %arg0[%get3A, %get3A_0] : memref<10000x128xf32, #tpu.memory_space<vmem>>, vector<10000x128xf32>
    %get3A_2 = arith.constant 0 : index
    %get3A_3 = arith.constant 0 : index
    %get3A_4 = vector.load %arg1[%get3A_2, %get3A_3] : memref<32x128xf32, #tpu.memory_space<vmem>>, vector<32x128xf32>
    %dot_general3A = arith.constant dense<0.000000e+00> : vector<10000x32xf32>
    %dot_general3A_5 = tpu.matmul %get3A_1, %get3A_4, %dot_general3A {dimension_numbers = #tpu.dot_dimension_numbers<[1], [1], [0], [0], [0, 0, 1, 0], [], []>, transpose_lhs_hint = false} : vector<10000x128xf32>, vector<32x128xf32>, vector<10000x32xf32> -> vector<10000x32xf32>
    %broadcast_in_dim3A = arith.constant 0.000000e+00 : f32
    %broadcast_in_dim3A_6 = vector.broadcast %broadcast_in_dim3A : f32 to vector<112x32xf32>
    %concatenate3A = tpu.concatenate %dot_general3A_5, %broadcast_in_dim3A_6 in 0 : vector<10000x32xf32>, vector<112x32xf32> -> vector<10112x32xf32>
    %swap3A = arith.constant 0 : index
    %swap3A_7 = arith.constant 0 : index
    %swap3A_8 = vector.load %arg4[%swap3A, %swap3A_7] : memref<10112x32xf32, #tpu.memory_space<vmem>>, vector<10112x32xf32>
    tpu.vector_store %arg4[%swap3A, %swap3A_7], %concatenate3A {strides = array<i32>} : memref<10112x32xf32, #tpu.memory_space<vmem>>, vector<10112x32xf32>,
    %get3A_9 = arith.constant 0 : index
    %get3A_10 = arith.constant 0 : index
    %get3A_11 = vector.load %arg2[%get3A_9, %get3A_10] : memref<32x128xf32, #tpu.memory_space<vmem>>, vector<32x128xf32>
    %dot_general3A_12 = arith.constant dense<0.000000e+00> : vector<10000x32xf32>
    %dot_general3A_13 = tpu.matmul %get3A_1, %get3A_11, %dot_general3A_12 {dimension_numbers = #tpu.dot_dimension_numbers<[1], [1], [0], [0], [0, 0, 1, 0], [], []>, transpose_lhs_hint = false} : vector<10000x128xf32>, vector<32x128xf32>, vector<10000x32xf32> -> vector<10000x32xf32>
    %get3A_14 = arith.constant 0 : index
    %get3A_15 = arith.constant 0 : index
    %get3A_16 = vector.load %arg3[%get3A_14, %get3A_15] : memref<1x32xf32, #tpu.memory_space<vmem>>, vector<1x32xf32>
    %add3A = vector.broadcast %get3A_16 : vector<1x32xf32> to vector<10000x32xf32>
    %add3A_17 = arith.addf %dot_general3A_13, %add3A : vector<10000x32xf32>
    %broadcast_in_dim3A_18 = arith.constant 0.000000e+00 : f32
    %broadcast_in_dim3A_19 = vector.broadcast %broadcast_in_dim3A_18 : f32 to vector<112x32xf32>
    %concatenate3A_20 = tpu.concatenate %add3A_17, %broadcast_in_dim3A_19 in 0 : vector<10000x32xf32>, vector<112x32xf32> -> vector<10112x32xf32>
    %swap3A_21 = arith.constant 0 : index
    %swap3A_22 = arith.constant 0 : index
    %swap3A_23 = vector.load %arg5[%swap3A_21, %swap3A_22] : memref<10112x32xf32, #tpu.memory_space<vmem>>, vector<10112x32xf32>
    tpu.vector_store %arg5[%swap3A_21, %swap3A_22], %concatenate3A_20 {strides = array<i32>} : memref<10112x32xf32, #tpu.memory_space<vmem>>, vector<10112x32xf32>,
    return
  }
}

module attributes {stable_mosaic.version = 14 : i64} {
  func.func @_post_body(%arg0: memref<10112x32xf32, #tpu.memory_space<vmem>>, %arg1: memref<10112x32xf32, #tpu.memory_space<vmem>>, %arg2: memref<10112x16xf32, #tpu.memory_space<vmem>>, %arg3: memref<10112x16xf32, #tpu.memory_space<vmem>>, %arg4: memref<10112x32xf32, #tpu.memory_space<vmem>>, %arg5: memref<32x32xf32, #tpu.memory_space<vmem>>, %arg6: memref<1x32xf32, #tpu.memory_space<vmem>>, %arg7: memref<32x32xf32, #tpu.memory_space<vmem>>, %arg8: memref<16x32xf32, #tpu.memory_space<vmem>>, %arg9: memref<1x16xf32, #tpu.memory_space<vmem>>, %arg10: memref<10000x16xf32, #tpu.memory_space<vmem>>) attributes {dimension_semantics = [], scalar_prefetch = 0 : i64, scratch_operands = 0 : i64, tpu.core_type = #tpu.core_type<tc>} {
    %get3A = arith.constant 0 : index
    %get3A_0 = arith.constant 0 : index
    %get3A_1 = vector.load %arg0[%get3A, %get3A_0] : memref<10112x32xf32, #tpu.memory_space<vmem>>, vector<10112x32xf32>
    %slice3A = vector.extract_strided_slice %get3A_1 {offsets = [0, 0], sizes = [10000, 32], strides = [1, 1]} : vector<10112x32xf32> to vector<10000x32xf32>
    %get3A_2 = arith.constant 0 : index
    %get3A_3 = arith.constant 0 : index
    %get3A_4 = vector.load %arg1[%get3A_2, %get3A_3] : memref<10112x32xf32, #tpu.memory_space<vmem>>, vector<10112x32xf32>
    %slice3A_5 = vector.extract_strided_slice %get3A_4 {offsets = [0, 0], sizes = [10000, 32], strides = [1, 1]} : vector<10112x32xf32> to vector<10000x32xf32>
    %add3A = arith.addf %slice3A, %slice3A_5 : vector<10000x32xf32>
    %get3A_6 = arith.constant 0 : index
    %get3A_7 = arith.constant 0 : index
    %get3A_8 = vector.load %arg2[%get3A_6, %get3A_7] : memref<10112x16xf32, #tpu.memory_space<vmem>>, vector<10112x16xf32>
    %slice3A_9 = vector.extract_strided_slice %get3A_8 {offsets = [0, 0], sizes = [10000, 1], strides = [1, 1]} : vector<10112x16xf32> to vector<10000x1xf32>
    %get3A_10 = arith.constant 0 : index
    %get3A_11 = arith.constant 0 : index
    %get3A_12 = vector.load %arg3[%get3A_10, %get3A_11] : memref<10112x16xf32, #tpu.memory_space<vmem>>, vector<10112x16xf32>
    %slice3A_13 = vector.extract_strided_slice %get3A_12 {offsets = [0, 0], sizes = [10000, 1], strides = [1, 1]} : vector<10112x16xf32> to vector<10000x1xf32>
    %add3A_14 = arith.addf %slice3A_9, %slice3A_13 : vector<10000x1xf32>
    %max3A = arith.constant 1.000000e+00 : f32
    %max3A_15 = vector.broadcast %max3A : f32 to vector<10000x1xf32>
    %max3A_16 = arith.maximumf %add3A_14, %max3A_15 : vector<10000x1xf32>
    %div3A = vector.broadcast %max3A_16 : vector<10000x1xf32> to vector<10000x32xf32>
    %div3A_17 = arith.divf %add3A, %div3A : vector<10000x32xf32>
    %get3A_18 = arith.constant 0 : index
    %get3A_19 = arith.constant 0 : index
    %get3A_20 = vector.load %arg5[%get3A_18, %get3A_19] : memref<32x32xf32, #tpu.memory_space<vmem>>, vector<32x32xf32>
    %dot_general3A = arith.constant dense<0.000000e+00> : vector<10000x32xf32>
    %dot_general3A_21 = tpu.matmul %div3A_17, %get3A_20, %dot_general3A {dimension_numbers = #tpu.dot_dimension_numbers<[1], [1], [0], [0], [0, 0, 1, 0], [], []>, transpose_lhs_hint = false} : vector<10000x32xf32>, vector<32x32xf32>, vector<10000x32xf32> -> vector<10000x32xf32>
    %get3A_22 = arith.constant 0 : index
    %get3A_23 = arith.constant 0 : index
    %get3A_24 = vector.load %arg4[%get3A_22, %get3A_23] : memref<10112x32xf32, #tpu.memory_space<vmem>>, vector<10112x32xf32>
    %slice3A_25 = vector.extract_strided_slice %get3A_24 {offsets = [0, 0], sizes = [10000, 32], strides = [1, 1]} : vector<10112x32xf32> to vector<10000x32xf32>
    %get3A_26 = arith.constant 0 : index
    %get3A_27 = arith.constant 0 : index
    %get3A_28 = vector.load %arg7[%get3A_26, %get3A_27] : memref<32x32xf32, #tpu.memory_space<vmem>>, vector<32x32xf32>
    %dot_general3A_29 = arith.constant dense<0.000000e+00> : vector<10000x32xf32>
    %dot_general3A_30 = tpu.matmul %slice3A_25, %get3A_28, %dot_general3A_29 {dimension_numbers = #tpu.dot_dimension_numbers<[1], [1], [0], [0], [0, 0, 1, 0], [], []>, transpose_lhs_hint = false} : vector<10000x32xf32>, vector<32x32xf32>, vector<10000x32xf32> -> vector<10000x32xf32>
    %add3A_31 = arith.addf %dot_general3A_21, %dot_general3A_30 : vector<10000x32xf32>
    %get3A_32 = arith.constant 0 : index
    %get3A_33 = arith.constant 0 : index
    %get3A_34 = vector.load %arg6[%get3A_32, %get3A_33] : memref<1x32xf32, #tpu.memory_space<vmem>>, vector<1x32xf32>
    %add3A_35 = vector.broadcast %get3A_34 : vector<1x32xf32> to vector<10000x32xf32>
    %add3A_36 = arith.addf %add3A_31, %add3A_35 : vector<10000x32xf32>
    %max3A_37 = arith.constant 0.000000e+00 : f32
    %max3A_38 = vector.broadcast %max3A_37 : f32 to vector<10000x32xf32>
    %max3A_39 = arith.maximumf %add3A_36, %max3A_38 : vector<10000x32xf32>
    %get3A_40 = arith.constant 0 : index
    %get3A_41 = arith.constant 0 : index
    %get3A_42 = vector.load %arg8[%get3A_40, %get3A_41] : memref<16x32xf32, #tpu.memory_space<vmem>>, vector<16x32xf32>
    %dot_general3A_43 = arith.constant dense<0.000000e+00> : vector<10000x16xf32>
    %dot_general3A_44 = tpu.matmul %max3A_39, %get3A_42, %dot_general3A_43 {dimension_numbers = #tpu.dot_dimension_numbers<[1], [1], [0], [0], [0, 0, 1, 0], [], []>, transpose_lhs_hint = false} : vector<10000x32xf32>, vector<16x32xf32>, vector<10000x16xf32> -> vector<10000x16xf32>
    %get3A_45 = arith.constant 0 : index
    %get3A_46 = arith.constant 0 : index
    %get3A_47 = vector.load %arg9[%get3A_45, %get3A_46] : memref<1x16xf32, #tpu.memory_space<vmem>>, vector<1x16xf32>
    %add3A_48 = vector.broadcast %get3A_47 : vector<1x16xf32> to vector<10000x16xf32>
    %add3A_49 = arith.addf %dot_general3A_44, %add3A_48 : vector<10000x16xf32>
    %swap3A = arith.constant 0 : index
    %swap3A_50 = arith.constant 0 : index
    %swap3A_51 = vector.load %arg10[%swap3A, %swap3A_50] : memref<10000x16xf32, #tpu.memory_space<vmem>>, vector<10000x16xf32>
    tpu.vector_store %arg10[%swap3A, %swap3A_50], %add3A_49 {strides = array<i32>} : memref<10000x16xf32, #tpu.memory_space<vmem>>, vector<10000x16xf32>,
    return
  }
}

</mosaic_0001>

<sc_bundles>
// kernel: sage_edge_pass1.3.cloned.1.call-start
scs
__scs_entry_jumppad:
0x0: {  	(pc) =	sbr.rel $0x88, $3  }
0x1: {  	(tag) =	ssettag $0x0;
	lr =	simm.s32 $0x1  }
0x2: {  	[smem:$0x3F97] =	sst lr;
	_ =	strace $0xD0000000  }
0x3: {  	_ = 	snop  }
0x4: {  	_ = 	snop  }
0x5: {  	_ = 	snop  }
0x6: {  	_ = 	snop  }
0x7: {  	_ = 	snop  }
__scs_overlays_trampoline_lowered:
0x8: {  	[smem:$0x3FA6] =	sst s0  }
0x9: {  	[smem:$0x3FA7] =	sst s1  }
0xa: {  	[smem:$0x3FA8] =	sst s2  }
0xb: {  	[smem:$0x3FA9] =	sst s3  }
0xc: {  	[smem:$0x3FAA] =	sst s4  }
0xd: {  	[smem:$0x3FAB] =	sst s5  }
0xe: {  	[smem:$0x3FAC] =	sst s6  }
0xf: {  	[smem:$0x3FAD] =	sst s7  }
0x10: {  	[smem:$0x3FAE] =	sst s8  }
0x11: {  	[smem:$0x3FAF] =	sst s9;
	s0 =	simm.s32 @!p0 $0x0  }
0x12: {  	s1 =	sld [smem:$0x3F95];
	s0 =	simm.s32 @p0 $0x1  }
0x13: {  	[smem:$0x3FB0] =	sst s0;
	s0 =	simm.s32 @!p1 $0x0  }
0x14: {  	s2 =	sld [smem:$0x3F94];
	s0 =	simm.s32 @p1 $0x1  }
0x15: {  	[smem:$0x3FB1] =	sst s0;
	s0 =	simm.s32 @!p2 $0x0  }
0x16: {  	s3 =	sld [smem:$0x3FDB];
	s0 =	simm.s32 @p2 $0x1  }
0x17: {  	s4 =	simm.s32 $0x1BF5;
	[smem:$0x3FB3] =	sst s0  }
0x18: {  	s0 =	sld [smem:$0x3F96];
	_ =	swait.ge [sflag:s4], $0x0  }
0x19: {  	s7 =	sld [smem:$0x3F97]  }
0x1a: {  	s8 =	sadd.s32 $0xFFFFE003, lr  }
0x1b: {  	s9 =	sadd.s32 $0xFFFFFEF7, lr;
	s5 =	simm.s32 $0xFFFFFFFF;
	p2 =	slt.u32 s8, $0xFFFFF086  }
0x1c: {  	p1 =	slt.u32 s9, $0xF7A;
	s5 =	simm.s32 @!p2 $0x0  }
0x1d: {  	s5 =	simm.s32 @p1 $0x1;
	p0 =	seq.s32 s7, s2  }
0x1e: {  	s7 =	smul.u32 @!p0 $0xF7A, s2;
	p2 =	seq.s32 @!p0 s5, $0x0  }
0x1f: {  	s9 =	smul.u32 $0xF7A, s1;
	s8 =	simm.s32 @!p0 $0x1BF5;
	p2 =	por !p2, p0  }
0x20: {  	[sflag:s8] =	ssyncset.s32 @!p0 $0xFFFFF086;
	s6 =	sadd.s32 @!p0 s3, s7;
	s7 =	simm.s32 @!p0 $0x108  }
0x21: {  	s3 =	sadd.s32 s3, s9;
	s6 =	sadd.s32 @!p0 $0x88, s6;
	s7 =	simm.s32 @p2 $0x1082  }
0x22: {  	[simem:s7], [sflag:s8] =	dma.local @!p0 [hbm:s6], $0xF7A  }
0x23: {  	s9 =	sor.u32 $0xD0000000, s2;
	s6 =	simm.s32 $0x108;
	_ =	swait.ge @!p0 [sflag:s8], $0x0  }
0x24: {  	s3 =	sadd.s32 $0x88, s3;
	s6 =	simm.s32 @!p1 $0x1082;
	[sflag:s4] =	ssyncset.s32 $0xFFFFF086  }
0x25: {  	[simem:s6], [sflag:s4] =	dma.local [hbm:s3], $0xF7A  }
0x26: {  	[smem:$0x3F97] =	sst s1;
	(tag) =	ssettag s2;
	_ =	strace s9  }
0x27: {  	s1 =	sld [smem:$0x3FA7]  }
0x28: {  	s2 =	sld [smem:$0x3FA8]  }
0x29: {  	s4 =	sld [smem:$0x3FAA]  }
0x2a: {  	p0 =	seq.s32 s5, $0x0;
	s5 =	sld [smem:$0x3FAB]  }
0x2b: {  	s6 =	sld [smem:$0x3FAC]  }
0x2c: {  	s7 =	sld [smem:$0x3FAD]  }
0x2d: {  	s3 =	simm.s32 $0x108;
	s8 =	sld [smem:$0x3FAE]  }
0x2e: {  	s3 =	simm.s32 @!p0 $0x1082;
	s9 =	sld [smem:$0x3FAF]  }
0x2f: {  	lr =	sadd.s32 s0, s3;
	s0 =	sld [smem:$0x3FA6]  }
0x30: {  	s3 =	sld [smem:$0x3FA9]  }
0x31: {  	[smem:$0x3FB2] =	sst s10  }
0x32: {  	s10 =	sld [smem:$0x3FB0];
	_ =	sdelay $0x3  }
0x33: {  	p0 =	seq.s32 s10, $0x1;
	s10 =	sld [smem:$0x3FB2];
	_ =	sdelay $0x3  }
0x34: {  	[smem:$0x3FB2] =	sst s10  }
0x35: {  	s10 =	sld [smem:$0x3FB1];
	_ =	sdelay $0x3  }
0x36: {  	p1 =	seq.s32 s10, $0x1;
	s10 =	sld [smem:$0x3FB2];
	_ =	sdelay $0x3  }
0x37: {  	[smem:$0x3FB2] =	sst s10  }
0x38: {  	s10 =	sld [smem:$0x3FB3]  }
0x39: {  	_ = 	snop;
	(pc) =	sbr.ind lr, $3  }
0x3a: {  	_ = 	snop  }
0x3b: {  	_ = 	snop  }
0x3c: {  	p2 =	seq.s32 s10, $0x1;
	s10 =	sld [smem:$0x3FB2]  }
0x3d: {  	_ =	shalt  }
0x3e: {  	_ =	shalt  }
0x3f: {  	_ =	shalt  }
0x40: {  	_ =	shalt  }
0x41: {  	_ =	shalt  }
0x42: {  	_ =	shalt  }
0x43: {  	_ =	shalt  }
0x44: {  	_ =	shalt  }
0x45: {  	_ =	shalt  }
0x46: {  	_ =	shalt  }
0x47: {  	_ =	shalt  }
0x48: {  	_ =	shalt  }
0x49: {  	_ =	shalt  }
0x4a: {  	_ =	shalt  }
0x4b: {  	_ =	shalt  }
0x4c: {  	_ =	shalt  }
0x4d: {  	_ =	shalt  }
0x4e: {  	_ =	shalt  }
0x4f: {  	_ =	shalt  }
0x50: {  	_ =	shalt  }
0x51: {  	_ =	shalt  }
0x52: {  	_ =	shalt  }
0x53: {  	_ =	shalt  }
0x54: {  	_ =	shalt  }
0x55: {  	_ =	shalt  }
0x56: {  	_ =	shalt  }
0x57: {  	_ =	shalt  }
0x58: {  	_ =	shalt  }
0x59: {  	_ =	shalt  }
0x5a: {  	_ =	shalt  }
0x5b: {  	_ =	shalt  }
0x5c: {  	_ =	shalt  }
0x5d: {  	_ =	shalt  }
0x5e: {  	_ =	shalt  }
0x5f: {  	_ =	shalt  }
0x60: {  	_ =	shalt  }
0x61: {  	_ =	shalt  }
0x62: {  	_ =	shalt  }
0x63: {  	_ =	shalt  }
0x64: {  	_ =	shalt  }
0x65: {  	_ =	shalt  }
0x66: {  	_ =	shalt  }
0x67: {  	_ =	shalt  }
0x68: {  	_ =	shalt  }
0x69: {  	_ =	shalt  }
0x6a: {  	_ =	shalt  }
0x6b: {  	_ =	shalt  }
0x6c: {  	_ =	shalt  }
0x6d: {  	_ =	shalt  }
0x6e: {  	_ =	shalt  }
0x6f: {  	_ =	shalt  }
0x70: {  	_ =	shalt  }
0x71: {  	_ =	shalt  }
0x72: {  	_ =	shalt  }
0x73: {  	_ =	shalt  }
0x74: {  	_ =	shalt  }
0x75: {  	_ =	shalt  }
0x76: {  	_ =	shalt  }
0x77: {  	_ =	shalt  }
0x78: {  	_ =	shalt  }
0x79: {  	_ =	shalt  }
0x7a: {  	_ =	shalt  }
0x7b: {  	_ =	shalt  }
0x7c: {  	_ =	shalt  }
0x7d: {  	_ =	shalt  }
0x7e: {  	_ =	shalt  }
0x7f: {  	_ =	shalt  }
0x80: {  	_ =	shalt  }
0x81: {  	_ =	shalt  }
0x82: {  	_ =	shalt  }
0x83: {  	_ =	shalt  }
0x84: {  	_ =	shalt  }
0x85: {  	_ =	shalt  }
0x86: {  	_ =	shalt  }
0x87: {  	_ =	shalt  }
.Lfunc_end0:
.L_simem_size_0:
called_computation_lowered:
.L_overlay_start_0:
0x88: {  	s2 =	sld [smem:$0x3FD9]  }
0x89: {  	s3 =	sld [smem:$0x3FFE];
	_ =	sdelay $0x1  }
0x8a: {  	s1 =	srdreg.scid  }
0x8b: {  	s0 =	sand.u32 $0x1, s1  }
0x8c: {  	s17 =	sshll.u32 s0, $0xA;
	s2 =	sadd.s32 s3, s2  }
0x8d: {  	s2 =	sadd.s32 s2, s17  }
0x8e: {  	[smem:$0x3FBE] =	sst s2  }
0x8f: {  	_ = 	snop  }
0x90: {  	s2 =	sld [smem:$0x3FD0];
	(tm) =	ssettm $0x1  }
0x91: {  	s18 =	sld [smem:$0x3FFB];
	_ =	sdelay $0x3  }
0x92: {  	_ =	strace s18  }
0x93: {  	s3 =	sld [smem:$0x3FFC];
	_ =	sdelay $0x3  }
0x94: {  	_ =	strace s3  }
0x95: {  	s3 =	sld [smem:$0x3FFD];
	_ =	sdelay $0x3  }
0x96: {  	_ =	strace s3  }
0x97: {  	_ =	strace $0x8FFFFFFF  }
0x98: {  	s19 =	sld [smem:$0x3FDB];
	_ =	sdelay $0x1  }
0x99: {  	s4 =	simm.s32 $_scs_section_size  }
0x9a: {  	s5 =	simm.s32 $_size__tile_overlayer_lowered;
	s6 =	simm.s32 $_tile_overlayer_lowered  }
0x9b: {  	s22 =	simm.s32 $0x1BFF;
	s21 =	sshll.u32 s6, $0x1;
	s3 =	sadd.s32 s4, s19  }
0x9c: {  	s7 =	simm.s32 $0x0;
	s20 =	sshll.u32 s5, $0x1;
	s5 =	sadd.s32 s21, s3  }
0x9d: {  	[timem:s7], [sflag:s22] =	dma.local [hbm:s5], s20  }
0x9e: {  	_ =	swait.ge [sflag:s22], s20  }
0x9f: {  	s4 =	ssub.s32 $0x0, s20;
	[sflag:s22] =	ssyncset.done $0x0  }
0xa0: {  	[sflag:s22] =	ssyncadd.s32 s4;
	_ =	sdelay $0x1  }
0xa1: {  	s23 =	simm.s32 $0x1B8B  }
0xa2: {  	_ =	swait.ge [sflag:s23], $0x1  }
0xa3: {  	[sflag:s23] =	ssyncset.done $0x0  }
0xa4: {  	s25 =	simm.s32 $0x1B8E;
	s24 =	sld [smem:$0x3FFE];
	[sflag:s23] =	ssyncadd.s32 $0xFFFFFFFF  }
0xa5: {  	s26 =	simm.s32 $execute0_lowered;
	[smem:$0x3FD2] =	sst s25  }
0xa6: {  	s5 =	sshll.u32 s26, $0x1;
	_ =	strace $0x80000046;
	[dreg:$0x1] =	wrdreg $0xFFFFFFFF  }
0xa7: {  	s28 =	simm.s32 $_size_execute0_lowered;
	s3 =	sadd.s32 s3, s5;
	[dreg:$0x0] =	wrdreg $0x0  }
0xa8: {  	s5 =	sshll.u32 s28, $0x1;
	[dreg:$0x2] =	wrdreg s3  }
0xa9: {  	[dreg:$0x3] =	wrdreg s5  }
0xaa: {  	[dreg:$0x4] =	wrdreg $0xC0  }
0xab: {  	_ =	task [dreg:s7], $0x5FFFF  }
0xac: {  	[dreg:$0x1] =	wrdreg $0xFFFFFFFF  }
0xad: {  	[dreg:$0x0] =	wrdreg $0x60  }
0xae: {  	[dreg:$0x2] =	wrdreg s24  }
0xaf: {  	[dreg:$0x3] =	wrdreg s2  }
0xb0: {  	[dreg:$0x4] =	wrdreg $0x0  }
0xb1: {  	[dreg:$0x5] =	wrdreg $0x4F000  }
0xb2: {  	[dreg:$0x6] =	wrdreg $0x9E000  }
0xb3: {  	[dreg:$0x7] =	wrdreg $0x9  }
0xb4: {  	_ =	task.clear_ibuf [dreg:s7], $0x8FFFF;
	_ =	strace $0x90000046  }
0xb5: {  	s29 =	simm.s32 $0x9;
	_ =	strace $0x80000048  }
0xb6: {  	_ =	swait.ge [sflag:s29], $0x1  }
0xb7: {  	[sflag:s29] =	ssyncadd.s32 $0xFFFFFFFF  }
0xb8: {  	_ =	strace $0x90000048  }
0xb9: {  	_ =	sfence  }
0xba: {  	s30 =	sld [smem:$0x0];
	_ =	sdelay $0x2  }
0xbb: {  	s31 =	sshll.u32 s1, $0xD;
	s1 =	sshrl.u32 s1, $0x2  }
0xbc: {  	s3 =	sand.u32 $0x4000, s31;
	s1 =	sadd.s32 s1, s30  }
0xbd: {  	s0 =	sor.u32 s3, s0;
	s1 =	sshll.u32 s1, $0x11  }
0xbe: {  	s0 =	sor.u32 s1, s0  }
0xbf: {  	s0 =	sadd.s32 $0x8F2B, s0  }
0xc0: {  	[sflag:s0] =	ssyncadd.remote.s32 $0x1  }
0xc1: {  	_ =	sfence.sel $0xFFFF  }
0xc2: {  	[dreg:$0x0] =	wrdreg $0xFFFFFFFF;
	(pc) =	sbr.abs _section_cstart, $3  }
0xc3: {  	[dreg:$0x1] =	wrdreg $0xFFFFFFFF  }
0xc4: {  	_ =	task.clear_ibuf [dreg:s7], $0x2FFFF;
	_ =	strace $0x9FFFFFFF  }
0xc5: {  	(tm) =	ssettm $0x7FFFFFFF  }
tec
execute0_lowered:
.L_overlay_start_1:
0x0: {  	(tag) =	ssettag $0x1  }
0x1: {  	s2 =	rddreg [dreg:$0x0]  }
0x2: {  	s0 =	rddreg [dreg:$0x1]  }
0x3: {  	s1 =	rddreg [dreg:$0x2]  }
0x4: {  	s3 =	rddreg [dreg:$0x3]  }
0x5: {  	s4 =	rddreg [dreg:$0x4]  }
0x6: {  	s24 =	simm.s32 $0x0;
	s15 =	stileid.u32;
	s5 =	srdreg.scid  }
0x7: {  	s18 =	simm.s32 $0xCE00;
	s28 =	simm.s32 $0x1;
	s29 =	simm.s32 $0x80  }
0x8: {  	[smem:$0x7FF] =	sst s24;
	s6 =	smul.u32 $0x4F00, s15;
	s5 =	sand.u32 $0x1, s5  }
0x9: {  	s30 =	sadd.s32 $0xC400, s2;
	s9 =	smul.u32 $0x2780, s15;
	s16 =	sadd.s32 $0x16400, s2  }
0xa: {  	s11 =	sadd.s32 $0x2A200, s2;
	s20 =	smul.u32 $0x5000, s15;
	s13 =	sshll.u32 s15, $0x1  }
0xb: {  	_ =	strace $0x80000047;
	s7 =	smul.u32 $0x4F000, s5;
	[dreg:$0x18] =	wrdreg s11  }
0xc: {  	s19 =	sshll.u32 s15, $0x6;
	s10 =	smul.u32 $0x27800, s5;
	[dreg:$0x8] =	wrdreg s18  }
0xd: {  	s12 =	smul.u32 $0x2800, s5;
	s14 =	ssub.s32 $0x2, s5;
	[dreg:$0x1c] =	wrdreg s19  }
0xe: {  	s5 =	sor.u32 s5, s13;
	s18 =	simm.s32 $0xD300;
	[dreg:$0x16] =	wrdreg s30  }
0xf: {  	[dreg:$0x17] =	wrdreg s16;
	s8 =	sshrl.u32 s6, $0x3;
	s21 =	sshrl.u32 s14, $0x1  }
0x10: {  	s5 =	smul.u32 $0x500, s5;
	s13 =	sadd.s32 s6, s1;
	[dreg:$0x11] =	wrdreg s18  }
0x11: {  	s8 =	sadd.s32 s8, s2;
	s11 =	sadd.s32 s12, s20;
	s12 =	sor.u32 $0x1C02, s19  }
0x12: {  	s7 =	sadd.s32 s6, s7;
	s20 =	simm.s32 $0xCE80;
	[dreg:$0x1d] =	wrdreg s12  }
0x13: {  	s10 =	sadd.s32 s9, s10;
	s6 =	sadd.s32 s6, s3;
	[dreg:$0x9] =	wrdreg s20  }
0x14: {  	s7 =	sshrl.u32 s7, $0x3;
	s25 =	sadd.s32 s30, s5;
	[dreg:$0x1e] =	wrdreg s6  }
0x15: {  	s10 =	sshrl.u32 s10, $0x3;
	s5 =	sadd.s32 s16, s5;
	[dreg:$0x19] =	wrdreg s25  }
0x16: {  	s22 =	sor.u32 $0x400, s11;
	s17 =	sadd.s32 $0x2600, s8;
	[dreg:$0x1a] =	wrdreg s5  }
0x17: {  	s12 =	simm.s32 $0xD100;
	s20 =	simm.s32 $0xD380;
	[dreg:$0x1b] =	wrdreg s17  }
0x18: {  	s7 =	sadd.s32 s7, s2;
	s2 =	sadd.s32 s10, s2;
	[dreg:$0xe] =	wrdreg s12  }
0x19: {  	s10 =	ssub.s32 s14, s21;
	s21 =	simm.s32 $0xCF00;
	[dreg:$0x12] =	wrdreg s20  }
0x1a: {  	s23 =	sshrl.u32 s22, $0x3;
	s22 =	simm.s32 $0xCF80;
	[dreg:$0xa] =	wrdreg s21  }
0x1b: {  	s31 =	simm.s32 $0x3;
	s25 =	simm.s32 $0xD000;
	[dreg:$0xb] =	wrdreg s22  }
0x1c: {  	s6 =	simm.s32 $0xED80;
	s17 =	simm.s32 $0xD280;
	[dreg:$0xc] =	wrdreg s25  }
0x1d: {  	s5 =	simm.s32 $0xDD80;
	s26 =	sadd.s32 s23, s16;
	[dreg:$0x10] =	wrdreg s17  }
0x1e: {  	s20 =	simm.s32 $0xDD00;
	s14 =	sadd.s32 s23, s30;
	[dreg:$0x6] =	wrdreg s26  }
0x1f: {  	s23 =	sadd.s32 $0x20400, s8;
	s8 =	simm.s32 $0xD080;
	[dreg:$0x7] =	wrdreg s14  }
0x20: {  	s15 =	sadd.s32 $0x2A400, s7;
	s2 =	sadd.s32 $0x3E000, s2;
	[dreg:$0x1f] =	wrdreg s23  }
0x21: {  	s19 =	smax.u32 s10, $0x1;
	s21 =	sadd.s32 $0x800, s11;
	[dreg:$0xd] =	wrdreg s8  }
0x22: {  	s22 =	simm.s32 $0xD400;
	s17 =	simm.s32 $0xCD80;
	[smem:$0x7F9] =	sst s15  }
0x23: {  	s25 =	simm.s32 $0xD500;
	s7 =	simm.s32 $0xFD80;
	[smem:$0x7FA] =	sst s2  }
0x24: {  	s10 =	simm.s32 $0xD600;
	s11 =	simm.s32 $0xD680;
	[smem:$0x7FB] =	sst s19  }
0x25: {  	s26 =	sadd.s32 s9, s4;
	s9 =	sshrl.u32 s9, $0x3;
	[smem:$0x7FC] =	sst s21  }
0x26: {  	s14 =	simm.s32 $0xD200;
	[dreg:$0x13] =	wrdreg s22;
	s23 =	simm.s32 $0xD480  }
0x27: {  	s19 =	simm.s32 $0xD580;
	[dreg:$0x15] =	wrdreg s25;
	s25 =	simm.s32 $0xC580  }
0x28: {  	s22 =	simm.s32 $0x10D80;
	s2 =	simm.s32 $0x13D80;
	[smem:$0x7F7] =	sst s26  }
0x29: {  	s8 =	simm.s32 $0x14D80;
	s21 =	simm.s32 $0xD980;
	[dreg:$0xf] =	wrdreg s14  }
0x2a: {  	s15 =	simm.s32 $0xD780;
	s0 =	sadd.s32 s0, s9;
	[dreg:$0x14] =	wrdreg s23  }
0x2b: {  	s26 =	sshrl.u32 s13, $0x3;
	s23 =	simm.s32 $0x11D80;
	s9 =	simm.s32 $0xD180  }
0x2c: {  	s14 =	simm.s32 $0xD700;
	s13 =	simm.s32 $0x0;
	[smem:$0x7F8] =	sst s0  }
0x2d: {  	[smem:$0x7FD] =	sst s26;
	s26 =	simm.s32 $0x2;
	s0 =	simm.s32 $0x12D80  }
.LBB2_1:
0x2e: {  	[smem:$0x7F4] =	sst s13  }
0x2f: {  	s12 =	rddreg [dreg:$0x19]  }
0x30: {  	[tilespmem:s17], [sflag:$0x1] =	stream.linear.gather [hbm4b:s12+s24], $0x400, $0x38;
	[tilespmem:$0x1DD80] =	vst v63  }
0x31: {  	s16 =	rddreg [dreg:$0x1a]  }
0x32: {  	[tilespmem:s19], [sflag:$0x1] =	stream.linear.gather [hbm4b:s16+s24], $0x400, $0x38;
	[tilespmem:$0x1DD80] =	vst v63  }
0x33: {  	s16 =	sld [smem:$0x7FD]  }
0x34: {  	s18 =	rddreg [dreg:$0x1b]  }
0x35: {  	s13 =	rddreg [dreg:$0x1d]  }
0x36: {  	[spmem:s16], [sflag:s13] =	dma.local [hbm:s18], $0x9E0  }
0x37: {  	s12 =	rddreg [dreg:$0x1e]  }
0x38: {  	s18 =	rddreg [dreg:$0x1f];
	s12 =	sshrl.u32 s12, $0x3  }
0x39: {  	[smem:$0x7F5] =	sst s12  }
0x3a: {  	[spmem:s12], [sflag:s13] =	dma.local [hbm:s18], $0x9E0  }
0x3b: {  	s12 =	sld [smem:$0x7F7];
	_ =	sdelay $0x1  }
0x3c: {  	s18 =	sld [smem:$0x7F8]  }
0x3d: {  	s12 =	sshrl.u32 s12, $0x3  }
0x3e: {  	[smem:$0x7F6] =	sst s12  }
0x3f: {  	[spmem:s12], [sflag:s13] =	dma.local [hbm:s18], $0x4F0  }
0x40: {  	s12 =	rddreg [dreg:$0x18]  }
0x41: {  	[tilespmem:s25], [sflag:$0x2] =	stream.linear.gather [hbm4b:s12+s24], $0x800, $0x38;
	[tilespmem:$0x1DD80] =	vst v63  }
0x42: {  	_ =	swait.ge [sflag:s26], $0x9E0  }
0x43: {  	[sflag:s26] =	ssyncset.done $0x0  }
0x44: {  	[sflag:s26] =	ssyncadd.s32 $0xFFFFF620  }
0x45: {  	_ =	swait.ge [sflag:s26], $0x9E0  }
0x46: {  	[sflag:s26] =	ssyncset.done $0x0  }
0x47: {  	[sflag:s26] =	ssyncadd.s32 $0xFFFFF620  }
0x48: {  	_ =	swait.ge [sflag:s26], $0x4F0  }
0x49: {  	[sflag:s26] =	ssyncset.done $0x0  }
0x4a: {  	[sflag:s26] =	ssyncadd.s32 $0xFFFFFB10  }
0x4b: {  	_ =	swait.ge [sflag:s26], $0x800  }
0x4c: {  	[sflag:s26] =	ssyncset.done $0x0  }
0x4d: {  	[sflag:s26] =	ssyncadd.s32 $0xFFFFF800  }
0x4e: {  	[bflag:$0x0] =	sbarrier.arrive $0xFFFF  }
0x4f: {  	_ =	swait.ge [sflag:s28], $0x400  }
0x50: {  	[sflag:s28] =	ssyncset.done $0x0  }
0x51: {  	[sflag:s28] =	ssyncadd.s32 $0xFFFFFC00  }
0x52: {  	_ =	swait.ge [sflag:s28], $0x400  }
0x53: {  	[sflag:s28] =	ssyncset.done $0x0  }
0x54: {  	[sflag:s28] =	ssyncadd.s32 $0xFFFFFC00  }
0x55: {  	[tilespmem:s5], [sflag:$0x2] =	stream.indirect.gather [spmem:s1], $0x20, s17, s29, $0xb8;
	[tilespmem:$0x1DD80] =	vst v63  }
0x56: {  	s18 =	rddreg [dreg:$0x8]  }
0x57: {  	[tilespmem:s6], [sflag:$0x2] =	stream.indirect.gather [spmem:s1], $0x20, s18, s29, $0xb8;
	[tilespmem:$0x1DD80] =	vst v63  }
0x58: {  	s12 =	rddreg [dreg:$0x9]  }
0x59: {  	[tilespmem:s7], [sflag:$0x2] =	stream.indirect.gather [spmem:s1], $0x20, s12, s29, $0xb8;
	[tilespmem:$0x1DD80] =	vst v63  }
0x5a: {  	s13 =	rddreg [dreg:$0xa]  }
0x5b: {  	[tilespmem:s22], [sflag:$0x2] =	stream.indirect.gather [spmem:s1], $0x20, s13, s29, $0xb8;
	[tilespmem:$0x1DD80] =	vst v63  }
0x5c: {  	s18 =	rddreg [dreg:$0xb]  }
0x5d: {  	[tilespmem:s23], [sflag:$0x2] =	stream.indirect.gather [spmem:s1], $0x20, s18, s29, $0xb8;
	[tilespmem:$0x1DD80] =	vst v63  }
0x5e: {  	s12 =	rddreg [dreg:$0xc]  }
0x5f: {  	[tilespmem:s0], [sflag:$0x2] =	stream.indirect.gather [spmem:s1], $0x20, s12, s29, $0xb8;
	[tilespmem:$0x1DD80] =	vst v63  }
0x60: {  	p0 =	por $0x1, $0x1;
	s13 =	rddreg [dreg:$0xd]  }
0x61: {  	[tilespmem:s2], [sflag:$0x2] =	stream.indirect.gather [spmem:s1], $0x20, s13, s29, $0xb8;
	[tilespmem:$0x1DD80] =	vst v63  }
0x62: {  	s16 =	simm.s32 @!p0 $0x4;
	s18 =	rddreg [dreg:$0xe]  }
0x63: {  	[tilespmem:s8], [sflag:$0x2] =	stream.indirect.gather [spmem:s1], $0x20, s18, s29, $0xb8;
	[tilespmem:$0x1DD80] =	vst v63  }
0x64: {  	_ =	swait.ge @!p0 [sflag:s16], $0x1000  }
0x65: {  	[sflag:s16] =	ssyncset.done @!p0 $0x0  }
0x66: {  	[sflag:s16] =	ssyncadd.s32 @!p0 $0xFFFFF000  }
0x67: {  	_ =	swait.ge @!p0 [sflag:s16], $0x800  }
0x68: {  	[sflag:s16] =	ssyncset.done @!p0 $0x0  }
0x69: {  	[sflag:s16] =	ssyncadd.s32 @!p0 $0xFFFFF800  }
0x6a: {  	_ =	swait.ge @!p0 [sflag:s16], $0x1000  }
0x6b: {  	[sflag:s16] =	ssyncset.done @!p0 $0x0  }
0x6c: {  	[sflag:s16] =	ssyncadd.s32 @!p0 $0xFFFFF000  }
0x6d: {  	_ =	swait.ge @!p0 [sflag:s16], $0x800  }
0x6e: {  	[sflag:s16] =	ssyncset.done @!p0 $0x0  }
0x6f: {  	[sflag:s16] =	ssyncadd.s32 @!p0 $0xFFFFF800  }
0x70: {  	_ =	swait.ge @!p0 [sflag:s16], $0x1000  }
0x71: {  	[sflag:s16] =	ssyncset.done @!p0 $0x0  }
0x72: {  	[sflag:s16] =	ssyncadd.s32 @!p0 $0xFFFFF000  }
0x73: {  	_ =	swait.ge @!p0 [sflag:s16], $0x800  }
0x74: {  	[sflag:s16] =	ssyncset.done @!p0 $0x0  }
0x75: {  	[sflag:s16] =	ssyncadd.s32 @!p0 $0xFFFFF800  }
0x76: {  	_ =	swait.ge @!p0 [sflag:s16], $0x1000  }
0x77: {  	[sflag:s16] =	ssyncset.done @!p0 $0x0  }
0x78: {  	[sflag:s16] =	ssyncadd.s32 @!p0 $0xFFFFF000  }
0x79: {  	_ =	swait.ge @!p0 [sflag:s16], $0x800  }
0x7a: {  	[sflag:s16] =	ssyncset.done @!p0 $0x0  }
0x7b: {  	[sflag:s16] =	ssyncadd.s32 @!p0 $0xFFFFF800  }
0x7c: {  	_ =	swait.ge @!p0 [sflag:s16], $0x1000  }
0x7d: {  	[sflag:s16] =	ssyncset.done @!p0 $0x0  }
0x7e: {  	[sflag:s16] =	ssyncadd.s32 @!p0 $0xFFFFF000  }
0x7f: {  	_ =	swait.ge @!p0 [sflag:s16], $0x800  }
0x80: {  	[sflag:s16] =	ssyncset.done @!p0 $0x0  }
0x81: {  	[sflag:s16] =	ssyncadd.s32 @!p0 $0xFFFFF800  }
0x82: {  	_ =	swait.ge @!p0 [sflag:s16], $0x1000  }
0x83: {  	[sflag:s16] =	ssyncset.done @!p0 $0x0  }
0x84: {  	[sflag:s16] =	ssyncadd.s32 @!p0 $0xFFFFF000  }
0x85: {  	_ =	swait.ge @!p0 [sflag:s16], $0x800  }
0x86: {  	[sflag:s16] =	ssyncset.done @!p0 $0x0  }
0x87: {  	[sflag:s16] =	ssyncadd.s32 @!p0 $0xFFFFF800  }
0x88: {  	_ =	swait.ge @!p0 [sflag:s16], $0x1000  }
0x89: {  	[sflag:s16] =	ssyncset.done @!p0 $0x0  }
0x8a: {  	[sflag:s16] =	ssyncadd.s32 @!p0 $0xFFFFF000  }
0x8b: {  	_ =	swait.ge @!p0 [sflag:s16], $0x800  }
0x8c: {  	[sflag:s16] =	ssyncset.done @!p0 $0x0  }
0x8d: {  	[sflag:s16] =	ssyncadd.s32 @!p0 $0xFFFFF800  }
0x8e: {  	_ =	swait.ge @!p0 [sflag:s16], $0x1000  }
0x8f: {  	[sflag:s16] =	ssyncset.done @!p0 $0x0  }
0x90: {  	[sflag:s16] =	ssyncadd.s32 @!p0 $0xFFFFF000  }
0x91: {  	_ =	swait.ge @!p0 [sflag:s16], $0x800  }
0x92: {  	s12 =	rddreg [dreg:$0x7];
	[sflag:s16] =	ssyncset.done @!p0 $0x0  }
0x93: {  	s18 =	rddreg [dreg:$0x6];
	[sflag:s16] =	ssyncadd.s32 @!p0 $0xFFFFF800;
	s13 =	sadd.s32 $0x0, s12  }
0x94: {  	[tilespmem:s9], [sflag:$0x1] =	stream.linear.gather [hbm4b:s13+s24], $0x400, $0x38;
	[tilespmem:$0x1DD80] =	vst v63  }
0x95: {  	s17 =	sadd.s32 $0x0, s18  }
0x96: {  	[tilespmem:s21], [sflag:$0x1] =	stream.linear.gather [hbm4b:s17+s24], $0x400, $0x38;
	[tilespmem:$0x1DD80] =	vst v63  }
0x97: {  	_ =	swait.ge [sflag:s26], $0x1000  }
0x98: {  	[sflag:s26] =	ssyncset.done $0x0  }
0x99: {  	[sflag:s26] =	ssyncadd.s32 $0xFFFFF000  }
0x9a: {  	_ =	swait.ge [sflag:s26], $0x1000  }
0x9b: {  	[sflag:s26] =	ssyncset.done $0x0  }
0x9c: {  	[sflag:s26] =	ssyncadd.s32 $0xFFFFF000  }
0x9d: {  	_ =	swait.ge [sflag:s26], $0x1000  }
0x9e: {  	[sflag:s26] =	ssyncset.done $0x0  }
0x9f: {  	[sflag:s26] =	ssyncadd.s32 $0xFFFFF000  }
0xa0: {  	_ =	swait.ge [sflag:s26], $0x1000  }
0xa1: {  	[sflag:s26] =	ssyncset.done $0x0  }
0xa2: {  	[sflag:s26] =	ssyncadd.s32 $0xFFFFF000  }
0xa3: {  	_ =	swait.ge [sflag:s26], $0x1000  }
0xa4: {  	[sflag:s26] =	ssyncset.done $0x0  }
0xa5: {  	[sflag:s26] =	ssyncadd.s32 $0xFFFFF000  }
0xa6: {  	_ =	swait.ge [sflag:s26], $0x1000  }
0xa7: {  	[sflag:s26] =	ssyncset.done $0x0  }
0xa8: {  	[sflag:s26] =	ssyncadd.s32 $0xFFFFF000  }
0xa9: {  	_ =	swait.ge [sflag:s26], $0x1000  }
0xaa: {  	[sflag:s26] =	ssyncset.done $0x0  }
0xab: {  	[sflag:s26] =	ssyncadd.s32 $0xFFFFF000  }
0xac: {  	_ =	swait.ge [sflag:s26], $0x1000  }
0xad: {  	[sflag:s26] =	ssyncset.done $0x0  }
0xae: {  	[sflag:s26] =	ssyncadd.s32 $0xFFFFF000  }
0xaf: {  	[spmem:s3] =	stream.indirect.scatter.add.f32 [tilespmem:s5], [sflag:$0x3], $0x20, s19, s29, $0xb8;
	[tilespmem:$0x1DD80] =	vst v63  }
0xb0: {  	_ = 	snop  }
0xb1: {  	[spmem:s4] =	stream.indirect.scatter.add.f32 [tilespmem:s25], [sflag:$0x3], $0x10, s19, s29, $0xb8;
	[tilespmem:$0x1DD80] =	vst v63  }
0xb2: {  	_ = 	snop  }
0xb3: {  	[spmem:s3] =	stream.indirect.scatter.add.f32 [tilespmem:s6], [sflag:$0x3], $0x20, s10, s29, $0xb8;
	[tilespmem:$0x1DD80] =	vst v63  }
0xb4: {  	_ = 	snop  }
0xb5: {  	[spmem:s4] =	stream.indirect.scatter.add.f32 [tilespmem:s25], [sflag:$0x3], $0x10, s10, s29, $0xb8;
	[tilespmem:$0x1DD80] =	vst v63  }
0xb6: {  	_ = 	snop  }
0xb7: {  	[spmem:s3] =	stream.indirect.scatter.add.f32 [tilespmem:s7], [sflag:$0x3], $0x20, s11, s29, $0xb8;
	[tilespmem:$0x1DD80] =	vst v63  }
0xb8: {  	_ = 	snop  }
0xb9: {  	[spmem:s4] =	stream.indirect.scatter.add.f32 [tilespmem:s25], [sflag:$0x3], $0x10, s11, s29, $0xb8;
	[tilespmem:$0x1DD80] =	vst v63  }
0xba: {  	_ = 	snop  }
0xbb: {  	[spmem:s3] =	stream.indirect.scatter.add.f32 [tilespmem:s22], [sflag:$0x3], $0x20, s14, s29, $0xb8;
	[tilespmem:$0x1DD80] =	vst v63  }
0xbc: {  	_ = 	snop  }
0xbd: {  	[spmem:s4] =	stream.indirect.scatter.add.f32 [tilespmem:s25], [sflag:$0x3], $0x10, s14, s29, $0xb8;
	[tilespmem:$0x1DD80] =	vst v63  }
0xbe: {  	_ = 	snop  }
0xbf: {  	[spmem:s3] =	stream.indirect.scatter.add.f32 [tilespmem:s23], [sflag:$0x3], $0x20, s15, s29, $0xb8;
	[tilespmem:$0x1DD80] =	vst v63  }
0xc0: {  	_ = 	snop  }
0xc1: {  	[spmem:s4] =	stream.indirect.scatter.add.f32 [tilespmem:s25], [sflag:$0x3], $0x10, s15, s29, $0xb8;
	[tilespmem:$0x1DD80] =	vst v63  }
0xc2: {  	s18 =	simm.s32 $0xD800  }
0xc3: {  	[spmem:s3] =	stream.indirect.scatter.add.f32 [tilespmem:s0], [sflag:$0x3], $0x20, s18, s29, $0xb8;
	[tilespmem:$0x1DD80] =	vst v63  }
0xc4: {  	_ = 	snop  }
0xc5: {  	[spmem:s4] =	stream.indirect.scatter.add.f32 [tilespmem:s25], [sflag:$0x3], $0x10, s18, s29, $0xb8;
	[tilespmem:$0x1DD80] =	vst v63  }
0xc6: {  	s19 =	simm.s32 $0xD880  }
0xc7: {  	[spmem:s3] =	stream.indirect.scatter.add.f32 [tilespmem:s2], [sflag:$0x3], $0x20, s19, s29, $0xb8;
	[tilespmem:$0x1DD80] =	vst v63  }
0xc8: {  	_ = 	snop  }
0xc9: {  	[spmem:s4] =	stream.indirect.scatter.add.f32 [tilespmem:s25], [sflag:$0x3], $0x10, s19, s29, $0xb8;
	[tilespmem:$0x1DD80] =	vst v63  }
0xca: {  	s22 =	simm.s32 $0xD900  }
0xcb: {  	[spmem:s3] =	stream.indirect.scatter.add.f32 [tilespmem:s8], [sflag:$0x3], $0x20, s22, s29, $0xb8;
	[tilespmem:$0x1DD80] =	vst v63  }
0xcc: {  	_ = 	snop  }
0xcd: {  	[spmem:s4] =	stream.indirect.scatter.add.f32 [tilespmem:s25], [sflag:$0x3], $0x10, s22, s29, $0xb8;
	[tilespmem:$0x1DD80] =	vst v63  }
0xce: {  	_ =	swait.ge [sflag:s28], $0x400  }
0xcf: {  	[sflag:s28] =	ssyncset.done $0x0  }
0xd0: {  	[sflag:s28] =	ssyncadd.s32 $0xFFFFFC00  }
0xd1: {  	_ =	swait.ge [sflag:s28], $0x400  }
0xd2: {  	[sflag:s28] =	ssyncset.done $0x0  }
0xd3: {  	s0 =	simm.s32 $0x15D80;
	[sflag:s28] =	ssyncadd.s32 $0xFFFFFC00  }
0xd4: {  	[tilespmem:s0], [sflag:$0x2] =	stream.indirect.gather [spmem:s1], $0x20, s9, s29, $0xb8;
	[tilespmem:$0x1DD80] =	vst v63  }
0xd5: {  	s22 =	simm.s32 $0x16D80;
	s23 =	rddreg [dreg:$0xf]  }
0xd6: {  	[tilespmem:s22], [sflag:$0x2] =	stream.indirect.gather [spmem:s1], $0x20, s23, s29, $0xb8;
	[tilespmem:$0x1DD80] =	vst v63  }
0xd7: {  	s2 =	simm.s32 $0x17D80;
	s19 =	rddreg [dreg:$0x10]  }
0xd8: {  	[tilespmem:s2], [sflag:$0x2] =	stream.indirect.gather [spmem:s1], $0x20, s19, s29, $0xb8;
	[tilespmem:$0x1DD80] =	vst v63  }
0xd9: {  	s7 =	simm.s32 $0x18D80;
	s5 =	rddreg [dreg:$0x11]  }
0xda: {  	[tilespmem:s7], [sflag:$0x2] =	stream.indirect.gather [spmem:s1], $0x20, s5, s29, $0xb8;
	[tilespmem:$0x1DD80] =	vst v63  }
0xdb: {  	s6 =	rddreg [dreg:$0x12];
	s9 =	simm.s32 $0x19D80  }
0xdc: {  	[tilespmem:s9], [sflag:$0x2] =	stream.indirect.gather [spmem:s1], $0x20, s6, s29, $0xb8;
	[tilespmem:$0x1DD80] =	vst v63  }
0xdd: {  	s11 =	simm.s32 $0x1AD80;
	s8 =	rddreg [dreg:$0x13]  }
0xde: {  	[tilespmem:s11], [sflag:$0x2] =	stream.indirect.gather [spmem:s1], $0x20, s8, s29, $0xb8;
	[tilespmem:$0x1DD80] =	vst v63  }
0xdf: {  	s15 =	simm.s32 $0x1BD80;
	s10 =	rddreg [dreg:$0x14]  }
0xe0: {  	[tilespmem:s15], [sflag:$0x2] =	stream.indirect.gather [spmem:s1], $0x20, s10, s29, $0xb8;
	[tilespmem:$0x1DD80] =	vst v63  }
0xe1: {  	s14 =	rddreg [dreg:$0x15];
	s23 =	simm.s32 $0x1CD80  }
0xe2: {  	[tilespmem:s23], [sflag:$0x2] =	stream.indirect.gather [spmem:s1], $0x20, s14, s29, $0xb8;
	[tilespmem:$0x1DD80] =	vst v63  }
0xe3: {  	_ =	swait.ge [sflag:s31], $0x1000  }
0xe4: {  	[sflag:s31] =	ssyncset.done $0x0  }
0xe5: {  	[sflag:s31] =	ssyncadd.s32 $0xFFFFF000  }
0xe6: {  	_ =	swait.ge [sflag:s31], $0x800  }
0xe7: {  	[sflag:s31] =	ssyncset.done $0x0  }
0xe8: {  	[sflag:s31] =	ssyncadd.s32 $0xFFFFF800  }
0xe9: {  	_ =	swait.ge [sflag:s31], $0x1000  }
0xea: {  	[sflag:s31] =	ssyncset.done $0x0  }
0xeb: {  	[sflag:s31] =	ssyncadd.s32 $0xFFFFF000  }
0xec: {  	_ =	swait.ge [sflag:s31], $0x800  }
0xed: {  	[sflag:s31] =	ssyncset.done $0x0  }
0xee: {  	[sflag:s31] =	ssyncadd.s32 $0xFFFFF800  }
0xef: {  	_ =	swait.ge [sflag:s31], $0x1000  }
0xf0: {  	[sflag:s31] =	ssyncset.done $0x0  }
0xf1: {  	[sflag:s31] =	ssyncadd.s32 $0xFFFFF000  }
0xf2: {  	_ =	swait.ge [sflag:s31], $0x800  }
0xf3: {  	[sflag:s31] =	ssyncset.done $0x0  }
0xf4: {  	[sflag:s31] =	ssyncadd.s32 $0xFFFFF800  }
0xf5: {  	_ =	swait.ge [sflag:s31], $0x1000  }
0xf6: {  	[sflag:s31] =	ssyncset.done $0x0  }
0xf7: {  	[sflag:s31] =	ssyncadd.s32 $0xFFFFF000  }
0xf8: {  	_ =	swait.ge [sflag:s31], $0x800  }
0xf9: {  	[sflag:s31] =	ssyncset.done $0x0  }
0xfa: {  	[sflag:s31] =	ssyncadd.s32 $0xFFFFF800  }
0xfb: {  	_ =	swait.ge [sflag:s31], $0x1000  }
0xfc: {  	[sflag:s31] =	ssyncset.done $0x0  }
0xfd: {  	[sflag:s31] =	ssyncadd.s32 $0xFFFFF000  }
0xfe: {  	_ =	swait.ge [sflag:s31], $0x800  }
0xff: {  	[sflag:s31] =	ssyncset.done $0x0  }
0x100: {  	[sflag:s31] =	ssyncadd.s32 $0xFFFFF800  }
0x101: {  	_ =	swait.ge [sflag:s31], $0x1000  }
0x102: {  	[sflag:s31] =	ssyncset.done $0x0  }
0x103: {  	[sflag:s31] =	ssyncadd.s32 $0xFFFFF000  }
0x104: {  	_ =	swait.ge [sflag:s31], $0x800  }
0x105: {  	[sflag:s31] =	ssyncset.done $0x0  }
0x106: {  	[sflag:s31] =	ssyncadd.s32 $0xFFFFF800  }
0x107: {  	_ =	swait.ge [sflag:s31], $0x1000  }
0x108: {  	[sflag:s31] =	ssyncset.done $0x0  }
0x109: {  	[sflag:s31] =	ssyncadd.s32 $0xFFFFF000  }
0x10a: {  	_ =	swait.ge [sflag:s31], $0x800  }
0x10b: {  	[sflag:s31] =	ssyncset.done $0x0  }
0x10c: {  	[sflag:s31] =	ssyncadd.s32 $0xFFFFF800  }
0x10d: {  	_ =	swait.ge [sflag:s31], $0x1000  }
0x10e: {  	[sflag:s31] =	ssyncset.done $0x0  }
0x10f: {  	[sflag:s31] =	ssyncadd.s32 $0xFFFFF000  }
0x110: {  	_ =	swait.ge [sflag:s31], $0x800  }
0x111: {  	s12 =	sld [smem:$0x7FC]  }
0x112: {  	p0 =	por $0x0, $0x0  }
0x113: {  	s17 =	simm.s32 @!p0 $0xCD80  }
0x114: {  	s19 =	simm.s32 @!p0 $0x0;
	[sflag:s31] =	ssyncset.done $0x0;
	s16 =	sshrl.u32 @!p0 s12, $0x3  }
0x115: {  	s5 =	rddreg [dreg:$0x17];
	[sflag:s31] =	ssyncadd.s32 $0xFFFFF800;
	s18 =	sadd.s32 @!p0 s30, s16  }
0x116: {  	[tilespmem:s17], [sflag:$0x1] =	stream.linear.gather @!p0 [hbm4b:s18+s19], $0x400, $0x38;
	[tilespmem:$0x1DD80] =	vst v63  }
0x117: {  	s16 =	sadd.s32 @!p0 s5, s16;
	s17 =	simm.s32 @!p0 $0xD580  }
0x118: {  	[tilespmem:s17], [sflag:$0x1] =	stream.linear.gather @!p0 [hbm4b:s16+s19], $0x400, $0x38;
	[tilespmem:$0x1DD80] =	vst v63  }
0x119: {  	_ =	swait.ge [sflag:s26], $0x1000  }
0x11a: {  	[sflag:s26] =	ssyncset.done $0x0  }
0x11b: {  	[sflag:s26] =	ssyncadd.s32 $0xFFFFF000  }
0x11c: {  	_ =	swait.ge [sflag:s26], $0x1000  }
0x11d: {  	[sflag:s26] =	ssyncset.done $0x0  }
0x11e: {  	[sflag:s26] =	ssyncadd.s32 $0xFFFFF000  }
0x11f: {  	_ =	swait.ge [sflag:s26], $0x1000  }
0x120: {  	[sflag:s26] =	ssyncset.done $0x0  }
0x121: {  	[sflag:s26] =	ssyncadd.s32 $0xFFFFF000  }
0x122: {  	_ =	swait.ge [sflag:s26], $0x1000  }
0x123: {  	[sflag:s26] =	ssyncset.done $0x0  }
0x124: {  	[sflag:s26] =	ssyncadd.s32 $0xFFFFF000  }
0x125: {  	_ =	swait.ge [sflag:s26], $0x1000  }
0x126: {  	[sflag:s26] =	ssyncset.done $0x0  }
0x127: {  	[sflag:s26] =	ssyncadd.s32 $0xFFFFF000  }
0x128: {  	_ =	swait.ge [sflag:s26], $0x1000  }
0x129: {  	[sflag:s26] =	ssyncset.done $0x0  }
0x12a: {  	[sflag:s26] =	ssyncadd.s32 $0xFFFFF000  }
0x12b: {  	_ =	swait.ge [sflag:s26], $0x1000  }
0x12c: {  	[sflag:s26] =	ssyncset.done $0x0  }
0x12d: {  	[sflag:s26] =	ssyncadd.s32 $0xFFFFF000  }
0x12e: {  	_ =	swait.ge [sflag:s26], $0x1000  }
0x12f: {  	[sflag:s26] =	ssyncset.done $0x0  }
0x130: {  	[sflag:s26] =	ssyncadd.s32 $0xFFFFF000  }
0x131: {  	[spmem:s3] =	stream.indirect.scatter.add.f32 [tilespmem:s0], [sflag:$0x4], $0x20, s21, s29, $0xb8;
	[tilespmem:$0x1DD80] =	vst v63  }
0x132: {  	_ = 	snop  }
0x133: {  	[spmem:s4] =	stream.indirect.scatter.add.f32 [tilespmem:s25], [sflag:$0x4], $0x10, s21, s29, $0xb8;
	[tilespmem:$0x1DD80] =	vst v63  }
0x134: {  	s30 =	simm.s32 $0xDA00  }
0x135: {  	[spmem:s3] =	stream.indirect.scatter.add.f32 [tilespmem:s22], [sflag:$0x4], $0x20, s30, s29, $0xb8;
	[tilespmem:$0x1DD80] =	vst v63  }
0x136: {  	_ = 	snop  }
0x137: {  	[spmem:s4] =	stream.indirect.scatter.add.f32 [tilespmem:s25], [sflag:$0x4], $0x10, s30, s29, $0xb8;
	[tilespmem:$0x1DD80] =	vst v63  }
0x138: {  	s22 =	simm.s32 $0xDA80  }
0x139: {  	[spmem:s3] =	stream.indirect.scatter.add.f32 [tilespmem:s2], [sflag:$0x4], $0x20, s22, s29, $0xb8;
	[tilespmem:$0x1DD80] =	vst v63  }
0x13a: {  	_ = 	snop  }
0x13b: {  	[spmem:s4] =	stream.indirect.scatter.add.f32 [tilespmem:s25], [sflag:$0x4], $0x10, s22, s29, $0xb8;
	[tilespmem:$0x1DD80] =	vst v63  }
0x13c: {  	s5 =	simm.s32 $0xDB00  }
0x13d: {  	[spmem:s3] =	stream.indirect.scatter.add.f32 [tilespmem:s7], [sflag:$0x4], $0x20, s5, s29, $0xb8;
	[tilespmem:$0x1DD80] =	vst v63  }
0x13e: {  	_ = 	snop  }
0x13f: {  	[spmem:s4] =	stream.indirect.scatter.add.f32 [tilespmem:s25], [sflag:$0x4], $0x10, s5, s29, $0xb8;
	[tilespmem:$0x1DD80] =	vst v63  }
0x140: {  	s6 =	simm.s32 $0xDB80  }
0x141: {  	[spmem:s3] =	stream.indirect.scatter.add.f32 [tilespmem:s9], [sflag:$0x4], $0x20, s6, s29, $0xb8;
	[tilespmem:$0x1DD80] =	vst v63  }
0x142: {  	_ = 	snop  }
0x143: {  	[spmem:s4] =	stream.indirect.scatter.add.f32 [tilespmem:s25], [sflag:$0x4], $0x10, s6, s29, $0xb8;
	[tilespmem:$0x1DD80] =	vst v63  }
0x144: {  	s7 =	simm.s32 $0xDC00  }
0x145: {  	[spmem:s3] =	stream.indirect.scatter.add.f32 [tilespmem:s11], [sflag:$0x4], $0x20, s7, s29, $0xb8;
	[tilespmem:$0x1DD80] =	vst v63  }
0x146: {  	_ = 	snop  }
0x147: {  	[spmem:s4] =	stream.indirect.scatter.add.f32 [tilespmem:s25], [sflag:$0x4], $0x10, s7, s29, $0xb8;
	[tilespmem:$0x1DD80] =	vst v63  }
0x148: {  	s0 =	simm.s32 $0xDC80  }
0x149: {  	[spmem:s3] =	stream.indirect.scatter.add.f32 [tilespmem:s15], [sflag:$0x4], $0x20, s0, s29, $0xb8;
	[tilespmem:$0x1DD80] =	vst v63  }
0x14a: {  	s13 =	simm.s32 $0xD980  }
0x14b: {  	[spmem:s4] =	stream.indirect.scatter.add.f32 [tilespmem:s25], [sflag:$0x4], $0x10, s0, s29, $0xb8;
	[tilespmem:$0x1DD80] =	vst v63  }
0x14c: {  	s16 =	simm.s32 $0x100;
	s17 =	smov.u32 s12;
	s12 =	simm.s32 $0x15D80  }
0x14d: {  	[spmem:s3] =	stream.indirect.scatter.add.f32 [tilespmem:s23], [sflag:$0x4], $0x20, s20, s29, $0xb8;
	[tilespmem:$0x1DD80] =	vst v63  }
.LBB2_2:
0x14e: {  	s23 =	simm.s32 $0xDD00  }
0x14f: {  	[spmem:s4] =	stream.indirect.scatter.add.f32 [tilespmem:s25], [sflag:$0x4], $0x10, s23, s29, $0xb8;
	[tilespmem:$0x1DD80] =	vst v63  }
0x150: {  	_ =	swait.ge [sflag:s28], $0x400  }
0x151: {  	[sflag:s28] =	ssyncset.done $0x0  }
0x152: {  	[sflag:s28] =	ssyncadd.s32 $0xFFFFFC00  }
0x153: {  	_ =	swait.ge [sflag:s28], $0x400  }
0x154: {  	[sflag:s28] =	ssyncset.done $0x0  }
0x155: {  	s20 =	simm.s32 $0xCD80;
	s2 =	simm.s32 $0xDD80;
	[sflag:s28] =	ssyncadd.s32 $0xFFFFFC00  }
0x156: {  	[tilespmem:s2], [sflag:$0x2] =	stream.indirect.gather [spmem:s1], $0x20, s20, s29, $0xb8;
	[tilespmem:$0x1DD80] =	vst v63  }
0x157: {  	s8 =	simm.s32 $0xED80;
	s19 =	rddreg [dreg:$0x8]  }
0x158: {  	[tilespmem:s8], [sflag:$0x2] =	stream.indirect.gather [spmem:s1], $0x20, s19, s29, $0xb8;
	[tilespmem:$0x1DD80] =	vst v63  }
0x159: {  	s9 =	simm.s32 $0xFD80;
	s21 =	rddreg [dreg:$0x9]  }
0x15a: {  	[tilespmem:s9], [sflag:$0x2] =	stream.indirect.gather [spmem:s1], $0x20, s21, s29, $0xb8;
	[tilespmem:$0x1DD80] =	vst v63  }
0x15b: {  	s30 =	rddreg [dreg:$0xa];
	s21 =	simm.s32 $0x10D80  }
0x15c: {  	[tilespmem:s21], [sflag:$0x2] =	stream.indirect.gather [spmem:s1], $0x20, s30, s29, $0xb8;
	[tilespmem:$0x1DD80] =	vst v63  }
0x15d: {  	s15 =	simm.s32 $0x11D80;
	s10 =	rddreg [dreg:$0xb]  }
0x15e: {  	[tilespmem:s15], [sflag:$0x2] =	stream.indirect.gather [spmem:s1], $0x20, s10, s29, $0xb8;
	[tilespmem:$0x1DD80] =	vst v63  }
0x15f: {  	s18 =	smov.u32 s16;
	s11 =	rddreg [dreg:$0xc];
	s10 =	simm.s32 $0x12D80  }
0x160: {  	[tilespmem:s10], [sflag:$0x2] =	stream.indirect.gather [spmem:s1], $0x20, s11, s29, $0xb8;
	[tilespmem:$0x1DD80] =	vst v63  }
0x161: {  	p1 =	seq.s32 s18, $0x0;
	s14 =	rddreg [dreg:$0xd];
	s11 =	simm.s32 $0x13D80  }
0x162: {  	[tilespmem:s11], [sflag:$0x2] =	stream.indirect.gather [spmem:s1], $0x20, s14, s29, $0xb8;
	[tilespmem:$0x1DD80] =	vst v63  }
0x163: {  	s19 =	simm.s32 @!p1 $0x4;
	s30 =	rddreg [dreg:$0xe];
	s14 =	simm.s32 $0x14D80  }
0x164: {  	[tilespmem:s14], [sflag:$0x2] =	stream.indirect.gather [spmem:s1], $0x20, s30, s29, $0xb8;
	[tilespmem:$0x1DD80] =	vst v63  }
0x165: {  	_ =	swait.ge @!p1 [sflag:s19], $0x1000  }
0x166: {  	[sflag:s19] =	ssyncset.done @!p1 $0x0  }
0x167: {  	[sflag:s19] =	ssyncadd.s32 @!p1 $0xFFFFF000  }
0x168: {  	_ =	swait.ge @!p1 [sflag:s19], $0x800  }
0x169: {  	[sflag:s19] =	ssyncset.done @!p1 $0x0  }
0x16a: {  	[sflag:s19] =	ssyncadd.s32 @!p1 $0xFFFFF800  }
0x16b: {  	_ =	swait.ge @!p1 [sflag:s19], $0x1000  }
0x16c: {  	[sflag:s19] =	ssyncset.done @!p1 $0x0  }
0x16d: {  	[sflag:s19] =	ssyncadd.s32 @!p1 $0xFFFFF000  }
0x16e: {  	_ =	swait.ge @!p1 [sflag:s19], $0x800  }
0x16f: {  	[sflag:s19] =	ssyncset.done @!p1 $0x0  }
0x170: {  	[sflag:s19] =	ssyncadd.s32 @!p1 $0xFFFFF800  }
0x171: {  	_ =	swait.ge @!p1 [sflag:s19], $0x1000  }
0x172: {  	[sflag:s19] =	ssyncset.done @!p1 $0x0  }
0x173: {  	[sflag:s19] =	ssyncadd.s32 @!p1 $0xFFFFF000  }
0x174: {  	_ =	swait.ge @!p1 [sflag:s19], $0x800  }
0x175: {  	[sflag:s19] =	ssyncset.done @!p1 $0x0  }
0x176: {  	[sflag:s19] =	ssyncadd.s32 @!p1 $0xFFFFF800  }
0x177: {  	_ =	swait.ge @!p1 [sflag:s19], $0x1000  }
0x178: {  	[sflag:s19] =	ssyncset.done @!p1 $0x0  }
0x179: {  	[sflag:s19] =	ssyncadd.s32 @!p1 $0xFFFFF000  }
0x17a: {  	_ =	swait.ge @!p1 [sflag:s19], $0x800  }
0x17b: {  	[sflag:s19] =	ssyncset.done @!p1 $0x0  }
0x17c: {  	[sflag:s19] =	ssyncadd.s32 @!p1 $0xFFFFF800  }
0x17d: {  	_ =	swait.ge @!p1 [sflag:s19], $0x1000  }
0x17e: {  	[sflag:s19] =	ssyncset.done @!p1 $0x0  }
0x17f: {  	[sflag:s19] =	ssyncadd.s32 @!p1 $0xFFFFF000  }
0x180: {  	_ =	swait.ge @!p1 [sflag:s19], $0x800  }
0x181: {  	[sflag:s19] =	ssyncset.done @!p1 $0x0  }
0x182: {  	[sflag:s19] =	ssyncadd.s32 @!p1 $0xFFFFF800  }
0x183: {  	_ =	swait.ge @!p1 [sflag:s19], $0x1000  }
0x184: {  	[sflag:s19] =	ssyncset.done @!p1 $0x0  }
0x185: {  	[sflag:s19] =	ssyncadd.s32 @!p1 $0xFFFFF000  }
0x186: {  	_ =	swait.ge @!p1 [sflag:s19], $0x800  }
0x187: {  	[sflag:s19] =	ssyncset.done @!p1 $0x0  }
0x188: {  	[sflag:s19] =	ssyncadd.s32 @!p1 $0xFFFFF800  }
0x189: {  	_ =	swait.ge @!p1 [sflag:s19], $0x1000  }
0x18a: {  	[sflag:s19] =	ssyncset.done @!p1 $0x0  }
0x18b: {  	[sflag:s19] =	ssyncadd.s32 @!p1 $0xFFFFF000  }
0x18c: {  	_ =	swait.ge @!p1 [sflag:s19], $0x800  }
0x18d: {  	[sflag:s19] =	ssyncset.done @!p1 $0x0  }
0x18e: {  	[sflag:s19] =	ssyncadd.s32 @!p1 $0xFFFFF800  }
0x18f: {  	_ =	swait.ge @!p1 [sflag:s19], $0x1000  }
0x190: {  	[sflag:s19] =	ssyncset.done @!p1 $0x0  }
0x191: {  	[sflag:s19] =	ssyncadd.s32 @!p1 $0xFFFFF000  }
0x192: {  	_ =	swait.ge @!p1 [sflag:s19], $0x800  }
0x193: {  	[sflag:s19] =	ssyncset.done @!p1 $0x0  }
0x194: {  	s30 =	rddreg [dreg:$0x7];
	[sflag:s19] =	ssyncadd.s32 @!p1 $0xFFFFF800  }
0x195: {  	s19 =	rddreg [dreg:$0x6];
	s20 =	sadd.s32 s18, s30;
	s30 =	simm.s32 $0xD180  }
0x196: {  	[tilespmem:s30], [sflag:$0x1] =	stream.linear.gather [hbm4b:s20+s24], $0x400, $0x38;
	[tilespmem:$0x1DD80] =	vst v63  }
0x197: {  	s19 =	sadd.s32 s18, s19  }
0x198: {  	[tilespmem:s13], [sflag:$0x1] =	stream.linear.gather [hbm4b:s19+s24], $0x400, $0x38;
	[tilespmem:$0x1DD80] =	vst v63  }
0x199: {  	_ =	swait.ge [sflag:s26], $0x1000  }
0x19a: {  	[sflag:s26] =	ssyncset.done $0x0  }
0x19b: {  	[sflag:s26] =	ssyncadd.s32 $0xFFFFF000  }
0x19c: {  	_ =	swait.ge [sflag:s26], $0x1000  }
0x19d: {  	[sflag:s26] =	ssyncset.done $0x0  }
0x19e: {  	[sflag:s26] =	ssyncadd.s32 $0xFFFFF000  }
0x19f: {  	_ =	swait.ge [sflag:s26], $0x1000  }
0x1a0: {  	[sflag:s26] =	ssyncset.done $0x0  }
0x1a1: {  	[sflag:s26] =	ssyncadd.s32 $0xFFFFF000  }
0x1a2: {  	_ =	swait.ge [sflag:s26], $0x1000  }
0x1a3: {  	[sflag:s26] =	ssyncset.done $0x0  }
0x1a4: {  	[sflag:s26] =	ssyncadd.s32 $0xFFFFF000  }
0x1a5: {  	_ =	swait.ge [sflag:s26], $0x1000  }
0x1a6: {  	[sflag:s26] =	ssyncset.done $0x0  }
0x1a7: {  	[sflag:s26] =	ssyncadd.s32 $0xFFFFF000  }
0x1a8: {  	_ =	swait.ge [sflag:s26], $0x1000  }
0x1a9: {  	[sflag:s26] =	ssyncset.done $0x0  }
0x1aa: {  	[sflag:s26] =	ssyncadd.s32 $0xFFFFF000  }
0x1ab: {  	_ =	swait.ge [sflag:s26], $0x1000  }
0x1ac: {  	[sflag:s26] =	ssyncset.done $0x0  }
0x1ad: {  	[sflag:s26] =	ssyncadd.s32 $0xFFFFF000  }
0x1ae: {  	_ =	swait.ge [sflag:s26], $0x1000  }
0x1af: {  	[sflag:s26] =	ssyncset.done $0x0  }
0x1b0: {  	s20 =	simm.s32 $0xD580;
	[sflag:s26] =	ssyncadd.s32 $0xFFFFF000  }
0x1b1: {  	[spmem:s3] =	stream.indirect.scatter.add.f32 [tilespmem:s2], [sflag:$0x3], $0x20, s20, s29, $0xb8;
	[tilespmem:$0x1DD80] =	vst v63  }
0x1b2: {  	_ = 	snop  }
0x1b3: {  	[spmem:s4] =	stream.indirect.scatter.add.f32 [tilespmem:s25], [sflag:$0x3], $0x10, s20, s29, $0xb8;
	[tilespmem:$0x1DD80] =	vst v63  }
0x1b4: {  	s24 =	simm.s32 $0xD600  }
0x1b5: {  	[spmem:s3] =	stream.indirect.scatter.add.f32 [tilespmem:s8], [sflag:$0x3], $0x20, s24, s29, $0xb8;
	[tilespmem:$0x1DD80] =	vst v63  }
0x1b6: {  	_ = 	snop  }
0x1b7: {  	[spmem:s4] =	stream.indirect.scatter.add.f32 [tilespmem:s25], [sflag:$0x3], $0x10, s24, s29, $0xb8;
	[tilespmem:$0x1DD80] =	vst v63  }
0x1b8: {  	s8 =	simm.s32 $0xD680  }
0x1b9: {  	[spmem:s3] =	stream.indirect.scatter.add.f32 [tilespmem:s9], [sflag:$0x3], $0x20, s8, s29, $0xb8;
	[tilespmem:$0x1DD80] =	vst v63  }
0x1ba: {  	_ = 	snop  }
0x1bb: {  	[spmem:s4] =	stream.indirect.scatter.add.f32 [tilespmem:s25], [sflag:$0x3], $0x10, s8, s29, $0xb8;
	[tilespmem:$0x1DD80] =	vst v63  }
0x1bc: {  	s9 =	simm.s32 $0xD700  }
0x1bd: {  	[spmem:s3] =	stream.indirect.scatter.add.f32 [tilespmem:s21], [sflag:$0x3], $0x20, s9, s29, $0xb8;
	[tilespmem:$0x1DD80] =	vst v63  }
0x1be: {  	_ = 	snop  }
0x1bf: {  	[spmem:s4] =	stream.indirect.scatter.add.f32 [tilespmem:s25], [sflag:$0x3], $0x10, s9, s29, $0xb8;
	[tilespmem:$0x1DD80] =	vst v63  }
0x1c0: {  	s19 =	simm.s32 $0xD780  }
0x1c1: {  	[spmem:s3] =	stream.indirect.scatter.add.f32 [tilespmem:s15], [sflag:$0x3], $0x20, s19, s29, $0xb8;
	[tilespmem:$0x1DD80] =	vst v63  }
0x1c2: {  	_ = 	snop  }
0x1c3: {  	[spmem:s4] =	stream.indirect.scatter.add.f32 [tilespmem:s25], [sflag:$0x3], $0x10, s19, s29, $0xb8;
	[tilespmem:$0x1DD80] =	vst v63  }
0x1c4: {  	s20 =	simm.s32 $0xD800  }
0x1c5: {  	[spmem:s3] =	stream.indirect.scatter.add.f32 [tilespmem:s10], [sflag:$0x3], $0x20, s20, s29, $0xb8;
	[tilespmem:$0x1DD80] =	vst v63  }
0x1c6: {  	_ = 	snop  }
0x1c7: {  	[spmem:s4] =	stream.indirect.scatter.add.f32 [tilespmem:s25], [sflag:$0x3], $0x10, s20, s29, $0xb8;
	[tilespmem:$0x1DD80] =	vst v63  }
0x1c8: {  	s21 =	simm.s32 $0xD880  }
0x1c9: {  	[spmem:s3] =	stream.indirect.scatter.add.f32 [tilespmem:s11], [sflag:$0x3], $0x20, s21, s29, $0xb8;
	[tilespmem:$0x1DD80] =	vst v63  }
0x1ca: {  	_ = 	snop  }
0x1cb: {  	[spmem:s4] =	stream.indirect.scatter.add.f32 [tilespmem:s25], [sflag:$0x3], $0x10, s21, s29, $0xb8;
	[tilespmem:$0x1DD80] =	vst v63  }
0x1cc: {  	s24 =	simm.s32 $0xD900  }
0x1cd: {  	[spmem:s3] =	stream.indirect.scatter.add.f32 [tilespmem:s14], [sflag:$0x3], $0x20, s24, s29, $0xb8;
	[tilespmem:$0x1DD80] =	vst v63  }
0x1ce: {  	_ = 	snop  }
0x1cf: {  	[spmem:s4] =	stream.indirect.scatter.add.f32 [tilespmem:s25], [sflag:$0x3], $0x10, s24, s29, $0xb8;
	[tilespmem:$0x1DD80] =	vst v63  }
0x1d0: {  	_ =	swait.ge [sflag:s28], $0x400  }
0x1d1: {  	[sflag:s28] =	ssyncset.done $0x0  }
0x1d2: {  	[sflag:s28] =	ssyncadd.s32 $0xFFFFFC00  }
0x1d3: {  	_ =	swait.ge [sflag:s28], $0x400  }
0x1d4: {  	[sflag:s28] =	ssyncset.done $0x0  }
0x1d5: {  	[sflag:s28] =	ssyncadd.s32 $0xFFFFFC00  }
0x1d6: {  	[tilespmem:s12], [sflag:$0x2] =	stream.indirect.gather [spmem:s1], $0x20, s30, s29, $0xb8;
	[tilespmem:$0x1DD80] =	vst v63  }
0x1d7: {  	s2 =	rddreg [dreg:$0xf];
	s30 =	simm.s32 $0x16D80  }
0x1d8: {  	[tilespmem:s30], [sflag:$0x2] =	stream.indirect.gather [spmem:s1], $0x20, s2, s29, $0xb8;
	[tilespmem:$0x1DD80] =	vst v63  }
0x1d9: {  	s8 =	rddreg [dreg:$0x10];
	s2 =	simm.s32 $0x17D80  }
0x1da: {  	[tilespmem:s2], [sflag:$0x2] =	stream.indirect.gather [spmem:s1], $0x20, s8, s29, $0xb8;
	[tilespmem:$0x1DD80] =	vst v63  }
0x1db: {  	s9 =	rddreg [dreg:$0x11];
	s8 =	simm.s32 $0x18D80  }
0x1dc: {  	[tilespmem:s8], [sflag:$0x2] =	stream.indirect.gather [spmem:s1], $0x20, s9, s29, $0xb8;
	[tilespmem:$0x1DD80] =	vst v63  }
0x1dd: {  	s10 =	rddreg [dreg:$0x12];
	s9 =	simm.s32 $0x19D80  }
0x1de: {  	[tilespmem:s9], [sflag:$0x2] =	stream.indirect.gather [spmem:s1], $0x20, s10, s29, $0xb8;
	[tilespmem:$0x1DD80] =	vst v63  }
0x1df: {  	s11 =	rddreg [dreg:$0x13];
	s10 =	simm.s32 $0x1AD80  }
0x1e0: {  	[tilespmem:s10], [sflag:$0x2] =	stream.indirect.gather [spmem:s1], $0x20, s11, s29, $0xb8;
	[tilespmem:$0x1DD80] =	vst v63  }
0x1e1: {  	s14 =	rddreg [dreg:$0x14];
	s11 =	simm.s32 $0x1BD80  }
0x1e2: {  	[tilespmem:s11], [sflag:$0x2] =	stream.indirect.gather [spmem:s1], $0x20, s14, s29, $0xb8;
	[tilespmem:$0x1DD80] =	vst v63  }
0x1e3: {  	s15 =	rddreg [dreg:$0x15];
	s14 =	simm.s32 $0x1CD80  }
0x1e4: {  	[tilespmem:s14], [sflag:$0x2] =	stream.indirect.gather [spmem:s1], $0x20, s15, s29, $0xb8;
	[tilespmem:$0x1DD80] =	vst v63  }
0x1e5: {  	_ =	swait.ge [sflag:s31], $0x1000  }
0x1e6: {  	[sflag:s31] =	ssyncset.done $0x0  }
0x1e7: {  	[sflag:s31] =	ssyncadd.s32 $0xFFFFF000  }
0x1e8: {  	_ =	swait.ge [sflag:s31], $0x800  }
0x1e9: {  	[sflag:s31] =	ssyncset.done $0x0  }
0x1ea: {  	[sflag:s31] =	ssyncadd.s32 $0xFFFFF800  }
0x1eb: {  	_ =	swait.ge [sflag:s31], $0x1000  }
0x1ec: {  	[sflag:s31] =	ssyncset.done $0x0  }
0x1ed: {  	[sflag:s31] =	ssyncadd.s32 $0xFFFFF000  }
0x1ee: {  	_ =	swait.ge [sflag:s31], $0x800  }
0x1ef: {  	[sflag:s31] =	ssyncset.done $0x0  }
0x1f0: {  	[sflag:s31] =	ssyncadd.s32 $0xFFFFF800  }
0x1f1: {  	_ =	swait.ge [sflag:s31], $0x1000  }
0x1f2: {  	[sflag:s31] =	ssyncset.done $0x0  }
0x1f3: {  	[sflag:s31] =	ssyncadd.s32 $0xFFFFF000  }
0x1f4: {  	_ =	swait.ge [sflag:s31], $0x800  }
0x1f5: {  	[sflag:s31] =	ssyncset.done $0x0  }
0x1f6: {  	[sflag:s31] =	ssyncadd.s32 $0xFFFFF800  }
0x1f7: {  	_ =	swait.ge [sflag:s31], $0x1000  }
0x1f8: {  	[sflag:s31] =	ssyncset.done $0x0  }
0x1f9: {  	[sflag:s31] =	ssyncadd.s32 $0xFFFFF000  }
0x1fa: {  	_ =	swait.ge [sflag:s31], $0x800  }
0x1fb: {  	[sflag:s31] =	ssyncset.done $0x0  }
0x1fc: {  	[sflag:s31] =	ssyncadd.s32 $0xFFFFF800  }
0x1fd: {  	_ =	swait.ge [sflag:s31], $0x1000  }
0x1fe: {  	[sflag:s31] =	ssyncset.done $0x0  }
0x1ff: {  	[sflag:s31] =	ssyncadd.s32 $0xFFFFF000  }
0x200: {  	_ =	swait.ge [sflag:s31], $0x800  }
0x201: {  	[sflag:s31] =	ssyncset.done $0x0  }
0x202: {  	[sflag:s31] =	ssyncadd.s32 $0xFFFFF800  }
0x203: {  	_ =	swait.ge [sflag:s31], $0x1000  }
0x204: {  	[sflag:s31] =	ssyncset.done $0x0  }
0x205: {  	[sflag:s31] =	ssyncadd.s32 $0xFFFFF000  }
0x206: {  	_ =	swait.ge [sflag:s31], $0x800  }
0x207: {  	[sflag:s31] =	ssyncset.done $0x0  }
0x208: {  	[sflag:s31] =	ssyncadd.s32 $0xFFFFF800  }
0x209: {  	_ =	swait.ge [sflag:s31], $0x1000  }
0x20a: {  	[sflag:s31] =	ssyncset.done $0x0  }
0x20b: {  	[sflag:s31] =	ssyncadd.s32 $0xFFFFF000  }
0x20c: {  	_ =	swait.ge [sflag:s31], $0x800  }
0x20d: {  	[sflag:s31] =	ssyncset.done $0x0  }
0x20e: {  	[sflag:s31] =	ssyncadd.s32 $0xFFFFF800  }
0x20f: {  	_ =	swait.ge [sflag:s31], $0x1000  }
0x210: {  	[sflag:s31] =	ssyncset.done $0x0  }
0x211: {  	s17 =	sadd.s32 $0x800, s17;
	p1 =	seq.s32 s18, $0x400;
	[sflag:s31] =	ssyncadd.s32 $0xFFFFF000  }
0x212: {  	s18 =	simm.s32 @!p1 $0xCD80;
	s20 =	simm.s32 @!p1 $0x0;
	_ =	swait.ge [sflag:s31], $0x800  }
0x213: {  	s12 =	sshrl.u32 @!p1 s17, $0x3;
	[sflag:s31] =	ssyncset.done $0x0;
	s19 =	rddreg [dreg:$0x16]  }
0x214: {  	s24 =	rddreg [dreg:$0x17];
	s19 =	sadd.s32 @!p1 s19, s12;
	[sflag:s31] =	ssyncadd.s32 $0xFFFFF800  }
0x215: {  	[tilespmem:s18], [sflag:$0x1] =	stream.linear.gather @!p1 [hbm4b:s19+s20], $0x400, $0x38;
	[tilespmem:$0x1DD80] =	vst v63  }
0x216: {  	s12 =	sadd.s32 @!p1 s24, s12;
	s24 =	simm.s32 @!p1 $0xD580  }
0x217: {  	[tilespmem:s24], [sflag:$0x1] =	stream.linear.gather @!p1 [hbm4b:s12+s20], $0x400, $0x38;
	[tilespmem:$0x1DD80] =	vst v63  }
0x218: {  	_ =	swait.ge [sflag:s26], $0x1000  }
0x219: {  	[sflag:s26] =	ssyncset.done $0x0  }
0x21a: {  	[sflag:s26] =	ssyncadd.s32 $0xFFFFF000  }
0x21b: {  	_ =	swait.ge [sflag:s26], $0x1000  }
0x21c: {  	[sflag:s26] =	ssyncset.done $0x0  }
0x21d: {  	[sflag:s26] =	ssyncadd.s32 $0xFFFFF000  }
0x21e: {  	_ =	swait.ge [sflag:s26], $0x1000  }
0x21f: {  	[sflag:s26] =	ssyncset.done $0x0  }
0x220: {  	[sflag:s26] =	ssyncadd.s32 $0xFFFFF000  }
0x221: {  	_ =	swait.ge [sflag:s26], $0x1000  }
0x222: {  	[sflag:s26] =	ssyncset.done $0x0  }
0x223: {  	[sflag:s26] =	ssyncadd.s32 $0xFFFFF000  }
0x224: {  	_ =	swait.ge [sflag:s26], $0x1000  }
0x225: {  	[sflag:s26] =	ssyncset.done $0x0  }
0x226: {  	[sflag:s26] =	ssyncadd.s32 $0xFFFFF000  }
0x227: {  	_ =	swait.ge [sflag:s26], $0x1000  }
0x228: {  	[sflag:s26] =	ssyncset.done $0x0  }
0x229: {  	[sflag:s26] =	ssyncadd.s32 $0xFFFFF000  }
0x22a: {  	_ =	swait.ge [sflag:s26], $0x1000  }
0x22b: {  	[sflag:s26] =	ssyncset.done $0x0  }
0x22c: {  	[sflag:s26] =	ssyncadd.s32 $0xFFFFF000  }
0x22d: {  	_ =	swait.ge [sflag:s26], $0x1000  }
0x22e: {  	[sflag:s26] =	ssyncset.done $0x0  }
0x22f: {  	s12 =	simm.s32 $0x15D80;
	[sflag:s26] =	ssyncadd.s32 $0xFFFFF000  }
0x230: {  	[spmem:s3] =	stream.indirect.scatter.add.f32 [tilespmem:s12], [sflag:$0x4], $0x20, s13, s29, $0xb8;
	[tilespmem:$0x1DD80] =	vst v63  }
0x231: {  	_ = 	snop  }
0x232: {  	[spmem:s4] =	stream.indirect.scatter.add.f32 [tilespmem:s25], [sflag:$0x4], $0x10, s13, s29, $0xb8;
	[tilespmem:$0x1DD80] =	vst v63  }
0x233: {  	s21 =	simm.s32 $0xDA00  }
0x234: {  	[spmem:s3] =	stream.indirect.scatter.add.f32 [tilespmem:s30], [sflag:$0x4], $0x20, s21, s29, $0xb8;
	[tilespmem:$0x1DD80] =	vst v63  }
0x235: {  	_ = 	snop  }
0x236: {  	[spmem:s4] =	stream.indirect.scatter.add.f32 [tilespmem:s25], [sflag:$0x4], $0x10, s21, s29, $0xb8;
	[tilespmem:$0x1DD80] =	vst v63  }
0x237: {  	_ = 	snop  }
0x238: {  	[spmem:s3] =	stream.indirect.scatter.add.f32 [tilespmem:s2], [sflag:$0x4], $0x20, s22, s29, $0xb8;
	[tilespmem:$0x1DD80] =	vst v63  }
0x239: {  	_ = 	snop  }
0x23a: {  	[spmem:s4] =	stream.indirect.scatter.add.f32 [tilespmem:s25], [sflag:$0x4], $0x10, s22, s29, $0xb8;
	[tilespmem:$0x1DD80] =	vst v63  }
0x23b: {  	_ = 	snop  }
0x23c: {  	[spmem:s3] =	stream.indirect.scatter.add.f32 [tilespmem:s8], [sflag:$0x4], $0x20, s5, s29, $0xb8;
	[tilespmem:$0x1DD80] =	vst v63  }
0x23d: {  	_ = 	snop  }
0x23e: {  	[spmem:s4] =	stream.indirect.scatter.add.f32 [tilespmem:s25], [sflag:$0x4], $0x10, s5, s29, $0xb8;
	[tilespmem:$0x1DD80] =	vst v63  }
0x23f: {  	_ = 	snop  }
0x240: {  	[spmem:s3] =	stream.indirect.scatter.add.f32 [tilespmem:s9], [sflag:$0x4], $0x20, s6, s29, $0xb8;
	[tilespmem:$0x1DD80] =	vst v63  }
0x241: {  	_ = 	snop  }
0x242: {  	[spmem:s4] =	stream.indirect.scatter.add.f32 [tilespmem:s25], [sflag:$0x4], $0x10, s6, s29, $0xb8;
	[tilespmem:$0x1DD80] =	vst v63  }
0x243: {  	_ = 	snop  }
0x244: {  	[spmem:s3] =	stream.indirect.scatter.add.f32 [tilespmem:s10], [sflag:$0x4], $0x20, s7, s29, $0xb8;
	[tilespmem:$0x1DD80] =	vst v63  }
0x245: {  	s16 =	sadd.s32 $0x100, s16  }
0x246: {  	[spmem:s4] =	stream.indirect.scatter.add.f32 [tilespmem:s25], [sflag:$0x4], $0x10, s7, s29, $0xb8;
	[tilespmem:$0x1DD80] =	vst v63  }
0x247: {  	p0 =	sne.s32 s16, $0x500  }
0x248: {  	[spmem:s3] =	stream.indirect.scatter.add.f32 [tilespmem:s11], [sflag:$0x4], $0x20, s0, s29, $0xb8;
	[tilespmem:$0x1DD80] =	vst v63  }
.Ltmp0:
0x249: {  	_ = 	snop;
	(pc) =	sbr.rel @p0 .LBB2_2-.Ltmp0, $4  }
0x24a: {  	_ = 	snop  }
0x24b: {  	[spmem:s4] =	stream.indirect.scatter.add.f32 [tilespmem:s25], [sflag:$0x4], $0x10, s0, s29, $0xb8;
	[tilespmem:$0x1DD80] =	vst v63  }
0x24c: {  	s24 =	simm.s32 $0x0;
	s20 =	simm.s32 $0xDD00  }
0x24d: {  	[spmem:s3] =	stream.indirect.scatter.add.f32 [tilespmem:s14], [sflag:$0x4], $0x20, s23, s29, $0xb8;
	[tilespmem:$0x1DD80] =	vst v63  }
0x24e: {  	[spmem:s4] =	stream.indirect.scatter.add.f32 [tilespmem:s25], [sflag:$0x4], $0x10, s20, s29, $0xb8;
	[tilespmem:$0x1DD80] =	vst v63  }
0x24f: {  	s0 =	simm.s32 $0x4  }
0x250: {  	_ =	swait.ge [sflag:s0], $0x1000  }
0x251: {  	[sflag:s0] =	ssyncset.done $0x0  }
0x252: {  	[sflag:s0] =	ssyncadd.s32 $0xFFFFF000  }
0x253: {  	_ =	swait.ge [sflag:s0], $0x800  }
0x254: {  	[sflag:s0] =	ssyncset.done $0x0  }
0x255: {  	[sflag:s0] =	ssyncadd.s32 $0xFFFFF800  }
0x256: {  	_ =	swait.ge [sflag:s0], $0x1000  }
0x257: {  	[sflag:s0] =	ssyncset.done $0x0  }
0x258: {  	[sflag:s0] =	ssyncadd.s32 $0xFFFFF000  }
0x259: {  	_ =	swait.ge [sflag:s0], $0x800  }
0x25a: {  	[sflag:s0] =	ssyncset.done $0x0  }
0x25b: {  	[sflag:s0] =	ssyncadd.s32 $0xFFFFF800  }
0x25c: {  	_ =	swait.ge [sflag:s0], $0x1000  }
0x25d: {  	[sflag:s0] =	ssyncset.done $0x0  }
0x25e: {  	[sflag:s0] =	ssyncadd.s32 $0xFFFFF000  }
0x25f: {  	_ =	swait.ge [sflag:s0], $0x800  }
0x260: {  	[sflag:s0] =	ssyncset.done $0x0  }
0x261: {  	[sflag:s0] =	ssyncadd.s32 $0xFFFFF800  }
0x262: {  	_ =	swait.ge [sflag:s0], $0x1000  }
0x263: {  	[sflag:s0] =	ssyncset.done $0x0  }
0x264: {  	[sflag:s0] =	ssyncadd.s32 $0xFFFFF000  }
0x265: {  	_ =	swait.ge [sflag:s0], $0x800  }
0x266: {  	[sflag:s0] =	ssyncset.done $0x0  }
0x267: {  	[sflag:s0] =	ssyncadd.s32 $0xFFFFF800  }
0x268: {  	_ =	swait.ge [sflag:s0], $0x1000  }
0x269: {  	[sflag:s0] =	ssyncset.done $0x0  }
0x26a: {  	[sflag:s0] =	ssyncadd.s32 $0xFFFFF000  }
0x26b: {  	_ =	swait.ge [sflag:s0], $0x800  }
0x26c: {  	[sflag:s0] =	ssyncset.done $0x0  }
0x26d: {  	[sflag:s0] =	ssyncadd.s32 $0xFFFFF800  }
0x26e: {  	_ =	swait.ge [sflag:s0], $0x1000  }
0x26f: {  	[sflag:s0] =	ssyncset.done $0x0  }
0x270: {  	[sflag:s0] =	ssyncadd.s32 $0xFFFFF000  }
0x271: {  	_ =	swait.ge [sflag:s0], $0x800  }
0x272: {  	[sflag:s0] =	ssyncset.done $0x0  }
0x273: {  	[sflag:s0] =	ssyncadd.s32 $0xFFFFF800  }
0x274: {  	_ =	swait.ge [sflag:s0], $0x1000  }
0x275: {  	[sflag:s0] =	ssyncset.done $0x0  }
0x276: {  	[sflag:s0] =	ssyncadd.s32 $0xFFFFF000  }
0x277: {  	_ =	swait.ge [sflag:s0], $0x800  }
0x278: {  	[sflag:s0] =	ssyncset.done $0x0  }
0x279: {  	[sflag:s0] =	ssyncadd.s32 $0xFFFFF800  }
0x27a: {  	_ =	swait.ge [sflag:s0], $0x1000  }
0x27b: {  	[sflag:s0] =	ssyncset.done $0x0  }
0x27c: {  	[sflag:s0] =	ssyncadd.s32 $0xFFFFF000  }
0x27d: {  	_ =	swait.ge [sflag:s0], $0x800  }
0x27e: {  	[sflag:s0] =	ssyncset.done $0x0  }
0x27f: {  	[sflag:s0] =	ssyncadd.s32 $0xFFFFF800  }
0x280: {  	[bflag:$0x0] =	sbarrier.arrive $0xFFFF  }
0x281: {  	s16 =	sld [smem:$0x7F9]  }
0x282: {  	s19 =	sld [smem:$0x7F5]  }
0x283: {  	s12 =	rddreg [dreg:$0x1c]  }
0x284: {  	s21 =	simm.s32 $0x5;
	s12 =	sor.u32 $0x1C05, s12  }
0x285: {  	[hbm:s16], [sflag:s12] =	dma.local [spmem:s19], $0x9E0  }
0x286: {  	_ =	swait.ge [sflag:s21], $0x9E0  }
0x287: {  	s22 =	sld [smem:$0x7FA]  }
0x288: {  	s2 =	sld [smem:$0x7F6]  }
0x289: {  	[sflag:s21] =	ssyncset.done $0x0  }
0x28a: {  	[sflag:s21] =	ssyncadd.s32 $0xFFFFF620  }
0x28b: {  	[hbm:s22], [sflag:s12] =	dma.local [spmem:s2], $0x4F0  }
0x28c: {  	_ =	swait.ge [sflag:s21], $0x4F0  }
0x28d: {  	s13 =	sld [smem:$0x7F4]  }
0x28e: {  	s23 =	sld [smem:$0x7FB]  }
0x28f: {  	s17 =	simm.s32 $0xCD80  }
0x290: {  	s5 =	simm.s32 $0xDD80;
	s6 =	simm.s32 $0xED80;
	s13 =	sadd.s32 $0x1, s13  }
0x291: {  	s7 =	simm.s32 $0xFD80;
	s8 =	simm.s32 $0x14D80;
	p0 =	sne.s32 s13, s23  }
.Ltmp1:
0x292: {  	s9 =	simm.s32 $0xD180;
	s10 =	simm.s32 $0xD600;
	(pc) =	sbr.rel @p0 .LBB2_1-.Ltmp1, $4  }
0x293: {  	s11 =	simm.s32 $0xD680;
	s14 =	simm.s32 $0xD700;
	s15 =	simm.s32 $0xD780  }
0x294: {  	s0 =	simm.s32 $0x12D80;
	s19 =	simm.s32 $0xD580;
	s22 =	simm.s32 $0x10D80  }
0x295: {  	s2 =	simm.s32 $0x13D80;
	[sflag:s21] =	ssyncset.done $0x0;
	s30 =	rddreg [dreg:$0x16]  }
0x296: {  	[sflag:s21] =	ssyncadd.s32 $0xFFFFFB10;
	s21 =	simm.s32 $0xD980;
	s23 =	simm.s32 $0x11D80  }
0x297: {  	_ =	sfence.sel $0x180000  }
0x298: {  	[bflag:$0x0] =	sbarrier.arrive $0xFFFF  }
0x299: {  	_ =	strace $0x90000047  }
0x29a: {  	s0 =	stileid.u32;
	[bflag:$0x2] =	sbarrier.arrive $0xFFFF  }
0x29b: {  	p0 =	sne.s32 s0, $0x0;
	s0 =	rddreg [dreg:$0x5]  }
0x29c: {  	s0 =	sadd.s32 @!p0 $0x100000, s0  }
0x29d: {  	[sflag:s0] =	ssyncadd.tile.s32 @!p0 $0x1;
	_ =	shalt  }
.Lfunc_end2:
_tile_overlayer_lowered:
.L_overlay_start_2:
0x29e: {  	(tag) =	ssettag $0x2  }
0x29f: {  	s0 =	rddreg [dreg:$0x0];
	s2 =	stileid.u32  }
0x2a0: {  	s1 =	rddreg [dreg:$0x1];
	p0 =	sne.s32 s2, $0x0  }
0x2a1: {  	s3 =	rddreg [dreg:$0x2];
	[bflag:$0x3] =	sbarrier.arrive $0xFFFF;
	s2 =	simm.s32 @!p0 $0x1C05  }
0x2a2: {  	[timem:s3], [sflag:s2] =	dma.local @!p0 [hbm:s0], s1  }
0x2a3: {  	s0 =	simm.s32 @!p0 $0x5  }
0x2a4: {  	_ =	swait.ge @!p0 [sflag:s0], s1  }
0x2a5: {  	s1 =	ssub.s32 @!p0 $0x0, s1;
	[sflag:s0] =	ssyncset.done @!p0 $0x0  }
0x2a6: {  	[sflag:s0] =	ssyncadd.s32 @!p0 s1  }
0x2a7: {  	[bflag:$0x3] =	sbarrier.arrive $0xFFFF  }
0x2a8: {  	_ =	shalt  }

// kernel: sage_edge_pass2.3.cloned.1.call-start
scs
__scs_entry_jumppad:
0x0: {  	(pc) =	sbr.rel $0x88, $3  }
0x1: {  	(tag) =	ssettag $0x0;
	lr =	simm.s32 $0x1  }
0x2: {  	[smem:$0x3F97] =	sst lr;
	_ =	strace $0xD0000000  }
0x3: {  	_ = 	snop  }
0x4: {  	_ = 	snop  }
0x5: {  	_ = 	snop  }
0x6: {  	_ = 	snop  }
0x7: {  	_ = 	snop  }
__scs_overlays_trampoline_lowered:
0x8: {  	[smem:$0x3FA6] =	sst s0  }
0x9: {  	[smem:$0x3FA7] =	sst s1  }
0xa: {  	[smem:$0x3FA8] =	sst s2  }
0xb: {  	[smem:$0x3FA9] =	sst s3  }
0xc: {  	[smem:$0x3FAA] =	sst s4  }
0xd: {  	[smem:$0x3FAB] =	sst s5  }
0xe: {  	[smem:$0x3FAC] =	sst s6  }
0xf: {  	[smem:$0x3FAD] =	sst s7  }
0x10: {  	[smem:$0x3FAE] =	sst s8  }
0x11: {  	[smem:$0x3FAF] =	sst s9;
	s0 =	simm.s32 @!p0 $0x0  }
0x12: {  	s1 =	sld [smem:$0x3F95];
	s0 =	simm.s32 @p0 $0x1  }
0x13: {  	[smem:$0x3FB0] =	sst s0;
	s0 =	simm.s32 @!p1 $0x0  }
0x14: {  	s2 =	sld [smem:$0x3F94];
	s0 =	simm.s32 @p1 $0x1  }
0x15: {  	[smem:$0x3FB1] =	sst s0;
	s0 =	simm.s32 @!p2 $0x0  }
0x16: {  	s3 =	sld [smem:$0x3FDB];
	s0 =	simm.s32 @p2 $0x1  }
0x17: {  	s4 =	simm.s32 $0x1BF5;
	[smem:$0x3FB3] =	sst s0  }
0x18: {  	s0 =	sld [smem:$0x3F96];
	_ =	swait.ge [sflag:s4], $0x0  }
0x19: {  	s7 =	sld [smem:$0x3F97]  }
0x1a: {  	s8 =	sadd.s32 $0xFFFFE003, lr  }
0x1b: {  	s9 =	sadd.s32 $0xFFFFFEF7, lr;
	s5 =	simm.s32 $0xFFFFFFFF;
	p2 =	slt.u32 s8, $0xFFFFF086  }
0x1c: {  	p1 =	slt.u32 s9, $0xF7A;
	s5 =	simm.s32 @!p2 $0x0  }
0x1d: {  	s5 =	simm.s32 @p1 $0x1;
	p0 =	seq.s32 s7, s2  }
0x1e: {  	s7 =	smul.u32 @!p0 $0xF7A, s2;
	p2 =	seq.s32 @!p0 s5, $0x0  }
0x1f: {  	s9 =	smul.u32 $0xF7A, s1;
	s8 =	simm.s32 @!p0 $0x1BF5;
	p2 =	por !p2, p0  }
0x20: {  	[sflag:s8] =	ssyncset.s32 @!p0 $0xFFFFF086;
	s6 =	sadd.s32 @!p0 s3, s7;
	s7 =	simm.s32 @!p0 $0x108  }
0x21: {  	s3 =	sadd.s32 s3, s9;
	s6 =	sadd.s32 @!p0 $0x88, s6;
	s7 =	simm.s32 @p2 $0x1082  }
0x22: {  	[simem:s7], [sflag:s8] =	dma.local @!p0 [hbm:s6], $0xF7A  }
0x23: {  	s9 =	sor.u32 $0xD0000000, s2;
	s6 =	simm.s32 $0x108;
	_ =	swait.ge @!p0 [sflag:s8], $0x0  }
0x24: {  	s3 =	sadd.s32 $0x88, s3;
	s6 =	simm.s32 @!p1 $0x1082;
	[sflag:s4] =	ssyncset.s32 $0xFFFFF086  }
0x25: {  	[simem:s6], [sflag:s4] =	dma.local [hbm:s3], $0xF7A  }
0x26: {  	[smem:$0x3F97] =	sst s1;
	(tag) =	ssettag s2;
	_ =	strace s9  }
0x27: {  	s1 =	sld [smem:$0x3FA7]  }
0x28: {  	s2 =	sld [smem:$0x3FA8]  }
0x29: {  	s4 =	sld [smem:$0x3FAA]  }
0x2a: {  	p0 =	seq.s32 s5, $0x0;
	s5 =	sld [smem:$0x3FAB]  }
0x2b: {  	s6 =	sld [smem:$0x3FAC]  }
0x2c: {  	s7 =	sld [smem:$0x3FAD]  }
0x2d: {  	s3 =	simm.s32 $0x108;
	s8 =	sld [smem:$0x3FAE]  }
0x2e: {  	s3 =	simm.s32 @!p0 $0x1082;
	s9 =	sld [smem:$0x3FAF]  }
0x2f: {  	lr =	sadd.s32 s0, s3;
	s0 =	sld [smem:$0x3FA6]  }
0x30: {  	s3 =	sld [smem:$0x3FA9]  }
0x31: {  	[smem:$0x3FB2] =	sst s10  }
0x32: {  	s10 =	sld [smem:$0x3FB0];
	_ =	sdelay $0x3  }
0x33: {  	p0 =	seq.s32 s10, $0x1;
	s10 =	sld [smem:$0x3FB2];
	_ =	sdelay $0x3  }
0x34: {  	[smem:$0x3FB2] =	sst s10  }
0x35: {  	s10 =	sld [smem:$0x3FB1];
	_ =	sdelay $0x3  }
0x36: {  	p1 =	seq.s32 s10, $0x1;
	s10 =	sld [smem:$0x3FB2];
	_ =	sdelay $0x3  }
0x37: {  	[smem:$0x3FB2] =	sst s10  }
0x38: {  	s10 =	sld [smem:$0x3FB3]  }
0x39: {  	_ = 	snop;
	(pc) =	sbr.ind lr, $3  }
0x3a: {  	_ = 	snop  }
0x3b: {  	_ = 	snop  }
0x3c: {  	p2 =	seq.s32 s10, $0x1;
	s10 =	sld [smem:$0x3FB2]  }
0x3d: {  	_ =	shalt  }
0x3e: {  	_ =	shalt  }
0x3f: {  	_ =	shalt  }
0x40: {  	_ =	shalt  }
0x41: {  	_ =	shalt  }
0x42: {  	_ =	shalt  }
0x43: {  	_ =	shalt  }
0x44: {  	_ =	shalt  }
0x45: {  	_ =	shalt  }
0x46: {  	_ =	shalt  }
0x47: {  	_ =	shalt  }
0x48: {  	_ =	shalt  }
0x49: {  	_ =	shalt  }
0x4a: {  	_ =	shalt  }
0x4b: {  	_ =	shalt  }
0x4c: {  	_ =	shalt  }
0x4d: {  	_ =	shalt  }
0x4e: {  	_ =	shalt  }
0x4f: {  	_ =	shalt  }
0x50: {  	_ =	shalt  }
0x51: {  	_ =	shalt  }
0x52: {  	_ =	shalt  }
0x53: {  	_ =	shalt  }
0x54: {  	_ =	shalt  }
0x55: {  	_ =	shalt  }
0x56: {  	_ =	shalt  }
0x57: {  	_ =	shalt  }
0x58: {  	_ =	shalt  }
0x59: {  	_ =	shalt  }
0x5a: {  	_ =	shalt  }
0x5b: {  	_ =	shalt  }
0x5c: {  	_ =	shalt  }
0x5d: {  	_ =	shalt  }
0x5e: {  	_ =	shalt  }
0x5f: {  	_ =	shalt  }
0x60: {  	_ =	shalt  }
0x61: {  	_ =	shalt  }
0x62: {  	_ =	shalt  }
0x63: {  	_ =	shalt  }
0x64: {  	_ =	shalt  }
0x65: {  	_ =	shalt  }
0x66: {  	_ =	shalt  }
0x67: {  	_ =	shalt  }
0x68: {  	_ =	shalt  }
0x69: {  	_ =	shalt  }
0x6a: {  	_ =	shalt  }
0x6b: {  	_ =	shalt  }
0x6c: {  	_ =	shalt  }
0x6d: {  	_ =	shalt  }
0x6e: {  	_ =	shalt  }
0x6f: {  	_ =	shalt  }
0x70: {  	_ =	shalt  }
0x71: {  	_ =	shalt  }
0x72: {  	_ =	shalt  }
0x73: {  	_ =	shalt  }
0x74: {  	_ =	shalt  }
0x75: {  	_ =	shalt  }
0x76: {  	_ =	shalt  }
0x77: {  	_ =	shalt  }
0x78: {  	_ =	shalt  }
0x79: {  	_ =	shalt  }
0x7a: {  	_ =	shalt  }
0x7b: {  	_ =	shalt  }
0x7c: {  	_ =	shalt  }
0x7d: {  	_ =	shalt  }
0x7e: {  	_ =	shalt  }
0x7f: {  	_ =	shalt  }
0x80: {  	_ =	shalt  }
0x81: {  	_ =	shalt  }
0x82: {  	_ =	shalt  }
0x83: {  	_ =	shalt  }
0x84: {  	_ =	shalt  }
0x85: {  	_ =	shalt  }
0x86: {  	_ =	shalt  }
0x87: {  	_ =	shalt  }
.Lfunc_end0:
.L_simem_size_0:
called_computation.1_lowered:
.L_overlay_start_0:
0x88: {  	s2 =	sld [smem:$0x3FD9]  }
0x89: {  	s3 =	sld [smem:$0x3FFE];
	_ =	sdelay $0x1  }
0x8a: {  	s1 =	srdreg.scid  }
0x8b: {  	s0 =	sand.u32 $0x1, s1  }
0x8c: {  	s16 =	sshll.u32 s0, $0xA;
	s2 =	sadd.s32 s3, s2  }
0x8d: {  	s2 =	sadd.s32 s2, s16  }
0x8e: {  	[smem:$0x3FBE] =	sst s2  }
0x8f: {  	_ = 	snop  }
0x90: {  	(tm) =	ssettm $0x1  }
0x91: {  	s17 =	sld [smem:$0x3FFB];
	_ =	sdelay $0x3  }
0x92: {  	_ =	strace s17  }
0x93: {  	s2 =	sld [smem:$0x3FFC];
	_ =	sdelay $0x3  }
0x94: {  	_ =	strace s2  }
0x95: {  	s2 =	sld [smem:$0x3FFD];
	_ =	sdelay $0x3  }
0x96: {  	_ =	strace s2  }
0x97: {  	_ =	strace $0x8FFFFFFF  }
0x98: {  	s18 =	sld [smem:$0x3FDB];
	_ =	sdelay $0x1  }
0x99: {  	s19 =	simm.s32 $_scs_section_size  }
0x9a: {  	s4 =	simm.s32 $_size__tile_overlayer_lowered;
	s5 =	simm.s32 $_tile_overlayer_lowered  }
0x9b: {  	s22 =	simm.s32 $0x1BFF;
	s21 =	sshll.u32 s5, $0x1;
	s2 =	sadd.s32 s19, s18  }
0x9c: {  	s6 =	simm.s32 $0x0;
	s20 =	sshll.u32 s4, $0x1;
	s4 =	sadd.s32 s21, s2  }
0x9d: {  	[timem:s6], [sflag:s22] =	dma.local [hbm:s4], s20  }
0x9e: {  	_ =	swait.ge [sflag:s22], s20  }
0x9f: {  	s3 =	ssub.s32 $0x0, s20;
	[sflag:s22] =	ssyncset.done $0x0  }
0xa0: {  	[sflag:s22] =	ssyncadd.s32 s3;
	_ =	sdelay $0x1  }
0xa1: {  	s23 =	simm.s32 $0x1B8B  }
0xa2: {  	_ =	swait.ge [sflag:s23], $0x1  }
0xa3: {  	[sflag:s23] =	ssyncset.done $0x0  }
0xa4: {  	s25 =	simm.s32 $0x1B8E;
	s24 =	sld [smem:$0x3FFE];
	[sflag:s23] =	ssyncadd.s32 $0xFFFFFFFF  }
0xa5: {  	s26 =	simm.s32 $execute0_lowered;
	[smem:$0x3FD2] =	sst s25  }
0xa6: {  	s4 =	sshll.u32 s26, $0x1;
	_ =	strace $0x80000049;
	[dreg:$0x1] =	wrdreg $0xFFFFFFFF  }
0xa7: {  	s28 =	simm.s32 $_size_execute0_lowered;
	s2 =	sadd.s32 s2, s4;
	[dreg:$0x0] =	wrdreg $0x0  }
0xa8: {  	s4 =	sshll.u32 s28, $0x1;
	[dreg:$0x2] =	wrdreg s2  }
0xa9: {  	[dreg:$0x3] =	wrdreg s4  }
0xaa: {  	[dreg:$0x4] =	wrdreg $0xC0  }
0xab: {  	_ =	task [dreg:s6], $0x5FFFF  }
0xac: {  	[dreg:$0x1] =	wrdreg $0xFFFFFFFF  }
0xad: {  	[dreg:$0x0] =	wrdreg $0x60  }
0xae: {  	[dreg:$0x2] =	wrdreg s24  }
0xaf: {  	[dreg:$0x3] =	wrdreg $0x4F000  }
0xb0: {  	[dreg:$0x4] =	wrdreg $0x0  }
0xb1: {  	[dreg:$0x5] =	wrdreg $0x9  }
0xb2: {  	_ =	task.clear_ibuf [dreg:s6], $0x6FFFF;
	_ =	strace $0x90000049  }
0xb3: {  	s29 =	simm.s32 $0x9;
	_ =	strace $0x8000004B  }
0xb4: {  	_ =	swait.ge [sflag:s29], $0x1  }
0xb5: {  	[sflag:s29] =	ssyncadd.s32 $0xFFFFFFFF  }
0xb6: {  	_ =	strace $0x9000004B  }
0xb7: {  	_ =	sfence  }
0xb8: {  	s30 =	sld [smem:$0x0];
	_ =	sdelay $0x2  }
0xb9: {  	s31 =	sshll.u32 s1, $0xD;
	s1 =	sshrl.u32 s1, $0x2  }
0xba: {  	s3 =	sand.u32 $0x4000, s31;
	s1 =	sadd.s32 s1, s30  }
0xbb: {  	s0 =	sor.u32 s3, s0;
	s1 =	sshll.u32 s1, $0x11  }
0xbc: {  	s0 =	sor.u32 s1, s0  }
0xbd: {  	s0 =	sadd.s32 $0x8F2B, s0  }
0xbe: {  	[sflag:s0] =	ssyncadd.remote.s32 $0x1  }
0xbf: {  	_ =	sfence.sel $0xFFFF  }
0xc0: {  	[dreg:$0x0] =	wrdreg $0xFFFFFFFF;
	(pc) =	sbr.abs _section_cstart, $3  }
0xc1: {  	[dreg:$0x1] =	wrdreg $0xFFFFFFFF  }
0xc2: {  	_ =	task.clear_ibuf [dreg:s6], $0x2FFFF;
	_ =	strace $0x9FFFFFFF  }
0xc3: {  	(tm) =	ssettm $0x7FFFFFFF  }
tec
execute0_lowered:
.L_overlay_start_1:
0x0: {  	(tag) =	ssettag $0x1  }
0x1: {  	s11 =	rddreg [dreg:$0x0]  }
0x2: {  	s1 =	rddreg [dreg:$0x1]  }
0x3: {  	s3 =	rddreg [dreg:$0x2]  }
0x4: {  	s4 =	simm.s32 $0x0;
	s21 =	stileid.u32;
	s2 =	srdreg.scid  }
0x5: {  	[smem:$0x7FF] =	sst s4;
	s0 =	smul.u32 $0x4F00, s21  }
0x6: {  	s2 =	sand.u32 $0x1, s2;
	s5 =	sadd.s32 $0x2A400, s11;
	s12 =	sadd.s32 $0x3E000, s11  }
0x7: {  	s13 =	sadd.s32 $0xC400, s11;
	s9 =	sshll.u32 s21, $0x1;
	s16 =	smul.u32 $0x5000, s21  }
0x8: {  	s15 =	sadd.s32 $0x16400, s11;
	s30 =	smul.u32 $0x2780, s21;
	s9 =	sor.u32 s2, s9  }
0x9: {  	_ =	strace $0x8000004A;
	s14 =	sshrl.u32 s0, $0x3;
	s20 =	smul.u32 $0x500, s9  }
0xa: {  	s17 =	ssub.s32 $0x2, s2;
	s18 =	smul.u32 $0x2800, s2;
	s22 =	sadd.s32 s5, s14  }
0xb: {  	s19 =	sshrl.u32 s17, $0x1;
	s24 =	sadd.s32 s13, s20;
	[dreg:$0x13] =	wrdreg s22  }
0xc: {  	s9 =	ssub.s32 s17, s19;
	s25 =	sadd.s32 s15, s20;
	[dreg:$0x11] =	wrdreg s24  }
0xd: {  	s19 =	sshrl.u32 s30, $0x3;
	s20 =	simm.s32 $0x14280;
	[dreg:$0x12] =	wrdreg s25  }
0xe: {  	s16 =	sadd.s32 s18, s16;
	s19 =	sadd.s32 s12, s19;
	[dreg:$0xb] =	wrdreg s20  }
0xf: {  	s26 =	sor.u32 $0x400, s16;
	s24 =	simm.s32 $0x13E80;
	[dreg:$0x14] =	wrdreg s19  }
0x10: {  	s17 =	sshrl.u32 s26, $0x3;
	s26 =	simm.s32 $0x13F00;
	[dreg:$0x8] =	wrdreg s24  }
0x11: {  	s16 =	sor.u32 $0x200, s16;
	s23 =	sadd.s32 s17, s15;
	[dreg:$0x9] =	wrdreg s26  }
0x12: {  	s16 =	sshrl.u32 s16, $0x3;
	s17 =	sadd.s32 s17, s13;
	[dreg:$0x4] =	wrdreg s23  }
0x13: {  	s7 =	sadd.s32 $0x47E00, s11;
	s15 =	sadd.s32 s16, s15;
	[dreg:$0x5] =	wrdreg s17  }
0x14: {  	s10 =	sadd.s32 $0x2600, s11;
	s13 =	sadd.s32 s16, s13;
	[dreg:$0x6] =	wrdreg s15  }
0x15: {  	s8 =	smul.u32 $0x4F000, s2;
	s24 =	simm.s32 $0x14380;
	[dreg:$0x7] =	wrdreg s13  }
0x16: {  	s6 =	sadd.s32 s14, s11;
	s26 =	simm.s32 $0x14080;
	[dreg:$0xd] =	wrdreg s24  }
0x17: {  	s8 =	sadd.s32 s0, s8;
	s17 =	simm.s32 $0x13F80;
	[dreg:$0xe] =	wrdreg s26  }
0x18: {  	s18 =	smul.u32 $0x278, s21;
	s23 =	simm.s32 $0x14300;
	[dreg:$0xa] =	wrdreg s17  }
0x19: {  	s8 =	sshrl.u32 s8, $0x3;
	s13 =	sadd.s32 s7, s14;
	[dreg:$0xc] =	wrdreg s23  }
0x1a: {  	s8 =	sadd.s32 s8, s11;
	s14 =	sadd.s32 s10, s14;
	[dreg:$0x19] =	wrdreg s13  }
0x1b: {  	s15 =	sadd.s32 $0x100, s18;
	s26 =	simm.s32 $0x14180;
	[dreg:$0x1a] =	wrdreg s14  }
0x1c: {  	s25 =	sshll.u32 s15, $0x1;
	[dreg:$0x10] =	wrdreg s26;
	s26 =	sadd.s32 $0x9E00, s22  }
0x1d: {  	s11 =	sadd.s32 $0x42F00, s11;
	s30 =	sadd.s32 s12, s25;
	[smem:$0x7FC] =	sst s26  }
0x1e: {  	s28 =	simm.s32 $0x14480;
	s16 =	sadd.s32 s25, s11;
	[dreg:$0x15] =	wrdreg s30  }
0x1f: {  	s29 =	simm.s32 $0x14500;
	s31 =	simm.s32 $0x14580;
	[dreg:$0x16] =	wrdreg s16  }
0x20: {  	s16 =	sadd.s32 $0x200, s18;
	s30 =	simm.s32 $0x14100;
	s18 =	sshll.u32 s15, $0x2  }
0x21: {  	p0 =	sne.s32 s2, $0x0;
	[dreg:$0xf] =	wrdreg s30;
	s20 =	sadd.s32 s7, s18  }
0x22: {  	s25 =	sshll.u32 s16, $0x1;
	s13 =	sadd.s32 s10, s18;
	[dreg:$0x1c] =	wrdreg s20  }
0x23: {  	s2 =	simm.s32 $0x0;
	s12 =	sadd.s32 s12, s25;
	[dreg:$0x1d] =	wrdreg s13  }
0x24: {  	s24 =	sshll.u32 s16, $0x2;
	s11 =	sadd.s32 s25, s11;
	[dreg:$0x17] =	wrdreg s12  }
0x25: {  	s22 =	simm.s32 $0x14400;
	s25 =	sadd.s32 s7, s24;
	[dreg:$0x18] =	wrdreg s11  }
0x26: {  	s26 =	simm.s32 $0x1B600;
	s30 =	sadd.s32 s10, s24;
	[dreg:$0x1f] =	wrdreg s25  }
0x27: {  	s14 =	sshll.u32 s16, $0x5;
	s10 =	sadd.s32 $0x20400, s6;
	[smem:$0x7F0] =	sst s30  }
0x28: {  	s23 =	sshrl.u32 s14, $0x3;
	s13 =	sadd.s32 s0, s1;
	[smem:$0x7F1] =	sst s10  }
0x29: {  	s0 =	sadd.s32 s0, s3;
	s20 =	sadd.s32 s14, s3;
	[smem:$0x7F2] =	sst s13  }
0x2a: {  	s6 =	simm.s32 $0x13E00;
	s14 =	simm.s32 $0x2;
	[smem:$0x7F3] =	sst s0  }
0x2b: {  	s11 =	sshll.u32 s15, $0x5;
	s15 =	sadd.s32 s5, s18;
	[smem:$0x7F7] =	sst s20  }
0x2c: {  	s25 =	smax.u32 s9, $0x1;
	s30 =	sadd.s32 $0x4F00, s19;
	s9 =	simm.s32 $0x14200  }
0x2d: {  	s13 =	simm.s32 $0x5;
	s19 =	simm.s32 $0x16600;
	[dreg:$0x1b] =	wrdreg s15  }
0x2e: {  	s20 =	simm.s32 $0x17600;
	s17 =	sshrl.u32 s11, $0x3;
	[smem:$0x7F9] =	sst s25  }
0x2f: {  	s15 =	sadd.s32 s5, s23;
	s23 =	sadd.s32 $0x51C00, s8;
	[smem:$0x7FD] =	sst s30  }
0x30: {  	s25 =	simm.s32 $0x1A600;
	s12 =	sadd.s32 s5, s17;
	s5 =	sadd.s32 s5, s24  }
0x31: {  	s17 =	sadd.s32 s11, s3;
	s18 =	sadd.s32 $0x9E00, s15;
	[smem:$0x7F8] =	sst s23  }
0x32: {  	s24 =	sshll.u32 s21, $0x6;
	s11 =	simm.s32 $0x3;
	[dreg:$0x1e] =	wrdreg s5  }
0x33: {  	s15 =	simm.s32 $0x1;
	s21 =	simm.s32 $0x14000;
	[smem:$0x7F5] =	sst s17  }
0x34: {  	s23 =	simm.s32 $0x18600;
	s16 =	sadd.s32 $0x9E00, s12;
	[smem:$0x7F6] =	sst s18  }
0x35: {  	[smem:$0x7FA] =	sst s24;
	s0 =	sor.u32 $0x1C02, s24;
	s17 =	simm.s32 $0x14600  }
0x36: {  	s18 =	simm.s32 $0x15600;
	s24 =	simm.s32 $0x19600;
	[smem:$0x7F4] =	sst s16  }
0x37: {  	[smem:$0x7FB] =	sst s0;
	s16 =	simm.s32 $0x80;
	s0 =	simm.s32 $0x4  }
.LBB2_1:
0x38: {  	s5 =	rddreg [dreg:$0x11]  }
0x39: {  	s8 =	rddreg [dreg:$0x12]  }
0x3a: {  	s10 =	sld [smem:$0x7F2]  }
0x3b: {  	s12 =	sld [smem:$0x7F1]  }
0x3c: {  	[tilespmem:s6], [sflag:$0x1] =	stream.linear.gather [hbm4b:s5+s4], $0x200, $0x38;
	[tilespmem:$0x1C600] =	vst v63  }
0x3d: {  	s7 =	sld [smem:$0x7FB]  }
0x3e: {  	[tilespmem:s9], [sflag:$0x1] =	stream.linear.gather [hbm4b:s8+s4], $0x200, $0x38;
	[tilespmem:$0x1C600] =	vst v63  }
0x3f: {  	s8 =	sshrl.u32 s10, $0x3  }
0x40: {  	[smem:$0x7EF] =	sst s8  }
0x41: {  	[spmem:s8], [sflag:s7] =	dma.local [hbm:s12], $0x9E0  }
0x42: {  	s5 =	rddreg [dreg:$0x13]  }
0x43: {  	s8 =	simm.s32 $0x9E00;
	s10 =	sld [smem:$0x7FC]  }
0x44: {  	[tilespmem:s8], [sflag:$0x3] =	stream.linear.gather [hbm4b:s5+s4], $0x2000, $0x38;
	[tilespmem:$0x1C600] =	vst v63  }
0x45: {  	s12 =	simm.s32 $0xBE00;
	s7 =	rddreg [dreg:$0x19]  }
0x46: {  	[tilespmem:s12], [sflag:$0x3] =	stream.linear.gather [hbm4b:s10+s4], $0x2000, $0x38;
	[tilespmem:$0x1C600] =	vst v63  }
0x47: {  	s8 =	simm.s32 $0xDE00;
	s10 =	rddreg [dreg:$0x14]  }
0x48: {  	[tilespmem:s8], [sflag:$0x3] =	stream.linear.gather [hbm4b:s7+s4], $0x2000, $0x38;
	[tilespmem:$0x1C600] =	vst v63  }
0x49: {  	s12 =	sld [smem:$0x7FD];
	s7 =	simm.s32 $0xFE00  }
0x4a: {  	[tilespmem:s7], [sflag:$0x3] =	stream.linear.gather [hbm4b:s10+s4], $0x1000, $0x38;
	[tilespmem:$0x1C600] =	vst v63  }
0x4b: {  	s30 =	simm.s32 $0x10E00  }
0x4c: {  	[tilespmem:s30], [sflag:$0x3] =	stream.linear.gather [hbm4b:s12+s4], $0x1000, $0x38;
	[tilespmem:$0x1C600] =	vst v63  }
0x4d: {  	_ =	swait.ge [sflag:s11], $0x2000  }
0x4e: {  	[sflag:s11] =	ssyncset.done $0x0  }
0x4f: {  	[sflag:s11] =	ssyncadd.s32 $0xFFFFE000  }
0x50: {  	_ =	swait.ge [sflag:s11], $0x2000  }
0x51: {  	[sflag:s11] =	ssyncset.done $0x0  }
0x52: {  	[sflag:s11] =	ssyncadd.s32 $0xFFFFE000  }
0x53: {  	_ =	swait.ge [sflag:s11], $0x2000  }
0x54: {  	[sflag:s11] =	ssyncset.done $0x0  }
0x55: {  	[sflag:s11] =	ssyncadd.s32 $0xFFFFE000  }
0x56: {  	_ =	swait.ge [sflag:s11], $0x1000  }
0x57: {  	[sflag:s11] =	ssyncset.done $0x0  }
0x58: {  	[sflag:s11] =	ssyncadd.s32 $0xFFFFF000  }
0x59: {  	_ =	swait.ge [sflag:s11], $0x1000  }
0x5a: {  	[sflag:s11] =	ssyncset.done $0x0  }
0x5b: {  	[sflag:s11] =	ssyncadd.s32 $0xFFFFF000  }
0x5c: {  	v0 =	vld [tilespmem:s30+$0x0]  }
0x5d: {  	s8 =	simm.s32 $0x80;
	s10 =	simm.s32 $0x0;
	v1 =	vld [tilespmem:s7+$0x0]  }
.LBB2_2:
0x5e: {  	p1 =	sne.s32 s8, $0x7F80;
	_ =	sdelay $0x3  }
0x5f: {  	v0 =	vadd.f32 v0, v1;
	_ =	sdelay $0x1  }
0x60: {  	s12 =	sshra.s32 s10, $0x2;
	s10 =	smov.u32 s8;
	v0 =	vmax.f32 v0, $1.000000000e+00  }
0x61: {  	v1 =	vld [tilespmem:s12+$0x9E00];
	(erf) = vrcp.f32 v0  }
0x62: {  	v0 =	vld [tilespmem:s12+$0xBE00]  }
0x63: {  	v2 =	vld [tilespmem:s12+$0x9E10]  }
0x64: {  	v3 =	vld [tilespmem:s12+$0xBE10];
	_ =	sdelay $0x2  }
0x65: {  	v4 =	vld [tilespmem:s12+$0xDE00]  }
0x66: {  	v5 =	vld [tilespmem:s12+$0xDE10]  }
0x67: {  	v0 =	vadd.f32 v0, v1;
	v1 =	vadd.f32 v3, v2  }
0x68: {  	v2 =	vpop (erf)  }
0x69: {  	v0 =	vmul.f32 v2, v0;
	v1 =	vmul.f32 v1, v2;
	_ =	sdelay $0x1  }
0x6a: {  	v0 =	vadd.f32 v0, v4;
	v1 =	vadd.f32 v1, v5;
	_ =	sdelay $0x1  }
.Ltmp0:
0x6b: {  	v0 =	vmax.f32 v0, $0.0e+00;
	v1 =	vmax.f32 v1, $0.0e+00;
	(pc) =	sbr.rel @p1 .LBB2_2-.Ltmp0, $4  }
0x6c: {  	[tilespmem:s12+$0x11E00] =	vst v0  }
0x6d: {  	s30 =	sadd.s32 $0x10, s30;
	[tilespmem:s12+$0x11E10] =	vst v1  }
0x6e: {  	s7 =	sadd.s32 $0x10, s7;
	v0 =	vld [tilespmem:s30+$0x0]  }
0x6f: {  	s8 =	sadd.s32 $0x80, s8;
	v1 =	vld [tilespmem:s7+$0x0]  }
0x70: {  	_ =	sdelay $0x3  }
0x71: {  	v0 =	vadd.f32 v0, v1;
	_ =	sdelay $0x1  }
0x72: {  	v0 =	vmax.f32 v0, $1.000000000e+00  }
0x73: {  	s7 =	sshra.s32 s10, $0x2;
	(erf) = vrcp.f32 v0  }
0x74: {  	v2 =	vld [tilespmem:s7+$0x9E10]  }
0x75: {  	v1 =	vld [tilespmem:s7+$0xBE00]  }
0x76: {  	v0 =	vld [tilespmem:s7+$0x9E00]  }
0x77: {  	v3 =	vld [tilespmem:s7+$0xBE10];
	_ =	sdelay $0x2  }
0x78: {  	v4 =	vld [tilespmem:s7+$0xDE00]  }
0x79: {  	v5 =	vld [tilespmem:s7+$0xDE10];
	v0 =	vadd.f32 v1, v0  }
0x7a: {  	v1 =	vadd.f32 v3, v2;
	v2 =	vpop (erf)  }
0x7b: {  	v0 =	vmul.f32 v2, v0  }
0x7c: {  	v1 =	vmul.f32 v1, v2  }
0x7d: {  	v0 =	vadd.f32 v0, v4  }
0x7e: {  	v1 =	vadd.f32 v1, v5  }
0x7f: {  	s5 =	sld [smem:$0x7F3];
	v0 =	vmax.f32 v0, $0.0e+00  }
0x80: {  	v1 =	vmax.f32 v1, $0.0e+00;
	[tilespmem:s7+$0x11E00] =	vst v0  }
0x81: {  	s8 =	simm.s32 $0x11E00;
	[tilespmem:s7+$0x11E10] =	vst v1  }
0x82: {  	[spmem:s5] =	stream.linear.scatter [tilespmem:s8], [sflag:$0x5], $0x2000, $0x38;
	[tilespmem:$0x1C600] =	vst v63  }
0x83: {  	_ =	swait.ge [sflag:s13], $0x2000  }
0x84: {  	s7 =	simm.s32 @!p0 $0x0;
	[sflag:s13] =	ssyncset.done $0x0  }
0x85: {  	s8 =	simm.s32 @!p0 $0x11E00;
	s5 =	rddreg [dreg:$0x1a];
	[sflag:s13] =	ssyncadd.s32 $0xFFFFE000  }
0x86: {  	[hbm4b:s5+s7] =	stream.linear.scatter @!p0 [tilespmem:s8], [sflag:$0x5], $0x2000, $0x38;
	[tilespmem:$0x1C600] =	vst v63  }
0x87: {  	s7 =	simm.s32 @!p0 $0x5  }
0x88: {  	_ =	swait.ge @!p0 [sflag:s7], $0x2000  }
0x89: {  	s12 =	simm.s32 $0x9E00;
	[sflag:s7] =	ssyncset.done @!p0 $0x0  }
0x8a: {  	s10 =	rddreg [dreg:$0x1b];
	[sflag:s7] =	ssyncadd.s32 @!p0 $0xFFFFE000;
	s7 =	simm.s32 $0x0  }
0x8b: {  	[tilespmem:s12], [sflag:$0x3] =	stream.linear.gather [hbm4b:s10+s7], $0x2000, $0x38;
	[tilespmem:$0x1C600] =	vst v63  }
0x8c: {  	s10 =	sld [smem:$0x7F4];
	_ =	sdelay $0x1  }
0x8d: {  	s12 =	simm.s32 $0xBE00  }
0x8e: {  	[tilespmem:s12], [sflag:$0x3] =	stream.linear.gather [hbm4b:s10+s7], $0x2000, $0x38;
	[tilespmem:$0x1C600] =	vst v63  }
0x8f: {  	s10 =	rddreg [dreg:$0x1c];
	s12 =	simm.s32 $0xDE00  }
0x90: {  	[tilespmem:s12], [sflag:$0x3] =	stream.linear.gather [hbm4b:s10+s7], $0x2000, $0x38;
	[tilespmem:$0x1C600] =	vst v63  }
0x91: {  	s30 =	simm.s32 $0xFE00;
	s10 =	rddreg [dreg:$0x15]  }
0x92: {  	[tilespmem:s30], [sflag:$0x3] =	stream.linear.gather [hbm4b:s10+s7], $0x1000, $0x38;
	[tilespmem:$0x1C600] =	vst v63  }
0x93: {  	s12 =	rddreg [dreg:$0x16];
	s10 =	simm.s32 $0x10E00  }
0x94: {  	[tilespmem:s10], [sflag:$0x3] =	stream.linear.gather [hbm4b:s12+s7], $0x1000, $0x38;
	[tilespmem:$0x1C600] =	vst v63  }
0x95: {  	_ =	swait.ge [sflag:s11], $0x2000  }
0x96: {  	[sflag:s11] =	ssyncset.done $0x0  }
0x97: {  	[sflag:s11] =	ssyncadd.s32 $0xFFFFE000  }
0x98: {  	_ =	swait.ge [sflag:s11], $0x2000  }
0x99: {  	[sflag:s11] =	ssyncset.done $0x0  }
0x9a: {  	[sflag:s11] =	ssyncadd.s32 $0xFFFFE000  }
0x9b: {  	_ =	swait.ge [sflag:s11], $0x2000  }
0x9c: {  	[sflag:s11] =	ssyncset.done $0x0  }
0x9d: {  	[sflag:s11] =	ssyncadd.s32 $0xFFFFE000  }
0x9e: {  	_ =	swait.ge [sflag:s11], $0x1000  }
0x9f: {  	[sflag:s11] =	ssyncset.done $0x0  }
0xa0: {  	[sflag:s11] =	ssyncadd.s32 $0xFFFFF000  }
0xa1: {  	_ =	swait.ge [sflag:s11], $0x1000  }
0xa2: {  	[sflag:s11] =	ssyncset.done $0x0  }
0xa3: {  	[sflag:s11] =	ssyncadd.s32 $0xFFFFF000  }
0xa4: {  	v0 =	vld [tilespmem:s10+$0x0]  }
0xa5: {  	s8 =	simm.s32 $0x80;
	v1 =	vld [tilespmem:s30+$0x0]  }
.LBB2_4:
0xa6: {  	p1 =	sne.s32 s8, $0x7F80;
	_ =	sdelay $0x3  }
0xa7: {  	v0 =	vadd.f32 v0, v1;
	_ =	sdelay $0x1  }
0xa8: {  	s12 =	sshra.s32 s7, $0x2;
	s7 =	smov.u32 s8;
	v0 =	vmax.f32 v0, $1.000000000e+00  }
0xa9: {  	v1 =	vld [tilespmem:s12+$0x9E00];
	(erf) = vrcp.f32 v0  }
0xaa: {  	v0 =	vld [tilespmem:s12+$0xBE00]  }
0xab: {  	v2 =	vld [tilespmem:s12+$0x9E10]  }
0xac: {  	v3 =	vld [tilespmem:s12+$0xBE10];
	_ =	sdelay $0x2  }
0xad: {  	v4 =	vld [tilespmem:s12+$0xDE00]  }
0xae: {  	v5 =	vld [tilespmem:s12+$0xDE10]  }
0xaf: {  	v0 =	vadd.f32 v0, v1;
	v1 =	vadd.f32 v3, v2  }
0xb0: {  	v2 =	vpop (erf)  }
0xb1: {  	v0 =	vmul.f32 v2, v0;
	v1 =	vmul.f32 v1, v2;
	_ =	sdelay $0x1  }
0xb2: {  	v0 =	vadd.f32 v0, v4;
	v1 =	vadd.f32 v1, v5;
	_ =	sdelay $0x1  }
.Ltmp1:
0xb3: {  	v0 =	vmax.f32 v0, $0.0e+00;
	v1 =	vmax.f32 v1, $0.0e+00;
	(pc) =	sbr.rel @p1 .LBB2_4-.Ltmp1, $4  }
0xb4: {  	[tilespmem:s12+$0x11E00] =	vst v0  }
0xb5: {  	s10 =	sadd.s32 $0x10, s10;
	[tilespmem:s12+$0x11E10] =	vst v1  }
0xb6: {  	s30 =	sadd.s32 $0x10, s30;
	v0 =	vld [tilespmem:s10+$0x0]  }
0xb7: {  	s8 =	sadd.s32 $0x80, s8;
	v1 =	vld [tilespmem:s30+$0x0]  }
0xb8: {  	_ =	sdelay $0x3  }
0xb9: {  	v0 =	vadd.f32 v0, v1;
	_ =	sdelay $0x1  }
0xba: {  	v0 =	vmax.f32 v0, $1.000000000e+00  }
0xbb: {  	s7 =	sshra.s32 s7, $0x2;
	(erf) = vrcp.f32 v0  }
0xbc: {  	v2 =	vld [tilespmem:s7+$0x9E10]  }
0xbd: {  	v1 =	vld [tilespmem:s7+$0xBE00]  }
0xbe: {  	v0 =	vld [tilespmem:s7+$0x9E00]  }
0xbf: {  	v3 =	vld [tilespmem:s7+$0xBE10];
	_ =	sdelay $0x2  }
0xc0: {  	v4 =	vld [tilespmem:s7+$0xDE00]  }
0xc1: {  	v5 =	vld [tilespmem:s7+$0xDE10];
	v0 =	vadd.f32 v1, v0  }
0xc2: {  	v1 =	vadd.f32 v3, v2;
	v2 =	vpop (erf)  }
0xc3: {  	v0 =	vmul.f32 v2, v0  }
0xc4: {  	v1 =	vmul.f32 v1, v2  }
0xc5: {  	v0 =	vadd.f32 v0, v4  }
0xc6: {  	v1 =	vadd.f32 v1, v5  }
0xc7: {  	s5 =	sld [smem:$0x7F5];
	v0 =	vmax.f32 v0, $0.0e+00  }
0xc8: {  	v1 =	vmax.f32 v1, $0.0e+00;
	[tilespmem:s7+$0x11E00] =	vst v0  }
0xc9: {  	s8 =	simm.s32 $0x11E00;
	[tilespmem:s7+$0x11E10] =	vst v1  }
0xca: {  	[spmem:s5] =	stream.linear.scatter [tilespmem:s8], [sflag:$0x5], $0x2000, $0x38;
	[tilespmem:$0x1C600] =	vst v63  }
0xcb: {  	_ =	swait.ge [sflag:s13], $0x2000  }
0xcc: {  	s7 =	simm.s32 @!p0 $0x0;
	[sflag:s13] =	ssyncset.done $0x0  }
0xcd: {  	s8 =	simm.s32 @!p0 $0x11E00;
	s5 =	rddreg [dreg:$0x1d];
	[sflag:s13] =	ssyncadd.s32 $0xFFFFE000  }
0xce: {  	[hbm4b:s5+s7] =	stream.linear.scatter @!p0 [tilespmem:s8], [sflag:$0x5], $0x2000, $0x38;
	[tilespmem:$0x1C600] =	vst v63  }
0xcf: {  	s7 =	simm.s32 @!p0 $0x5  }
0xd0: {  	_ =	swait.ge @!p0 [sflag:s7], $0x2000  }
0xd1: {  	s12 =	simm.s32 $0x9E00;
	[sflag:s7] =	ssyncset.done @!p0 $0x0  }
0xd2: {  	s10 =	rddreg [dreg:$0x1e];
	[sflag:s7] =	ssyncadd.s32 @!p0 $0xFFFFE000;
	s7 =	simm.s32 $0x0  }
0xd3: {  	[tilespmem:s12], [sflag:$0x3] =	stream.linear.gather [hbm4b:s10+s7], $0xF00, $0x38;
	[tilespmem:$0x1C600] =	vst v63  }
0xd4: {  	s10 =	sld [smem:$0x7F6];
	_ =	sdelay $0x1  }
0xd5: {  	s12 =	simm.s32 $0xBE00  }
0xd6: {  	[tilespmem:s12], [sflag:$0x3] =	stream.linear.gather [hbm4b:s10+s7], $0xF00, $0x38;
	[tilespmem:$0x1C600] =	vst v63  }
0xd7: {  	s10 =	rddreg [dreg:$0x1f];
	s12 =	simm.s32 $0xDE00  }
0xd8: {  	[tilespmem:s12], [sflag:$0x3] =	stream.linear.gather [hbm4b:s10+s7], $0xF00, $0x38;
	[tilespmem:$0x1C600] =	vst v63  }
0xd9: {  	s30 =	simm.s32 $0xFE00;
	s10 =	rddreg [dreg:$0x17]  }
0xda: {  	[tilespmem:s30], [sflag:$0x3] =	stream.linear.gather [hbm4b:s10+s7], $0x780, $0x38;
	[tilespmem:$0x1C600] =	vst v63  }
0xdb: {  	s12 =	rddreg [dreg:$0x18];
	s10 =	simm.s32 $0x10E00  }
0xdc: {  	[tilespmem:s10], [sflag:$0x3] =	stream.linear.gather [hbm4b:s12+s7], $0x780, $0x38;
	[tilespmem:$0x1C600] =	vst v63  }
0xdd: {  	_ =	swait.ge [sflag:s11], $0xF00  }
0xde: {  	[sflag:s11] =	ssyncset.done $0x0  }
0xdf: {  	[sflag:s11] =	ssyncadd.s32 $0xFFFFF100  }
0xe0: {  	_ =	swait.ge [sflag:s11], $0xF00  }
0xe1: {  	[sflag:s11] =	ssyncset.done $0x0  }
0xe2: {  	[sflag:s11] =	ssyncadd.s32 $0xFFFFF100  }
0xe3: {  	_ =	swait.ge [sflag:s11], $0xF00  }
0xe4: {  	[sflag:s11] =	ssyncset.done $0x0  }
0xe5: {  	[sflag:s11] =	ssyncadd.s32 $0xFFFFF100  }
0xe6: {  	_ =	swait.ge [sflag:s11], $0x780  }
0xe7: {  	[sflag:s11] =	ssyncset.done $0x0  }
0xe8: {  	[sflag:s11] =	ssyncadd.s32 $0xFFFFF880  }
0xe9: {  	_ =	swait.ge [sflag:s11], $0x780  }
0xea: {  	[sflag:s11] =	ssyncset.done $0x0  }
0xeb: {  	[sflag:s11] =	ssyncadd.s32 $0xFFFFF880  }
0xec: {  	v0 =	vld [tilespmem:s10+$0x0]  }
0xed: {  	s8 =	simm.s32 $0x80;
	v1 =	vld [tilespmem:s30+$0x0]  }
.LBB2_6:
0xee: {  	p1 =	sne.s32 s8, $0x3B80;
	_ =	sdelay $0x3  }
0xef: {  	v0 =	vadd.f32 v0, v1;
	_ =	sdelay $0x1  }
0xf0: {  	s12 =	sshra.s32 s7, $0x2;
	s7 =	smov.u32 s8;
	v0 =	vmax.f32 v0, $1.000000000e+00  }
0xf1: {  	v1 =	vld [tilespmem:s12+$0x9E00];
	(erf) = vrcp.f32 v0  }
0xf2: {  	v0 =	vld [tilespmem:s12+$0xBE00]  }
0xf3: {  	v2 =	vld [tilespmem:s12+$0x9E10]  }
0xf4: {  	v3 =	vld [tilespmem:s12+$0xBE10];
	_ =	sdelay $0x2  }
0xf5: {  	v4 =	vld [tilespmem:s12+$0xDE00]  }
0xf6: {  	v5 =	vld [tilespmem:s12+$0xDE10]  }
0xf7: {  	v0 =	vadd.f32 v0, v1;
	v1 =	vadd.f32 v3, v2  }
0xf8: {  	v2 =	vpop (erf)  }
0xf9: {  	v0 =	vmul.f32 v2, v0;
	v1 =	vmul.f32 v1, v2;
	_ =	sdelay $0x1  }
0xfa: {  	v0 =	vadd.f32 v0, v4;
	v1 =	vadd.f32 v1, v5;
	_ =	sdelay $0x1  }
.Ltmp2:
0xfb: {  	v0 =	vmax.f32 v0, $0.0e+00;
	v1 =	vmax.f32 v1, $0.0e+00;
	(pc) =	sbr.rel @p1 .LBB2_6-.Ltmp2, $4  }
0xfc: {  	[tilespmem:s12+$0x11E00] =	vst v0  }
0xfd: {  	s10 =	sadd.s32 $0x10, s10;
	[tilespmem:s12+$0x11E10] =	vst v1  }
0xfe: {  	s30 =	sadd.s32 $0x10, s30;
	v0 =	vld [tilespmem:s10+$0x0]  }
0xff: {  	s8 =	sadd.s32 $0x80, s8;
	v1 =	vld [tilespmem:s30+$0x0]  }
0x100: {  	_ =	sdelay $0x3  }
0x101: {  	v0 =	vadd.f32 v0, v1;
	_ =	sdelay $0x1  }
0x102: {  	v0 =	vmax.f32 v0, $1.000000000e+00  }
0x103: {  	s7 =	sshra.s32 s7, $0x2;
	(erf) = vrcp.f32 v0  }
0x104: {  	v60 =	vld [tilespmem:s7+$0x9E00]  }
0x105: {  	v61 =	vld [tilespmem:s7+$0xBE00]  }
0x106: {  	v2 =	vld [tilespmem:s7+$0x9E10]  }
0x107: {  	v3 =	vld [tilespmem:s7+$0xBE10];
	_ =	sdelay $0x2  }
0x108: {  	v4 =	vld [tilespmem:s7+$0xDE00]  }
0x109: {  	v5 =	vld [tilespmem:s7+$0xDE10];
	v0 =	vadd.f32 v61, v60  }
0x10a: {  	v62 =	vadd.f32 v3, v2;
	v63 =	vpop (erf)  }
0x10b: {  	v0 =	vmul.f32 v63, v0  }
0x10c: {  	v1 =	vmul.f32 v62, v63  }
0x10d: {  	v0 =	vadd.f32 v0, v4  }
0x10e: {  	v1 =	vadd.f32 v1, v5  }
0x10f: {  	s5 =	sld [smem:$0x7F7];
	v0 =	vmax.f32 v0, $0.0e+00  }
0x110: {  	v1 =	vmax.f32 v1, $0.0e+00;
	[tilespmem:s7+$0x11E00] =	vst v0  }
0x111: {  	s10 =	simm.s32 $0x11E00;
	[tilespmem:s7+$0x11E10] =	vst v1  }
0x112: {  	[spmem:s5] =	stream.linear.scatter [tilespmem:s10], [sflag:$0x5], $0xF00, $0x38;
	[tilespmem:$0x1C600] =	vst v63  }
0x113: {  	_ =	swait.ge [sflag:s13], $0xF00  }
0x114: {  	s5 =	sld [smem:$0x7F0]  }
0x115: {  	[sflag:s13] =	ssyncset.done $0x0  }
0x116: {  	s8 =	simm.s32 @!p0 $0x11E00;
	s7 =	simm.s32 @!p0 $0x0;
	[sflag:s13] =	ssyncadd.s32 $0xFFFFF100  }
0x117: {  	[hbm4b:s5+s7] =	stream.linear.scatter @!p0 [tilespmem:s8], [sflag:$0x5], $0xF00, $0x38;
	[tilespmem:$0x1C600] =	vst v63  }
0x118: {  	s7 =	simm.s32 @!p0 $0x5  }
0x119: {  	_ =	swait.ge @!p0 [sflag:s7], $0xF00  }
0x11a: {  	[sflag:s7] =	ssyncset.done @!p0 $0x0  }
0x11b: {  	[sflag:s7] =	ssyncadd.s32 @!p0 $0xFFFFF100  }
0x11c: {  	_ =	swait.ge [sflag:s14], $0x9E0  }
0x11d: {  	[sflag:s14] =	ssyncset.done $0x0  }
0x11e: {  	[sflag:s14] =	ssyncadd.s32 $0xFFFFF620  }
0x11f: {  	[bflag:$0x0] =	sbarrier.arrive $0xFFFF  }
0x120: {  	_ =	swait.ge [sflag:s15], $0x200  }
0x121: {  	[sflag:s15] =	ssyncset.done $0x0  }
0x122: {  	[sflag:s15] =	ssyncadd.s32 $0xFFFFFE00  }
0x123: {  	_ =	swait.ge [sflag:s15], $0x200  }
0x124: {  	[sflag:s15] =	ssyncset.done $0x0  }
0x125: {  	[sflag:s15] =	ssyncadd.s32 $0xFFFFFE00  }
0x126: {  	[tilespmem:s17], [sflag:$0x2] =	stream.indirect.gather [spmem:s3], $0x20, s6, s16, $0xb8;
	[tilespmem:$0x1C600] =	vst v63  }
0x127: {  	s12 =	rddreg [dreg:$0x8]  }
0x128: {  	[tilespmem:s18], [sflag:$0x2] =	stream.indirect.gather [spmem:s3], $0x20, s12, s16, $0xb8;
	[tilespmem:$0x1C600] =	vst v63  }
0x129: {  	p1 =	por $0x1, $0x1;
	s5 =	rddreg [dreg:$0x9]  }
0x12a: {  	[tilespmem:s19], [sflag:$0x2] =	stream.indirect.gather [spmem:s3], $0x20, s5, s16, $0xb8;
	[tilespmem:$0x1C600] =	vst v63  }
0x12b: {  	s7 =	simm.s32 @!p1 $0x4;
	s10 =	rddreg [dreg:$0xa]  }
0x12c: {  	[tilespmem:s20], [sflag:$0x2] =	stream.indirect.gather [spmem:s3], $0x20, s10, s16, $0xb8;
	[tilespmem:$0x1C600] =	vst v63  }
0x12d: {  	_ =	swait.ge @!p1 [sflag:s7], $0x1000  }
0x12e: {  	[sflag:s7] =	ssyncset.done @!p1 $0x0  }
0x12f: {  	[sflag:s7] =	ssyncadd.s32 @!p1 $0xFFFFF000  }
0x130: {  	_ =	swait.ge @!p1 [sflag:s7], $0x1000  }
0x131: {  	[sflag:s7] =	ssyncset.done @!p1 $0x0  }
0x132: {  	[sflag:s7] =	ssyncadd.s32 @!p1 $0xFFFFF000  }
0x133: {  	_ =	swait.ge @!p1 [sflag:s7], $0x1000  }
0x134: {  	[sflag:s7] =	ssyncset.done @!p1 $0x0  }
0x135: {  	[sflag:s7] =	ssyncadd.s32 @!p1 $0xFFFFF000  }
0x136: {  	_ =	swait.ge @!p1 [sflag:s7], $0x1000  }
0x137: {  	s12 =	rddreg [dreg:$0x7];
	[sflag:s7] =	ssyncset.done @!p1 $0x0  }
0x138: {  	s10 =	rddreg [dreg:$0x6];
	[sflag:s7] =	ssyncadd.s32 @!p1 $0xFFFFF000;
	s5 =	sadd.s32 $0x0, s12  }
0x139: {  	[tilespmem:s21], [sflag:$0x1] =	stream.linear.gather [hbm4b:s5+s4], $0x200, $0x38;
	[tilespmem:$0x1C600] =	vst v63  }
0x13a: {  	s8 =	sadd.s32 $0x0, s10  }
0x13b: {  	[tilespmem:s22], [sflag:$0x1] =	stream.linear.gather [hbm4b:s8+s4], $0x200, $0x38;
	[tilespmem:$0x1C600] =	vst v63  }
0x13c: {  	_ =	swait.ge [sflag:s14], $0x1000  }
0x13d: {  	[sflag:s14] =	ssyncset.done $0x0  }
0x13e: {  	[sflag:s14] =	ssyncadd.s32 $0xFFFFF000  }
0x13f: {  	_ =	swait.ge [sflag:s14], $0x1000  }
0x140: {  	[sflag:s14] =	ssyncset.done $0x0  }
0x141: {  	[sflag:s14] =	ssyncadd.s32 $0xFFFFF000  }
0x142: {  	_ =	swait.ge [sflag:s14], $0x1000  }
0x143: {  	[sflag:s14] =	ssyncset.done $0x0  }
0x144: {  	[sflag:s14] =	ssyncadd.s32 $0xFFFFF000  }
0x145: {  	_ =	swait.ge [sflag:s14], $0x1000  }
0x146: {  	[sflag:s14] =	ssyncset.done $0x0  }
0x147: {  	[sflag:s14] =	ssyncadd.s32 $0xFFFFF000  }
0x148: {  	[spmem:s1] =	stream.indirect.scatter.add.f32 [tilespmem:s17], [sflag:$0x3], $0x20, s9, s16, $0xb8;
	[tilespmem:$0x1C600] =	vst v63  }
0x149: {  	s10 =	rddreg [dreg:$0xb]  }
0x14a: {  	[spmem:s1] =	stream.indirect.scatter.add.f32 [tilespmem:s18], [sflag:$0x3], $0x20, s10, s16, $0xb8;
	[tilespmem:$0x1C600] =	vst v63  }
0x14b: {  	s12 =	rddreg [dreg:$0xc]  }
0x14c: {  	[spmem:s1] =	stream.indirect.scatter.add.f32 [tilespmem:s19], [sflag:$0x3], $0x20, s12, s16, $0xb8;
	[tilespmem:$0x1C600] =	vst v63  }
0x14d: {  	s5 =	rddreg [dreg:$0xd]  }
0x14e: {  	[spmem:s1] =	stream.indirect.scatter.add.f32 [tilespmem:s20], [sflag:$0x3], $0x20, s5, s16, $0xb8;
	[tilespmem:$0x1C600] =	vst v63  }
0x14f: {  	_ =	swait.ge [sflag:s15], $0x200  }
0x150: {  	[sflag:s15] =	ssyncset.done $0x0  }
0x151: {  	[sflag:s15] =	ssyncadd.s32 $0xFFFFFE00  }
0x152: {  	_ =	swait.ge [sflag:s15], $0x200  }
0x153: {  	[sflag:s15] =	ssyncset.done $0x0  }
0x154: {  	[sflag:s15] =	ssyncadd.s32 $0xFFFFFE00  }
0x155: {  	[tilespmem:s23], [sflag:$0x2] =	stream.indirect.gather [spmem:s3], $0x20, s21, s16, $0xb8;
	[tilespmem:$0x1C600] =	vst v63  }
0x156: {  	s8 =	rddreg [dreg:$0xe]  }
0x157: {  	[tilespmem:s24], [sflag:$0x2] =	stream.indirect.gather [spmem:s3], $0x20, s8, s16, $0xb8;
	[tilespmem:$0x1C600] =	vst v63  }
0x158: {  	s10 =	rddreg [dreg:$0xf]  }
0x159: {  	[tilespmem:s25], [sflag:$0x2] =	stream.indirect.gather [spmem:s3], $0x20, s10, s16, $0xb8;
	[tilespmem:$0x1C600] =	vst v63  }
0x15a: {  	s12 =	rddreg [dreg:$0x10]  }
0x15b: {  	[tilespmem:s26], [sflag:$0x2] =	stream.indirect.gather [spmem:s3], $0x20, s12, s16, $0xb8;
	[tilespmem:$0x1C600] =	vst v63  }
0x15c: {  	_ =	swait.ge [sflag:s11], $0x1000  }
0x15d: {  	[sflag:s11] =	ssyncset.done $0x0  }
0x15e: {  	[sflag:s11] =	ssyncadd.s32 $0xFFFFF000  }
0x15f: {  	_ =	swait.ge [sflag:s11], $0x1000  }
0x160: {  	[sflag:s11] =	ssyncset.done $0x0  }
0x161: {  	[sflag:s11] =	ssyncadd.s32 $0xFFFFF000  }
0x162: {  	_ =	swait.ge [sflag:s11], $0x1000  }
0x163: {  	[sflag:s11] =	ssyncset.done $0x0  }
0x164: {  	p1 =	por $0x0, $0x0;
	[sflag:s11] =	ssyncadd.s32 $0xFFFFF000  }
0x165: {  	s10 =	simm.s32 @!p1 $0x0;
	_ =	swait.ge [sflag:s11], $0x1000  }
0x166: {  	s12 =	simm.s32 @!p1 $0x13E00;
	s7 =	rddreg [dreg:$0x5];
	[sflag:s11] =	ssyncset.done $0x0  }
0x167: {  	s8 =	rddreg [dreg:$0x4];
	[sflag:s11] =	ssyncadd.s32 $0xFFFFF000;
	s7 =	sadd.s32 @!p1 $0x0, s7  }
0x168: {  	[tilespmem:s12], [sflag:$0x1] =	stream.linear.gather @!p1 [hbm4b:s7+s10], $0x200, $0x38;
	[tilespmem:$0x1C600] =	vst v63  }
0x169: {  	s7 =	sadd.s32 @!p1 $0x0, s8;
	s8 =	simm.s32 @!p1 $0x14200  }
0x16a: {  	[tilespmem:s8], [sflag:$0x1] =	stream.linear.gather @!p1 [hbm4b:s7+s10], $0x200, $0x38;
	[tilespmem:$0x1C600] =	vst v63  }
0x16b: {  	_ =	swait.ge [sflag:s14], $0x1000  }
0x16c: {  	[sflag:s14] =	ssyncset.done $0x0  }
0x16d: {  	[sflag:s14] =	ssyncadd.s32 $0xFFFFF000  }
0x16e: {  	_ =	swait.ge [sflag:s14], $0x1000  }
0x16f: {  	[sflag:s14] =	ssyncset.done $0x0  }
0x170: {  	[sflag:s14] =	ssyncadd.s32 $0xFFFFF000  }
0x171: {  	_ =	swait.ge [sflag:s14], $0x1000  }
0x172: {  	[sflag:s14] =	ssyncset.done $0x0  }
0x173: {  	[sflag:s14] =	ssyncadd.s32 $0xFFFFF000  }
0x174: {  	_ =	swait.ge [sflag:s14], $0x1000  }
0x175: {  	[sflag:s14] =	ssyncset.done $0x0  }
0x176: {  	[sflag:s14] =	ssyncadd.s32 $0xFFFFF000  }
0x177: {  	[spmem:s1] =	stream.indirect.scatter.add.f32 [tilespmem:s23], [sflag:$0x4], $0x20, s22, s16, $0xb8;
	[tilespmem:$0x1C600] =	vst v63  }
0x178: {  	_ = 	snop  }
0x179: {  	[spmem:s1] =	stream.indirect.scatter.add.f32 [tilespmem:s24], [sflag:$0x4], $0x20, s28, s16, $0xb8;
	[tilespmem:$0x1C600] =	vst v63  }
0x17a: {  	s30 =	simm.s32 $0x80  }
0x17b: {  	[spmem:s1] =	stream.indirect.scatter.add.f32 [tilespmem:s25], [sflag:$0x4], $0x20, s29, s16, $0xb8;
	[tilespmem:$0x1C600] =	vst v63  }
.LBB2_8:
0x17c: {  	[spmem:s1] =	stream.indirect.scatter.add.f32 [tilespmem:s26], [sflag:$0x4], $0x20, s31, s16, $0xb8;
	[tilespmem:$0x1C600] =	vst v63  }
0x17d: {  	_ =	swait.ge [sflag:s15], $0x200  }
0x17e: {  	[sflag:s15] =	ssyncset.done $0x0  }
0x17f: {  	[sflag:s15] =	ssyncadd.s32 $0xFFFFFE00  }
0x180: {  	_ =	swait.ge [sflag:s15], $0x200  }
0x181: {  	[sflag:s15] =	ssyncset.done $0x0  }
0x182: {  	[sflag:s15] =	ssyncadd.s32 $0xFFFFFE00  }
0x183: {  	[tilespmem:s17], [sflag:$0x2] =	stream.indirect.gather [spmem:s3], $0x20, s6, s16, $0xb8;
	[tilespmem:$0x1C600] =	vst v63  }
0x184: {  	s7 =	smov.u32 s30;
	s8 =	rddreg [dreg:$0x8]  }
0x185: {  	[tilespmem:s18], [sflag:$0x2] =	stream.indirect.gather [spmem:s3], $0x20, s8, s16, $0xb8;
	[tilespmem:$0x1C600] =	vst v63  }
0x186: {  	p2 =	seq.s32 s7, $0x0;
	s10 =	rddreg [dreg:$0x9]  }
0x187: {  	[tilespmem:s19], [sflag:$0x2] =	stream.indirect.gather [spmem:s3], $0x20, s10, s16, $0xb8;
	[tilespmem:$0x1C600] =	vst v63  }
0x188: {  	s5 =	rddreg [dreg:$0xa];
	s8 =	simm.s32 @!p2 $0x4  }
0x189: {  	[tilespmem:s20], [sflag:$0x2] =	stream.indirect.gather [spmem:s3], $0x20, s5, s16, $0xb8;
	[tilespmem:$0x1C600] =	vst v63  }
0x18a: {  	_ =	swait.ge @!p2 [sflag:s8], $0x1000  }
0x18b: {  	[sflag:s8] =	ssyncset.done @!p2 $0x0  }
0x18c: {  	[sflag:s8] =	ssyncadd.s32 @!p2 $0xFFFFF000  }
0x18d: {  	_ =	swait.ge @!p2 [sflag:s8], $0x1000  }
0x18e: {  	[sflag:s8] =	ssyncset.done @!p2 $0x0  }
0x18f: {  	[sflag:s8] =	ssyncadd.s32 @!p2 $0xFFFFF000  }
0x190: {  	_ =	swait.ge @!p2 [sflag:s8], $0x1000  }
0x191: {  	[sflag:s8] =	ssyncset.done @!p2 $0x0  }
0x192: {  	[sflag:s8] =	ssyncadd.s32 @!p2 $0xFFFFF000  }
0x193: {  	_ =	swait.ge @!p2 [sflag:s8], $0x1000  }
0x194: {  	[sflag:s8] =	ssyncset.done @!p2 $0x0;
	s12 =	rddreg [dreg:$0x7]  }
0x195: {  	s5 =	rddreg [dreg:$0x6];
	[sflag:s8] =	ssyncadd.s32 @!p2 $0xFFFFF000;
	s10 =	sadd.s32 s7, s12  }
0x196: {  	[tilespmem:s21], [sflag:$0x1] =	stream.linear.gather [hbm4b:s10+s4], $0x200, $0x38;
	[tilespmem:$0x1C600] =	vst v63  }
0x197: {  	s8 =	sadd.s32 s7, s5  }
0x198: {  	[tilespmem:s22], [sflag:$0x1] =	stream.linear.gather [hbm4b:s8+s4], $0x200, $0x38;
	[tilespmem:$0x1C600] =	vst v63  }
0x199: {  	_ =	swait.ge [sflag:s14], $0x1000  }
0x19a: {  	[sflag:s14] =	ssyncset.done $0x0  }
0x19b: {  	[sflag:s14] =	ssyncadd.s32 $0xFFFFF000  }
0x19c: {  	_ =	swait.ge [sflag:s14], $0x1000  }
0x19d: {  	[sflag:s14] =	ssyncset.done $0x0  }
0x19e: {  	[sflag:s14] =	ssyncadd.s32 $0xFFFFF000  }
0x19f: {  	_ =	swait.ge [sflag:s14], $0x1000  }
0x1a0: {  	[sflag:s14] =	ssyncset.done $0x0  }
0x1a1: {  	[sflag:s14] =	ssyncadd.s32 $0xFFFFF000  }
0x1a2: {  	_ =	swait.ge [sflag:s14], $0x1000  }
0x1a3: {  	[sflag:s14] =	ssyncset.done $0x0  }
0x1a4: {  	[sflag:s14] =	ssyncadd.s32 $0xFFFFF000  }
0x1a5: {  	[spmem:s1] =	stream.indirect.scatter.add.f32 [tilespmem:s17], [sflag:$0x3], $0x20, s9, s16, $0xb8;
	[tilespmem:$0x1C600] =	vst v63  }
0x1a6: {  	s10 =	rddreg [dreg:$0xb]  }
0x1a7: {  	[spmem:s1] =	stream.indirect.scatter.add.f32 [tilespmem:s18], [sflag:$0x3], $0x20, s10, s16, $0xb8;
	[tilespmem:$0x1C600] =	vst v63  }
0x1a8: {  	s5 =	rddreg [dreg:$0xc]  }
0x1a9: {  	[spmem:s1] =	stream.indirect.scatter.add.f32 [tilespmem:s19], [sflag:$0x3], $0x20, s5, s16, $0xb8;
	[tilespmem:$0x1C600] =	vst v63  }
0x1aa: {  	s12 =	rddreg [dreg:$0xd]  }
0x1ab: {  	[spmem:s1] =	stream.indirect.scatter.add.f32 [tilespmem:s20], [sflag:$0x3], $0x20, s12, s16, $0xb8;
	[tilespmem:$0x1C600] =	vst v63  }
0x1ac: {  	_ =	swait.ge [sflag:s15], $0x200  }
0x1ad: {  	[sflag:s15] =	ssyncset.done $0x0  }
0x1ae: {  	[sflag:s15] =	ssyncadd.s32 $0xFFFFFE00  }
0x1af: {  	_ =	swait.ge [sflag:s15], $0x200  }
0x1b0: {  	[sflag:s15] =	ssyncset.done $0x0  }
0x1b1: {  	[sflag:s15] =	ssyncadd.s32 $0xFFFFFE00  }
0x1b2: {  	[tilespmem:s23], [sflag:$0x2] =	stream.indirect.gather [spmem:s3], $0x20, s21, s16, $0xb8;
	[tilespmem:$0x1C600] =	vst v63  }
0x1b3: {  	s10 =	rddreg [dreg:$0xe]  }
0x1b4: {  	[tilespmem:s24], [sflag:$0x2] =	stream.indirect.gather [spmem:s3], $0x20, s10, s16, $0xb8;
	[tilespmem:$0x1C600] =	vst v63  }
0x1b5: {  	s12 =	rddreg [dreg:$0xf]  }
0x1b6: {  	[tilespmem:s25], [sflag:$0x2] =	stream.indirect.gather [spmem:s3], $0x20, s12, s16, $0xb8;
	[tilespmem:$0x1C600] =	vst v63  }
0x1b7: {  	s5 =	rddreg [dreg:$0x10]  }
0x1b8: {  	[tilespmem:s26], [sflag:$0x2] =	stream.indirect.gather [spmem:s3], $0x20, s5, s16, $0xb8;
	[tilespmem:$0x1C600] =	vst v63  }
0x1b9: {  	_ =	swait.ge [sflag:s11], $0x1000  }
0x1ba: {  	[sflag:s11] =	ssyncset.done $0x0  }
0x1bb: {  	[sflag:s11] =	ssyncadd.s32 $0xFFFFF000  }
0x1bc: {  	_ =	swait.ge [sflag:s11], $0x1000  }
0x1bd: {  	[sflag:s11] =	ssyncset.done $0x0  }
0x1be: {  	[sflag:s11] =	ssyncadd.s32 $0xFFFFF000  }
0x1bf: {  	_ =	swait.ge [sflag:s11], $0x1000  }
0x1c0: {  	[sflag:s11] =	ssyncset.done $0x0  }
0x1c1: {  	p2 =	seq.s32 s7, $0x480;
	[sflag:s11] =	ssyncadd.s32 $0xFFFFF000  }
0x1c2: {  	s12 =	simm.s32 @!p2 $0x0;
	_ =	swait.ge [sflag:s11], $0x1000  }
0x1c3: {  	s5 =	simm.s32 @!p2 $0x13E00;
	s8 =	rddreg [dreg:$0x5];
	[sflag:s11] =	ssyncset.done $0x0  }
0x1c4: {  	s10 =	rddreg [dreg:$0x4];
	[sflag:s11] =	ssyncadd.s32 $0xFFFFF000;
	s8 =	sadd.s32 @!p2 s7, s8  }
0x1c5: {  	[tilespmem:s5], [sflag:$0x1] =	stream.linear.gather @!p2 [hbm4b:s8+s12], $0x200, $0x38;
	[tilespmem:$0x1C600] =	vst v63  }
0x1c6: {  	s5 =	sadd.s32 @!p2 s7, s10;
	s7 =	simm.s32 @!p2 $0x14200  }
0x1c7: {  	[tilespmem:s7], [sflag:$0x1] =	stream.linear.gather @!p2 [hbm4b:s5+s12], $0x200, $0x38;
	[tilespmem:$0x1C600] =	vst v63  }
0x1c8: {  	_ =	swait.ge [sflag:s14], $0x1000  }
0x1c9: {  	[sflag:s14] =	ssyncset.done $0x0  }
0x1ca: {  	[sflag:s14] =	ssyncadd.s32 $0xFFFFF000  }
0x1cb: {  	_ =	swait.ge [sflag:s14], $0x1000  }
0x1cc: {  	[sflag:s14] =	ssyncset.done $0x0  }
0x1cd: {  	[sflag:s14] =	ssyncadd.s32 $0xFFFFF000  }
0x1ce: {  	_ =	swait.ge [sflag:s14], $0x1000  }
0x1cf: {  	[sflag:s14] =	ssyncset.done $0x0  }
0x1d0: {  	[sflag:s14] =	ssyncadd.s32 $0xFFFFF000  }
0x1d1: {  	_ =	swait.ge [sflag:s14], $0x1000  }
0x1d2: {  	s30 =	sadd.s32 $0x80, s30;
	[sflag:s14] =	ssyncset.done $0x0  }
0x1d3: {  	p1 =	sne.s32 s30, $0x500;
	[sflag:s14] =	ssyncadd.s32 $0xFFFFF000  }
0x1d4: {  	[spmem:s1] =	stream.indirect.scatter.add.f32 [tilespmem:s23], [sflag:$0x4], $0x20, s22, s16, $0xb8;
	[tilespmem:$0x1C600] =	vst v63  }
.Ltmp3:
0x1d5: {  	_ = 	snop;
	(pc) =	sbr.rel @p1 .LBB2_8-.Ltmp3, $4  }
0x1d6: {  	_ = 	snop  }
0x1d7: {  	[spmem:s1] =	stream.indirect.scatter.add.f32 [tilespmem:s24], [sflag:$0x4], $0x20, s28, s16, $0xb8;
	[tilespmem:$0x1C600] =	vst v63  }
0x1d8: {  	_ = 	snop  }
0x1d9: {  	[spmem:s1] =	stream.indirect.scatter.add.f32 [tilespmem:s25], [sflag:$0x4], $0x20, s29, s16, $0xb8;
	[tilespmem:$0x1C600] =	vst v63  }
0x1da: {  	[spmem:s1] =	stream.indirect.scatter.add.f32 [tilespmem:s26], [sflag:$0x4], $0x20, s31, s16, $0xb8;
	[tilespmem:$0x1C600] =	vst v63  }
0x1db: {  	_ =	swait.ge [sflag:s0], $0x1000  }
0x1dc: {  	[sflag:s0] =	ssyncset.done $0x0  }
0x1dd: {  	[sflag:s0] =	ssyncadd.s32 $0xFFFFF000  }
0x1de: {  	_ =	swait.ge [sflag:s0], $0x1000  }
0x1df: {  	[sflag:s0] =	ssyncset.done $0x0  }
0x1e0: {  	[sflag:s0] =	ssyncadd.s32 $0xFFFFF000  }
0x1e1: {  	_ =	swait.ge [sflag:s0], $0x1000  }
0x1e2: {  	[sflag:s0] =	ssyncset.done $0x0  }
0x1e3: {  	[sflag:s0] =	ssyncadd.s32 $0xFFFFF000  }
0x1e4: {  	_ =	swait.ge [sflag:s0], $0x1000  }
0x1e5: {  	[sflag:s0] =	ssyncset.done $0x0  }
0x1e6: {  	[sflag:s0] =	ssyncadd.s32 $0xFFFFF000  }
0x1e7: {  	[bflag:$0x0] =	sbarrier.arrive $0xFFFF  }
0x1e8: {  	s5 =	sld [smem:$0x7FA]  }
0x1e9: {  	s7 =	sld [smem:$0x7F8]  }
0x1ea: {  	s8 =	sld [smem:$0x7EF];
	_ =	sdelay $0x1  }
0x1eb: {  	s5 =	sor.u32 $0x1C05, s5  }
0x1ec: {  	[hbm:s7], [sflag:s5] =	dma.local [spmem:s8], $0x9E0  }
0x1ed: {  	_ =	swait.ge [sflag:s13], $0x9E0  }
0x1ee: {  	s30 =	sld [smem:$0x7F9];
	_ =	sdelay $0x1  }
0x1ef: {  	s2 =	sadd.s32 $0x1, s2  }
0x1f0: {  	p1 =	sne.s32 s2, s30  }
.Ltmp4:
0x1f1: {  	_ = 	snop;
	(pc) =	sbr.rel @p1 .LBB2_1-.Ltmp4, $3  }
0x1f2: {  	_ =	sdelay $0x1  }
0x1f3: {  	[sflag:s13] =	ssyncset.done $0x0  }
0x1f4: {  	[sflag:s13] =	ssyncadd.s32 $0xFFFFF620  }
0x1f5: {  	_ =	sfence.sel $0x180000  }
0x1f6: {  	[bflag:$0x0] =	sbarrier.arrive $0xFFFF  }
0x1f7: {  	_ =	strace $0x9000004A  }
0x1f8: {  	s0 =	stileid.u32;
	[bflag:$0x2] =	sbarrier.arrive $0xFFFF  }
0x1f9: {  	p0 =	sne.s32 s0, $0x0;
	s0 =	rddreg [dreg:$0x3]  }
0x1fa: {  	s0 =	sadd.s32 @!p0 $0x100000, s0  }
0x1fb: {  	[sflag:s0] =	ssyncadd.tile.s32 @!p0 $0x1;
	_ =	shalt  }
.Lfunc_end2:
_tile_overlayer_lowered:
.L_overlay_start_2:
0x1fc: {  	(tag) =	ssettag $0x2  }
0x1fd: {  	s0 =	rddreg [dreg:$0x0];
	s2 =	stileid.u32  }
0x1fe: {  	s1 =	rddreg [dreg:$0x1];
	p0 =	sne.s32 s2, $0x0  }
0x1ff: {  	s3 =	rddreg [dreg:$0x2];
	[bflag:$0x3] =	sbarrier.arrive $0xFFFF;
	s2 =	simm.s32 @!p0 $0x1C05  }
0x200: {  	[timem:s3], [sflag:s2] =	dma.local @!p0 [hbm:s0], s1  }
0x201: {  	s0 =	simm.s32 @!p0 $0x5  }
0x202: {  	_ =	swait.ge @!p0 [sflag:s0], s1  }
0x203: {  	s1 =	ssub.s32 @!p0 $0x0, s1;
	[sflag:s0] =	ssyncset.done @!p0 $0x0  }
0x204: {  	[sflag:s0] =	ssyncadd.s32 @!p0 s1  }
0x205: {  	[bflag:$0x3] =	sbarrier.arrive $0xFFFF  }
0x206: {  	_ =	shalt  }

</sc_bundles>
